<compile_context>
chip_gen: v7x
topology: tpu7x:2x2x1
jax: 0.10.2.dev20260603
libtpu: 0.0.44.dev20260713+nightly
codegen_flags: <defaults>
</compile_context>

<pallas_src>
import functools

import jax
import jax.numpy as jnp
from jax import lax
from jax.experimental import pallas as pl
from jax.experimental.pallas import tpu as pltpu
from jax.experimental.pallas import tpu_sc as plsc

EPS = 1e-5
F32 = jnp.float32


def _dotT(a, b):
    return lax.dot_general(a, b, (((1,), (1,)), ((), ())),
                           preferred_element_type=F32)


def _k1_body(N, RPB, x_ref, wp_ref, wg_ref, knn_ref, p_ref, y2_ref, adj_ref):
    xb = x_ref[...]
    p_ref[...] = _dotT(xb, wp_ref[...])
    y2_ref[...] = _dotT(xb, wg_ref[...])

    @pl.when(pl.program_id(0) == 0)
    def _():
        kr = adj_ref.shape[0]
        b = lax.broadcasted_iota(jnp.int32, (kr, 128), 0) // RPB
        adj_ref[...] = knn_ref[...] + b * N


def _run_k1(xr, w_proj, w_global, knn2, N, rb):
    r, c = xr.shape
    grid = (r // rb,)
    kr = knn2.shape[0]
    rpb = kr * N * c // (r * c)
    row_spec = pl.BlockSpec((rb, c), lambda i: (i, 0))
    w_spec = pl.BlockSpec((c, c), lambda i: (0, 0))
    k_spec = pl.BlockSpec((kr, 128), lambda i: (0, 0))
    return pl.pallas_call(
        functools.partial(_k1_body, N, rpb),
        grid=grid,
        in_specs=[row_spec, w_spec, w_spec, k_spec],
        out_specs=[row_spec, row_spec, k_spec],
        out_shape=[jax.ShapeDtypeStruct((r, c), F32),
                   jax.ShapeDtypeStruct((r, c), F32),
                   jax.ShapeDtypeStruct((kr, 128), jnp.int32)],
    )(xr, w_proj, w_global, knn2)


def _make_sc_gather_max(R, C, K):
    NC, L = 2, 16
    NW = NC * 16
    NBLK = R // 8
    BASE = NBLK // NW
    XTRA = NBLK - BASE * NW
    SUB = 8
    IDXB = SUB * K
    NPAIR = BASE // 2
    assert BASE % 2 == 0 and XTRA < NW
    CB = C // L
    assert K == L

    mesh = plsc.VectorSubcoreMesh(core_axis_name="c", subcore_axis_name="s")

    @functools.partial(
        pl.kernel, mesh=mesh,
        out_type=jax.ShapeDtypeStruct((R, C), F32),
        scratch_types=[
            pltpu.VMEM(((BASE + 1) * IDXB,), jnp.int32),
            pltpu.VMEM((IDXB, C), F32),
            pltpu.VMEM((IDXB, C), F32),
            pltpu.VMEM((IDXB, C), F32),
            pltpu.VMEM((SUB, C), F32),
            pltpu.VMEM((SUB, C), F32),
            pltpu.SemaphoreType.DMA,
            pltpu.SemaphoreType.DMA,
            pltpu.SemaphoreType.DMA,
            pltpu.SemaphoreType.DMA,
            pltpu.SemaphoreType.DMA,
        ],
    )
    def sc_gather_max(p_hbm, adj_hbm, out_hbm, idx_v, g0, g1, g2, o0, o1,
                      sg0, sg1, sg2, so0, so1):
        wid = lax.axis_index("s") * NC + lax.axis_index("c")
        row0 = 8 * (BASE * wid + jnp.minimum(wid, XTRA))
        has_tail = wid < XTRA

        def gather(u, gbuf, sem):
            idx_sl = idx_v.at[pl.ds(u * IDXB, IDXB)]
            return pltpu.make_async_copy(p_hbm.at[idx_sl], gbuf, sem)

        def out_copy(u, obuf, sem):
            dst = out_hbm.at[pl.ds(row0 + u * SUB, SUB)]
            return pltpu.make_async_copy(obuf, dst, sem)

        def compute(u, gbuf, obuf):
            def row_body(rr, _):
                for cb in range(CB):
                    sl = pl.ds(cb * L, L)
                    m = gbuf[rr * K, sl]
                    for kk in range(1, K):
                        m = jnp.maximum(m, gbuf[rr * K + kk, sl])
                    obuf[rr, sl] = m
                return 0

            lax.fori_loop(0, SUB, row_body, 0)

        pltpu.sync_copy(adj_hbm.at[pl.ds(row0 * K, BASE * IDXB)],
                        idx_v.at[pl.ds(0, BASE * IDXB)])

        @pl.when(has_tail)
        def _():
            pltpu.sync_copy(adj_hbm.at[pl.ds(row0 * K + BASE * IDXB, IDXB)],
                            idx_v.at[pl.ds(BASE * IDXB, IDXB)])
            gather(BASE, g2, sg2).start()

        gather(0, g0, sg0).start()

        def pair_body(t, _):
            q0 = 2 * t
            gather(q0 + 1, g1, sg1).start()
            gather(q0, g0, sg0).wait()

            @pl.when(t > 0)
            def _():
                out_copy(q0 - 2, o0, so0).wait()

            compute(q0, g0, o0)
            out_copy(q0, o0, so0).start()

            @pl.when(t < NPAIR - 1)
            def _():
                gather(q0 + 2, g0, sg0).start()

            gather(q0 + 1, g1, sg1).wait()

            @pl.when(t > 0)
            def _():
                out_copy(q0 - 1, o1, so1).wait()

            compute(q0 + 1, g1, o1)
            out_copy(q0 + 1, o1, so1).start()
            return 0

        lax.fori_loop(0, NPAIR, pair_body, 0)

        @pl.when(has_tail)
        def _():
            gather(BASE, g2, sg2).wait()
            out_copy(BASE - 2, o0, so0).wait()
            compute(BASE, g2, o0)
            out_copy(BASE, o0, so0).start()
            out_copy(BASE, o0, so0).wait()

        @pl.when(wid >= XTRA)
        def _():
            out_copy(BASE - 2, o0, so0).wait()

        out_copy(BASE - 1, o1, so1).wait()

    return sc_gather_max


def _derive_coef(R, C, s, G, A1, A2, v_ref, coef_ref):
    gl, bl = v_ref[0:1, :], v_ref[1:2, :]
    gg, bg = v_ref[2:3, :], v_ref[3:4, :]
    ab1, ag1, abt1 = v_ref[4:5, :], v_ref[5:6, :], v_ref[6:7, :]
    ab2, ag2, abt2 = v_ref[7:8, :], v_ref[8:9, :], v_ref[9:10, :]

    mu = s / R
    outer = lax.dot_general(mu, mu, (((0,), (0,)), ((), ())),
                            preferred_element_type=F32)
    cov = G / R - outer
    i0 = lax.broadcasted_iota(jnp.int32, (2 * C, 2 * C), 0)
    i1 = lax.broadcasted_iota(jnp.int32, (2 * C, 2 * C), 1)
    diag = jnp.sum(jnp.where(i0 == i1, G, 0.0), axis=0,
                   keepdims=True) / R
    var_z = diag - mu * mu
    a1 = gl * lax.rsqrt(var_z[:, :C] + EPS)
    c1 = bl - a1 * mu[:, :C]
    a2 = gg * lax.rsqrt(var_z[:, C:] + EPS)
    c2 = bg - a2 * mu[:, C:]

    mut1 = _dotT(bl + bg, A1) + ab1
    M1 = jnp.concatenate([A1 * a1, A1 * a2], axis=1)
    M1cov = lax.dot_general(M1, cov, (((1,), (0,)), ((), ())),
                            preferred_element_type=F32)
    vart1 = jnp.sum(M1cov * M1, axis=1).reshape(1, C)
    al1 = ag1 * lax.rsqrt(vart1 + EPS)
    g1c = abt1 - al1 * mut1

    mut2 = _dotT(abt1, A2) + ab2
    M2 = lax.dot_general(A2 * al1, M1, (((1,), (0,)), ((), ())),
                         preferred_element_type=F32)
    M2cov = lax.dot_general(M2, cov, (((1,), (0,)), ((), ())),
                            preferred_element_type=F32)
    vart2 = jnp.sum(M2cov * M2, axis=1).reshape(1, C)
    al2 = ag2 * lax.rsqrt(vart2 + EPS)
    g2c = abt2 - al2 * mut2

    coef_ref[0:1, :] = a1
    coef_ref[1:2, :] = c1
    coef_ref[2:3, :] = a2
    coef_ref[3:4, :] = c2
    coef_ref[4:5, :] = ab1
    coef_ref[5:6, :] = al1
    coef_ref[6:7, :] = g1c
    coef_ref[7:8, :] = ab2
    coef_ref[8:9, :] = al2
    coef_ref[9:10, :] = g2c


def _k5_body(R, C, NB, RB, xk_ref, p_ref, y2_ref, wl_ref, a1w_ref, a2w_ref,
             v_ref, gb_ref, res_ref, y1_s, o_s, s_s, g_s, coef_s,
             so_s, soq_s):
    i = pl.program_id(0)

    @pl.when(i < NB)
    def _():
        y1 = _dotT(xk_ref[...] - p_ref[...], wl_ref[...])
        y1_s[pl.ds(i * RB, RB), :] = y1
        z = jnp.concatenate([y1, y2_ref[...]], axis=1)

        @pl.when(i == 0)
        def _():
            s_s[...] = jnp.zeros_like(s_s)
            g_s[...] = jnp.zeros_like(g_s)

        s_s[...] += jnp.sum(z, axis=0, keepdims=True)
        g_s[...] += lax.dot_general(z, z, (((0,), (0,)), ((), ())),
                                    preferred_element_type=F32)

    @pl.when(i == NB)
    def _():
        _derive_coef(float(R), C, s_s[...], g_s[...], a1w_ref[...],
                     a2w_ref[...], v_ref, coef_s)

    @pl.when(jnp.logical_and(i >= NB, i < 2 * NB))
    def _():
        j = i - NB
        y1 = y1_s[pl.ds(j * RB, RB), :]
        y2 = y2_ref[...]
        cf = coef_s[...]
        a1, c1 = cf[0:1, :], cf[1:2, :]
        a2, c2 = cf[2:3, :], cf[3:4, :]
        b1, al1, g1c = cf[4:5, :], cf[5:6, :], cf[6:7, :]
        b2, al2, g2c = cf[7:8, :], cf[8:9, :], cf[9:10, :]

        x1 = y1 * a1 + c1
        x2 = y2 * a2 + c2
        t1 = _dotT(x1 + x2, a1w_ref[...]) + b1
        u1 = t1 * al1 + g1c
        t2 = _dotT(u1, a2w_ref[...]) + b2
        att = jax.nn.sigmoid(t2 * al2 + g2c)
        o = x2 + att * (x1 - x2)
        o_s[pl.ds(j * RB, RB), :] = o

        @pl.when(i == NB)
        def _():
            so_s[...] = jnp.zeros_like(so_s)
            soq_s[...] = jnp.zeros_like(soq_s)

        so_s[...] += jnp.sum(o, axis=0, keepdims=True)
        soq_s[...] += jnp.sum(o * o, axis=0, keepdims=True)

    @pl.when(i >= 2 * NB)
    def _():
        j = i - 2 * NB
        mu = so_s[...] / R
        var = soq_s[...] / R - mu * mu
        scale = gb_ref[0:1, :] * lax.rsqrt(var + EPS)
        res_ref[...] = (o_s[pl.ds(j * RB, RB), :] - mu) * scale \
            + gb_ref[1:2, :]


def _run_k5(xk, p, y2, w_local, aff_w1, aff_w2, vecs, gb, rb):
    r, c = xk.shape
    nb = r // rb
    row1 = pl.BlockSpec((rb, c), lambda i: (jnp.minimum(i, nb - 1), 0))
    row12 = pl.BlockSpec(
        (rb, c),
        lambda i: (jnp.where(i < nb, i, jnp.minimum(i - nb, nb - 1)), 0))
    row3 = pl.BlockSpec((rb, c), lambda i: (jnp.maximum(i - 2 * nb, 0), 0))
    w_spec = pl.BlockSpec((c, c), lambda i: (0, 0))
    return pl.pallas_call(
        functools.partial(_k5_body, r, c, nb, rb),
        grid=(3 * nb,),
        in_specs=[row1, row1, row12, w_spec, w_spec, w_spec,
                  pl.BlockSpec((10, c), lambda i: (0, 0)),
                  pl.BlockSpec((2, c), lambda i: (0, 0))],
        out_specs=row3,
        out_shape=jax.ShapeDtypeStruct((r, c), F32),
        scratch_shapes=[
            pltpu.VMEM((r, c), F32),
            pltpu.VMEM((r, c), F32),
            pltpu.VMEM((1, 2 * c), F32),
            pltpu.VMEM((2 * c, 2 * c), F32),
            pltpu.VMEM((16, c), F32),
            pltpu.VMEM((1, c), F32),
            pltpu.VMEM((1, c), F32),
        ],
    )(xk, p, y2, w_local, aff_w1, aff_w2, vecs, gb)


def kernel(x, knn, w_proj, w_local, g_local, b_local, w_global, g_global,
           b_global, aff_w1, aff_b1, aff_g1, aff_bt1, aff_w2, aff_b2,
           aff_g2, aff_bt2, bn_g, bn_b):
    B, N, C = x.shape
    K = knn.shape[-1]
    R = B * N
    RB = 2000

    xr = x.reshape(R, C)
    knn2 = knn.reshape(R * K // 128, 128)
    p, y2, adj = _run_k1(xr, w_proj, w_global, knn2, N, RB)

    sc = _make_sc_gather_max(R, C, K)
    xkmax = sc(p, adj.reshape(R * K))

    vecs = jnp.stack([g_local, b_local, g_global, b_global,
                      aff_b1, aff_g1, aff_bt1,
                      aff_b2, aff_g2, aff_bt2], axis=0)
    gb = jnp.stack([bn_g, bn_b], axis=0)
    res = _run_k5(xkmax, p, y2, w_local, aff_w1, aff_w2, vecs, gb, RB)
    return res.reshape(B, N, C)

# --- scband reference (transcript-rebuilt; emitter-appended) ---
"""Pipeline reference for scband-dfil-21260088115627 (READ-ONLY COPY).

The authoritative reference and input builder live on the scoring server;
editing this copy changes nothing except your own understanding.
"""

import jax, jax.numpy as jnp
import numpy as np


def _bn_bcn(x, g, b, eps=1e-5):
    # x: [B, C, N]; training-mode batchnorm over (B, N) per channel
    m = jnp.mean(x, axis=(0, 2), keepdims=True)
    v = jnp.var(x, axis=(0, 2), keepdims=True)
    return (x - m) / jnp.sqrt(v + eps) * g[None, :, None] + b[None, :, None]


def _bn_rows(x, g, b, eps=1e-5):
    # x: [B, N, C]; training-mode batchnorm over flattened rows (B*N) per channel
    m = jnp.mean(x, axis=(0, 1), keepdims=True)
    v = jnp.var(x, axis=(0, 1), keepdims=True)
    return (x - m) / jnp.sqrt(v + eps) * g[None, None, :] + b[None, None, :]


def setup_inputs(seed: int = 0):
    key = jax.random.key(seed)
    ks = jax.random.split(key, 12)
    B, N, K, Cin, Cout = 2, 10000, 16, 128, 128
    s_in = Cin ** -0.5
    s_out = Cout ** -0.5
    inp = {}
    inp["x"] = jax.random.normal(ks[0], (B, N, Cin), dtype=jnp.float32)
    inp["knn"] = jax.random.randint(ks[1], (B, N, K), 0, N, dtype=jnp.int32)
    inp["w_proj"] = jax.random.normal(ks[2], (Cout, Cin), jnp.float32) * s_in
    inp["w_local"] = jax.random.normal(ks[3], (Cout, Cout), jnp.float32) * s_out
    inp["g_local"] = jnp.ones((Cout,), jnp.float32)
    inp["b_local"] = jnp.zeros((Cout,), jnp.float32)
    inp["w_global"] = jax.random.normal(ks[4], (Cout, Cin), jnp.float32) * s_in
    inp["g_global"] = jnp.ones((Cout,), jnp.float32)
    inp["b_global"] = jnp.zeros((Cout,), jnp.float32)
    inp["aff_w1"] = jax.random.normal(ks[5], (Cout, Cout), jnp.float32) * s_out
    inp["aff_b1"] = jnp.zeros((Cout,), jnp.float32)
    inp["aff_g1"] = jnp.ones((Cout,), jnp.float32)
    inp["aff_bt1"] = jnp.zeros((Cout,), jnp.float32)
    inp["aff_w2"] = jax.random.normal(ks[6], (Cout, Cout), jnp.float32) * s_out
    inp["aff_b2"] = jnp.zeros((Cout,), jnp.float32)
    inp["aff_g2"] = jnp.ones((Cout,), jnp.float32)
    inp["aff_bt2"] = jnp.zeros((Cout,), jnp.float32)
    # final BN: weight init to `init`=0.0 per DFIL.__init__
    inp["bn_g"] = jnp.zeros((Cout,), jnp.float32)
    inp["bn_b"] = jnp.zeros((Cout,), jnp.float32)
    return inp


def reference(x, knn, w_proj, w_local, g_local, b_local, w_global, g_global,
              b_global, aff_w1, aff_b1, aff_g1, aff_bt1, aff_w2, aff_b2,
              aff_g2, aff_bt2, bn_g, bn_b):
    # proj: Linear(in_dim, out_dim, bias=False)
    proj_x = x @ w_proj.T  # [B, N, Cout]
    # knn_edge_maxpooling (DELA): max over neighbors of (f[nbr] - f[center])
    nbr = jax.vmap(lambda p, k: p[k])(proj_x, knn)  # [B, N, K, Cout] gather
    x_knn = jnp.max(nbr, axis=2) - proj_x  # [B, N, Cout]
    # local_learning: Conv1d(k=1, bias=False) + BN1d, operating on [B, C, N]
    x1 = _bn_bcn(jnp.transpose(x_knn @ w_local.T, (0, 2, 1)), g_local, b_local)
    # global_learning: Linear(bias=False) + BN1d over B*N rows, then permute
    x2 = jnp.transpose(_bn_rows(x @ w_global.T, g_global, b_global), (0, 2, 1))
    # AFF fusion
    feats = x1 + x2  # [B, C, N]
    t = jnp.einsum('dc,bcn->bdn', aff_w1, feats) + aff_b1[None, :, None]
    t = _bn_bcn(t, aff_g1, aff_bt1)
    t = jnp.einsum('dc,bcn->bdn', aff_w2, t) + aff_b2[None, :, None]
    t = _bn_bcn(t, aff_g2, aff_bt2)
    att = jax.nn.sigmoid(t)
    out = att * x1 + (1.0 - att) * x2
    res = _bn_bcn(out, bn_g, bn_b)
    return jnp.transpose(res, (0, 2, 1))  # [B, N, Cout]

if __name__ == "__main__":
    import jax
    _d = setup_inputs()
    print(jax.jit(kernel)(*tuple(_d.values())))

</pallas_src>

<mosaic_0001>
#map = affine_map<(d0, d1) -> (0, 0)>
#map1 = affine_map<(d0, d1) -> (0)>
module attributes {stable_mosaic.version = 14 : i64} {
  func.func @sc_gather_max(%arg0: i32, %arg1: i32, %arg2: memref<20000x128xf32, #tpu.memory_space<hbm>>, %arg3: memref<320000xi32, #tpu.memory_space<hbm>>, %arg4: memref<20000x128xf32, #tpu.memory_space<hbm>>, %arg5: memref<10112xi32, #tpu.memory_space<vmem>>, %arg6: memref<128x128xf32, #tpu.memory_space<vmem>>, %arg7: memref<128x128xf32, #tpu.memory_space<vmem>>, %arg8: memref<128x128xf32, #tpu.memory_space<vmem>>, %arg9: memref<8x128xf32, #tpu.memory_space<vmem>>, %arg10: memref<8x128xf32, #tpu.memory_space<vmem>>, %arg11: memref<!tpu.dma_semaphore, #tpu.memory_space<semaphore_mem>>, %arg12: memref<!tpu.dma_semaphore, #tpu.memory_space<semaphore_mem>>, %arg13: memref<!tpu.dma_semaphore, #tpu.memory_space<semaphore_mem>>, %arg14: memref<!tpu.dma_semaphore, #tpu.memory_space<semaphore_mem>>, %arg15: memref<!tpu.dma_semaphore, #tpu.memory_space<semaphore_mem>>) attributes {dimension_semantics = [#tpu.dimension_semantics<core_parallel>, #tpu.dimension_semantics<subcore_parallel>], iteration_bounds = array<i64: 2, 16>, scalar_prefetch = 0 : i64, scratch_operands = 11 : i64, tpu.core_type = #tpu.core_type<sc_vector_subcore>, window_params = [{transform_indices = #map}, {transform_indices = #map1}, {transform_indices = #map}]} {
    %mul3A = arith.constant 2 : i32
    %mul3A_0 = arith.muli %arg1, %mul3A : i32
    %add3A = arith.addi %mul3A_0, %arg0 : i32
    %mul3A_1 = arith.constant 78 : i32
    %mul3A_2 = arith.muli %mul3A_1, %add3A : i32
    %min3A = arith.constant 4 : i32
    %min3A_3 = arith.minsi %add3A, %min3A : i32
    %add3A_4 = arith.addi %mul3A_2, %min3A_3 : i32
    %mul3A_5 = arith.constant 8 : i32
    %mul3A_6 = arith.muli %mul3A_5, %add3A_4 : i32
    %lt3A = arith.constant 4 : i32
    %lt3A_7 = arith.cmpi slt, %add3A, %lt3A : i32
    %mul3A_8 = arith.constant 16 : i32
    %mul3A_9 = arith.muli %mul3A_6, %mul3A_8 : i32
    "tpu.region"() ({
      %run_scoped3A = tpu.sem_alloc : memref<!tpu.dma_semaphore, #tpu.memory_space<semaphore_mem>>
      %dma_start3A_33 = arith.constant 0 : i32
      %dma_start3A_34 = tpu.memref_slice %arg5[%dma_start3A_33] : memref<10112xi32, #tpu.memory_space<vmem>> -> memref<9984xi32, #tpu.memory_space<vmem>>
      %dma_start3A_35 = tpu.memref_slice %arg3[%mul3A_9] : memref<320000xi32, #tpu.memory_space<hbm>> -> memref<9984xi32, #tpu.memory_space<hbm>>
      %dma_start3A_36 = arith.constant 0 : i32
      %dma_start3A_37 = tpu.memref_slice %arg5[%dma_start3A_36] : memref<10112xi32, #tpu.memory_space<vmem>> -> memref<9984xi32, #tpu.memory_space<vmem>>
      %dma_start3A_38 = tpu.memref_slice %arg3[%mul3A_9] : memref<320000xi32, #tpu.memory_space<hbm>> -> memref<9984xi32, #tpu.memory_space<hbm>>
      tpu.enqueue_dma source(%dma_start3A_38 : memref<9984xi32, #tpu.memory_space<hbm>>) target(%dma_start3A_37 : memref<9984xi32, #tpu.memory_space<vmem>>) target_semaphore(%run_scoped3A : memref<!tpu.dma_semaphore, #tpu.memory_space<semaphore_mem>>)
      %dma_wait3A_39 = arith.constant 0 : i32
      %dma_wait3A_40 = tpu.memref_slice %arg5[%dma_wait3A_39] : memref<10112xi32, #tpu.memory_space<vmem>> -> memref<9984xi32, #tpu.memory_space<vmem>>
      %dma_wait3A_41 = tpu.memref_slice %arg3[%mul3A_9] : memref<320000xi32, #tpu.memory_space<hbm>> -> memref<9984xi32, #tpu.memory_space<hbm>>
      %dma_wait3A_42 = arith.constant 0 : i32
      %dma_wait3A_43 = tpu.memref_slice %arg5[%dma_wait3A_42] : memref<10112xi32, #tpu.memory_space<vmem>> -> memref<9984xi32, #tpu.memory_space<vmem>>
      %dma_wait3A_44 = tpu.memref_slice %arg3[%mul3A_9] : memref<320000xi32, #tpu.memory_space<hbm>> -> memref<9984xi32, #tpu.memory_space<hbm>>
      tpu.wait_dma2 semaphore(%run_scoped3A : memref<!tpu.dma_semaphore, #tpu.memory_space<semaphore_mem>>) src(%dma_wait3A_44 : memref<9984xi32, #tpu.memory_space<hbm>>) dst(%dma_wait3A_43 : memref<9984xi32, #tpu.memory_space<vmem>>)
      tpu.yield
    }) : () -> ()
    %convert_element_type3A = arith.extui %lt3A_7 : i1 to i32
    %cond3A = arith.constant 0 : i32
    %cond3A_10 = arith.cmpi ne, %convert_element_type3A, %cond3A : i32
    scf.if %cond3A_10 {
      %mul3A_33 = arith.constant 16 : i32
      %mul3A_34 = arith.muli %mul3A_6, %mul3A_33 : i32
      %add3A_35 = arith.constant 9984 : i32
      %add3A_36 = arith.addi %mul3A_34, %add3A_35 : i32
      "tpu.region"() ({
        %run_scoped3A = tpu.sem_alloc : memref<!tpu.dma_semaphore, #tpu.memory_space<semaphore_mem>>
        %dma_start3A_42 = arith.constant 9984 : i32
        %dma_start3A_43 = tpu.memref_slice %arg5[%dma_start3A_42] : memref<10112xi32, #tpu.memory_space<vmem>> -> memref<128xi32, #tpu.memory_space<vmem>>
        %dma_start3A_44 = tpu.memref_slice %arg3[%add3A_36] : memref<320000xi32, #tpu.memory_space<hbm>> -> memref<128xi32, #tpu.memory_space<hbm>>
        %dma_start3A_45 = arith.constant 9984 : i32
        %dma_start3A_46 = tpu.memref_slice %arg5[%dma_start3A_45] : memref<10112xi32, #tpu.memory_space<vmem>> -> memref<128xi32, #tpu.memory_space<vmem>>
        %dma_start3A_47 = tpu.memref_slice %arg3[%add3A_36] : memref<320000xi32, #tpu.memory_space<hbm>> -> memref<128xi32, #tpu.memory_space<hbm>>
        tpu.enqueue_dma source(%dma_start3A_47 : memref<128xi32, #tpu.memory_space<hbm>>) target(%dma_start3A_46 : memref<128xi32, #tpu.memory_space<vmem>>) target_semaphore(%run_scoped3A : memref<!tpu.dma_semaphore, #tpu.memory_space<semaphore_mem>>)
        %dma_wait3A_48 = arith.constant 9984 : i32
        %dma_wait3A_49 = tpu.memref_slice %arg5[%dma_wait3A_48] : memref<10112xi32, #tpu.memory_space<vmem>> -> memref<128xi32, #tpu.memory_space<vmem>>
        %dma_wait3A_50 = tpu.memref_slice %arg3[%add3A_36] : memref<320000xi32, #tpu.memory_space<hbm>> -> memref<128xi32, #tpu.memory_space<hbm>>
        %dma_wait3A_51 = arith.constant 9984 : i32
        %dma_wait3A_52 = tpu.memref_slice %arg5[%dma_wait3A_51] : memref<10112xi32, #tpu.memory_space<vmem>> -> memref<128xi32, #tpu.memory_space<vmem>>
        %dma_wait3A_53 = tpu.memref_slice %arg3[%add3A_36] : memref<320000xi32, #tpu.memory_space<hbm>> -> memref<128xi32, #tpu.memory_space<hbm>>
        tpu.wait_dma2 semaphore(%run_scoped3A : memref<!tpu.dma_semaphore, #tpu.memory_space<semaphore_mem>>) src(%dma_wait3A_53 : memref<128xi32, #tpu.memory_space<hbm>>) dst(%dma_wait3A_52 : memref<128xi32, #tpu.memory_space<vmem>>)
        tpu.yield
      }) : () -> ()
      %dma_start3A_37 = arith.constant 9984 : i32
      %dma_start3A_38 = tpu.memref_slice %arg5[%dma_start3A_37] : memref<10112xi32, #tpu.memory_space<vmem>> -> memref<128xi32, #tpu.memory_space<vmem>>
      %dma_start3A_39 = arith.constant 0 : i32
      %dma_start3A_40 = arith.constant 0 : i32
      %dma_start3A_41 = tpu.memref_slice %arg2[%dma_start3A_39, %dma_start3A_40] : memref<20000x128xf32, #tpu.memory_space<hbm>> -> memref<20000x128xf32, #tpu.memory_space<hbm>>
      tpu.enqueue_indirect_dma source(%dma_start3A_41 : memref<20000x128xf32, #tpu.memory_space<hbm>>) target(%arg8 : memref<128x128xf32, #tpu.memory_space<vmem>>) offsets(%dma_start3A_38 : memref<128xi32, #tpu.memory_space<vmem>>) semaphore(%arg13 : memref<!tpu.dma_semaphore, #tpu.memory_space<semaphore_mem>>)
    } else {
    }
    %dma_start3A = arith.constant 0 : i32
    %dma_start3A_11 = tpu.memref_slice %arg5[%dma_start3A] : memref<10112xi32, #tpu.memory_space<vmem>> -> memref<128xi32, #tpu.memory_space<vmem>>
    %dma_start3A_12 = arith.constant 0 : i32
    %dma_start3A_13 = arith.constant 0 : i32
    %dma_start3A_14 = tpu.memref_slice %arg2[%dma_start3A_12, %dma_start3A_13] : memref<20000x128xf32, #tpu.memory_space<hbm>> -> memref<20000x128xf32, #tpu.memory_space<hbm>>
    tpu.enqueue_indirect_dma source(%dma_start3A_14 : memref<20000x128xf32, #tpu.memory_space<hbm>>) target(%arg6 : memref<128x128xf32, #tpu.memory_space<vmem>>) offsets(%dma_start3A_11 : memref<128xi32, #tpu.memory_space<vmem>>) semaphore(%arg11 : memref<!tpu.dma_semaphore, #tpu.memory_space<semaphore_mem>>)
    %scan3A = arith.constant 0 : i32
    %scan3A_15 = arith.constant 0 : i32
    %scan3A_16 = arith.constant 39 : i32
    %scan3A_17 = arith.addi %scan3A_15, %scan3A_16 : i32
    %scan3A_18 = arith.constant 1 : i32
    %scan3A_19 = scf.for %scan3A_33 = %scan3A_15 to %scan3A_17 step %scan3A_18 iter_args(%scan3A_34 = %scan3A) -> (i32)  : i32 {
      %mul3A_35 = arith.constant 2 : i32
      %mul3A_36 = arith.muli %mul3A_35, %scan3A_33 : i32
      %add3A_37 = arith.constant 1 : i32
      %add3A_38 = arith.addi %mul3A_36, %add3A_37 : i32
      %mul3A_39 = arith.constant 128 : i32
      %mul3A_40 = arith.muli %add3A_38, %mul3A_39 : i32
      %dma_start3A_41 = tpu.memref_slice %arg5[%mul3A_40] : memref<10112xi32, #tpu.memory_space<vmem>> -> memref<128xi32, #tpu.memory_space<vmem>>
      %dma_start3A_42 = arith.constant 0 : i32
      %dma_start3A_43 = arith.constant 0 : i32
      %dma_start3A_44 = tpu.memref_slice %arg2[%dma_start3A_42, %dma_start3A_43] : memref<20000x128xf32, #tpu.memory_space<hbm>> -> memref<20000x128xf32, #tpu.memory_space<hbm>>
      tpu.enqueue_indirect_dma source(%dma_start3A_44 : memref<20000x128xf32, #tpu.memory_space<hbm>>) target(%arg7 : memref<128x128xf32, #tpu.memory_space<vmem>>) offsets(%dma_start3A_41 : memref<128xi32, #tpu.memory_space<vmem>>) semaphore(%arg12 : memref<!tpu.dma_semaphore, #tpu.memory_space<semaphore_mem>>)
      %mul3A_45 = arith.constant 128 : i32
      %mul3A_46 = arith.muli %mul3A_36, %mul3A_45 : i32
      %dma_wait3A_47 = tpu.memref_slice %arg5[%mul3A_46] : memref<10112xi32, #tpu.memory_space<vmem>> -> memref<128xi32, #tpu.memory_space<vmem>>
      %dma_wait3A_48 = arith.constant 0 : i32
      %dma_wait3A_49 = arith.constant 0 : i32
      %dma_wait3A_50 = tpu.memref_slice %arg2[%dma_wait3A_48, %dma_wait3A_49] : memref<20000x128xf32, #tpu.memory_space<hbm>> -> memref<20000x128xf32, #tpu.memory_space<hbm>>
      tpu.wait_indirect_dma semaphore(%arg11 : memref<!tpu.dma_semaphore, #tpu.memory_space<semaphore_mem>>) src(%dma_wait3A_50 : memref<20000x128xf32, #tpu.memory_space<hbm>>) dst(%arg6 : memref<128x128xf32, #tpu.memory_space<vmem>>)
      %gt3A = arith.constant 0 : i32
      %gt3A_51 = arith.cmpi sgt, %scan3A_33, %gt3A : i32
      %convert_element_type3A_52 = arith.extui %gt3A_51 : i1 to i32
      %cond3A_53 = arith.constant 0 : i32
      %cond3A_54 = arith.cmpi ne, %convert_element_type3A_52, %cond3A_53 : i32
      scf.if %cond3A_54 {
        %sub3A = arith.constant 2 : i32
        %sub3A_106 = arith.subi %mul3A_36, %sub3A : i32
        %mul3A_107 = arith.constant 8 : i32
        %mul3A_108 = arith.muli %sub3A_106, %mul3A_107 : i32
        %add3A_109 = arith.addi %mul3A_6, %mul3A_108 : i32
        %dma_wait3A_110 = arith.constant 0 : i32
        %dma_wait3A_111 = tpu.memref_slice %arg4[%add3A_109, %dma_wait3A_110] : memref<20000x128xf32, #tpu.memory_space<hbm>> -> memref<8x128xf32, #tpu.memory_space<hbm>>
        %dma_wait3A_112 = arith.constant 0 : i32
        %dma_wait3A_113 = tpu.memref_slice %arg4[%add3A_109, %dma_wait3A_112] : memref<20000x128xf32, #tpu.memory_space<hbm>> -> memref<8x128xf32, #tpu.memory_space<hbm>>
        tpu.wait_dma2 semaphore(%arg14 : memref<!tpu.dma_semaphore, #tpu.memory_space<semaphore_mem>>) src(%arg9 : memref<8x128xf32, #tpu.memory_space<vmem>>) dst(%dma_wait3A_113 : memref<8x128xf32, #tpu.memory_space<hbm>>)
      } else {
      }
      %scan3A_55 = arith.constant 0 : i32
      %scan3A_56 = arith.constant 0 : i32
      %scan3A_57 = arith.constant 8 : i32
      %scan3A_58 = arith.addi %scan3A_56, %scan3A_57 : i32
      %scan3A_59 = arith.constant 1 : i32
      %scan3A_60 = scf.for %scan3A_106 = %scan3A_56 to %scan3A_58 step %scan3A_59 iter_args(%scan3A_107 = %scan3A_55) -> (i32)  : i32 {
        %mul3A_108 = arith.constant 16 : i32
        %mul3A_109 = arith.muli %scan3A_106, %mul3A_108 : i32
        %get3A = arith.index_cast %mul3A_109 : i32 to index
        %get3A_110 = arith.constant 0 : index
        %get3A_111 = tpu.vector_load %arg6[%get3A, %get3A_110] {strides = array<i32>} : memref<128x128xf32, #tpu.memory_space<vmem>>, vector<1x16xf32>,
        %get3A_112 = vector.shape_cast %get3A_111 : vector<1x16xf32> to vector<16xf32>
        %mul3A_113 = arith.constant 16 : i32
        %mul3A_114 = arith.muli %scan3A_106, %mul3A_113 : i32
        %add3A_115 = arith.constant 1 : i32
        %add3A_116 = arith.addi %mul3A_114, %add3A_115 : i32
        %get3A_117 = arith.index_cast %add3A_116 : i32 to index
        %get3A_118 = arith.constant 0 : index
        %get3A_119 = tpu.vector_load %arg6[%get3A_117, %get3A_118] {strides = array<i32>} : memref<128x128xf32, #tpu.memory_space<vmem>>, vector<1x16xf32>,
        %get3A_120 = vector.shape_cast %get3A_119 : vector<1x16xf32> to vector<16xf32>
        %max3A = arith.maximumf %get3A_112, %get3A_120 : vector<16xf32>
        %mul3A_121 = arith.constant 16 : i32
        %mul3A_122 = arith.muli %scan3A_106, %mul3A_121 : i32
        %add3A_123 = arith.constant 2 : i32
        %add3A_124 = arith.addi %mul3A_122, %add3A_123 : i32
        %get3A_125 = arith.index_cast %add3A_124 : i32 to index
        %get3A_126 = arith.constant 0 : index
        %get3A_127 = tpu.vector_load %arg6[%get3A_125, %get3A_126] {strides = array<i32>} : memref<128x128xf32, #tpu.memory_space<vmem>>, vector<1x16xf32>,
        %get3A_128 = vector.shape_cast %get3A_127 : vector<1x16xf32> to vector<16xf32>
        %max3A_129 = arith.maximumf %max3A, %get3A_128 : vector<16xf32>
        %mul3A_130 = arith.constant 16 : i32
        %mul3A_131 = arith.muli %scan3A_106, %mul3A_130 : i32
        %add3A_132 = arith.constant 3 : i32
        %add3A_133 = arith.addi %mul3A_131, %add3A_132 : i32
        %get3A_134 = arith.index_cast %add3A_133 : i32 to index
        %get3A_135 = arith.constant 0 : index
        %get3A_136 = tpu.vector_load %arg6[%get3A_134, %get3A_135] {strides = array<i32>} : memref<128x128xf32, #tpu.memory_space<vmem>>, vector<1x16xf32>,
        %get3A_137 = vector.shape_cast %get3A_136 : vector<1x16xf32> to vector<16xf32>
        %max3A_138 = arith.maximumf %max3A_129, %get3A_137 : vector<16xf32>
        %mul3A_139 = arith.constant 16 : i32
        %mul3A_140 = arith.muli %scan3A_106, %mul3A_139 : i32
        %add3A_141 = arith.constant 4 : i32
        %add3A_142 = arith.addi %mul3A_140, %add3A_141 : i32
        %get3A_143 = arith.index_cast %add3A_142 : i32 to index
        %get3A_144 = arith.constant 0 : index
        %get3A_145 = tpu.vector_load %arg6[%get3A_143, %get3A_144] {strides = array<i32>} : memref<128x128xf32, #tpu.memory_space<vmem>>, vector<1x16xf32>,
        %get3A_146 = vector.shape_cast %get3A_145 : vector<1x16xf32> to vector<16xf32>
        %max3A_147 = arith.maximumf %max3A_138, %get3A_146 : vector<16xf32>
        %mul3A_148 = arith.constant 16 : i32
        %mul3A_149 = arith.muli %scan3A_106, %mul3A_148 : i32
        %add3A_150 = arith.constant 5 : i32
        %add3A_151 = arith.addi %mul3A_149, %add3A_150 : i32
        %get3A_152 = arith.index_cast %add3A_151 : i32 to index
        %get3A_153 = arith.constant 0 : index
        %get3A_154 = tpu.vector_load %arg6[%get3A_152, %get3A_153] {strides = array<i32>} : memref<128x128xf32, #tpu.memory_space<vmem>>, vector<1x16xf32>,
        %get3A_155 = vector.shape_cast %get3A_154 : vector<1x16xf32> to vector<16xf32>
        %max3A_156 = arith.maximumf %max3A_147, %get3A_155 : vector<16xf32>
        %mul3A_157 = arith.constant 16 : i32
        %mul3A_158 = arith.muli %scan3A_106, %mul3A_157 : i32
        %add3A_159 = arith.constant 6 : i32
        %add3A_160 = arith.addi %mul3A_158, %add3A_159 : i32
        %get3A_161 = arith.index_cast %add3A_160 : i32 to index
        %get3A_162 = arith.constant 0 : index
        %get3A_163 = tpu.vector_load %arg6[%get3A_161, %get3A_162] {strides = array<i32>} : memref<128x128xf32, #tpu.memory_space<vmem>>, vector<1x16xf32>,
        %get3A_164 = vector.shape_cast %get3A_163 : vector<1x16xf32> to vector<16xf32>
        %max3A_165 = arith.maximumf %max3A_156, %get3A_164 : vector<16xf32>
        %mul3A_166 = arith.constant 16 : i32
        %mul3A_167 = arith.muli %scan3A_106, %mul3A_166 : i32
        %add3A_168 = arith.constant 7 : i32
        %add3A_169 = arith.addi %mul3A_167, %add3A_168 : i32
        %get3A_170 = arith.index_cast %add3A_169 : i32 to index
        %get3A_171 = arith.constant 0 : index
        %get3A_172 = tpu.vector_load %arg6[%get3A_170, %get3A_171] {strides = array<i32>} : memref<128x128xf32, #tpu.memory_space<vmem>>, vector<1x16xf32>,
        %get3A_173 = vector.shape_cast %get3A_172 : vector<1x16xf32> to vector<16xf32>
        %max3A_174 = arith.maximumf %max3A_165, %get3A_173 : vector<16xf32>
        %mul3A_175 = arith.constant 16 : i32
        %mul3A_176 = arith.muli %scan3A_106, %mul3A_175 : i32
        %add3A_177 = arith.constant 8 : i32
        %add3A_178 = arith.addi %mul3A_176, %add3A_177 : i32
        %get3A_179 = arith.index_cast %add3A_178 : i32 to index
        %get3A_180 = arith.constant 0 : index
        %get3A_181 = tpu.vector_load %arg6[%get3A_179, %get3A_180] {strides = array<i32>} : memref<128x128xf32, #tpu.memory_space<vmem>>, vector<1x16xf32>,
        %get3A_182 = vector.shape_cast %get3A_181 : vector<1x16xf32> to vector<16xf32>
        %max3A_183 = arith.maximumf %max3A_174, %get3A_182 : vector<16xf32>
        %mul3A_184 = arith.constant 16 : i32
        %mul3A_185 = arith.muli %scan3A_106, %mul3A_184 : i32
        %add3A_186 = arith.constant 9 : i32
        %add3A_187 = arith.addi %mul3A_185, %add3A_186 : i32
        %get3A_188 = arith.index_cast %add3A_187 : i32 to index
        %get3A_189 = arith.constant 0 : index
        %get3A_190 = tpu.vector_load %arg6[%get3A_188, %get3A_189] {strides = array<i32>} : memref<128x128xf32, #tpu.memory_space<vmem>>, vector<1x16xf32>,
        %get3A_191 = vector.shape_cast %get3A_190 : vector<1x16xf32> to vector<16xf32>
        %max3A_192 = arith.maximumf %max3A_183, %get3A_191 : vector<16xf32>
        %mul3A_193 = arith.constant 16 : i32
        %mul3A_194 = arith.muli %scan3A_106, %mul3A_193 : i32
        %add3A_195 = arith.constant 10 : i32
        %add3A_196 = arith.addi %mul3A_194, %add3A_195 : i32
        %get3A_197 = arith.index_cast %add3A_196 : i32 to index
        %get3A_198 = arith.constant 0 : index
        %get3A_199 = tpu.vector_load %arg6[%get3A_197, %get3A_198] {strides = array<i32>} : memref<128x128xf32, #tpu.memory_space<vmem>>, vector<1x16xf32>,
        %get3A_200 = vector.shape_cast %get3A_199 : vector<1x16xf32> to vector<16xf32>
        %max3A_201 = arith.maximumf %max3A_192, %get3A_200 : vector<16xf32>
        %mul3A_202 = arith.constant 16 : i32
        %mul3A_203 = arith.muli %scan3A_106, %mul3A_202 : i32
        %add3A_204 = arith.constant 11 : i32
        %add3A_205 = arith.addi %mul3A_203, %add3A_204 : i32
        %get3A_206 = arith.index_cast %add3A_205 : i32 to index
        %get3A_207 = arith.constant 0 : index
        %get3A_208 = tpu.vector_load %arg6[%get3A_206, %get3A_207] {strides = array<i32>} : memref<128x128xf32, #tpu.memory_space<vmem>>, vector<1x16xf32>,
        %get3A_209 = vector.shape_cast %get3A_208 : vector<1x16xf32> to vector<16xf32>
        %max3A_210 = arith.maximumf %max3A_201, %get3A_209 : vector<16xf32>
        %mul3A_211 = arith.constant 16 : i32
        %mul3A_212 = arith.muli %scan3A_106, %mul3A_211 : i32
        %add3A_213 = arith.constant 12 : i32
        %add3A_214 = arith.addi %mul3A_212, %add3A_213 : i32
        %get3A_215 = arith.index_cast %add3A_214 : i32 to index
        %get3A_216 = arith.constant 0 : index
        %get3A_217 = tpu.vector_load %arg6[%get3A_215, %get3A_216] {strides = array<i32>} : memref<128x128xf32, #tpu.memory_space<vmem>>, vector<1x16xf32>,
        %get3A_218 = vector.shape_cast %get3A_217 : vector<1x16xf32> to vector<16xf32>
        %max3A_219 = arith.maximumf %max3A_210, %get3A_218 : vector<16xf32>
        %mul3A_220 = arith.constant 16 : i32
        %mul3A_221 = arith.muli %scan3A_106, %mul3A_220 : i32
        %add3A_222 = arith.constant 13 : i32
        %add3A_223 = arith.addi %mul3A_221, %add3A_222 : i32
        %get3A_224 = arith.index_cast %add3A_223 : i32 to index
        %get3A_225 = arith.constant 0 : index
        %get3A_226 = tpu.vector_load %arg6[%get3A_224, %get3A_225] {strides = array<i32>} : memref<128x128xf32, #tpu.memory_space<vmem>>, vector<1x16xf32>,
        %get3A_227 = vector.shape_cast %get3A_226 : vector<1x16xf32> to vector<16xf32>
        %max3A_228 = arith.maximumf %max3A_219, %get3A_227 : vector<16xf32>
        %mul3A_229 = arith.constant 16 : i32
        %mul3A_230 = arith.muli %scan3A_106, %mul3A_229 : i32
        %add3A_231 = arith.constant 14 : i32
        %add3A_232 = arith.addi %mul3A_230, %add3A_231 : i32
        %get3A_233 = arith.index_cast %add3A_232 : i32 to index
        %get3A_234 = arith.constant 0 : index
        %get3A_235 = tpu.vector_load %arg6[%get3A_233, %get3A_234] {strides = array<i32>} : memref<128x128xf32, #tpu.memory_space<vmem>>, vector<1x16xf32>,
        %get3A_236 = vector.shape_cast %get3A_235 : vector<1x16xf32> to vector<16xf32>
        %max3A_237 = arith.maximumf %max3A_228, %get3A_236 : vector<16xf32>
        %mul3A_238 = arith.constant 16 : i32
        %mul3A_239 = arith.muli %scan3A_106, %mul3A_238 : i32
        %add3A_240 = arith.constant 15 : i32
        %add3A_241 = arith.addi %mul3A_239, %add3A_240 : i32
        %get3A_242 = arith.index_cast %add3A_241 : i32 to index
        %get3A_243 = arith.constant 0 : index
        %get3A_244 = tpu.vector_load %arg6[%get3A_242, %get3A_243] {strides = array<i32>} : memref<128x128xf32, #tpu.memory_space<vmem>>, vector<1x16xf32>,
        %get3A_245 = vector.shape_cast %get3A_244 : vector<1x16xf32> to vector<16xf32>
        %max3A_246 = arith.maximumf %max3A_237, %get3A_245 : vector<16xf32>
        %swap3A = arith.index_cast %scan3A_106 : i32 to index
        %swap3A_247 = arith.constant 0 : index
        %swap3A_248 = tpu.vector_load %arg9[%swap3A, %swap3A_247] {strides = array<i32>} : memref<8x128xf32, #tpu.memory_space<vmem>>, vector<1x16xf32>,
        %swap3A_249 = vector.shape_cast %swap3A_248 : vector<1x16xf32> to vector<16xf32>
        %swap3A_250 = vector.shape_cast %max3A_246 : vector<16xf32> to vector<1x16xf32>
        tpu.vector_store %arg9[%swap3A, %swap3A_247], %swap3A_250 {strides = array<i32>} : memref<8x128xf32, #tpu.memory_space<vmem>>, vector<1x16xf32>,
        %mul3A_251 = arith.constant 16 : i32
        %mul3A_252 = arith.muli %scan3A_106, %mul3A_251 : i32
        %get3A_253 = arith.index_cast %mul3A_252 : i32 to index
        %get3A_254 = arith.constant 16 : index
        %get3A_255 = tpu.vector_load %arg6[%get3A_253, %get3A_254] {strides = array<i32>} : memref<128x128xf32, #tpu.memory_space<vmem>>, vector<1x16xf32>,
        %get3A_256 = vector.shape_cast %get3A_255 : vector<1x16xf32> to vector<16xf32>
        %mul3A_257 = arith.constant 16 : i32
        %mul3A_258 = arith.muli %scan3A_106, %mul3A_257 : i32
        %add3A_259 = arith.constant 1 : i32
        %add3A_260 = arith.addi %mul3A_258, %add3A_259 : i32
        %get3A_261 = arith.index_cast %add3A_260 : i32 to index
        %get3A_262 = arith.constant 16 : index
        %get3A_263 = tpu.vector_load %arg6[%get3A_261, %get3A_262] {strides = array<i32>} : memref<128x128xf32, #tpu.memory_space<vmem>>, vector<1x16xf32>,
        %get3A_264 = vector.shape_cast %get3A_263 : vector<1x16xf32> to vector<16xf32>
        %max3A_265 = arith.maximumf %get3A_256, %get3A_264 : vector<16xf32>
        %mul3A_266 = arith.constant 16 : i32
        %mul3A_267 = arith.muli %scan3A_106, %mul3A_266 : i32
        %add3A_268 = arith.constant 2 : i32
        %add3A_269 = arith.addi %mul3A_267, %add3A_268 : i32
        %get3A_270 = arith.index_cast %add3A_269 : i32 to index
        %get3A_271 = arith.constant 16 : index
        %get3A_272 = tpu.vector_load %arg6[%get3A_270, %get3A_271] {strides = array<i32>} : memref<128x128xf32, #tpu.memory_space<vmem>>, vector<1x16xf32>,
        %get3A_273 = vector.shape_cast %get3A_272 : vector<1x16xf32> to vector<16xf32>
        %max3A_274 = arith.maximumf %max3A_265, %get3A_273 : vector<16xf32>
        %mul3A_275 = arith.constant 16 : i32
        %mul3A_276 = arith.muli %scan3A_106, %mul3A_275 : i32
        %add3A_277 = arith.constant 3 : i32
        %add3A_278 = arith.addi %mul3A_276, %add3A_277 : i32
        %get3A_279 = arith.index_cast %add3A_278 : i32 to index
        %get3A_280 = arith.constant 16 : index
        %get3A_281 = tpu.vector_load %arg6[%get3A_279, %get3A_280] {strides = array<i32>} : memref<128x128xf32, #tpu.memory_space<vmem>>, vector<1x16xf32>,
        %get3A_282 = vector.shape_cast %get3A_281 : vector<1x16xf32> to vector<16xf32>
        %max3A_283 = arith.maximumf %max3A_274, %get3A_282 : vector<16xf32>
        %mul3A_284 = arith.constant 16 : i32
        %mul3A_285 = arith.muli %scan3A_106, %mul3A_284 : i32
        %add3A_286 = arith.constant 4 : i32
        %add3A_287 = arith.addi %mul3A_285, %add3A_286 : i32
        %get3A_288 = arith.index_cast %add3A_287 : i32 to index
        %get3A_289 = arith.constant 16 : index
        %get3A_290 = tpu.vector_load %arg6[%get3A_288, %get3A_289] {strides = array<i32>} : memref<128x128xf32, #tpu.memory_space<vmem>>, vector<1x16xf32>,
        %get3A_291 = vector.shape_cast %get3A_290 : vector<1x16xf32> to vector<16xf32>
        %max3A_292 = arith.maximumf %max3A_283, %get3A_291 : vector<16xf32>
        %mul3A_293 = arith.constant 16 : i32
        %mul3A_294 = arith.muli %scan3A_106, %mul3A_293 : i32
        %add3A_295 = arith.constant 5 : i32
        %add3A_296 = arith.addi %mul3A_294, %add3A_295 : i32
        %get3A_297 = arith.index_cast %add3A_296 : i32 to index
        %get3A_298 = arith.constant 16 : index
        %get3A_299 = tpu.vector_load %arg6[%get3A_297, %get3A_298] {strides = array<i32>} : memref<128x128xf32, #tpu.memory_space<vmem>>, vector<1x16xf32>,
        %get3A_300 = vector.shape_cast %get3A_299 : vector<1x16xf32> to vector<16xf32>
        %max3A_301 = arith.maximumf %max3A_292, %get3A_300 : vector<16xf32>
        %mul3A_302 = arith.constant 16 : i32
        %mul3A_303 = arith.muli %scan3A_106, %mul3A_302 : i32
        %add3A_304 = arith.constant 6 : i32
        %add3A_305 = arith.addi %mul3A_303, %add3A_304 : i32
        %get3A_306 = arith.index_cast %add3A_305 : i32 to index
        %get3A_307 = arith.constant 16 : index
        %get3A_308 = tpu.vector_load %arg6[%get3A_306, %get3A_307] {strides = array<i32>} : memref<128x128xf32, #tpu.memory_space<vmem>>, vector<1x16xf32>,
        %get3A_309 = vector.shape_cast %get3A_308 : vector<1x16xf32> to vector<16xf32>
        %max3A_310 = arith.maximumf %max3A_301, %get3A_309 : vector<16xf32>
        %mul3A_311 = arith.constant 16 : i32
        %mul3A_312 = arith.muli %scan3A_106, %mul3A_311 : i32
        %add3A_313 = arith.constant 7 : i32
        %add3A_314 = arith.addi %mul3A_312, %add3A_313 : i32
        %get3A_315 = arith.index_cast %add3A_314 : i32 to index
        %get3A_316 = arith.constant 16 : index
        %get3A_317 = tpu.vector_load %arg6[%get3A_315, %get3A_316] {strides = array<i32>} : memref<128x128xf32, #tpu.memory_space<vmem>>, vector<1x16xf32>,
        %get3A_318 = vector.shape_cast %get3A_317 : vector<1x16xf32> to vector<16xf32>
        %max3A_319 = arith.maximumf %max3A_310, %get3A_318 : vector<16xf32>
        %mul3A_320 = arith.constant 16 : i32
        %mul3A_321 = arith.muli %scan3A_106, %mul3A_320 : i32
        %add3A_322 = arith.constant 8 : i32
        %add3A_323 = arith.addi %mul3A_321, %add3A_322 : i32
        %get3A_324 = arith.index_cast %add3A_323 : i32 to index
        %get3A_325 = arith.constant 16 : index
        %get3A_326 = tpu.vector_load %arg6[%get3A_324, %get3A_325] {strides = array<i32>} : memref<128x128xf32, #tpu.memory_space<vmem>>, vector<1x16xf32>,
        %get3A_327 = vector.shape_cast %get3A_326 : vector<1x16xf32> to vector<16xf32>
        %max3A_328 = arith.maximumf %max3A_319, %get3A_327 : vector<16xf32>
        %mul3A_329 = arith.constant 16 : i32
        %mul3A_330 = arith.muli %scan3A_106, %mul3A_329 : i32
        %add3A_331 = arith.constant 9 : i32
        %add3A_332 = arith.addi %mul3A_330, %add3A_331 : i32
        %get3A_333 = arith.index_cast %add3A_332 : i32 to index
        %get3A_334 = arith.constant 16 : index
        %get3A_335 = tpu.vector_load %arg6[%get3A_333, %get3A_334] {strides = array<i32>} : memref<128x128xf32, #tpu.memory_space<vmem>>, vector<1x16xf32>,
        %get3A_336 = vector.shape_cast %get3A_335 : vector<1x16xf32> to vector<16xf32>
        %max3A_337 = arith.maximumf %max3A_328, %get3A_336 : vector<16xf32>
        %mul3A_338 = arith.constant 16 : i32
        %mul3A_339 = arith.muli %scan3A_106, %mul3A_338 : i32
        %add3A_340 = arith.constant 10 : i32
        %add3A_341 = arith.addi %mul3A_339, %add3A_340 : i32
        %get3A_342 = arith.index_cast %add3A_341 : i32 to index
        %get3A_343 = arith.constant 16 : index
        %get3A_344 = tpu.vector_load %arg6[%get3A_342, %get3A_343] {strides = array<i32>} : memref<128x128xf32, #tpu.memory_space<vmem>>, vector<1x16xf32>,
        %get3A_345 = vector.shape_cast %get3A_344 : vector<1x16xf32> to vector<16xf32>
        %max3A_346 = arith.maximumf %max3A_337, %get3A_345 : vector<16xf32>
        %mul3A_347 = arith.constant 16 : i32
        %mul3A_348 = arith.muli %scan3A_106, %mul3A_347 : i32
        %add3A_349 = arith.constant 11 : i32
        %add3A_350 = arith.addi %mul3A_348, %add3A_349 : i32
        %get3A_351 = arith.index_cast %add3A_350 : i32 to index
        %get3A_352 = arith.constant 16 : index
        %get3A_353 = tpu.vector_load %arg6[%get3A_351, %get3A_352] {strides = array<i32>} : memref<128x128xf32, #tpu.memory_space<vmem>>, vector<1x16xf32>,
        %get3A_354 = vector.shape_cast %get3A_353 : vector<1x16xf32> to vector<16xf32>
        %max3A_355 = arith.maximumf %max3A_346, %get3A_354 : vector<16xf32>
        %mul3A_356 = arith.constant 16 : i32
        %mul3A_357 = arith.muli %scan3A_106, %mul3A_356 : i32
        %add3A_358 = arith.constant 12 : i32
        %add3A_359 = arith.addi %mul3A_357, %add3A_358 : i32
        %get3A_360 = arith.index_cast %add3A_359 : i32 to index
        %get3A_361 = arith.constant 16 : index
        %get3A_362 = tpu.vector_load %arg6[%get3A_360, %get3A_361] {strides = array<i32>} : memref<128x128xf32, #tpu.memory_space<vmem>>, vector<1x16xf32>,
        %get3A_363 = vector.shape_cast %get3A_362 : vector<1x16xf32> to vector<16xf32>
        %max3A_364 = arith.maximumf %max3A_355, %get3A_363 : vector<16xf32>
        %mul3A_365 = arith.constant 16 : i32
        %mul3A_366 = arith.muli %scan3A_106, %mul3A_365 : i32
        %add3A_367 = arith.constant 13 : i32
        %add3A_368 = arith.addi %mul3A_366, %add3A_367 : i32
        %get3A_369 = arith.index_cast %add3A_368 : i32 to index
        %get3A_370 = arith.constant 16 : index
        %get3A_371 = tpu.vector_load %arg6[%get3A_369, %get3A_370] {strides = array<i32>} : memref<128x128xf32, #tpu.memory_space<vmem>>, vector<1x16xf32>,
        %get3A_372 = vector.shape_cast %get3A_371 : vector<1x16xf32> to vector<16xf32>
        %max3A_373 = arith.maximumf %max3A_364, %get3A_372 : vector<16xf32>
        %mul3A_374 = arith.constant 16 : i32
        %mul3A_375 = arith.muli %scan3A_106, %mul3A_374 : i32
        %add3A_376 = arith.constant 14 : i32
        %add3A_377 = arith.addi %mul3A_375, %add3A_376 : i32
        %get3A_378 = arith.index_cast %add3A_377 : i32 to index
        %get3A_379 = arith.constant 16 : index
        %get3A_380 = tpu.vector_load %arg6[%get3A_378, %get3A_379] {strides = array<i32>} : memref<128x128xf32, #tpu.memory_space<vmem>>, vector<1x16xf32>,
        %get3A_381 = vector.shape_cast %get3A_380 : vector<1x16xf32> to vector<16xf32>
        %max3A_382 = arith.maximumf %max3A_373, %get3A_381 : vector<16xf32>
        %mul3A_383 = arith.constant 16 : i32
        %mul3A_384 = arith.muli %scan3A_106, %mul3A_383 : i32
        %add3A_385 = arith.constant 15 : i32
        %add3A_386 = arith.addi %mul3A_384, %add3A_385 : i32
        %get3A_387 = arith.index_cast %add3A_386 : i32 to index
        %get3A_388 = arith.constant 16 : index
        %get3A_389 = tpu.vector_load %arg6[%get3A_387, %get3A_388] {strides = array<i32>} : memref<128x128xf32, #tpu.memory_space<vmem>>, vector<1x16xf32>,
        %get3A_390 = vector.shape_cast %get3A_389 : vector<1x16xf32> to vector<16xf32>
        %max3A_391 = arith.maximumf %max3A_382, %get3A_390 : vector<16xf32>
        %swap3A_392 = arith.index_cast %scan3A_106 : i32 to index
        %swap3A_393 = arith.constant 16 : index
        %swap3A_394 = tpu.vector_load %arg9[%swap3A_392, %swap3A_393] {strides = array<i32>} : memref<8x128xf32, #tpu.memory_space<vmem>>, vector<1x16xf32>,
        %swap3A_395 = vector.shape_cast %swap3A_394 : vector<1x16xf32> to vector<16xf32>
        %swap3A_396 = vector.shape_cast %max3A_391 : vector<16xf32> to vector<1x16xf32>
        tpu.vector_store %arg9[%swap3A_392, %swap3A_393], %swap3A_396 {strides = array<i32>} : memref<8x128xf32, #tpu.memory_space<vmem>>, vector<1x16xf32>,
        %mul3A_397 = arith.constant 16 : i32
        %mul3A_398 = arith.muli %scan3A_106, %mul3A_397 : i32
        %get3A_399 = arith.index_cast %mul3A_398 : i32 to index
        %get3A_400 = arith.constant 32 : index
        %get3A_401 = tpu.vector_load %arg6[%get3A_399, %get3A_400] {strides = array<i32>} : memref<128x128xf32, #tpu.memory_space<vmem>>, vector<1x16xf32>,
        %get3A_402 = vector.shape_cast %get3A_401 : vector<1x16xf32> to vector<16xf32>
        %mul3A_403 = arith.constant 16 : i32
        %mul3A_404 = arith.muli %scan3A_106, %mul3A_403 : i32
        %add3A_405 = arith.constant 1 : i32
        %add3A_406 = arith.addi %mul3A_404, %add3A_405 : i32
        %get3A_407 = arith.index_cast %add3A_406 : i32 to index
        %get3A_408 = arith.constant 32 : index
        %get3A_409 = tpu.vector_load %arg6[%get3A_407, %get3A_408] {strides = array<i32>} : memref<128x128xf32, #tpu.memory_space<vmem>>, vector<1x16xf32>,
        %get3A_410 = vector.shape_cast %get3A_409 : vector<1x16xf32> to vector<16xf32>
        %max3A_411 = arith.maximumf %get3A_402, %get3A_410 : vector<16xf32>
        %mul3A_412 = arith.constant 16 : i32
        %mul3A_413 = arith.muli %scan3A_106, %mul3A_412 : i32
        %add3A_414 = arith.constant 2 : i32
        %add3A_415 = arith.addi %mul3A_413, %add3A_414 : i32
        %get3A_416 = arith.index_cast %add3A_415 : i32 to index
        %get3A_417 = arith.constant 32 : index
        %get3A_418 = tpu.vector_load %arg6[%get3A_416, %get3A_417] {strides = array<i32>} : memref<128x128xf32, #tpu.memory_space<vmem>>, vector<1x16xf32>,
        %get3A_419 = vector.shape_cast %get3A_418 : vector<1x16xf32> to vector<16xf32>
        %max3A_420 = arith.maximumf %max3A_411, %get3A_419 : vector<16xf32>
        %mul3A_421 = arith.constant 16 : i32
        %mul3A_422 = arith.muli %scan3A_106, %mul3A_421 : i32
        %add3A_423 = arith.constant 3 : i32
        %add3A_424 = arith.addi %mul3A_422, %add3A_423 : i32
        %get3A_425 = arith.index_cast %add3A_424 : i32 to index
        %get3A_426 = arith.constant 32 : index
        %get3A_427 = tpu.vector_load %arg6[%get3A_425, %get3A_426] {strides = array<i32>} : memref<128x128xf32, #tpu.memory_space<vmem>>, vector<1x16xf32>,
        %get3A_428 = vector.shape_cast %get3A_427 : vector<1x16xf32> to vector<16xf32>
        %max3A_429 = arith.maximumf %max3A_420, %get3A_428 : vector<16xf32>
        %mul3A_430 = arith.constant 16 : i32
        %mul3A_431 = arith.muli %scan3A_106, %mul3A_430 : i32
        %add3A_432 = arith.constant 4 : i32
        %add3A_433 = arith.addi %mul3A_431, %add3A_432 : i32
        %get3A_434 = arith.index_cast %add3A_433 : i32 to index
        %get3A_435 = arith.constant 32 : index
        %get3A_436 = tpu.vector_load %arg6[%get3A_434, %get3A_435] {strides = array<i32>} : memref<128x128xf32, #tpu.memory_space<vmem>>, vector<1x16xf32>,
        %get3A_437 = vector.shape_cast %get3A_436 : vector<1x16xf32> to vector<16xf32>
        %max3A_438 = arith.maximumf %max3A_429, %get3A_437 : vector<16xf32>
        %mul3A_439 = arith.constant 16 : i32
        %mul3A_440 = arith.muli %scan3A_106, %mul3A_439 : i32
        %add3A_441 = arith.constant 5 : i32
        %add3A_442 = arith.addi %mul3A_440, %add3A_441 : i32
        %get3A_443 = arith.index_cast %add3A_442 : i32 to index
        %get3A_444 = arith.constant 32 : index
        %get3A_445 = tpu.vector_load %arg6[%get3A_443, %get3A_444] {strides = array<i32>} : memref<128x128xf32, #tpu.memory_space<vmem>>, vector<1x16xf32>,
        %get3A_446 = vector.shape_cast %get3A_445 : vector<1x16xf32> to vector<16xf32>
        %max3A_447 = arith.maximumf %max3A_438, %get3A_446 : vector<16xf32>
        %mul3A_448 = arith.constant 16 : i32
        %mul3A_449 = arith.muli %scan3A_106, %mul3A_448 : i32
        %add3A_450 = arith.constant 6 : i32
        %add3A_451 = arith.addi %mul3A_449, %add3A_450 : i32
        %get3A_452 = arith.index_cast %add3A_451 : i32 to index
        %get3A_453 = arith.constant 32 : index
        %get3A_454 = tpu.vector_load %arg6[%get3A_452, %get3A_453] {strides = array<i32>} : memref<128x128xf32, #tpu.memory_space<vmem>>, vector<1x16xf32>,
        %get3A_455 = vector.shape_cast %get3A_454 : vector<1x16xf32> to vector<16xf32>
        %max3A_456 = arith.maximumf %max3A_447, %get3A_455 : vector<16xf32>
        %mul3A_457 = arith.constant 16 : i32
        %mul3A_458 = arith.muli %scan3A_106, %mul3A_457 : i32
        %add3A_459 = arith.constant 7 : i32
        %add3A_460 = arith.addi %mul3A_458, %add3A_459 : i32
        %get3A_461 = arith.index_cast %add3A_460 : i32 to index
        %get3A_462 = arith.constant 32 : index
        %get3A_463 = tpu.vector_load %arg6[%get3A_461, %get3A_462] {strides = array<i32>} : memref<128x128xf32, #tpu.memory_space<vmem>>, vector<1x16xf32>,
        %get3A_464 = vector.shape_cast %get3A_463 : vector<1x16xf32> to vector<16xf32>
        %max3A_465 = arith.maximumf %max3A_456, %get3A_464 : vector<16xf32>
        %mul3A_466 = arith.constant 16 : i32
        %mul3A_467 = arith.muli %scan3A_106, %mul3A_466 : i32
        %add3A_468 = arith.constant 8 : i32
        %add3A_469 = arith.addi %mul3A_467, %add3A_468 : i32
        %get3A_470 = arith.index_cast %add3A_469 : i32 to index
        %get3A_471 = arith.constant 32 : index
        %get3A_472 = tpu.vector_load %arg6[%get3A_470, %get3A_471] {strides = array<i32>} : memref<128x128xf32, #tpu.memory_space<vmem>>, vector<1x16xf32>,
        %get3A_473 = vector.shape_cast %get3A_472 : vector<1x16xf32> to vector<16xf32>
        %max3A_474 = arith.maximumf %max3A_465, %get3A_473 : vector<16xf32>
        %mul3A_475 = arith.constant 16 : i32
        %mul3A_476 = arith.muli %scan3A_106, %mul3A_475 : i32
        %add3A_477 = arith.constant 9 : i32
        %add3A_478 = arith.addi %mul3A_476, %add3A_477 : i32
        %get3A_479 = arith.index_cast %add3A_478 : i32 to index
        %get3A_480 = arith.constant 32 : index
        %get3A_481 = tpu.vector_load %arg6[%get3A_479, %get3A_480] {strides = array<i32>} : memref<128x128xf32, #tpu.memory_space<vmem>>, vector<1x16xf32>,
        %get3A_482 = vector.shape_cast %get3A_481 : vector<1x16xf32> to vector<16xf32>
        %max3A_483 = arith.maximumf %max3A_474, %get3A_482 : vector<16xf32>
        %mul3A_484 = arith.constant 16 : i32
        %mul3A_485 = arith.muli %scan3A_106, %mul3A_484 : i32
        %add3A_486 = arith.constant 10 : i32
        %add3A_487 = arith.addi %mul3A_485, %add3A_486 : i32
        %get3A_488 = arith.index_cast %add3A_487 : i32 to index
        %get3A_489 = arith.constant 32 : index
        %get3A_490 = tpu.vector_load %arg6[%get3A_488, %get3A_489] {strides = array<i32>} : memref<128x128xf32, #tpu.memory_space<vmem>>, vector<1x16xf32>,
        %get3A_491 = vector.shape_cast %get3A_490 : vector<1x16xf32> to vector<16xf32>
        %max3A_492 = arith.maximumf %max3A_483, %get3A_491 : vector<16xf32>
        %mul3A_493 = arith.constant 16 : i32
        %mul3A_494 = arith.muli %scan3A_106, %mul3A_493 : i32
        %add3A_495 = arith.constant 11 : i32
        %add3A_496 = arith.addi %mul3A_494, %add3A_495 : i32
        %get3A_497 = arith.index_cast %add3A_496 : i32 to index
        %get3A_498 = arith.constant 32 : index
        %get3A_499 = tpu.vector_load %arg6[%get3A_497, %get3A_498] {strides = array<i32>} : memref<128x128xf32, #tpu.memory_space<vmem>>, vector<1x16xf32>,
        %get3A_500 = vector.shape_cast %get3A_499 : vector<1x16xf32> to vector<16xf32>
        %max3A_501 = arith.maximumf %max3A_492, %get3A_500 : vector<16xf32>
        %mul3A_502 = arith.constant 16 : i32
        %mul3A_503 = arith.muli %scan3A_106, %mul3A_502 : i32
        %add3A_504 = arith.constant 12 : i32
        %add3A_505 = arith.addi %mul3A_503, %add3A_504 : i32
        %get3A_506 = arith.index_cast %add3A_505 : i32 to index
        %get3A_507 = arith.constant 32 : index
        %get3A_508 = tpu.vector_load %arg6[%get3A_506, %get3A_507] {strides = array<i32>} : memref<128x128xf32, #tpu.memory_space<vmem>>, vector<1x16xf32>,
        %get3A_509 = vector.shape_cast %get3A_508 : vector<1x16xf32> to vector<16xf32>
        %max3A_510 = arith.maximumf %max3A_501, %get3A_509 : vector<16xf32>
        %mul3A_511 = arith.constant 16 : i32
        %mul3A_512 = arith.muli %scan3A_106, %mul3A_511 : i32
        %add3A_513 = arith.constant 13 : i32
        %add3A_514 = arith.addi %mul3A_512, %add3A_513 : i32
        %get3A_515 = arith.index_cast %add3A_514 : i32 to index
        %get3A_516 = arith.constant 32 : index
        %get3A_517 = tpu.vector_load %arg6[%get3A_515, %get3A_516] {strides = array<i32>} : memref<128x128xf32, #tpu.memory_space<vmem>>, vector<1x16xf32>,
        %get3A_518 = vector.shape_cast %get3A_517 : vector<1x16xf32> to vector<16xf32>
        %max3A_519 = arith.maximumf %max3A_510, %get3A_518 : vector<16xf32>
        %mul3A_520 = arith.constant 16 : i32
        %mul3A_521 = arith.muli %scan3A_106, %mul3A_520 : i32
        %add3A_522 = arith.constant 14 : i32
        %add3A_523 = arith.addi %mul3A_521, %add3A_522 : i32
        %get3A_524 = arith.index_cast %add3A_523 : i32 to index
        %get3A_525 = arith.constant 32 : index
        %get3A_526 = tpu.vector_load %arg6[%get3A_524, %get3A_525] {strides = array<i32>} : memref<128x128xf32, #tpu.memory_space<vmem>>, vector<1x16xf32>,
        %get3A_527 = vector.shape_cast %get3A_526 : vector<1x16xf32> to vector<16xf32>
        %max3A_528 = arith.maximumf %max3A_519, %get3A_527 : vector<16xf32>
        %mul3A_529 = arith.constant 16 : i32
        %mul3A_530 = arith.muli %scan3A_106, %mul3A_529 : i32
        %add3A_531 = arith.constant 15 : i32
        %add3A_532 = arith.addi %mul3A_530, %add3A_531 : i32
        %get3A_533 = arith.index_cast %add3A_532 : i32 to index
        %get3A_534 = arith.constant 32 : index
        %get3A_535 = tpu.vector_load %arg6[%get3A_533, %get3A_534] {strides = array<i32>} : memref<128x128xf32, #tpu.memory_space<vmem>>, vector<1x16xf32>,
        %get3A_536 = vector.shape_cast %get3A_535 : vector<1x16xf32> to vector<16xf32>
        %max3A_537 = arith.maximumf %max3A_528, %get3A_536 : vector<16xf32>
        %swap3A_538 = arith.index_cast %scan3A_106 : i32 to index
        %swap3A_539 = arith.constant 32 : index
        %swap3A_540 = tpu.vector_load %arg9[%swap3A_538, %swap3A_539] {strides = array<i32>} : memref<8x128xf32, #tpu.memory_space<vmem>>, vector<1x16xf32>,
        %swap3A_541 = vector.shape_cast %swap3A_540 : vector<1x16xf32> to vector<16xf32>
        %swap3A_542 = vector.shape_cast %max3A_537 : vector<16xf32> to vector<1x16xf32>
        tpu.vector_store %arg9[%swap3A_538, %swap3A_539], %swap3A_542 {strides = array<i32>} : memref<8x128xf32, #tpu.memory_space<vmem>>, vector<1x16xf32>,
        %mul3A_543 = arith.constant 16 : i32
        %mul3A_544 = arith.muli %scan3A_106, %mul3A_543 : i32
        %get3A_545 = arith.index_cast %mul3A_544 : i32 to index
        %get3A_546 = arith.constant 48 : index
        %get3A_547 = tpu.vector_load %arg6[%get3A_545, %get3A_546] {strides = array<i32>} : memref<128x128xf32, #tpu.memory_space<vmem>>, vector<1x16xf32>,
        %get3A_548 = vector.shape_cast %get3A_547 : vector<1x16xf32> to vector<16xf32>
        %mul3A_549 = arith.constant 16 : i32
        %mul3A_550 = arith.muli %scan3A_106, %mul3A_549 : i32
        %add3A_551 = arith.constant 1 : i32
        %add3A_552 = arith.addi %mul3A_550, %add3A_551 : i32
        %get3A_553 = arith.index_cast %add3A_552 : i32 to index
        %get3A_554 = arith.constant 48 : index
        %get3A_555 = tpu.vector_load %arg6[%get3A_553, %get3A_554] {strides = array<i32>} : memref<128x128xf32, #tpu.memory_space<vmem>>, vector<1x16xf32>,
        %get3A_556 = vector.shape_cast %get3A_555 : vector<1x16xf32> to vector<16xf32>
        %max3A_557 = arith.maximumf %get3A_548, %get3A_556 : vector<16xf32>
        %mul3A_558 = arith.constant 16 : i32
        %mul3A_559 = arith.muli %scan3A_106, %mul3A_558 : i32
        %add3A_560 = arith.constant 2 : i32
        %add3A_561 = arith.addi %mul3A_559, %add3A_560 : i32
        %get3A_562 = arith.index_cast %add3A_561 : i32 to index
        %get3A_563 = arith.constant 48 : index
        %get3A_564 = tpu.vector_load %arg6[%get3A_562, %get3A_563] {strides = array<i32>} : memref<128x128xf32, #tpu.memory_space<vmem>>, vector<1x16xf32>,
        %get3A_565 = vector.shape_cast %get3A_564 : vector<1x16xf32> to vector<16xf32>
        %max3A_566 = arith.maximumf %max3A_557, %get3A_565 : vector<16xf32>
        %mul3A_567 = arith.constant 16 : i32
        %mul3A_568 = arith.muli %scan3A_106, %mul3A_567 : i32
        %add3A_569 = arith.constant 3 : i32
        %add3A_570 = arith.addi %mul3A_568, %add3A_569 : i32
        %get3A_571 = arith.index_cast %add3A_570 : i32 to index
        %get3A_572 = arith.constant 48 : index
        %get3A_573 = tpu.vector_load %arg6[%get3A_571, %get3A_572] {strides = array<i32>} : memref<128x128xf32, #tpu.memory_space<vmem>>, vector<1x16xf32>,
        %get3A_574 = vector.shape_cast %get3A_573 : vector<1x16xf32> to vector<16xf32>
        %max3A_575 = arith.maximumf %max3A_566, %get3A_574 : vector<16xf32>
        %mul3A_576 = arith.constant 16 : i32
        %mul3A_577 = arith.muli %scan3A_106, %mul3A_576 : i32
        %add3A_578 = arith.constant 4 : i32
        %add3A_579 = arith.addi %mul3A_577, %add3A_578 : i32
        %get3A_580 = arith.index_cast %add3A_579 : i32 to index
        %get3A_581 = arith.constant 48 : index
        %get3A_582 = tpu.vector_load %arg6[%get3A_580, %get3A_581] {strides = array<i32>} : memref<128x128xf32, #tpu.memory_space<vmem>>, vector<1x16xf32>,
        %get3A_583 = vector.shape_cast %get3A_582 : vector<1x16xf32> to vector<16xf32>
        %max3A_584 = arith.maximumf %max3A_575, %get3A_583 : vector<16xf32>
        %mul3A_585 = arith.constant 16 : i32
        %mul3A_586 = arith.muli %scan3A_106, %mul3A_585 : i32
        %add3A_587 = arith.constant 5 : i32
        %add3A_588 = arith.addi %mul3A_586, %add3A_587 : i32
        %get3A_589 = arith.index_cast %add3A_588 : i32 to index
        %get3A_590 = arith.constant 48 : index
        %get3A_591 = tpu.vector_load %arg6[%get3A_589, %get3A_590] {strides = array<i32>} : memref<128x128xf32, #tpu.memory_space<vmem>>, vector<1x16xf32>,
        %get3A_592 = vector.shape_cast %get3A_591 : vector<1x16xf32> to vector<16xf32>
        %max3A_593 = arith.maximumf %max3A_584, %get3A_592 : vector<16xf32>
        %mul3A_594 = arith.constant 16 : i32
        %mul3A_595 = arith.muli %scan3A_106, %mul3A_594 : i32
        %add3A_596 = arith.constant 6 : i32
        %add3A_597 = arith.addi %mul3A_595, %add3A_596 : i32
        %get3A_598 = arith.index_cast %add3A_597 : i32 to index
        %get3A_599 = arith.constant 48 : index
        %get3A_600 = tpu.vector_load %arg6[%get3A_598, %get3A_599] {strides = array<i32>} : memref<128x128xf32, #tpu.memory_space<vmem>>, vector<1x16xf32>,
        %get3A_601 = vector.shape_cast %get3A_600 : vector<1x16xf32> to vector<16xf32>
        %max3A_602 = arith.maximumf %max3A_593, %get3A_601 : vector<16xf32>
        %mul3A_603 = arith.constant 16 : i32
        %mul3A_604 = arith.muli %scan3A_106, %mul3A_603 : i32
        %add3A_605 = arith.constant 7 : i32
        %add3A_606 = arith.addi %mul3A_604, %add3A_605 : i32
        %get3A_607 = arith.index_cast %add3A_606 : i32 to index
        %get3A_608 = arith.constant 48 : index
        %get3A_609 = tpu.vector_load %arg6[%get3A_607, %get3A_608] {strides = array<i32>} : memref<128x128xf32, #tpu.memory_space<vmem>>, vector<1x16xf32>,
        %get3A_610 = vector.shape_cast %get3A_609 : vector<1x16xf32> to vector<16xf32>
        %max3A_611 = arith.maximumf %max3A_602, %get3A_610 : vector<16xf32>
        %mul3A_612 = arith.constant 16 : i32
        %mul3A_613 = arith.muli %scan3A_106, %mul3A_612 : i32
        %add3A_614 = arith.constant 8 : i32
        %add3A_615 = arith.addi %mul3A_613, %add3A_614 : i32
        %get3A_616 = arith.index_cast %add3A_615 : i32 to index
        %get3A_617 = arith.constant 48 : index
        %get3A_618 = tpu.vector_load %arg6[%get3A_616, %get3A_617] {strides = array<i32>} : memref<128x128xf32, #tpu.memory_space<vmem>>, vector<1x16xf32>,
        %get3A_619 = vector.shape_cast %get3A_618 : vector<1x16xf32> to vector<16xf32>
        %max3A_620 = arith.maximumf %max3A_611, %get3A_619 : vector<16xf32>
        %mul3A_621 = arith.constant 16 : i32
        %mul3A_622 = arith.muli %scan3A_106, %mul3A_621 : i32
        %add3A_623 = arith.constant 9 : i32
        %add3A_624 = arith.addi %mul3A_622, %add3A_623 : i32
        %get3A_625 = arith.index_cast %add3A_624 : i32 to index
        %get3A_626 = arith.constant 48 : index
        %get3A_627 = tpu.vector_load %arg6[%get3A_625, %get3A_626] {strides = array<i32>} : memref<128x128xf32, #tpu.memory_space<vmem>>, vector<1x16xf32>,
        %get3A_628 = vector.shape_cast %get3A_627 : vector<1x16xf32> to vector<16xf32>
        %max3A_629 = arith.maximumf %max3A_620, %get3A_628 : vector<16xf32>
        %mul3A_630 = arith.constant 16 : i32
        %mul3A_631 = arith.muli %scan3A_106, %mul3A_630 : i32
        %add3A_632 = arith.constant 10 : i32
        %add3A_633 = arith.addi %mul3A_631, %add3A_632 : i32
        %get3A_634 = arith.index_cast %add3A_633 : i32 to index
        %get3A_635 = arith.constant 48 : index
        %get3A_636 = tpu.vector_load %arg6[%get3A_634, %get3A_635] {strides = array<i32>} : memref<128x128xf32, #tpu.memory_space<vmem>>, vector<1x16xf32>,
        %get3A_637 = vector.shape_cast %get3A_636 : vector<1x16xf32> to vector<16xf32>
        %max3A_638 = arith.maximumf %max3A_629, %get3A_637 : vector<16xf32>
        %mul3A_639 = arith.constant 16 : i32
        %mul3A_640 = arith.muli %scan3A_106, %mul3A_639 : i32
        %add3A_641 = arith.constant 11 : i32
        %add3A_642 = arith.addi %mul3A_640, %add3A_641 : i32
        %get3A_643 = arith.index_cast %add3A_642 : i32 to index
        %get3A_644 = arith.constant 48 : index
        %get3A_645 = tpu.vector_load %arg6[%get3A_643, %get3A_644] {strides = array<i32>} : memref<128x128xf32, #tpu.memory_space<vmem>>, vector<1x16xf32>,
        %get3A_646 = vector.shape_cast %get3A_645 : vector<1x16xf32> to vector<16xf32>
        %max3A_647 = arith.maximumf %max3A_638, %get3A_646 : vector<16xf32>
        %mul3A_648 = arith.constant 16 : i32
        %mul3A_649 = arith.muli %scan3A_106, %mul3A_648 : i32
        %add3A_650 = arith.constant 12 : i32
        %add3A_651 = arith.addi %mul3A_649, %add3A_650 : i32
        %get3A_652 = arith.index_cast %add3A_651 : i32 to index
        %get3A_653 = arith.constant 48 : index
        %get3A_654 = tpu.vector_load %arg6[%get3A_652, %get3A_653] {strides = array<i32>} : memref<128x128xf32, #tpu.memory_space<vmem>>, vector<1x16xf32>,
        %get3A_655 = vector.shape_cast %get3A_654 : vector<1x16xf32> to vector<16xf32>
        %max3A_656 = arith.maximumf %max3A_647, %get3A_655 : vector<16xf32>
        %mul3A_657 = arith.constant 16 : i32
        %mul3A_658 = arith.muli %scan3A_106, %mul3A_657 : i32
        %add3A_659 = arith.constant 13 : i32
        %add3A_660 = arith.addi %mul3A_658, %add3A_659 : i32
        %get3A_661 = arith.index_cast %add3A_660 : i32 to index
        %get3A_662 = arith.constant 48 : index
        %get3A_663 = tpu.vector_load %arg6[%get3A_661, %get3A_662] {strides = array<i32>} : memref<128x128xf32, #tpu.memory_space<vmem>>, vector<1x16xf32>,
        %get3A_664 = vector.shape_cast %get3A_663 : vector<1x16xf32> to vector<16xf32>
        %max3A_665 = arith.maximumf %max3A_656, %get3A_664 : vector<16xf32>
        %mul3A_666 = arith.constant 16 : i32
        %mul3A_667 = arith.muli %scan3A_106, %mul3A_666 : i32
        %add3A_668 = arith.constant 14 : i32
        %add3A_669 = arith.addi %mul3A_667, %add3A_668 : i32
        %get3A_670 = arith.index_cast %add3A_669 : i32 to index
        %get3A_671 = arith.constant 48 : index
        %get3A_672 = tpu.vector_load %arg6[%get3A_670, %get3A_671] {strides = array<i32>} : memref<128x128xf32, #tpu.memory_space<vmem>>, vector<1x16xf32>,
        %get3A_673 = vector.shape_cast %get3A_672 : vector<1x16xf32> to vector<16xf32>
        %max3A_674 = arith.maximumf %max3A_665, %get3A_673 : vector<16xf32>
        %mul3A_675 = arith.constant 16 : i32
        %mul3A_676 = arith.muli %scan3A_106, %mul3A_675 : i32
        %add3A_677 = arith.constant 15 : i32
        %add3A_678 = arith.addi %mul3A_676, %add3A_677 : i32
        %get3A_679 = arith.index_cast %add3A_678 : i32 to index
        %get3A_680 = arith.constant 48 : index
        %get3A_681 = tpu.vector_load %arg6[%get3A_679, %get3A_680] {strides = array<i32>} : memref<128x128xf32, #tpu.memory_space<vmem>>, vector<1x16xf32>,
        %get3A_682 = vector.shape_cast %get3A_681 : vector<1x16xf32> to vector<16xf32>
        %max3A_683 = arith.maximumf %max3A_674, %get3A_682 : vector<16xf32>
        %swap3A_684 = arith.index_cast %scan3A_106 : i32 to index
        %swap3A_685 = arith.constant 48 : index
        %swap3A_686 = tpu.vector_load %arg9[%swap3A_684, %swap3A_685] {strides = array<i32>} : memref<8x128xf32, #tpu.memory_space<vmem>>, vector<1x16xf32>,
        %swap3A_687 = vector.shape_cast %swap3A_686 : vector<1x16xf32> to vector<16xf32>
        %swap3A_688 = vector.shape_cast %max3A_683 : vector<16xf32> to vector<1x16xf32>
        tpu.vector_store %arg9[%swap3A_684, %swap3A_685], %swap3A_688 {strides = array<i32>} : memref<8x128xf32, #tpu.memory_space<vmem>>, vector<1x16xf32>,
        %mul3A_689 = arith.constant 16 : i32
        %mul3A_690 = arith.muli %scan3A_106, %mul3A_689 : i32
        %get3A_691 = arith.index_cast %mul3A_690 : i32 to index
        %get3A_692 = arith.constant 64 : index
        %get3A_693 = tpu.vector_load %arg6[%get3A_691, %get3A_692] {strides = array<i32>} : memref<128x128xf32, #tpu.memory_space<vmem>>, vector<1x16xf32>,
        %get3A_694 = vector.shape_cast %get3A_693 : vector<1x16xf32> to vector<16xf32>
        %mul3A_695 = arith.constant 16 : i32
        %mul3A_696 = arith.muli %scan3A_106, %mul3A_695 : i32
        %add3A_697 = arith.constant 1 : i32
        %add3A_698 = arith.addi %mul3A_696, %add3A_697 : i32
        %get3A_699 = arith.index_cast %add3A_698 : i32 to index
        %get3A_700 = arith.constant 64 : index
        %get3A_701 = tpu.vector_load %arg6[%get3A_699, %get3A_700] {strides = array<i32>} : memref<128x128xf32, #tpu.memory_space<vmem>>, vector<1x16xf32>,
        %get3A_702 = vector.shape_cast %get3A_701 : vector<1x16xf32> to vector<16xf32>
        %max3A_703 = arith.maximumf %get3A_694, %get3A_702 : vector<16xf32>
        %mul3A_704 = arith.constant 16 : i32
        %mul3A_705 = arith.muli %scan3A_106, %mul3A_704 : i32
        %add3A_706 = arith.constant 2 : i32
        %add3A_707 = arith.addi %mul3A_705, %add3A_706 : i32
        %get3A_708 = arith.index_cast %add3A_707 : i32 to index
        %get3A_709 = arith.constant 64 : index
        %get3A_710 = tpu.vector_load %arg6[%get3A_708, %get3A_709] {strides = array<i32>} : memref<128x128xf32, #tpu.memory_space<vmem>>, vector<1x16xf32>,
        %get3A_711 = vector.shape_cast %get3A_710 : vector<1x16xf32> to vector<16xf32>
        %max3A_712 = arith.maximumf %max3A_703, %get3A_711 : vector<16xf32>
        %mul3A_713 = arith.constant 16 : i32
        %mul3A_714 = arith.muli %scan3A_106, %mul3A_713 : i32
        %add3A_715 = arith.constant 3 : i32
        %add3A_716 = arith.addi %mul3A_714, %add3A_715 : i32
        %get3A_717 = arith.index_cast %add3A_716 : i32 to index
        %get3A_718 = arith.constant 64 : index
        %get3A_719 = tpu.vector_load %arg6[%get3A_717, %get3A_718] {strides = array<i32>} : memref<128x128xf32, #tpu.memory_space<vmem>>, vector<1x16xf32>,
        %get3A_720 = vector.shape_cast %get3A_719 : vector<1x16xf32> to vector<16xf32>
        %max3A_721 = arith.maximumf %max3A_712, %get3A_720 : vector<16xf32>
        %mul3A_722 = arith.constant 16 : i32
        %mul3A_723 = arith.muli %scan3A_106, %mul3A_722 : i32
        %add3A_724 = arith.constant 4 : i32
        %add3A_725 = arith.addi %mul3A_723, %add3A_724 : i32
        %get3A_726 = arith.index_cast %add3A_725 : i32 to index
        %get3A_727 = arith.constant 64 : index
        %get3A_728 = tpu.vector_load %arg6[%get3A_726, %get3A_727] {strides = array<i32>} : memref<128x128xf32, #tpu.memory_space<vmem>>, vector<1x16xf32>,
        %get3A_729 = vector.shape_cast %get3A_728 : vector<1x16xf32> to vector<16xf32>
        %max3A_730 = arith.maximumf %max3A_721, %get3A_729 : vector<16xf32>
        %mul3A_731 = arith.constant 16 : i32
        %mul3A_732 = arith.muli %scan3A_106, %mul3A_731 : i32
        %add3A_733 = arith.constant 5 : i32
        %add3A_734 = arith.addi %mul3A_732, %add3A_733 : i32
        %get3A_735 = arith.index_cast %add3A_734 : i32 to index
        %get3A_736 = arith.constant 64 : index
        %get3A_737 = tpu.vector_load %arg6[%get3A_735, %get3A_736] {strides = array<i32>} : memref<128x128xf32, #tpu.memory_space<vmem>>, vector<1x16xf32>,
        %get3A_738 = vector.shape_cast %get3A_737 : vector<1x16xf32> to vector<16xf32>
        %max3A_739 = arith.maximumf %max3A_730, %get3A_738 : vector<16xf32>
        %mul3A_740 = arith.constant 16 : i32
        %mul3A_741 = arith.muli %scan3A_106, %mul3A_740 : i32
        %add3A_742 = arith.constant 6 : i32
        %add3A_743 = arith.addi %mul3A_741, %add3A_742 : i32
        %get3A_744 = arith.index_cast %add3A_743 : i32 to index
        %get3A_745 = arith.constant 64 : index
        %get3A_746 = tpu.vector_load %arg6[%get3A_744, %get3A_745] {strides = array<i32>} : memref<128x128xf32, #tpu.memory_space<vmem>>, vector<1x16xf32>,
        %get3A_747 = vector.shape_cast %get3A_746 : vector<1x16xf32> to vector<16xf32>
        %max3A_748 = arith.maximumf %max3A_739, %get3A_747 : vector<16xf32>
        %mul3A_749 = arith.constant 16 : i32
        %mul3A_750 = arith.muli %scan3A_106, %mul3A_749 : i32
        %add3A_751 = arith.constant 7 : i32
        %add3A_752 = arith.addi %mul3A_750, %add3A_751 : i32
        %get3A_753 = arith.index_cast %add3A_752 : i32 to index
        %get3A_754 = arith.constant 64 : index
        %get3A_755 = tpu.vector_load %arg6[%get3A_753, %get3A_754] {strides = array<i32>} : memref<128x128xf32, #tpu.memory_space<vmem>>, vector<1x16xf32>,
        %get3A_756 = vector.shape_cast %get3A_755 : vector<1x16xf32> to vector<16xf32>
        %max3A_757 = arith.maximumf %max3A_748, %get3A_756 : vector<16xf32>
        %mul3A_758 = arith.constant 16 : i32
        %mul3A_759 = arith.muli %scan3A_106, %mul3A_758 : i32
        %add3A_760 = arith.constant 8 : i32
        %add3A_761 = arith.addi %mul3A_759, %add3A_760 : i32
        %get3A_762 = arith.index_cast %add3A_761 : i32 to index
        %get3A_763 = arith.constant 64 : index
        %get3A_764 = tpu.vector_load %arg6[%get3A_762, %get3A_763] {strides = array<i32>} : memref<128x128xf32, #tpu.memory_space<vmem>>, vector<1x16xf32>,
        %get3A_765 = vector.shape_cast %get3A_764 : vector<1x16xf32> to vector<16xf32>
        %max3A_766 = arith.maximumf %max3A_757, %get3A_765 : vector<16xf32>
        %mul3A_767 = arith.constant 16 : i32
        %mul3A_768 = arith.muli %scan3A_106, %mul3A_767 : i32
        %add3A_769 = arith.constant 9 : i32
        %add3A_770 = arith.addi %mul3A_768, %add3A_769 : i32
        %get3A_771 = arith.index_cast %add3A_770 : i32 to index
        %get3A_772 = arith.constant 64 : index
        %get3A_773 = tpu.vector_load %arg6[%get3A_771, %get3A_772] {strides = array<i32>} : memref<128x128xf32, #tpu.memory_space<vmem>>, vector<1x16xf32>,
        %get3A_774 = vector.shape_cast %get3A_773 : vector<1x16xf32> to vector<16xf32>
        %max3A_775 = arith.maximumf %max3A_766, %get3A_774 : vector<16xf32>
        %mul3A_776 = arith.constant 16 : i32
        %mul3A_777 = arith.muli %scan3A_106, %mul3A_776 : i32
        %add3A_778 = arith.constant 10 : i32
        %add3A_779 = arith.addi %mul3A_777, %add3A_778 : i32
        %get3A_780 = arith.index_cast %add3A_779 : i32 to index
        %get3A_781 = arith.constant 64 : index
        %get3A_782 = tpu.vector_load %arg6[%get3A_780, %get3A_781] {strides = array<i32>} : memref<128x128xf32, #tpu.memory_space<vmem>>, vector<1x16xf32>,
        %get3A_783 = vector.shape_cast %get3A_782 : vector<1x16xf32> to vector<16xf32>
        %max3A_784 = arith.maximumf %max3A_775, %get3A_783 : vector<16xf32>
        %mul3A_785 = arith.constant 16 : i32
        %mul3A_786 = arith.muli %scan3A_106, %mul3A_785 : i32
        %add3A_787 = arith.constant 11 : i32
        %add3A_788 = arith.addi %mul3A_786, %add3A_787 : i32
        %get3A_789 = arith.index_cast %add3A_788 : i32 to index
        %get3A_790 = arith.constant 64 : index
        %get3A_791 = tpu.vector_load %arg6[%get3A_789, %get3A_790] {strides = array<i32>} : memref<128x128xf32, #tpu.memory_space<vmem>>, vector<1x16xf32>,
        %get3A_792 = vector.shape_cast %get3A_791 : vector<1x16xf32> to vector<16xf32>
        %max3A_793 = arith.maximumf %max3A_784, %get3A_792 : vector<16xf32>
        %mul3A_794 = arith.constant 16 : i32
        %mul3A_795 = arith.muli %scan3A_106, %mul3A_794 : i32
        %add3A_796 = arith.constant 12 : i32
        %add3A_797 = arith.addi %mul3A_795, %add3A_796 : i32
        %get3A_798 = arith.index_cast %add3A_797 : i32 to index
        %get3A_799 = arith.constant 64 : index
        %get3A_800 = tpu.vector_load %arg6[%get3A_798, %get3A_799] {strides = array<i32>} : memref<128x128xf32, #tpu.memory_space<vmem>>, vector<1x16xf32>,
        %get3A_801 = vector.shape_cast %get3A_800 : vector<1x16xf32> to vector<16xf32>
        %max3A_802 = arith.maximumf %max3A_793, %get3A_801 : vector<16xf32>
        %mul3A_803 = arith.constant 16 : i32
        %mul3A_804 = arith.muli %scan3A_106, %mul3A_803 : i32
        %add3A_805 = arith.constant 13 : i32
        %add3A_806 = arith.addi %mul3A_804, %add3A_805 : i32
        %get3A_807 = arith.index_cast %add3A_806 : i32 to index
        %get3A_808 = arith.constant 64 : index
        %get3A_809 = tpu.vector_load %arg6[%get3A_807, %get3A_808] {strides = array<i32>} : memref<128x128xf32, #tpu.memory_space<vmem>>, vector<1x16xf32>,
        %get3A_810 = vector.shape_cast %get3A_809 : vector<1x16xf32> to vector<16xf32>
        %max3A_811 = arith.maximumf %max3A_802, %get3A_810 : vector<16xf32>
        %mul3A_812 = arith.constant 16 : i32
        %mul3A_813 = arith.muli %scan3A_106, %mul3A_812 : i32
        %add3A_814 = arith.constant 14 : i32
        %add3A_815 = arith.addi %mul3A_813, %add3A_814 : i32
        %get3A_816 = arith.index_cast %add3A_815 : i32 to index
        %get3A_817 = arith.constant 64 : index
        %get3A_818 = tpu.vector_load %arg6[%get3A_816, %get3A_817] {strides = array<i32>} : memref<128x128xf32, #tpu.memory_space<vmem>>, vector<1x16xf32>,
        %get3A_819 = vector.shape_cast %get3A_818 : vector<1x16xf32> to vector<16xf32>
        %max3A_820 = arith.maximumf %max3A_811, %get3A_819 : vector<16xf32>
        %mul3A_821 = arith.constant 16 : i32
        %mul3A_822 = arith.muli %scan3A_106, %mul3A_821 : i32
        %add3A_823 = arith.constant 15 : i32
        %add3A_824 = arith.addi %mul3A_822, %add3A_823 : i32
        %get3A_825 = arith.index_cast %add3A_824 : i32 to index
        %get3A_826 = arith.constant 64 : index
        %get3A_827 = tpu.vector_load %arg6[%get3A_825, %get3A_826] {strides = array<i32>} : memref<128x128xf32, #tpu.memory_space<vmem>>, vector<1x16xf32>,
        %get3A_828 = vector.shape_cast %get3A_827 : vector<1x16xf32> to vector<16xf32>
        %max3A_829 = arith.maximumf %max3A_820, %get3A_828 : vector<16xf32>
        %swap3A_830 = arith.index_cast %scan3A_106 : i32 to index
        %swap3A_831 = arith.constant 64 : index
        %swap3A_832 = tpu.vector_load %arg9[%swap3A_830, %swap3A_831] {strides = array<i32>} : memref<8x128xf32, #tpu.memory_space<vmem>>, vector<1x16xf32>,
        %swap3A_833 = vector.shape_cast %swap3A_832 : vector<1x16xf32> to vector<16xf32>
        %swap3A_834 = vector.shape_cast %max3A_829 : vector<16xf32> to vector<1x16xf32>
        tpu.vector_store %arg9[%swap3A_830, %swap3A_831], %swap3A_834 {strides = array<i32>} : memref<8x128xf32, #tpu.memory_space<vmem>>, vector<1x16xf32>,
        %mul3A_835 = arith.constant 16 : i32
        %mul3A_836 = arith.muli %scan3A_106, %mul3A_835 : i32
        %get3A_837 = arith.index_cast %mul3A_836 : i32 to index
        %get3A_838 = arith.constant 80 : index
        %get3A_839 = tpu.vector_load %arg6[%get3A_837, %get3A_838] {strides = array<i32>} : memref<128x128xf32, #tpu.memory_space<vmem>>, vector<1x16xf32>,
        %get3A_840 = vector.shape_cast %get3A_839 : vector<1x16xf32> to vector<16xf32>
        %mul3A_841 = arith.constant 16 : i32
        %mul3A_842 = arith.muli %scan3A_106, %mul3A_841 : i32
        %add3A_843 = arith.constant 1 : i32
        %add3A_844 = arith.addi %mul3A_842, %add3A_843 : i32
        %get3A_845 = arith.index_cast %add3A_844 : i32 to index
        %get3A_846 = arith.constant 80 : index
        %get3A_847 = tpu.vector_load %arg6[%get3A_845, %get3A_846] {strides = array<i32>} : memref<128x128xf32, #tpu.memory_space<vmem>>, vector<1x16xf32>,
        %get3A_848 = vector.shape_cast %get3A_847 : vector<1x16xf32> to vector<16xf32>
        %max3A_849 = arith.maximumf %get3A_840, %get3A_848 : vector<16xf32>
        %mul3A_850 = arith.constant 16 : i32
        %mul3A_851 = arith.muli %scan3A_106, %mul3A_850 : i32
        %add3A_852 = arith.constant 2 : i32
        %add3A_853 = arith.addi %mul3A_851, %add3A_852 : i32
        %get3A_854 = arith.index_cast %add3A_853 : i32 to index
        %get3A_855 = arith.constant 80 : index
        %get3A_856 = tpu.vector_load %arg6[%get3A_854, %get3A_855] {strides = array<i32>} : memref<128x128xf32, #tpu.memory_space<vmem>>, vector<1x16xf32>,
        %get3A_857 = vector.shape_cast %get3A_856 : vector<1x16xf32> to vector<16xf32>
        %max3A_858 = arith.maximumf %max3A_849, %get3A_857 : vector<16xf32>
        %mul3A_859 = arith.constant 16 : i32
        %mul3A_860 = arith.muli %scan3A_106, %mul3A_859 : i32
        %add3A_861 = arith.constant 3 : i32
        %add3A_862 = arith.addi %mul3A_860, %add3A_861 : i32
        %get3A_863 = arith.index_cast %add3A_862 : i32 to index
        %get3A_864 = arith.constant 80 : index
        %get3A_865 = tpu.vector_load %arg6[%get3A_863, %get3A_864] {strides = array<i32>} : memref<128x128xf32, #tpu.memory_space<vmem>>, vector<1x16xf32>,
        %get3A_866 = vector.shape_cast %get3A_865 : vector<1x16xf32> to vector<16xf32>
        %max3A_867 = arith.maximumf %max3A_858, %get3A_866 : vector<16xf32>
        %mul3A_868 = arith.constant 16 : i32
        %mul3A_869 = arith.muli %scan3A_106, %mul3A_868 : i32
        %add3A_870 = arith.constant 4 : i32
        %add3A_871 = arith.addi %mul3A_869, %add3A_870 : i32
        %get3A_872 = arith.index_cast %add3A_871 : i32 to index
        %get3A_873 = arith.constant 80 : index
        %get3A_874 = tpu.vector_load %arg6[%get3A_872, %get3A_873] {strides = array<i32>} : memref<128x128xf32, #tpu.memory_space<vmem>>, vector<1x16xf32>,
        %get3A_875 = vector.shape_cast %get3A_874 : vector<1x16xf32> to vector<16xf32>
        %max3A_876 = arith.maximumf %max3A_867, %get3A_875 : vector<16xf32>
        %mul3A_877 = arith.constant 16 : i32
        %mul3A_878 = arith.muli %scan3A_106, %mul3A_877 : i32
        %add3A_879 = arith.constant 5 : i32
        %add3A_880 = arith.addi %mul3A_878, %add3A_879 : i32
        %get3A_881 = arith.index_cast %add3A_880 : i32 to index
        %get3A_882 = arith.constant 80 : index
        %get3A_883 = tpu.vector_load %arg6[%get3A_881, %get3A_882] {strides = array<i32>} : memref<128x128xf32, #tpu.memory_space<vmem>>, vector<1x16xf32>,
        %get3A_884 = vector.shape_cast %get3A_883 : vector<1x16xf32> to vector<16xf32>
        %max3A_885 = arith.maximumf %max3A_876, %get3A_884 : vector<16xf32>
        %mul3A_886 = arith.constant 16 : i32
        %mul3A_887 = arith.muli %scan3A_106, %mul3A_886 : i32
        %add3A_888 = arith.constant 6 : i32
        %add3A_889 = arith.addi %mul3A_887, %add3A_888 : i32
        %get3A_890 = arith.index_cast %add3A_889 : i32 to index
        %get3A_891 = arith.constant 80 : index
        %get3A_892 = tpu.vector_load %arg6[%get3A_890, %get3A_891] {strides = array<i32>} : memref<128x128xf32, #tpu.memory_space<vmem>>, vector<1x16xf32>,
        %get3A_893 = vector.shape_cast %get3A_892 : vector<1x16xf32> to vector<16xf32>
        %max3A_894 = arith.maximumf %max3A_885, %get3A_893 : vector<16xf32>
        %mul3A_895 = arith.constant 16 : i32
        %mul3A_896 = arith.muli %scan3A_106, %mul3A_895 : i32
        %add3A_897 = arith.constant 7 : i32
        %add3A_898 = arith.addi %mul3A_896, %add3A_897 : i32
        %get3A_899 = arith.index_cast %add3A_898 : i32 to index
        %get3A_900 = arith.constant 80 : index
        %get3A_901 = tpu.vector_load %arg6[%get3A_899, %get3A_900] {strides = array<i32>} : memref<128x128xf32, #tpu.memory_space<vmem>>, vector<1x16xf32>,
        %get3A_902 = vector.shape_cast %get3A_901 : vector<1x16xf32> to vector<16xf32>
        %max3A_903 = arith.maximumf %max3A_894, %get3A_902 : vector<16xf32>
        %mul3A_904 = arith.constant 16 : i32
        %mul3A_905 = arith.muli %scan3A_106, %mul3A_904 : i32
        %add3A_906 = arith.constant 8 : i32
        %add3A_907 = arith.addi %mul3A_905, %add3A_906 : i32
        %get3A_908 = arith.index_cast %add3A_907 : i32 to index
        %get3A_909 = arith.constant 80 : index
        %get3A_910 = tpu.vector_load %arg6[%get3A_908, %get3A_909] {strides = array<i32>} : memref<128x128xf32, #tpu.memory_space<vmem>>, vector<1x16xf32>,
        %get3A_911 = vector.shape_cast %get3A_910 : vector<1x16xf32> to vector<16xf32>
        %max3A_912 = arith.maximumf %max3A_903, %get3A_911 : vector<16xf32>
        %mul3A_913 = arith.constant 16 : i32
        %mul3A_914 = arith.muli %scan3A_106, %mul3A_913 : i32
        %add3A_915 = arith.constant 9 : i32
        %add3A_916 = arith.addi %mul3A_914, %add3A_915 : i32
        %get3A_917 = arith.index_cast %add3A_916 : i32 to index
        %get3A_918 = arith.constant 80 : index
        %get3A_919 = tpu.vector_load %arg6[%get3A_917, %get3A_918] {strides = array<i32>} : memref<128x128xf32, #tpu.memory_space<vmem>>, vector<1x16xf32>,
        %get3A_920 = vector.shape_cast %get3A_919 : vector<1x16xf32> to vector<16xf32>
        %max3A_921 = arith.maximumf %max3A_912, %get3A_920 : vector<16xf32>
        %mul3A_922 = arith.constant 16 : i32
        %mul3A_923 = arith.muli %scan3A_106, %mul3A_922 : i32
        %add3A_924 = arith.constant 10 : i32
        %add3A_925 = arith.addi %mul3A_923, %add3A_924 : i32
        %get3A_926 = arith.index_cast %add3A_925 : i32 to index
        %get3A_927 = arith.constant 80 : index
        %get3A_928 = tpu.vector_load %arg6[%get3A_926, %get3A_927] {strides = array<i32>} : memref<128x128xf32, #tpu.memory_space<vmem>>, vector<1x16xf32>,
        %get3A_929 = vector.shape_cast %get3A_928 : vector<1x16xf32> to vector<16xf32>
        %max3A_930 = arith.maximumf %max3A_921, %get3A_929 : vector<16xf32>
        %mul3A_931 = arith.constant 16 : i32
        %mul3A_932 = arith.muli %scan3A_106, %mul3A_931 : i32
        %add3A_933 = arith.constant 11 : i32
        %add3A_934 = arith.addi %mul3A_932, %add3A_933 : i32
        %get3A_935 = arith.index_cast %add3A_934 : i32 to index
        %get3A_936 = arith.constant 80 : index
        %get3A_937 = tpu.vector_load %arg6[%get3A_935, %get3A_936] {strides = array<i32>} : memref<128x128xf32, #tpu.memory_space<vmem>>, vector<1x16xf32>,
        %get3A_938 = vector.shape_cast %get3A_937 : vector<1x16xf32> to vector<16xf32>
        %max3A_939 = arith.maximumf %max3A_930, %get3A_938 : vector<16xf32>
        %mul3A_940 = arith.constant 16 : i32
        %mul3A_941 = arith.muli %scan3A_106, %mul3A_940 : i32
        %add3A_942 = arith.constant 12 : i32
        %add3A_943 = arith.addi %mul3A_941, %add3A_942 : i32
        %get3A_944 = arith.index_cast %add3A_943 : i32 to index
        %get3A_945 = arith.constant 80 : index
        %get3A_946 = tpu.vector_load %arg6[%get3A_944, %get3A_945] {strides = array<i32>} : memref<128x128xf32, #tpu.memory_space<vmem>>, vector<1x16xf32>,
        %get3A_947 = vector.shape_cast %get3A_946 : vector<1x16xf32> to vector<16xf32>
        %max3A_948 = arith.maximumf %max3A_939, %get3A_947 : vector<16xf32>
        %mul3A_949 = arith.constant 16 : i32
        %mul3A_950 = arith.muli %scan3A_106, %mul3A_949 : i32
        %add3A_951 = arith.constant 13 : i32
        %add3A_952 = arith.addi %mul3A_950, %add3A_951 : i32
        %get3A_953 = arith.index_cast %add3A_952 : i32 to index
        %get3A_954 = arith.constant 80 : index
        %get3A_955 = tpu.vector_load %arg6[%get3A_953, %get3A_954] {strides = array<i32>} : memref<128x128xf32, #tpu.memory_space<vmem>>, vector<1x16xf32>,
        %get3A_956 = vector.shape_cast %get3A_955 : vector<1x16xf32> to vector<16xf32>
        %max3A_957 = arith.maximumf %max3A_948, %get3A_956 : vector<16xf32>
        %mul3A_958 = arith.constant 16 : i32
        %mul3A_959 = arith.muli %scan3A_106, %mul3A_958 : i32
        %add3A_960 = arith.constant 14 : i32
        %add3A_961 = arith.addi %mul3A_959, %add3A_960 : i32
        %get3A_962 = arith.index_cast %add3A_961 : i32 to index
        %get3A_963 = arith.constant 80 : index
        %get3A_964 = tpu.vector_load %arg6[%get3A_962, %get3A_963] {strides = array<i32>} : memref<128x128xf32, #tpu.memory_space<vmem>>, vector<1x16xf32>,
        %get3A_965 = vector.shape_cast %get3A_964 : vector<1x16xf32> to vector<16xf32>
        %max3A_966 = arith.maximumf %max3A_957, %get3A_965 : vector<16xf32>
        %mul3A_967 = arith.constant 16 : i32
        %mul3A_968 = arith.muli %scan3A_106, %mul3A_967 : i32
        %add3A_969 = arith.constant 15 : i32
        %add3A_970 = arith.addi %mul3A_968, %add3A_969 : i32
        %get3A_971 = arith.index_cast %add3A_970 : i32 to index
        %get3A_972 = arith.constant 80 : index
        %get3A_973 = tpu.vector_load %arg6[%get3A_971, %get3A_972] {strides = array<i32>} : memref<128x128xf32, #tpu.memory_space<vmem>>, vector<1x16xf32>,
        %get3A_974 = vector.shape_cast %get3A_973 : vector<1x16xf32> to vector<16xf32>
        %max3A_975 = arith.maximumf %max3A_966, %get3A_974 : vector<16xf32>
        %swap3A_976 = arith.index_cast %scan3A_106 : i32 to index
        %swap3A_977 = arith.constant 80 : index
        %swap3A_978 = tpu.vector_load %arg9[%swap3A_976, %swap3A_977] {strides = array<i32>} : memref<8x128xf32, #tpu.memory_space<vmem>>, vector<1x16xf32>,
        %swap3A_979 = vector.shape_cast %swap3A_978 : vector<1x16xf32> to vector<16xf32>
        %swap3A_980 = vector.shape_cast %max3A_975 : vector<16xf32> to vector<1x16xf32>
        tpu.vector_store %arg9[%swap3A_976, %swap3A_977], %swap3A_980 {strides = array<i32>} : memref<8x128xf32, #tpu.memory_space<vmem>>, vector<1x16xf32>,
        %mul3A_981 = arith.constant 16 : i32
        %mul3A_982 = arith.muli %scan3A_106, %mul3A_981 : i32
        %get3A_983 = arith.index_cast %mul3A_982 : i32 to index
        %get3A_984 = arith.constant 96 : index
        %get3A_985 = tpu.vector_load %arg6[%get3A_983, %get3A_984] {strides = array<i32>} : memref<128x128xf32, #tpu.memory_space<vmem>>, vector<1x16xf32>,
        %get3A_986 = vector.shape_cast %get3A_985 : vector<1x16xf32> to vector<16xf32>
        %mul3A_987 = arith.constant 16 : i32
        %mul3A_988 = arith.muli %scan3A_106, %mul3A_987 : i32
        %add3A_989 = arith.constant 1 : i32
        %add3A_990 = arith.addi %mul3A_988, %add3A_989 : i32
        %get3A_991 = arith.index_cast %add3A_990 : i32 to index
        %get3A_992 = arith.constant 96 : index
        %get3A_993 = tpu.vector_load %arg6[%get3A_991, %get3A_992] {strides = array<i32>} : memref<128x128xf32, #tpu.memory_space<vmem>>, vector<1x16xf32>,
        %get3A_994 = vector.shape_cast %get3A_993 : vector<1x16xf32> to vector<16xf32>
        %max3A_995 = arith.maximumf %get3A_986, %get3A_994 : vector<16xf32>
        %mul3A_996 = arith.constant 16 : i32
        %mul3A_997 = arith.muli %scan3A_106, %mul3A_996 : i32
        %add3A_998 = arith.constant 2 : i32
        %add3A_999 = arith.addi %mul3A_997, %add3A_998 : i32
        %get3A_1000 = arith.index_cast %add3A_999 : i32 to index
        %get3A_1001 = arith.constant 96 : index
        %get3A_1002 = tpu.vector_load %arg6[%get3A_1000, %get3A_1001] {strides = array<i32>} : memref<128x128xf32, #tpu.memory_space<vmem>>, vector<1x16xf32>,
        %get3A_1003 = vector.shape_cast %get3A_1002 : vector<1x16xf32> to vector<16xf32>
        %max3A_1004 = arith.maximumf %max3A_995, %get3A_1003 : vector<16xf32>
        %mul3A_1005 = arith.constant 16 : i32
        %mul3A_1006 = arith.muli %scan3A_106, %mul3A_1005 : i32
        %add3A_1007 = arith.constant 3 : i32
        %add3A_1008 = arith.addi %mul3A_1006, %add3A_1007 : i32
        %get3A_1009 = arith.index_cast %add3A_1008 : i32 to index
        %get3A_1010 = arith.constant 96 : index
        %get3A_1011 = tpu.vector_load %arg6[%get3A_1009, %get3A_1010] {strides = array<i32>} : memref<128x128xf32, #tpu.memory_space<vmem>>, vector<1x16xf32>,
        %get3A_1012 = vector.shape_cast %get3A_1011 : vector<1x16xf32> to vector<16xf32>
        %max3A_1013 = arith.maximumf %max3A_1004, %get3A_1012 : vector<16xf32>
        %mul3A_1014 = arith.constant 16 : i32
        %mul3A_1015 = arith.muli %scan3A_106, %mul3A_1014 : i32
        %add3A_1016 = arith.constant 4 : i32
        %add3A_1017 = arith.addi %mul3A_1015, %add3A_1016 : i32
        %get3A_1018 = arith.index_cast %add3A_1017 : i32 to index
        %get3A_1019 = arith.constant 96 : index
        %get3A_1020 = tpu.vector_load %arg6[%get3A_1018, %get3A_1019] {strides = array<i32>} : memref<128x128xf32, #tpu.memory_space<vmem>>, vector<1x16xf32>,
        %get3A_1021 = vector.shape_cast %get3A_1020 : vector<1x16xf32> to vector<16xf32>
        %max3A_1022 = arith.maximumf %max3A_1013, %get3A_1021 : vector<16xf32>
        %mul3A_1023 = arith.constant 16 : i32
        %mul3A_1024 = arith.muli %scan3A_106, %mul3A_1023 : i32
        %add3A_1025 = arith.constant 5 : i32
        %add3A_1026 = arith.addi %mul3A_1024, %add3A_1025 : i32
        %get3A_1027 = arith.index_cast %add3A_1026 : i32 to index
        %get3A_1028 = arith.constant 96 : index
        %get3A_1029 = tpu.vector_load %arg6[%get3A_1027, %get3A_1028] {strides = array<i32>} : memref<128x128xf32, #tpu.memory_space<vmem>>, vector<1x16xf32>,
        %get3A_1030 = vector.shape_cast %get3A_1029 : vector<1x16xf32> to vector<16xf32>
        %max3A_1031 = arith.maximumf %max3A_1022, %get3A_1030 : vector<16xf32>
        %mul3A_1032 = arith.constant 16 : i32
        %mul3A_1033 = arith.muli %scan3A_106, %mul3A_1032 : i32
        %add3A_1034 = arith.constant 6 : i32
        %add3A_1035 = arith.addi %mul3A_1033, %add3A_1034 : i32
        %get3A_1036 = arith.index_cast %add3A_1035 : i32 to index
        %get3A_1037 = arith.constant 96 : index
        %get3A_1038 = tpu.vector_load %arg6[%get3A_1036, %get3A_1037] {strides = array<i32>} : memref<128x128xf32, #tpu.memory_space<vmem>>, vector<1x16xf32>,
        %get3A_1039 = vector.shape_cast %get3A_1038 : vector<1x16xf32> to vector<16xf32>
        %max3A_1040 = arith.maximumf %max3A_1031, %get3A_1039 : vector<16xf32>
        %mul3A_1041 = arith.constant 16 : i32
        %mul3A_1042 = arith.muli %scan3A_106, %mul3A_1041 : i32
        %add3A_1043 = arith.constant 7 : i32
        %add3A_1044 = arith.addi %mul3A_1042, %add3A_1043 : i32
        %get3A_1045 = arith.index_cast %add3A_1044 : i32 to index
        %get3A_1046 = arith.constant 96 : index
        %get3A_1047 = tpu.vector_load %arg6[%get3A_1045, %get3A_1046] {strides = array<i32>} : memref<128x128xf32, #tpu.memory_space<vmem>>, vector<1x16xf32>,
        %get3A_1048 = vector.shape_cast %get3A_1047 : vector<1x16xf32> to vector<16xf32>
        %max3A_1049 = arith.maximumf %max3A_1040, %get3A_1048 : vector<16xf32>
        %mul3A_1050 = arith.constant 16 : i32
        %mul3A_1051 = arith.muli %scan3A_106, %mul3A_1050 : i32
        %add3A_1052 = arith.constant 8 : i32
        %add3A_1053 = arith.addi %mul3A_1051, %add3A_1052 : i32
        %get3A_1054 = arith.index_cast %add3A_1053 : i32 to index
        %get3A_1055 = arith.constant 96 : index
        %get3A_1056 = tpu.vector_load %arg6[%get3A_1054, %get3A_1055] {strides = array<i32>} : memref<128x128xf32, #tpu.memory_space<vmem>>, vector<1x16xf32>,
        %get3A_1057 = vector.shape_cast %get3A_1056 : vector<1x16xf32> to vector<16xf32>
        %max3A_1058 = arith.maximumf %max3A_1049, %get3A_1057 : vector<16xf32>
        %mul3A_1059 = arith.constant 16 : i32
        %mul3A_1060 = arith.muli %scan3A_106, %mul3A_1059 : i32
        %add3A_1061 = arith.constant 9 : i32
        %add3A_1062 = arith.addi %mul3A_1060, %add3A_1061 : i32
        %get3A_1063 = arith.index_cast %add3A_1062 : i32 to index
        %get3A_1064 = arith.constant 96 : index
        %get3A_1065 = tpu.vector_load %arg6[%get3A_1063, %get3A_1064] {strides = array<i32>} : memref<128x128xf32, #tpu.memory_space<vmem>>, vector<1x16xf32>,
        %get3A_1066 = vector.shape_cast %get3A_1065 : vector<1x16xf32> to vector<16xf32>
        %max3A_1067 = arith.maximumf %max3A_1058, %get3A_1066 : vector<16xf32>
        %mul3A_1068 = arith.constant 16 : i32
        %mul3A_1069 = arith.muli %scan3A_106, %mul3A_1068 : i32
        %add3A_1070 = arith.constant 10 : i32
        %add3A_1071 = arith.addi %mul3A_1069, %add3A_1070 : i32
        %get3A_1072 = arith.index_cast %add3A_1071 : i32 to index
        %get3A_1073 = arith.constant 96 : index
        %get3A_1074 = tpu.vector_load %arg6[%get3A_1072, %get3A_1073] {strides = array<i32>} : memref<128x128xf32, #tpu.memory_space<vmem>>, vector<1x16xf32>,
        %get3A_1075 = vector.shape_cast %get3A_1074 : vector<1x16xf32> to vector<16xf32>
        %max3A_1076 = arith.maximumf %max3A_1067, %get3A_1075 : vector<16xf32>
        %mul3A_1077 = arith.constant 16 : i32
        %mul3A_1078 = arith.muli %scan3A_106, %mul3A_1077 : i32
        %add3A_1079 = arith.constant 11 : i32
        %add3A_1080 = arith.addi %mul3A_1078, %add3A_1079 : i32
        %get3A_1081 = arith.index_cast %add3A_1080 : i32 to index
        %get3A_1082 = arith.constant 96 : index
        %get3A_1083 = tpu.vector_load %arg6[%get3A_1081, %get3A_1082] {strides = array<i32>} : memref<128x128xf32, #tpu.memory_space<vmem>>, vector<1x16xf32>,
        %get3A_1084 = vector.shape_cast %get3A_1083 : vector<1x16xf32> to vector<16xf32>
        %max3A_1085 = arith.maximumf %max3A_1076, %get3A_1084 : vector<16xf32>
        %mul3A_1086 = arith.constant 16 : i32
        %mul3A_1087 = arith.muli %scan3A_106, %mul3A_1086 : i32
        %add3A_1088 = arith.constant 12 : i32
        %add3A_1089 = arith.addi %mul3A_1087, %add3A_1088 : i32
        %get3A_1090 = arith.index_cast %add3A_1089 : i32 to index
        %get3A_1091 = arith.constant 96 : index
        %get3A_1092 = tpu.vector_load %arg6[%get3A_1090, %get3A_1091] {strides = array<i32>} : memref<128x128xf32, #tpu.memory_space<vmem>>, vector<1x16xf32>,
        %get3A_1093 = vector.shape_cast %get3A_1092 : vector<1x16xf32> to vector<16xf32>
        %max3A_1094 = arith.maximumf %max3A_1085, %get3A_1093 : vector<16xf32>
        %mul3A_1095 = arith.constant 16 : i32
        %mul3A_1096 = arith.muli %scan3A_106, %mul3A_1095 : i32
        %add3A_1097 = arith.constant 13 : i32
        %add3A_1098 = arith.addi %mul3A_1096, %add3A_1097 : i32
        %get3A_1099 = arith.index_cast %add3A_1098 : i32 to index
        %get3A_1100 = arith.constant 96 : index
        %get3A_1101 = tpu.vector_load %arg6[%get3A_1099, %get3A_1100] {strides = array<i32>} : memref<128x128xf32, #tpu.memory_space<vmem>>, vector<1x16xf32>,
        %get3A_1102 = vector.shape_cast %get3A_1101 : vector<1x16xf32> to vector<16xf32>
        %max3A_1103 = arith.maximumf %max3A_1094, %get3A_1102 : vector<16xf32>
        %mul3A_1104 = arith.constant 16 : i32
        %mul3A_1105 = arith.muli %scan3A_106, %mul3A_1104 : i32
        %add3A_1106 = arith.constant 14 : i32
        %add3A_1107 = arith.addi %mul3A_1105, %add3A_1106 : i32
        %get3A_1108 = arith.index_cast %add3A_1107 : i32 to index
        %get3A_1109 = arith.constant 96 : index
        %get3A_1110 = tpu.vector_load %arg6[%get3A_1108, %get3A_1109] {strides = array<i32>} : memref<128x128xf32, #tpu.memory_space<vmem>>, vector<1x16xf32>,
        %get3A_1111 = vector.shape_cast %get3A_1110 : vector<1x16xf32> to vector<16xf32>
        %max3A_1112 = arith.maximumf %max3A_1103, %get3A_1111 : vector<16xf32>
        %mul3A_1113 = arith.constant 16 : i32
        %mul3A_1114 = arith.muli %scan3A_106, %mul3A_1113 : i32
        %add3A_1115 = arith.constant 15 : i32
        %add3A_1116 = arith.addi %mul3A_1114, %add3A_1115 : i32
        %get3A_1117 = arith.index_cast %add3A_1116 : i32 to index
        %get3A_1118 = arith.constant 96 : index
        %get3A_1119 = tpu.vector_load %arg6[%get3A_1117, %get3A_1118] {strides = array<i32>} : memref<128x128xf32, #tpu.memory_space<vmem>>, vector<1x16xf32>,
        %get3A_1120 = vector.shape_cast %get3A_1119 : vector<1x16xf32> to vector<16xf32>
        %max3A_1121 = arith.maximumf %max3A_1112, %get3A_1120 : vector<16xf32>
        %swap3A_1122 = arith.index_cast %scan3A_106 : i32 to index
        %swap3A_1123 = arith.constant 96 : index
        %swap3A_1124 = tpu.vector_load %arg9[%swap3A_1122, %swap3A_1123] {strides = array<i32>} : memref<8x128xf32, #tpu.memory_space<vmem>>, vector<1x16xf32>,
        %swap3A_1125 = vector.shape_cast %swap3A_1124 : vector<1x16xf32> to vector<16xf32>
        %swap3A_1126 = vector.shape_cast %max3A_1121 : vector<16xf32> to vector<1x16xf32>
        tpu.vector_store %arg9[%swap3A_1122, %swap3A_1123], %swap3A_1126 {strides = array<i32>} : memref<8x128xf32, #tpu.memory_space<vmem>>, vector<1x16xf32>,
        %mul3A_1127 = arith.constant 16 : i32
        %mul3A_1128 = arith.muli %scan3A_106, %mul3A_1127 : i32
        %get3A_1129 = arith.index_cast %mul3A_1128 : i32 to index
        %get3A_1130 = arith.constant 112 : index
        %get3A_1131 = tpu.vector_load %arg6[%get3A_1129, %get3A_1130] {strides = array<i32>} : memref<128x128xf32, #tpu.memory_space<vmem>>, vector<1x16xf32>,
        %get3A_1132 = vector.shape_cast %get3A_1131 : vector<1x16xf32> to vector<16xf32>
        %mul3A_1133 = arith.constant 16 : i32
        %mul3A_1134 = arith.muli %scan3A_106, %mul3A_1133 : i32
        %add3A_1135 = arith.constant 1 : i32
        %add3A_1136 = arith.addi %mul3A_1134, %add3A_1135 : i32
        %get3A_1137 = arith.index_cast %add3A_1136 : i32 to index
        %get3A_1138 = arith.constant 112 : index
        %get3A_1139 = tpu.vector_load %arg6[%get3A_1137, %get3A_1138] {strides = array<i32>} : memref<128x128xf32, #tpu.memory_space<vmem>>, vector<1x16xf32>,
        %get3A_1140 = vector.shape_cast %get3A_1139 : vector<1x16xf32> to vector<16xf32>
        %max3A_1141 = arith.maximumf %get3A_1132, %get3A_1140 : vector<16xf32>
        %mul3A_1142 = arith.constant 16 : i32
        %mul3A_1143 = arith.muli %scan3A_106, %mul3A_1142 : i32
        %add3A_1144 = arith.constant 2 : i32
        %add3A_1145 = arith.addi %mul3A_1143, %add3A_1144 : i32
        %get3A_1146 = arith.index_cast %add3A_1145 : i32 to index
        %get3A_1147 = arith.constant 112 : index
        %get3A_1148 = tpu.vector_load %arg6[%get3A_1146, %get3A_1147] {strides = array<i32>} : memref<128x128xf32, #tpu.memory_space<vmem>>, vector<1x16xf32>,
        %get3A_1149 = vector.shape_cast %get3A_1148 : vector<1x16xf32> to vector<16xf32>
        %max3A_1150 = arith.maximumf %max3A_1141, %get3A_1149 : vector<16xf32>
        %mul3A_1151 = arith.constant 16 : i32
        %mul3A_1152 = arith.muli %scan3A_106, %mul3A_1151 : i32
        %add3A_1153 = arith.constant 3 : i32
        %add3A_1154 = arith.addi %mul3A_1152, %add3A_1153 : i32
        %get3A_1155 = arith.index_cast %add3A_1154 : i32 to index
        %get3A_1156 = arith.constant 112 : index
        %get3A_1157 = tpu.vector_load %arg6[%get3A_1155, %get3A_1156] {strides = array<i32>} : memref<128x128xf32, #tpu.memory_space<vmem>>, vector<1x16xf32>,
        %get3A_1158 = vector.shape_cast %get3A_1157 : vector<1x16xf32> to vector<16xf32>
        %max3A_1159 = arith.maximumf %max3A_1150, %get3A_1158 : vector<16xf32>
        %mul3A_1160 = arith.constant 16 : i32
        %mul3A_1161 = arith.muli %scan3A_106, %mul3A_1160 : i32
        %add3A_1162 = arith.constant 4 : i32
        %add3A_1163 = arith.addi %mul3A_1161, %add3A_1162 : i32
        %get3A_1164 = arith.index_cast %add3A_1163 : i32 to index
        %get3A_1165 = arith.constant 112 : index
        %get3A_1166 = tpu.vector_load %arg6[%get3A_1164, %get3A_1165] {strides = array<i32>} : memref<128x128xf32, #tpu.memory_space<vmem>>, vector<1x16xf32>,
        %get3A_1167 = vector.shape_cast %get3A_1166 : vector<1x16xf32> to vector<16xf32>
        %max3A_1168 = arith.maximumf %max3A_1159, %get3A_1167 : vector<16xf32>
        %mul3A_1169 = arith.constant 16 : i32
        %mul3A_1170 = arith.muli %scan3A_106, %mul3A_1169 : i32
        %add3A_1171 = arith.constant 5 : i32
        %add3A_1172 = arith.addi %mul3A_1170, %add3A_1171 : i32
        %get3A_1173 = arith.index_cast %add3A_1172 : i32 to index
        %get3A_1174 = arith.constant 112 : index
        %get3A_1175 = tpu.vector_load %arg6[%get3A_1173, %get3A_1174] {strides = array<i32>} : memref<128x128xf32, #tpu.memory_space<vmem>>, vector<1x16xf32>,
        %get3A_1176 = vector.shape_cast %get3A_1175 : vector<1x16xf32> to vector<16xf32>
        %max3A_1177 = arith.maximumf %max3A_1168, %get3A_1176 : vector<16xf32>
        %mul3A_1178 = arith.constant 16 : i32
        %mul3A_1179 = arith.muli %scan3A_106, %mul3A_1178 : i32
        %add3A_1180 = arith.constant 6 : i32
        %add3A_1181 = arith.addi %mul3A_1179, %add3A_1180 : i32
        %get3A_1182 = arith.index_cast %add3A_1181 : i32 to index
        %get3A_1183 = arith.constant 112 : index
        %get3A_1184 = tpu.vector_load %arg6[%get3A_1182, %get3A_1183] {strides = array<i32>} : memref<128x128xf32, #tpu.memory_space<vmem>>, vector<1x16xf32>,
        %get3A_1185 = vector.shape_cast %get3A_1184 : vector<1x16xf32> to vector<16xf32>
        %max3A_1186 = arith.maximumf %max3A_1177, %get3A_1185 : vector<16xf32>
        %mul3A_1187 = arith.constant 16 : i32
        %mul3A_1188 = arith.muli %scan3A_106, %mul3A_1187 : i32
        %add3A_1189 = arith.constant 7 : i32
        %add3A_1190 = arith.addi %mul3A_1188, %add3A_1189 : i32
        %get3A_1191 = arith.index_cast %add3A_1190 : i32 to index
        %get3A_1192 = arith.constant 112 : index
        %get3A_1193 = tpu.vector_load %arg6[%get3A_1191, %get3A_1192] {strides = array<i32>} : memref<128x128xf32, #tpu.memory_space<vmem>>, vector<1x16xf32>,
        %get3A_1194 = vector.shape_cast %get3A_1193 : vector<1x16xf32> to vector<16xf32>
        %max3A_1195 = arith.maximumf %max3A_1186, %get3A_1194 : vector<16xf32>
        %mul3A_1196 = arith.constant 16 : i32
        %mul3A_1197 = arith.muli %scan3A_106, %mul3A_1196 : i32
        %add3A_1198 = arith.constant 8 : i32
        %add3A_1199 = arith.addi %mul3A_1197, %add3A_1198 : i32
        %get3A_1200 = arith.index_cast %add3A_1199 : i32 to index
        %get3A_1201 = arith.constant 112 : index
        %get3A_1202 = tpu.vector_load %arg6[%get3A_1200, %get3A_1201] {strides = array<i32>} : memref<128x128xf32, #tpu.memory_space<vmem>>, vector<1x16xf32>,
        %get3A_1203 = vector.shape_cast %get3A_1202 : vector<1x16xf32> to vector<16xf32>
        %max3A_1204 = arith.maximumf %max3A_1195, %get3A_1203 : vector<16xf32>
        %mul3A_1205 = arith.constant 16 : i32
        %mul3A_1206 = arith.muli %scan3A_106, %mul3A_1205 : i32
        %add3A_1207 = arith.constant 9 : i32
        %add3A_1208 = arith.addi %mul3A_1206, %add3A_1207 : i32
        %get3A_1209 = arith.index_cast %add3A_1208 : i32 to index
        %get3A_1210 = arith.constant 112 : index
        %get3A_1211 = tpu.vector_load %arg6[%get3A_1209, %get3A_1210] {strides = array<i32>} : memref<128x128xf32, #tpu.memory_space<vmem>>, vector<1x16xf32>,
        %get3A_1212 = vector.shape_cast %get3A_1211 : vector<1x16xf32> to vector<16xf32>
        %max3A_1213 = arith.maximumf %max3A_1204, %get3A_1212 : vector<16xf32>
        %mul3A_1214 = arith.constant 16 : i32
        %mul3A_1215 = arith.muli %scan3A_106, %mul3A_1214 : i32
        %add3A_1216 = arith.constant 10 : i32
        %add3A_1217 = arith.addi %mul3A_1215, %add3A_1216 : i32
        %get3A_1218 = arith.index_cast %add3A_1217 : i32 to index
        %get3A_1219 = arith.constant 112 : index
        %get3A_1220 = tpu.vector_load %arg6[%get3A_1218, %get3A_1219] {strides = array<i32>} : memref<128x128xf32, #tpu.memory_space<vmem>>, vector<1x16xf32>,
        %get3A_1221 = vector.shape_cast %get3A_1220 : vector<1x16xf32> to vector<16xf32>
        %max3A_1222 = arith.maximumf %max3A_1213, %get3A_1221 : vector<16xf32>
        %mul3A_1223 = arith.constant 16 : i32
        %mul3A_1224 = arith.muli %scan3A_106, %mul3A_1223 : i32
        %add3A_1225 = arith.constant 11 : i32
        %add3A_1226 = arith.addi %mul3A_1224, %add3A_1225 : i32
        %get3A_1227 = arith.index_cast %add3A_1226 : i32 to index
        %get3A_1228 = arith.constant 112 : index
        %get3A_1229 = tpu.vector_load %arg6[%get3A_1227, %get3A_1228] {strides = array<i32>} : memref<128x128xf32, #tpu.memory_space<vmem>>, vector<1x16xf32>,
        %get3A_1230 = vector.shape_cast %get3A_1229 : vector<1x16xf32> to vector<16xf32>
        %max3A_1231 = arith.maximumf %max3A_1222, %get3A_1230 : vector<16xf32>
        %mul3A_1232 = arith.constant 16 : i32
        %mul3A_1233 = arith.muli %scan3A_106, %mul3A_1232 : i32
        %add3A_1234 = arith.constant 12 : i32
        %add3A_1235 = arith.addi %mul3A_1233, %add3A_1234 : i32
        %get3A_1236 = arith.index_cast %add3A_1235 : i32 to index
        %get3A_1237 = arith.constant 112 : index
        %get3A_1238 = tpu.vector_load %arg6[%get3A_1236, %get3A_1237] {strides = array<i32>} : memref<128x128xf32, #tpu.memory_space<vmem>>, vector<1x16xf32>,
        %get3A_1239 = vector.shape_cast %get3A_1238 : vector<1x16xf32> to vector<16xf32>
        %max3A_1240 = arith.maximumf %max3A_1231, %get3A_1239 : vector<16xf32>
        %mul3A_1241 = arith.constant 16 : i32
        %mul3A_1242 = arith.muli %scan3A_106, %mul3A_1241 : i32
        %add3A_1243 = arith.constant 13 : i32
        %add3A_1244 = arith.addi %mul3A_1242, %add3A_1243 : i32
        %get3A_1245 = arith.index_cast %add3A_1244 : i32 to index
        %get3A_1246 = arith.constant 112 : index
        %get3A_1247 = tpu.vector_load %arg6[%get3A_1245, %get3A_1246] {strides = array<i32>} : memref<128x128xf32, #tpu.memory_space<vmem>>, vector<1x16xf32>,
        %get3A_1248 = vector.shape_cast %get3A_1247 : vector<1x16xf32> to vector<16xf32>
        %max3A_1249 = arith.maximumf %max3A_1240, %get3A_1248 : vector<16xf32>
        %mul3A_1250 = arith.constant 16 : i32
        %mul3A_1251 = arith.muli %scan3A_106, %mul3A_1250 : i32
        %add3A_1252 = arith.constant 14 : i32
        %add3A_1253 = arith.addi %mul3A_1251, %add3A_1252 : i32
        %get3A_1254 = arith.index_cast %add3A_1253 : i32 to index
        %get3A_1255 = arith.constant 112 : index
        %get3A_1256 = tpu.vector_load %arg6[%get3A_1254, %get3A_1255] {strides = array<i32>} : memref<128x128xf32, #tpu.memory_space<vmem>>, vector<1x16xf32>,
        %get3A_1257 = vector.shape_cast %get3A_1256 : vector<1x16xf32> to vector<16xf32>
        %max3A_1258 = arith.maximumf %max3A_1249, %get3A_1257 : vector<16xf32>
        %mul3A_1259 = arith.constant 16 : i32
        %mul3A_1260 = arith.muli %scan3A_106, %mul3A_1259 : i32
        %add3A_1261 = arith.constant 15 : i32
        %add3A_1262 = arith.addi %mul3A_1260, %add3A_1261 : i32
        %get3A_1263 = arith.index_cast %add3A_1262 : i32 to index
        %get3A_1264 = arith.constant 112 : index
        %get3A_1265 = tpu.vector_load %arg6[%get3A_1263, %get3A_1264] {strides = array<i32>} : memref<128x128xf32, #tpu.memory_space<vmem>>, vector<1x16xf32>,
        %get3A_1266 = vector.shape_cast %get3A_1265 : vector<1x16xf32> to vector<16xf32>
        %max3A_1267 = arith.maximumf %max3A_1258, %get3A_1266 : vector<16xf32>
        %swap3A_1268 = arith.index_cast %scan3A_106 : i32 to index
        %swap3A_1269 = arith.constant 112 : index
        %swap3A_1270 = tpu.vector_load %arg9[%swap3A_1268, %swap3A_1269] {strides = array<i32>} : memref<8x128xf32, #tpu.memory_space<vmem>>, vector<1x16xf32>,
        %swap3A_1271 = vector.shape_cast %swap3A_1270 : vector<1x16xf32> to vector<16xf32>
        %swap3A_1272 = vector.shape_cast %max3A_1267 : vector<16xf32> to vector<1x16xf32>
        tpu.vector_store %arg9[%swap3A_1268, %swap3A_1269], %swap3A_1272 {strides = array<i32>} : memref<8x128xf32, #tpu.memory_space<vmem>>, vector<1x16xf32>,
        %scan3A_1273 = arith.constant 0 : i32
        scf.yield %scan3A_1273 : i32
      }
      %scan3A_61 = arith.constant 8 : i32
      %mul3A_62 = arith.constant 8 : i32
      %mul3A_63 = arith.muli %mul3A_36, %mul3A_62 : i32
      %add3A_64 = arith.addi %mul3A_6, %mul3A_63 : i32
      %dma_start3A_65 = arith.constant 0 : i32
      %dma_start3A_66 = tpu.memref_slice %arg4[%add3A_64, %dma_start3A_65] : memref<20000x128xf32, #tpu.memory_space<hbm>> -> memref<8x128xf32, #tpu.memory_space<hbm>>
      %dma_start3A_67 = arith.constant 0 : i32
      %dma_start3A_68 = tpu.memref_slice %arg4[%add3A_64, %dma_start3A_67] : memref<20000x128xf32, #tpu.memory_space<hbm>> -> memref<8x128xf32, #tpu.memory_space<hbm>>
      tpu.enqueue_dma source(%arg9 : memref<8x128xf32, #tpu.memory_space<vmem>>) target(%dma_start3A_68 : memref<8x128xf32, #tpu.memory_space<hbm>>) target_semaphore(%arg14 : memref<!tpu.dma_semaphore, #tpu.memory_space<semaphore_mem>>)
      %lt3A_69 = arith.constant 38 : i32
      %lt3A_70 = arith.cmpi slt, %scan3A_33, %lt3A_69 : i32
      %convert_element_type3A_71 = arith.extui %lt3A_70 : i1 to i32
      %cond3A_72 = arith.constant 0 : i32
      %cond3A_73 = arith.cmpi ne, %convert_element_type3A_71, %cond3A_72 : i32
      scf.if %cond3A_73 {
        %add3A_106 = arith.constant 2 : i32
        %add3A_107 = arith.addi %mul3A_36, %add3A_106 : i32
        %mul3A_108 = arith.constant 128 : i32
        %mul3A_109 = arith.muli %add3A_107, %mul3A_108 : i32
        %dma_start3A_110 = tpu.memref_slice %arg5[%mul3A_109] : memref<10112xi32, #tpu.memory_space<vmem>> -> memref<128xi32, #tpu.memory_space<vmem>>
        %dma_start3A_111 = arith.constant 0 : i32
        %dma_start3A_112 = arith.constant 0 : i32
        %dma_start3A_113 = tpu.memref_slice %arg2[%dma_start3A_111, %dma_start3A_112] : memref<20000x128xf32, #tpu.memory_space<hbm>> -> memref<20000x128xf32, #tpu.memory_space<hbm>>
        tpu.enqueue_indirect_dma source(%dma_start3A_113 : memref<20000x128xf32, #tpu.memory_space<hbm>>) target(%arg6 : memref<128x128xf32, #tpu.memory_space<vmem>>) offsets(%dma_start3A_110 : memref<128xi32, #tpu.memory_space<vmem>>) semaphore(%arg11 : memref<!tpu.dma_semaphore, #tpu.memory_space<semaphore_mem>>)
      } else {
      }
      %add3A_74 = arith.constant 1 : i32
      %add3A_75 = arith.addi %mul3A_36, %add3A_74 : i32
      %mul3A_76 = arith.constant 128 : i32
      %mul3A_77 = arith.muli %add3A_75, %mul3A_76 : i32
      %dma_wait3A_78 = tpu.memref_slice %arg5[%mul3A_77] : memref<10112xi32, #tpu.memory_space<vmem>> -> memref<128xi32, #tpu.memory_space<vmem>>
      %dma_wait3A_79 = arith.constant 0 : i32
      %dma_wait3A_80 = arith.constant 0 : i32
      %dma_wait3A_81 = tpu.memref_slice %arg2[%dma_wait3A_79, %dma_wait3A_80] : memref<20000x128xf32, #tpu.memory_space<hbm>> -> memref<20000x128xf32, #tpu.memory_space<hbm>>
      tpu.wait_indirect_dma semaphore(%arg12 : memref<!tpu.dma_semaphore, #tpu.memory_space<semaphore_mem>>) src(%dma_wait3A_81 : memref<20000x128xf32, #tpu.memory_space<hbm>>) dst(%arg7 : memref<128x128xf32, #tpu.memory_space<vmem>>)
      %gt3A_82 = arith.constant 0 : i32
      %gt3A_83 = arith.cmpi sgt, %scan3A_33, %gt3A_82 : i32
      %convert_element_type3A_84 = arith.extui %gt3A_83 : i1 to i32
      %cond3A_85 = arith.constant 0 : i32
      %cond3A_86 = arith.cmpi ne, %convert_element_type3A_84, %cond3A_85 : i32
      scf.if %cond3A_86 {
        %sub3A = arith.constant 1 : i32
        %sub3A_106 = arith.subi %mul3A_36, %sub3A : i32
        %mul3A_107 = arith.constant 8 : i32
        %mul3A_108 = arith.muli %sub3A_106, %mul3A_107 : i32
        %add3A_109 = arith.addi %mul3A_6, %mul3A_108 : i32
        %dma_wait3A_110 = arith.constant 0 : i32
        %dma_wait3A_111 = tpu.memref_slice %arg4[%add3A_109, %dma_wait3A_110] : memref<20000x128xf32, #tpu.memory_space<hbm>> -> memref<8x128xf32, #tpu.memory_space<hbm>>
        %dma_wait3A_112 = arith.constant 0 : i32
        %dma_wait3A_113 = tpu.memref_slice %arg4[%add3A_109, %dma_wait3A_112] : memref<20000x128xf32, #tpu.memory_space<hbm>> -> memref<8x128xf32, #tpu.memory_space<hbm>>
        tpu.wait_dma2 semaphore(%arg15 : memref<!tpu.dma_semaphore, #tpu.memory_space<semaphore_mem>>) src(%arg10 : memref<8x128xf32, #tpu.memory_space<vmem>>) dst(%dma_wait3A_113 : memref<8x128xf32, #tpu.memory_space<hbm>>)
      } else {
      }
      %add3A_87 = arith.constant 1 : i32
      %add3A_88 = arith.addi %mul3A_36, %add3A_87 : i32
      %scan3A_89 = arith.constant 0 : i32
      %scan3A_90 = arith.constant 0 : i32
      %scan3A_91 = arith.constant 8 : i32
      %scan3A_92 = arith.addi %scan3A_90, %scan3A_91 : i32
      %scan3A_93 = arith.constant 1 : i32
      %scan3A_94 = scf.for %scan3A_106 = %scan3A_90 to %scan3A_92 step %scan3A_93 iter_args(%scan3A_107 = %scan3A_89) -> (i32)  : i32 {
        %mul3A_108 = arith.constant 16 : i32
        %mul3A_109 = arith.muli %scan3A_106, %mul3A_108 : i32
        %get3A = arith.index_cast %mul3A_109 : i32 to index
        %get3A_110 = arith.constant 0 : index
        %get3A_111 = tpu.vector_load %arg7[%get3A, %get3A_110] {strides = array<i32>} : memref<128x128xf32, #tpu.memory_space<vmem>>, vector<1x16xf32>,
        %get3A_112 = vector.shape_cast %get3A_111 : vector<1x16xf32> to vector<16xf32>
        %mul3A_113 = arith.constant 16 : i32
        %mul3A_114 = arith.muli %scan3A_106, %mul3A_113 : i32
        %add3A_115 = arith.constant 1 : i32
        %add3A_116 = arith.addi %mul3A_114, %add3A_115 : i32
        %get3A_117 = arith.index_cast %add3A_116 : i32 to index
        %get3A_118 = arith.constant 0 : index
        %get3A_119 = tpu.vector_load %arg7[%get3A_117, %get3A_118] {strides = array<i32>} : memref<128x128xf32, #tpu.memory_space<vmem>>, vector<1x16xf32>,
        %get3A_120 = vector.shape_cast %get3A_119 : vector<1x16xf32> to vector<16xf32>
        %max3A = arith.maximumf %get3A_112, %get3A_120 : vector<16xf32>
        %mul3A_121 = arith.constant 16 : i32
        %mul3A_122 = arith.muli %scan3A_106, %mul3A_121 : i32
        %add3A_123 = arith.constant 2 : i32
        %add3A_124 = arith.addi %mul3A_122, %add3A_123 : i32
        %get3A_125 = arith.index_cast %add3A_124 : i32 to index
        %get3A_126 = arith.constant 0 : index
        %get3A_127 = tpu.vector_load %arg7[%get3A_125, %get3A_126] {strides = array<i32>} : memref<128x128xf32, #tpu.memory_space<vmem>>, vector<1x16xf32>,
        %get3A_128 = vector.shape_cast %get3A_127 : vector<1x16xf32> to vector<16xf32>
        %max3A_129 = arith.maximumf %max3A, %get3A_128 : vector<16xf32>
        %mul3A_130 = arith.constant 16 : i32
        %mul3A_131 = arith.muli %scan3A_106, %mul3A_130 : i32
        %add3A_132 = arith.constant 3 : i32
        %add3A_133 = arith.addi %mul3A_131, %add3A_132 : i32
        %get3A_134 = arith.index_cast %add3A_133 : i32 to index
        %get3A_135 = arith.constant 0 : index
        %get3A_136 = tpu.vector_load %arg7[%get3A_134, %get3A_135] {strides = array<i32>} : memref<128x128xf32, #tpu.memory_space<vmem>>, vector<1x16xf32>,
        %get3A_137 = vector.shape_cast %get3A_136 : vector<1x16xf32> to vector<16xf32>
        %max3A_138 = arith.maximumf %max3A_129, %get3A_137 : vector<16xf32>
        %mul3A_139 = arith.constant 16 : i32
        %mul3A_140 = arith.muli %scan3A_106, %mul3A_139 : i32
        %add3A_141 = arith.constant 4 : i32
        %add3A_142 = arith.addi %mul3A_140, %add3A_141 : i32
        %get3A_143 = arith.index_cast %add3A_142 : i32 to index
        %get3A_144 = arith.constant 0 : index
        %get3A_145 = tpu.vector_load %arg7[%get3A_143, %get3A_144] {strides = array<i32>} : memref<128x128xf32, #tpu.memory_space<vmem>>, vector<1x16xf32>,
        %get3A_146 = vector.shape_cast %get3A_145 : vector<1x16xf32> to vector<16xf32>
        %max3A_147 = arith.maximumf %max3A_138, %get3A_146 : vector<16xf32>
        %mul3A_148 = arith.constant 16 : i32
        %mul3A_149 = arith.muli %scan3A_106, %mul3A_148 : i32
        %add3A_150 = arith.constant 5 : i32
        %add3A_151 = arith.addi %mul3A_149, %add3A_150 : i32
        %get3A_152 = arith.index_cast %add3A_151 : i32 to index
        %get3A_153 = arith.constant 0 : index
        %get3A_154 = tpu.vector_load %arg7[%get3A_152, %get3A_153] {strides = array<i32>} : memref<128x128xf32, #tpu.memory_space<vmem>>, vector<1x16xf32>,
        %get3A_155 = vector.shape_cast %get3A_154 : vector<1x16xf32> to vector<16xf32>
        %max3A_156 = arith.maximumf %max3A_147, %get3A_155 : vector<16xf32>
        %mul3A_157 = arith.constant 16 : i32
        %mul3A_158 = arith.muli %scan3A_106, %mul3A_157 : i32
        %add3A_159 = arith.constant 6 : i32
        %add3A_160 = arith.addi %mul3A_158, %add3A_159 : i32
        %get3A_161 = arith.index_cast %add3A_160 : i32 to index
        %get3A_162 = arith.constant 0 : index
        %get3A_163 = tpu.vector_load %arg7[%get3A_161, %get3A_162] {strides = array<i32>} : memref<128x128xf32, #tpu.memory_space<vmem>>, vector<1x16xf32>,
        %get3A_164 = vector.shape_cast %get3A_163 : vector<1x16xf32> to vector<16xf32>
        %max3A_165 = arith.maximumf %max3A_156, %get3A_164 : vector<16xf32>
        %mul3A_166 = arith.constant 16 : i32
        %mul3A_167 = arith.muli %scan3A_106, %mul3A_166 : i32
        %add3A_168 = arith.constant 7 : i32
        %add3A_169 = arith.addi %mul3A_167, %add3A_168 : i32
        %get3A_170 = arith.index_cast %add3A_169 : i32 to index
        %get3A_171 = arith.constant 0 : index
        %get3A_172 = tpu.vector_load %arg7[%get3A_170, %get3A_171] {strides = array<i32>} : memref<128x128xf32, #tpu.memory_space<vmem>>, vector<1x16xf32>,
        %get3A_173 = vector.shape_cast %get3A_172 : vector<1x16xf32> to vector<16xf32>
        %max3A_174 = arith.maximumf %max3A_165, %get3A_173 : vector<16xf32>
        %mul3A_175 = arith.constant 16 : i32
        %mul3A_176 = arith.muli %scan3A_106, %mul3A_175 : i32
        %add3A_177 = arith.constant 8 : i32
        %add3A_178 = arith.addi %mul3A_176, %add3A_177 : i32
        %get3A_179 = arith.index_cast %add3A_178 : i32 to index
        %get3A_180 = arith.constant 0 : index
        %get3A_181 = tpu.vector_load %arg7[%get3A_179, %get3A_180] {strides = array<i32>} : memref<128x128xf32, #tpu.memory_space<vmem>>, vector<1x16xf32>,
        %get3A_182 = vector.shape_cast %get3A_181 : vector<1x16xf32> to vector<16xf32>
        %max3A_183 = arith.maximumf %max3A_174, %get3A_182 : vector<16xf32>
        %mul3A_184 = arith.constant 16 : i32
        %mul3A_185 = arith.muli %scan3A_106, %mul3A_184 : i32
        %add3A_186 = arith.constant 9 : i32
        %add3A_187 = arith.addi %mul3A_185, %add3A_186 : i32
        %get3A_188 = arith.index_cast %add3A_187 : i32 to index
        %get3A_189 = arith.constant 0 : index
        %get3A_190 = tpu.vector_load %arg7[%get3A_188, %get3A_189] {strides = array<i32>} : memref<128x128xf32, #tpu.memory_space<vmem>>, vector<1x16xf32>,
        %get3A_191 = vector.shape_cast %get3A_190 : vector<1x16xf32> to vector<16xf32>
        %max3A_192 = arith.maximumf %max3A_183, %get3A_191 : vector<16xf32>
        %mul3A_193 = arith.constant 16 : i32
        %mul3A_194 = arith.muli %scan3A_106, %mul3A_193 : i32
        %add3A_195 = arith.constant 10 : i32
        %add3A_196 = arith.addi %mul3A_194, %add3A_195 : i32
        %get3A_197 = arith.index_cast %add3A_196 : i32 to index
        %get3A_198 = arith.constant 0 : index
        %get3A_199 = tpu.vector_load %arg7[%get3A_197, %get3A_198] {strides = array<i32>} : memref<128x128xf32, #tpu.memory_space<vmem>>, vector<1x16xf32>,
        %get3A_200 = vector.shape_cast %get3A_199 : vector<1x16xf32> to vector<16xf32>
        %max3A_201 = arith.maximumf %max3A_192, %get3A_200 : vector<16xf32>
        %mul3A_202 = arith.constant 16 : i32
        %mul3A_203 = arith.muli %scan3A_106, %mul3A_202 : i32
        %add3A_204 = arith.constant 11 : i32
        %add3A_205 = arith.addi %mul3A_203, %add3A_204 : i32
        %get3A_206 = arith.index_cast %add3A_205 : i32 to index
        %get3A_207 = arith.constant 0 : index
        %get3A_208 = tpu.vector_load %arg7[%get3A_206, %get3A_207] {strides = array<i32>} : memref<128x128xf32, #tpu.memory_space<vmem>>, vector<1x16xf32>,
        %get3A_209 = vector.shape_cast %get3A_208 : vector<1x16xf32> to vector<16xf32>
        %max3A_210 = arith.maximumf %max3A_201, %get3A_209 : vector<16xf32>
        %mul3A_211 = arith.constant 16 : i32
        %mul3A_212 = arith.muli %scan3A_106, %mul3A_211 : i32
        %add3A_213 = arith.constant 12 : i32
        %add3A_214 = arith.addi %mul3A_212, %add3A_213 : i32
        %get3A_215 = arith.index_cast %add3A_214 : i32 to index
        %get3A_216 = arith.constant 0 : index
        %get3A_217 = tpu.vector_load %arg7[%get3A_215, %get3A_216] {strides = array<i32>} : memref<128x128xf32, #tpu.memory_space<vmem>>, vector<1x16xf32>,
        %get3A_218 = vector.shape_cast %get3A_217 : vector<1x16xf32> to vector<16xf32>
        %max3A_219 = arith.maximumf %max3A_210, %get3A_218 : vector<16xf32>
        %mul3A_220 = arith.constant 16 : i32
        %mul3A_221 = arith.muli %scan3A_106, %mul3A_220 : i32
        %add3A_222 = arith.constant 13 : i32
        %add3A_223 = arith.addi %mul3A_221, %add3A_222 : i32
        %get3A_224 = arith.index_cast %add3A_223 : i32 to index
        %get3A_225 = arith.constant 0 : index
        %get3A_226 = tpu.vector_load %arg7[%get3A_224, %get3A_225] {strides = array<i32>} : memref<128x128xf32, #tpu.memory_space<vmem>>, vector<1x16xf32>,
        %get3A_227 = vector.shape_cast %get3A_226 : vector<1x16xf32> to vector<16xf32>
        %max3A_228 = arith.maximumf %max3A_219, %get3A_227 : vector<16xf32>
        %mul3A_229 = arith.constant 16 : i32
        %mul3A_230 = arith.muli %scan3A_106, %mul3A_229 : i32
        %add3A_231 = arith.constant 14 : i32
        %add3A_232 = arith.addi %mul3A_230, %add3A_231 : i32
        %get3A_233 = arith.index_cast %add3A_232 : i32 to index
        %get3A_234 = arith.constant 0 : index
        %get3A_235 = tpu.vector_load %arg7[%get3A_233, %get3A_234] {strides = array<i32>} : memref<128x128xf32, #tpu.memory_space<vmem>>, vector<1x16xf32>,
        %get3A_236 = vector.shape_cast %get3A_235 : vector<1x16xf32> to vector<16xf32>
        %max3A_237 = arith.maximumf %max3A_228, %get3A_236 : vector<16xf32>
        %mul3A_238 = arith.constant 16 : i32
        %mul3A_239 = arith.muli %scan3A_106, %mul3A_238 : i32
        %add3A_240 = arith.constant 15 : i32
        %add3A_241 = arith.addi %mul3A_239, %add3A_240 : i32
        %get3A_242 = arith.index_cast %add3A_241 : i32 to index
        %get3A_243 = arith.constant 0 : index
        %get3A_244 = tpu.vector_load %arg7[%get3A_242, %get3A_243] {strides = array<i32>} : memref<128x128xf32, #tpu.memory_space<vmem>>, vector<1x16xf32>,
        %get3A_245 = vector.shape_cast %get3A_244 : vector<1x16xf32> to vector<16xf32>
        %max3A_246 = arith.maximumf %max3A_237, %get3A_245 : vector<16xf32>
        %swap3A = arith.index_cast %scan3A_106 : i32 to index
        %swap3A_247 = arith.constant 0 : index
        %swap3A_248 = tpu.vector_load %arg10[%swap3A, %swap3A_247] {strides = array<i32>} : memref<8x128xf32, #tpu.memory_space<vmem>>, vector<1x16xf32>,
        %swap3A_249 = vector.shape_cast %swap3A_248 : vector<1x16xf32> to vector<16xf32>
        %swap3A_250 = vector.shape_cast %max3A_246 : vector<16xf32> to vector<1x16xf32>
        tpu.vector_store %arg10[%swap3A, %swap3A_247], %swap3A_250 {strides = array<i32>} : memref<8x128xf32, #tpu.memory_space<vmem>>, vector<1x16xf32>,
        %mul3A_251 = arith.constant 16 : i32
        %mul3A_252 = arith.muli %scan3A_106, %mul3A_251 : i32
        %get3A_253 = arith.index_cast %mul3A_252 : i32 to index
        %get3A_254 = arith.constant 16 : index
        %get3A_255 = tpu.vector_load %arg7[%get3A_253, %get3A_254] {strides = array<i32>} : memref<128x128xf32, #tpu.memory_space<vmem>>, vector<1x16xf32>,
        %get3A_256 = vector.shape_cast %get3A_255 : vector<1x16xf32> to vector<16xf32>
        %mul3A_257 = arith.constant 16 : i32
        %mul3A_258 = arith.muli %scan3A_106, %mul3A_257 : i32
        %add3A_259 = arith.constant 1 : i32
        %add3A_260 = arith.addi %mul3A_258, %add3A_259 : i32
        %get3A_261 = arith.index_cast %add3A_260 : i32 to index
        %get3A_262 = arith.constant 16 : index
        %get3A_263 = tpu.vector_load %arg7[%get3A_261, %get3A_262] {strides = array<i32>} : memref<128x128xf32, #tpu.memory_space<vmem>>, vector<1x16xf32>,
        %get3A_264 = vector.shape_cast %get3A_263 : vector<1x16xf32> to vector<16xf32>
        %max3A_265 = arith.maximumf %get3A_256, %get3A_264 : vector<16xf32>
        %mul3A_266 = arith.constant 16 : i32
        %mul3A_267 = arith.muli %scan3A_106, %mul3A_266 : i32
        %add3A_268 = arith.constant 2 : i32
        %add3A_269 = arith.addi %mul3A_267, %add3A_268 : i32
        %get3A_270 = arith.index_cast %add3A_269 : i32 to index
        %get3A_271 = arith.constant 16 : index
        %get3A_272 = tpu.vector_load %arg7[%get3A_270, %get3A_271] {strides = array<i32>} : memref<128x128xf32, #tpu.memory_space<vmem>>, vector<1x16xf32>,
        %get3A_273 = vector.shape_cast %get3A_272 : vector<1x16xf32> to vector<16xf32>
        %max3A_274 = arith.maximumf %max3A_265, %get3A_273 : vector<16xf32>
        %mul3A_275 = arith.constant 16 : i32
        %mul3A_276 = arith.muli %scan3A_106, %mul3A_275 : i32
        %add3A_277 = arith.constant 3 : i32
        %add3A_278 = arith.addi %mul3A_276, %add3A_277 : i32
        %get3A_279 = arith.index_cast %add3A_278 : i32 to index
        %get3A_280 = arith.constant 16 : index
        %get3A_281 = tpu.vector_load %arg7[%get3A_279, %get3A_280] {strides = array<i32>} : memref<128x128xf32, #tpu.memory_space<vmem>>, vector<1x16xf32>,
        %get3A_282 = vector.shape_cast %get3A_281 : vector<1x16xf32> to vector<16xf32>
        %max3A_283 = arith.maximumf %max3A_274, %get3A_282 : vector<16xf32>
        %mul3A_284 = arith.constant 16 : i32
        %mul3A_285 = arith.muli %scan3A_106, %mul3A_284 : i32
        %add3A_286 = arith.constant 4 : i32
        %add3A_287 = arith.addi %mul3A_285, %add3A_286 : i32
        %get3A_288 = arith.index_cast %add3A_287 : i32 to index
        %get3A_289 = arith.constant 16 : index
        %get3A_290 = tpu.vector_load %arg7[%get3A_288, %get3A_289] {strides = array<i32>} : memref<128x128xf32, #tpu.memory_space<vmem>>, vector<1x16xf32>,
        %get3A_291 = vector.shape_cast %get3A_290 : vector<1x16xf32> to vector<16xf32>
        %max3A_292 = arith.maximumf %max3A_283, %get3A_291 : vector<16xf32>
        %mul3A_293 = arith.constant 16 : i32
        %mul3A_294 = arith.muli %scan3A_106, %mul3A_293 : i32
        %add3A_295 = arith.constant 5 : i32
        %add3A_296 = arith.addi %mul3A_294, %add3A_295 : i32
        %get3A_297 = arith.index_cast %add3A_296 : i32 to index
        %get3A_298 = arith.constant 16 : index
        %get3A_299 = tpu.vector_load %arg7[%get3A_297, %get3A_298] {strides = array<i32>} : memref<128x128xf32, #tpu.memory_space<vmem>>, vector<1x16xf32>,
        %get3A_300 = vector.shape_cast %get3A_299 : vector<1x16xf32> to vector<16xf32>
        %max3A_301 = arith.maximumf %max3A_292, %get3A_300 : vector<16xf32>
        %mul3A_302 = arith.constant 16 : i32
        %mul3A_303 = arith.muli %scan3A_106, %mul3A_302 : i32
        %add3A_304 = arith.constant 6 : i32
        %add3A_305 = arith.addi %mul3A_303, %add3A_304 : i32
        %get3A_306 = arith.index_cast %add3A_305 : i32 to index
        %get3A_307 = arith.constant 16 : index
        %get3A_308 = tpu.vector_load %arg7[%get3A_306, %get3A_307] {strides = array<i32>} : memref<128x128xf32, #tpu.memory_space<vmem>>, vector<1x16xf32>,
        %get3A_309 = vector.shape_cast %get3A_308 : vector<1x16xf32> to vector<16xf32>
        %max3A_310 = arith.maximumf %max3A_301, %get3A_309 : vector<16xf32>
        %mul3A_311 = arith.constant 16 : i32
        %mul3A_312 = arith.muli %scan3A_106, %mul3A_311 : i32
        %add3A_313 = arith.constant 7 : i32
        %add3A_314 = arith.addi %mul3A_312, %add3A_313 : i32
        %get3A_315 = arith.index_cast %add3A_314 : i32 to index
        %get3A_316 = arith.constant 16 : index
        %get3A_317 = tpu.vector_load %arg7[%get3A_315, %get3A_316] {strides = array<i32>} : memref<128x128xf32, #tpu.memory_space<vmem>>, vector<1x16xf32>,
        %get3A_318 = vector.shape_cast %get3A_317 : vector<1x16xf32> to vector<16xf32>
        %max3A_319 = arith.maximumf %max3A_310, %get3A_318 : vector<16xf32>
        %mul3A_320 = arith.constant 16 : i32
        %mul3A_321 = arith.muli %scan3A_106, %mul3A_320 : i32
        %add3A_322 = arith.constant 8 : i32
        %add3A_323 = arith.addi %mul3A_321, %add3A_322 : i32
        %get3A_324 = arith.index_cast %add3A_323 : i32 to index
        %get3A_325 = arith.constant 16 : index
        %get3A_326 = tpu.vector_load %arg7[%get3A_324, %get3A_325] {strides = array<i32>} : memref<128x128xf32, #tpu.memory_space<vmem>>, vector<1x16xf32>,
        %get3A_327 = vector.shape_cast %get3A_326 : vector<1x16xf32> to vector<16xf32>
        %max3A_328 = arith.maximumf %max3A_319, %get3A_327 : vector<16xf32>
        %mul3A_329 = arith.constant 16 : i32
        %mul3A_330 = arith.muli %scan3A_106, %mul3A_329 : i32
        %add3A_331 = arith.constant 9 : i32
        %add3A_332 = arith.addi %mul3A_330, %add3A_331 : i32
        %get3A_333 = arith.index_cast %add3A_332 : i32 to index
        %get3A_334 = arith.constant 16 : index
        %get3A_335 = tpu.vector_load %arg7[%get3A_333, %get3A_334] {strides = array<i32>} : memref<128x128xf32, #tpu.memory_space<vmem>>, vector<1x16xf32>,
        %get3A_336 = vector.shape_cast %get3A_335 : vector<1x16xf32> to vector<16xf32>
        %max3A_337 = arith.maximumf %max3A_328, %get3A_336 : vector<16xf32>
        %mul3A_338 = arith.constant 16 : i32
        %mul3A_339 = arith.muli %scan3A_106, %mul3A_338 : i32
        %add3A_340 = arith.constant 10 : i32
        %add3A_341 = arith.addi %mul3A_339, %add3A_340 : i32
        %get3A_342 = arith.index_cast %add3A_341 : i32 to index
        %get3A_343 = arith.constant 16 : index
        %get3A_344 = tpu.vector_load %arg7[%get3A_342, %get3A_343] {strides = array<i32>} : memref<128x128xf32, #tpu.memory_space<vmem>>, vector<1x16xf32>,
        %get3A_345 = vector.shape_cast %get3A_344 : vector<1x16xf32> to vector<16xf32>
        %max3A_346 = arith.maximumf %max3A_337, %get3A_345 : vector<16xf32>
        %mul3A_347 = arith.constant 16 : i32
        %mul3A_348 = arith.muli %scan3A_106, %mul3A_347 : i32
        %add3A_349 = arith.constant 11 : i32
        %add3A_350 = arith.addi %mul3A_348, %add3A_349 : i32
        %get3A_351 = arith.index_cast %add3A_350 : i32 to index
        %get3A_352 = arith.constant 16 : index
        %get3A_353 = tpu.vector_load %arg7[%get3A_351, %get3A_352] {strides = array<i32>} : memref<128x128xf32, #tpu.memory_space<vmem>>, vector<1x16xf32>,
        %get3A_354 = vector.shape_cast %get3A_353 : vector<1x16xf32> to vector<16xf32>
        %max3A_355 = arith.maximumf %max3A_346, %get3A_354 : vector<16xf32>
        %mul3A_356 = arith.constant 16 : i32
        %mul3A_357 = arith.muli %scan3A_106, %mul3A_356 : i32
        %add3A_358 = arith.constant 12 : i32
        %add3A_359 = arith.addi %mul3A_357, %add3A_358 : i32
        %get3A_360 = arith.index_cast %add3A_359 : i32 to index
        %get3A_361 = arith.constant 16 : index
        %get3A_362 = tpu.vector_load %arg7[%get3A_360, %get3A_361] {strides = array<i32>} : memref<128x128xf32, #tpu.memory_space<vmem>>, vector<1x16xf32>,
        %get3A_363 = vector.shape_cast %get3A_362 : vector<1x16xf32> to vector<16xf32>
        %max3A_364 = arith.maximumf %max3A_355, %get3A_363 : vector<16xf32>
        %mul3A_365 = arith.constant 16 : i32
        %mul3A_366 = arith.muli %scan3A_106, %mul3A_365 : i32
        %add3A_367 = arith.constant 13 : i32
        %add3A_368 = arith.addi %mul3A_366, %add3A_367 : i32
        %get3A_369 = arith.index_cast %add3A_368 : i32 to index
        %get3A_370 = arith.constant 16 : index
        %get3A_371 = tpu.vector_load %arg7[%get3A_369, %get3A_370] {strides = array<i32>} : memref<128x128xf32, #tpu.memory_space<vmem>>, vector<1x16xf32>,
        %get3A_372 = vector.shape_cast %get3A_371 : vector<1x16xf32> to vector<16xf32>
        %max3A_373 = arith.maximumf %max3A_364, %get3A_372 : vector<16xf32>
        %mul3A_374 = arith.constant 16 : i32
        %mul3A_375 = arith.muli %scan3A_106, %mul3A_374 : i32
        %add3A_376 = arith.constant 14 : i32
        %add3A_377 = arith.addi %mul3A_375, %add3A_376 : i32
        %get3A_378 = arith.index_cast %add3A_377 : i32 to index
        %get3A_379 = arith.constant 16 : index
        %get3A_380 = tpu.vector_load %arg7[%get3A_378, %get3A_379] {strides = array<i32>} : memref<128x128xf32, #tpu.memory_space<vmem>>, vector<1x16xf32>,
        %get3A_381 = vector.shape_cast %get3A_380 : vector<1x16xf32> to vector<16xf32>
        %max3A_382 = arith.maximumf %max3A_373, %get3A_381 : vector<16xf32>
        %mul3A_383 = arith.constant 16 : i32
        %mul3A_384 = arith.muli %scan3A_106, %mul3A_383 : i32
        %add3A_385 = arith.constant 15 : i32
        %add3A_386 = arith.addi %mul3A_384, %add3A_385 : i32
        %get3A_387 = arith.index_cast %add3A_386 : i32 to index
        %get3A_388 = arith.constant 16 : index
        %get3A_389 = tpu.vector_load %arg7[%get3A_387, %get3A_388] {strides = array<i32>} : memref<128x128xf32, #tpu.memory_space<vmem>>, vector<1x16xf32>,
        %get3A_390 = vector.shape_cast %get3A_389 : vector<1x16xf32> to vector<16xf32>
        %max3A_391 = arith.maximumf %max3A_382, %get3A_390 : vector<16xf32>
        %swap3A_392 = arith.index_cast %scan3A_106 : i32 to index
        %swap3A_393 = arith.constant 16 : index
        %swap3A_394 = tpu.vector_load %arg10[%swap3A_392, %swap3A_393] {strides = array<i32>} : memref<8x128xf32, #tpu.memory_space<vmem>>, vector<1x16xf32>,
        %swap3A_395 = vector.shape_cast %swap3A_394 : vector<1x16xf32> to vector<16xf32>
        %swap3A_396 = vector.shape_cast %max3A_391 : vector<16xf32> to vector<1x16xf32>
        tpu.vector_store %arg10[%swap3A_392, %swap3A_393], %swap3A_396 {strides = array<i32>} : memref<8x128xf32, #tpu.memory_space<vmem>>, vector<1x16xf32>,
        %mul3A_397 = arith.constant 16 : i32
        %mul3A_398 = arith.muli %scan3A_106, %mul3A_397 : i32
        %get3A_399 = arith.index_cast %mul3A_398 : i32 to index
        %get3A_400 = arith.constant 32 : index
        %get3A_401 = tpu.vector_load %arg7[%get3A_399, %get3A_400] {strides = array<i32>} : memref<128x128xf32, #tpu.memory_space<vmem>>, vector<1x16xf32>,
        %get3A_402 = vector.shape_cast %get3A_401 : vector<1x16xf32> to vector<16xf32>
        %mul3A_403 = arith.constant 16 : i32
        %mul3A_404 = arith.muli %scan3A_106, %mul3A_403 : i32
        %add3A_405 = arith.constant 1 : i32
        %add3A_406 = arith.addi %mul3A_404, %add3A_405 : i32
        %get3A_407 = arith.index_cast %add3A_406 : i32 to index
        %get3A_408 = arith.constant 32 : index
        %get3A_409 = tpu.vector_load %arg7[%get3A_407, %get3A_408] {strides = array<i32>} : memref<128x128xf32, #tpu.memory_space<vmem>>, vector<1x16xf32>,
        %get3A_410 = vector.shape_cast %get3A_409 : vector<1x16xf32> to vector<16xf32>
        %max3A_411 = arith.maximumf %get3A_402, %get3A_410 : vector<16xf32>
        %mul3A_412 = arith.constant 16 : i32
        %mul3A_413 = arith.muli %scan3A_106, %mul3A_412 : i32
        %add3A_414 = arith.constant 2 : i32
        %add3A_415 = arith.addi %mul3A_413, %add3A_414 : i32
        %get3A_416 = arith.index_cast %add3A_415 : i32 to index
        %get3A_417 = arith.constant 32 : index
        %get3A_418 = tpu.vector_load %arg7[%get3A_416, %get3A_417] {strides = array<i32>} : memref<128x128xf32, #tpu.memory_space<vmem>>, vector<1x16xf32>,
        %get3A_419 = vector.shape_cast %get3A_418 : vector<1x16xf32> to vector<16xf32>
        %max3A_420 = arith.maximumf %max3A_411, %get3A_419 : vector<16xf32>
        %mul3A_421 = arith.constant 16 : i32
        %mul3A_422 = arith.muli %scan3A_106, %mul3A_421 : i32
        %add3A_423 = arith.constant 3 : i32
        %add3A_424 = arith.addi %mul3A_422, %add3A_423 : i32
        %get3A_425 = arith.index_cast %add3A_424 : i32 to index
        %get3A_426 = arith.constant 32 : index
        %get3A_427 = tpu.vector_load %arg7[%get3A_425, %get3A_426] {strides = array<i32>} : memref<128x128xf32, #tpu.memory_space<vmem>>, vector<1x16xf32>,
        %get3A_428 = vector.shape_cast %get3A_427 : vector<1x16xf32> to vector<16xf32>
        %max3A_429 = arith.maximumf %max3A_420, %get3A_428 : vector<16xf32>
        %mul3A_430 = arith.constant 16 : i32
        %mul3A_431 = arith.muli %scan3A_106, %mul3A_430 : i32
        %add3A_432 = arith.constant 4 : i32
        %add3A_433 = arith.addi %mul3A_431, %add3A_432 : i32
        %get3A_434 = arith.index_cast %add3A_433 : i32 to index
        %get3A_435 = arith.constant 32 : index
        %get3A_436 = tpu.vector_load %arg7[%get3A_434, %get3A_435] {strides = array<i32>} : memref<128x128xf32, #tpu.memory_space<vmem>>, vector<1x16xf32>,
        %get3A_437 = vector.shape_cast %get3A_436 : vector<1x16xf32> to vector<16xf32>
        %max3A_438 = arith.maximumf %max3A_429, %get3A_437 : vector<16xf32>
        %mul3A_439 = arith.constant 16 : i32
        %mul3A_440 = arith.muli %scan3A_106, %mul3A_439 : i32
        %add3A_441 = arith.constant 5 : i32
        %add3A_442 = arith.addi %mul3A_440, %add3A_441 : i32
        %get3A_443 = arith.index_cast %add3A_442 : i32 to index
        %get3A_444 = arith.constant 32 : index
        %get3A_445 = tpu.vector_load %arg7[%get3A_443, %get3A_444] {strides = array<i32>} : memref<128x128xf32, #tpu.memory_space<vmem>>, vector<1x16xf32>,
        %get3A_446 = vector.shape_cast %get3A_445 : vector<1x16xf32> to vector<16xf32>
        %max3A_447 = arith.maximumf %max3A_438, %get3A_446 : vector<16xf32>
        %mul3A_448 = arith.constant 16 : i32
        %mul3A_449 = arith.muli %scan3A_106, %mul3A_448 : i32
        %add3A_450 = arith.constant 6 : i32
        %add3A_451 = arith.addi %mul3A_449, %add3A_450 : i32
        %get3A_452 = arith.index_cast %add3A_451 : i32 to index
        %get3A_453 = arith.constant 32 : index
        %get3A_454 = tpu.vector_load %arg7[%get3A_452, %get3A_453] {strides = array<i32>} : memref<128x128xf32, #tpu.memory_space<vmem>>, vector<1x16xf32>,
        %get3A_455 = vector.shape_cast %get3A_454 : vector<1x16xf32> to vector<16xf32>
        %max3A_456 = arith.maximumf %max3A_447, %get3A_455 : vector<16xf32>
        %mul3A_457 = arith.constant 16 : i32
        %mul3A_458 = arith.muli %scan3A_106, %mul3A_457 : i32
        %add3A_459 = arith.constant 7 : i32
        %add3A_460 = arith.addi %mul3A_458, %add3A_459 : i32
        %get3A_461 = arith.index_cast %add3A_460 : i32 to index
        %get3A_462 = arith.constant 32 : index
        %get3A_463 = tpu.vector_load %arg7[%get3A_461, %get3A_462] {strides = array<i32>} : memref<128x128xf32, #tpu.memory_space<vmem>>, vector<1x16xf32>,
        %get3A_464 = vector.shape_cast %get3A_463 : vector<1x16xf32> to vector<16xf32>
        %max3A_465 = arith.maximumf %max3A_456, %get3A_464 : vector<16xf32>
        %mul3A_466 = arith.constant 16 : i32
        %mul3A_467 = arith.muli %scan3A_106, %mul3A_466 : i32
        %add3A_468 = arith.constant 8 : i32
        %add3A_469 = arith.addi %mul3A_467, %add3A_468 : i32
        %get3A_470 = arith.index_cast %add3A_469 : i32 to index
        %get3A_471 = arith.constant 32 : index
        %get3A_472 = tpu.vector_load %arg7[%get3A_470, %get3A_471] {strides = array<i32>} : memref<128x128xf32, #tpu.memory_space<vmem>>, vector<1x16xf32>,
        %get3A_473 = vector.shape_cast %get3A_472 : vector<1x16xf32> to vector<16xf32>
        %max3A_474 = arith.maximumf %max3A_465, %get3A_473 : vector<16xf32>
        %mul3A_475 = arith.constant 16 : i32
        %mul3A_476 = arith.muli %scan3A_106, %mul3A_475 : i32
        %add3A_477 = arith.constant 9 : i32
        %add3A_478 = arith.addi %mul3A_476, %add3A_477 : i32
        %get3A_479 = arith.index_cast %add3A_478 : i32 to index
        %get3A_480 = arith.constant 32 : index
        %get3A_481 = tpu.vector_load %arg7[%get3A_479, %get3A_480] {strides = array<i32>} : memref<128x128xf32, #tpu.memory_space<vmem>>, vector<1x16xf32>,
        %get3A_482 = vector.shape_cast %get3A_481 : vector<1x16xf32> to vector<16xf32>
        %max3A_483 = arith.maximumf %max3A_474, %get3A_482 : vector<16xf32>
        %mul3A_484 = arith.constant 16 : i32
        %mul3A_485 = arith.muli %scan3A_106, %mul3A_484 : i32
        %add3A_486 = arith.constant 10 : i32
        %add3A_487 = arith.addi %mul3A_485, %add3A_486 : i32
        %get3A_488 = arith.index_cast %add3A_487 : i32 to index
        %get3A_489 = arith.constant 32 : index
        %get3A_490 = tpu.vector_load %arg7[%get3A_488, %get3A_489] {strides = array<i32>} : memref<128x128xf32, #tpu.memory_space<vmem>>, vector<1x16xf32>,
        %get3A_491 = vector.shape_cast %get3A_490 : vector<1x16xf32> to vector<16xf32>
        %max3A_492 = arith.maximumf %max3A_483, %get3A_491 : vector<16xf32>
        %mul3A_493 = arith.constant 16 : i32
        %mul3A_494 = arith.muli %scan3A_106, %mul3A_493 : i32
        %add3A_495 = arith.constant 11 : i32
        %add3A_496 = arith.addi %mul3A_494, %add3A_495 : i32
        %get3A_497 = arith.index_cast %add3A_496 : i32 to index
        %get3A_498 = arith.constant 32 : index
        %get3A_499 = tpu.vector_load %arg7[%get3A_497, %get3A_498] {strides = array<i32>} : memref<128x128xf32, #tpu.memory_space<vmem>>, vector<1x16xf32>,
        %get3A_500 = vector.shape_cast %get3A_499 : vector<1x16xf32> to vector<16xf32>
        %max3A_501 = arith.maximumf %max3A_492, %get3A_500 : vector<16xf32>
        %mul3A_502 = arith.constant 16 : i32
        %mul3A_503 = arith.muli %scan3A_106, %mul3A_502 : i32
        %add3A_504 = arith.constant 12 : i32
        %add3A_505 = arith.addi %mul3A_503, %add3A_504 : i32
        %get3A_506 = arith.index_cast %add3A_505 : i32 to index
        %get3A_507 = arith.constant 32 : index
        %get3A_508 = tpu.vector_load %arg7[%get3A_506, %get3A_507] {strides = array<i32>} : memref<128x128xf32, #tpu.memory_space<vmem>>, vector<1x16xf32>,
        %get3A_509 = vector.shape_cast %get3A_508 : vector<1x16xf32> to vector<16xf32>
        %max3A_510 = arith.maximumf %max3A_501, %get3A_509 : vector<16xf32>
        %mul3A_511 = arith.constant 16 : i32
        %mul3A_512 = arith.muli %scan3A_106, %mul3A_511 : i32
        %add3A_513 = arith.constant 13 : i32
        %add3A_514 = arith.addi %mul3A_512, %add3A_513 : i32
        %get3A_515 = arith.index_cast %add3A_514 : i32 to index
        %get3A_516 = arith.constant 32 : index
        %get3A_517 = tpu.vector_load %arg7[%get3A_515, %get3A_516] {strides = array<i32>} : memref<128x128xf32, #tpu.memory_space<vmem>>, vector<1x16xf32>,
        %get3A_518 = vector.shape_cast %get3A_517 : vector<1x16xf32> to vector<16xf32>
        %max3A_519 = arith.maximumf %max3A_510, %get3A_518 : vector<16xf32>
        %mul3A_520 = arith.constant 16 : i32
        %mul3A_521 = arith.muli %scan3A_106, %mul3A_520 : i32
        %add3A_522 = arith.constant 14 : i32
        %add3A_523 = arith.addi %mul3A_521, %add3A_522 : i32
        %get3A_524 = arith.index_cast %add3A_523 : i32 to index
        %get3A_525 = arith.constant 32 : index
        %get3A_526 = tpu.vector_load %arg7[%get3A_524, %get3A_525] {strides = array<i32>} : memref<128x128xf32, #tpu.memory_space<vmem>>, vector<1x16xf32>,
        %get3A_527 = vector.shape_cast %get3A_526 : vector<1x16xf32> to vector<16xf32>
        %max3A_528 = arith.maximumf %max3A_519, %get3A_527 : vector<16xf32>
        %mul3A_529 = arith.constant 16 : i32
        %mul3A_530 = arith.muli %scan3A_106, %mul3A_529 : i32
        %add3A_531 = arith.constant 15 : i32
        %add3A_532 = arith.addi %mul3A_530, %add3A_531 : i32
        %get3A_533 = arith.index_cast %add3A_532 : i32 to index
        %get3A_534 = arith.constant 32 : index
        %get3A_535 = tpu.vector_load %arg7[%get3A_533, %get3A_534] {strides = array<i32>} : memref<128x128xf32, #tpu.memory_space<vmem>>, vector<1x16xf32>,
        %get3A_536 = vector.shape_cast %get3A_535 : vector<1x16xf32> to vector<16xf32>
        %max3A_537 = arith.maximumf %max3A_528, %get3A_536 : vector<16xf32>
        %swap3A_538 = arith.index_cast %scan3A_106 : i32 to index
        %swap3A_539 = arith.constant 32 : index
        %swap3A_540 = tpu.vector_load %arg10[%swap3A_538, %swap3A_539] {strides = array<i32>} : memref<8x128xf32, #tpu.memory_space<vmem>>, vector<1x16xf32>,
        %swap3A_541 = vector.shape_cast %swap3A_540 : vector<1x16xf32> to vector<16xf32>
        %swap3A_542 = vector.shape_cast %max3A_537 : vector<16xf32> to vector<1x16xf32>
        tpu.vector_store %arg10[%swap3A_538, %swap3A_539], %swap3A_542 {strides = array<i32>} : memref<8x128xf32, #tpu.memory_space<vmem>>, vector<1x16xf32>,
        %mul3A_543 = arith.constant 16 : i32
        %mul3A_544 = arith.muli %scan3A_106, %mul3A_543 : i32
        %get3A_545 = arith.index_cast %mul3A_544 : i32 to index
        %get3A_546 = arith.constant 48 : index
        %get3A_547 = tpu.vector_load %arg7[%get3A_545, %get3A_546] {strides = array<i32>} : memref<128x128xf32, #tpu.memory_space<vmem>>, vector<1x16xf32>,
        %get3A_548 = vector.shape_cast %get3A_547 : vector<1x16xf32> to vector<16xf32>
        %mul3A_549 = arith.constant 16 : i32
        %mul3A_550 = arith.muli %scan3A_106, %mul3A_549 : i32
        %add3A_551 = arith.constant 1 : i32
        %add3A_552 = arith.addi %mul3A_550, %add3A_551 : i32
        %get3A_553 = arith.index_cast %add3A_552 : i32 to index
        %get3A_554 = arith.constant 48 : index
        %get3A_555 = tpu.vector_load %arg7[%get3A_553, %get3A_554] {strides = array<i32>} : memref<128x128xf32, #tpu.memory_space<vmem>>, vector<1x16xf32>,
        %get3A_556 = vector.shape_cast %get3A_555 : vector<1x16xf32> to vector<16xf32>
        %max3A_557 = arith.maximumf %get3A_548, %get3A_556 : vector<16xf32>
        %mul3A_558 = arith.constant 16 : i32
        %mul3A_559 = arith.muli %scan3A_106, %mul3A_558 : i32
        %add3A_560 = arith.constant 2 : i32
        %add3A_561 = arith.addi %mul3A_559, %add3A_560 : i32
        %get3A_562 = arith.index_cast %add3A_561 : i32 to index
        %get3A_563 = arith.constant 48 : index
        %get3A_564 = tpu.vector_load %arg7[%get3A_562, %get3A_563] {strides = array<i32>} : memref<128x128xf32, #tpu.memory_space<vmem>>, vector<1x16xf32>,
        %get3A_565 = vector.shape_cast %get3A_564 : vector<1x16xf32> to vector<16xf32>
        %max3A_566 = arith.maximumf %max3A_557, %get3A_565 : vector<16xf32>
        %mul3A_567 = arith.constant 16 : i32
        %mul3A_568 = arith.muli %scan3A_106, %mul3A_567 : i32
        %add3A_569 = arith.constant 3 : i32
        %add3A_570 = arith.addi %mul3A_568, %add3A_569 : i32
        %get3A_571 = arith.index_cast %add3A_570 : i32 to index
        %get3A_572 = arith.constant 48 : index
        %get3A_573 = tpu.vector_load %arg7[%get3A_571, %get3A_572] {strides = array<i32>} : memref<128x128xf32, #tpu.memory_space<vmem>>, vector<1x16xf32>,
        %get3A_574 = vector.shape_cast %get3A_573 : vector<1x16xf32> to vector<16xf32>
        %max3A_575 = arith.maximumf %max3A_566, %get3A_574 : vector<16xf32>
        %mul3A_576 = arith.constant 16 : i32
        %mul3A_577 = arith.muli %scan3A_106, %mul3A_576 : i32
        %add3A_578 = arith.constant 4 : i32
        %add3A_579 = arith.addi %mul3A_577, %add3A_578 : i32
        %get3A_580 = arith.index_cast %add3A_579 : i32 to index
        %get3A_581 = arith.constant 48 : index
        %get3A_582 = tpu.vector_load %arg7[%get3A_580, %get3A_581] {strides = array<i32>} : memref<128x128xf32, #tpu.memory_space<vmem>>, vector<1x16xf32>,
        %get3A_583 = vector.shape_cast %get3A_582 : vector<1x16xf32> to vector<16xf32>
        %max3A_584 = arith.maximumf %max3A_575, %get3A_583 : vector<16xf32>
        %mul3A_585 = arith.constant 16 : i32
        %mul3A_586 = arith.muli %scan3A_106, %mul3A_585 : i32
        %add3A_587 = arith.constant 5 : i32
        %add3A_588 = arith.addi %mul3A_586, %add3A_587 : i32
        %get3A_589 = arith.index_cast %add3A_588 : i32 to index
        %get3A_590 = arith.constant 48 : index
        %get3A_591 = tpu.vector_load %arg7[%get3A_589, %get3A_590] {strides = array<i32>} : memref<128x128xf32, #tpu.memory_space<vmem>>, vector<1x16xf32>,
        %get3A_592 = vector.shape_cast %get3A_591 : vector<1x16xf32> to vector<16xf32>
        %max3A_593 = arith.maximumf %max3A_584, %get3A_592 : vector<16xf32>
        %mul3A_594 = arith.constant 16 : i32
        %mul3A_595 = arith.muli %scan3A_106, %mul3A_594 : i32
        %add3A_596 = arith.constant 6 : i32
        %add3A_597 = arith.addi %mul3A_595, %add3A_596 : i32
        %get3A_598 = arith.index_cast %add3A_597 : i32 to index
        %get3A_599 = arith.constant 48 : index
        %get3A_600 = tpu.vector_load %arg7[%get3A_598, %get3A_599] {strides = array<i32>} : memref<128x128xf32, #tpu.memory_space<vmem>>, vector<1x16xf32>,
        %get3A_601 = vector.shape_cast %get3A_600 : vector<1x16xf32> to vector<16xf32>
        %max3A_602 = arith.maximumf %max3A_593, %get3A_601 : vector<16xf32>
        %mul3A_603 = arith.constant 16 : i32
        %mul3A_604 = arith.muli %scan3A_106, %mul3A_603 : i32
        %add3A_605 = arith.constant 7 : i32
        %add3A_606 = arith.addi %mul3A_604, %add3A_605 : i32
        %get3A_607 = arith.index_cast %add3A_606 : i32 to index
        %get3A_608 = arith.constant 48 : index
        %get3A_609 = tpu.vector_load %arg7[%get3A_607, %get3A_608] {strides = array<i32>} : memref<128x128xf32, #tpu.memory_space<vmem>>, vector<1x16xf32>,
        %get3A_610 = vector.shape_cast %get3A_609 : vector<1x16xf32> to vector<16xf32>
        %max3A_611 = arith.maximumf %max3A_602, %get3A_610 : vector<16xf32>
        %mul3A_612 = arith.constant 16 : i32
        %mul3A_613 = arith.muli %scan3A_106, %mul3A_612 : i32
        %add3A_614 = arith.constant 8 : i32
        %add3A_615 = arith.addi %mul3A_613, %add3A_614 : i32
        %get3A_616 = arith.index_cast %add3A_615 : i32 to index
        %get3A_617 = arith.constant 48 : index
        %get3A_618 = tpu.vector_load %arg7[%get3A_616, %get3A_617] {strides = array<i32>} : memref<128x128xf32, #tpu.memory_space<vmem>>, vector<1x16xf32>,
        %get3A_619 = vector.shape_cast %get3A_618 : vector<1x16xf32> to vector<16xf32>
        %max3A_620 = arith.maximumf %max3A_611, %get3A_619 : vector<16xf32>
        %mul3A_621 = arith.constant 16 : i32
        %mul3A_622 = arith.muli %scan3A_106, %mul3A_621 : i32
        %add3A_623 = arith.constant 9 : i32
        %add3A_624 = arith.addi %mul3A_622, %add3A_623 : i32
        %get3A_625 = arith.index_cast %add3A_624 : i32 to index
        %get3A_626 = arith.constant 48 : index
        %get3A_627 = tpu.vector_load %arg7[%get3A_625, %get3A_626] {strides = array<i32>} : memref<128x128xf32, #tpu.memory_space<vmem>>, vector<1x16xf32>,
        %get3A_628 = vector.shape_cast %get3A_627 : vector<1x16xf32> to vector<16xf32>
        %max3A_629 = arith.maximumf %max3A_620, %get3A_628 : vector<16xf32>
        %mul3A_630 = arith.constant 16 : i32
        %mul3A_631 = arith.muli %scan3A_106, %mul3A_630 : i32
        %add3A_632 = arith.constant 10 : i32
        %add3A_633 = arith.addi %mul3A_631, %add3A_632 : i32
        %get3A_634 = arith.index_cast %add3A_633 : i32 to index
        %get3A_635 = arith.constant 48 : index
        %get3A_636 = tpu.vector_load %arg7[%get3A_634, %get3A_635] {strides = array<i32>} : memref<128x128xf32, #tpu.memory_space<vmem>>, vector<1x16xf32>,
        %get3A_637 = vector.shape_cast %get3A_636 : vector<1x16xf32> to vector<16xf32>
        %max3A_638 = arith.maximumf %max3A_629, %get3A_637 : vector<16xf32>
        %mul3A_639 = arith.constant 16 : i32
        %mul3A_640 = arith.muli %scan3A_106, %mul3A_639 : i32
        %add3A_641 = arith.constant 11 : i32
        %add3A_642 = arith.addi %mul3A_640, %add3A_641 : i32
        %get3A_643 = arith.index_cast %add3A_642 : i32 to index
        %get3A_644 = arith.constant 48 : index
        %get3A_645 = tpu.vector_load %arg7[%get3A_643, %get3A_644] {strides = array<i32>} : memref<128x128xf32, #tpu.memory_space<vmem>>, vector<1x16xf32>,
        %get3A_646 = vector.shape_cast %get3A_645 : vector<1x16xf32> to vector<16xf32>
        %max3A_647 = arith.maximumf %max3A_638, %get3A_646 : vector<16xf32>
        %mul3A_648 = arith.constant 16 : i32
        %mul3A_649 = arith.muli %scan3A_106, %mul3A_648 : i32
        %add3A_650 = arith.constant 12 : i32
        %add3A_651 = arith.addi %mul3A_649, %add3A_650 : i32
        %get3A_652 = arith.index_cast %add3A_651 : i32 to index
        %get3A_653 = arith.constant 48 : index
        %get3A_654 = tpu.vector_load %arg7[%get3A_652, %get3A_653] {strides = array<i32>} : memref<128x128xf32, #tpu.memory_space<vmem>>, vector<1x16xf32>,
        %get3A_655 = vector.shape_cast %get3A_654 : vector<1x16xf32> to vector<16xf32>
        %max3A_656 = arith.maximumf %max3A_647, %get3A_655 : vector<16xf32>
        %mul3A_657 = arith.constant 16 : i32
        %mul3A_658 = arith.muli %scan3A_106, %mul3A_657 : i32
        %add3A_659 = arith.constant 13 : i32
        %add3A_660 = arith.addi %mul3A_658, %add3A_659 : i32
        %get3A_661 = arith.index_cast %add3A_660 : i32 to index
        %get3A_662 = arith.constant 48 : index
        %get3A_663 = tpu.vector_load %arg7[%get3A_661, %get3A_662] {strides = array<i32>} : memref<128x128xf32, #tpu.memory_space<vmem>>, vector<1x16xf32>,
        %get3A_664 = vector.shape_cast %get3A_663 : vector<1x16xf32> to vector<16xf32>
        %max3A_665 = arith.maximumf %max3A_656, %get3A_664 : vector<16xf32>
        %mul3A_666 = arith.constant 16 : i32
        %mul3A_667 = arith.muli %scan3A_106, %mul3A_666 : i32
        %add3A_668 = arith.constant 14 : i32
        %add3A_669 = arith.addi %mul3A_667, %add3A_668 : i32
        %get3A_670 = arith.index_cast %add3A_669 : i32 to index
        %get3A_671 = arith.constant 48 : index
        %get3A_672 = tpu.vector_load %arg7[%get3A_670, %get3A_671] {strides = array<i32>} : memref<128x128xf32, #tpu.memory_space<vmem>>, vector<1x16xf32>,
        %get3A_673 = vector.shape_cast %get3A_672 : vector<1x16xf32> to vector<16xf32>
        %max3A_674 = arith.maximumf %max3A_665, %get3A_673 : vector<16xf32>
        %mul3A_675 = arith.constant 16 : i32
        %mul3A_676 = arith.muli %scan3A_106, %mul3A_675 : i32
        %add3A_677 = arith.constant 15 : i32
        %add3A_678 = arith.addi %mul3A_676, %add3A_677 : i32
        %get3A_679 = arith.index_cast %add3A_678 : i32 to index
        %get3A_680 = arith.constant 48 : index
        %get3A_681 = tpu.vector_load %arg7[%get3A_679, %get3A_680] {strides = array<i32>} : memref<128x128xf32, #tpu.memory_space<vmem>>, vector<1x16xf32>,
        %get3A_682 = vector.shape_cast %get3A_681 : vector<1x16xf32> to vector<16xf32>
        %max3A_683 = arith.maximumf %max3A_674, %get3A_682 : vector<16xf32>
        %swap3A_684 = arith.index_cast %scan3A_106 : i32 to index
        %swap3A_685 = arith.constant 48 : index
        %swap3A_686 = tpu.vector_load %arg10[%swap3A_684, %swap3A_685] {strides = array<i32>} : memref<8x128xf32, #tpu.memory_space<vmem>>, vector<1x16xf32>,
        %swap3A_687 = vector.shape_cast %swap3A_686 : vector<1x16xf32> to vector<16xf32>
        %swap3A_688 = vector.shape_cast %max3A_683 : vector<16xf32> to vector<1x16xf32>
        tpu.vector_store %arg10[%swap3A_684, %swap3A_685], %swap3A_688 {strides = array<i32>} : memref<8x128xf32, #tpu.memory_space<vmem>>, vector<1x16xf32>,
        %mul3A_689 = arith.constant 16 : i32
        %mul3A_690 = arith.muli %scan3A_106, %mul3A_689 : i32
        %get3A_691 = arith.index_cast %mul3A_690 : i32 to index
        %get3A_692 = arith.constant 64 : index
        %get3A_693 = tpu.vector_load %arg7[%get3A_691, %get3A_692] {strides = array<i32>} : memref<128x128xf32, #tpu.memory_space<vmem>>, vector<1x16xf32>,
        %get3A_694 = vector.shape_cast %get3A_693 : vector<1x16xf32> to vector<16xf32>
        %mul3A_695 = arith.constant 16 : i32
        %mul3A_696 = arith.muli %scan3A_106, %mul3A_695 : i32
        %add3A_697 = arith.constant 1 : i32
        %add3A_698 = arith.addi %mul3A_696, %add3A_697 : i32
        %get3A_699 = arith.index_cast %add3A_698 : i32 to index
        %get3A_700 = arith.constant 64 : index
        %get3A_701 = tpu.vector_load %arg7[%get3A_699, %get3A_700] {strides = array<i32>} : memref<128x128xf32, #tpu.memory_space<vmem>>, vector<1x16xf32>,
        %get3A_702 = vector.shape_cast %get3A_701 : vector<1x16xf32> to vector<16xf32>
        %max3A_703 = arith.maximumf %get3A_694, %get3A_702 : vector<16xf32>
        %mul3A_704 = arith.constant 16 : i32
        %mul3A_705 = arith.muli %scan3A_106, %mul3A_704 : i32
        %add3A_706 = arith.constant 2 : i32
        %add3A_707 = arith.addi %mul3A_705, %add3A_706 : i32
        %get3A_708 = arith.index_cast %add3A_707 : i32 to index
        %get3A_709 = arith.constant 64 : index
        %get3A_710 = tpu.vector_load %arg7[%get3A_708, %get3A_709] {strides = array<i32>} : memref<128x128xf32, #tpu.memory_space<vmem>>, vector<1x16xf32>,
        %get3A_711 = vector.shape_cast %get3A_710 : vector<1x16xf32> to vector<16xf32>
        %max3A_712 = arith.maximumf %max3A_703, %get3A_711 : vector<16xf32>
        %mul3A_713 = arith.constant 16 : i32
        %mul3A_714 = arith.muli %scan3A_106, %mul3A_713 : i32
        %add3A_715 = arith.constant 3 : i32
        %add3A_716 = arith.addi %mul3A_714, %add3A_715 : i32
        %get3A_717 = arith.index_cast %add3A_716 : i32 to index
        %get3A_718 = arith.constant 64 : index
        %get3A_719 = tpu.vector_load %arg7[%get3A_717, %get3A_718] {strides = array<i32>} : memref<128x128xf32, #tpu.memory_space<vmem>>, vector<1x16xf32>,
        %get3A_720 = vector.shape_cast %get3A_719 : vector<1x16xf32> to vector<16xf32>
        %max3A_721 = arith.maximumf %max3A_712, %get3A_720 : vector<16xf32>
        %mul3A_722 = arith.constant 16 : i32
        %mul3A_723 = arith.muli %scan3A_106, %mul3A_722 : i32
        %add3A_724 = arith.constant 4 : i32
        %add3A_725 = arith.addi %mul3A_723, %add3A_724 : i32
        %get3A_726 = arith.index_cast %add3A_725 : i32 to index
        %get3A_727 = arith.constant 64 : index
        %get3A_728 = tpu.vector_load %arg7[%get3A_726, %get3A_727] {strides = array<i32>} : memref<128x128xf32, #tpu.memory_space<vmem>>, vector<1x16xf32>,
        %get3A_729 = vector.shape_cast %get3A_728 : vector<1x16xf32> to vector<16xf32>
        %max3A_730 = arith.maximumf %max3A_721, %get3A_729 : vector<16xf32>
        %mul3A_731 = arith.constant 16 : i32
        %mul3A_732 = arith.muli %scan3A_106, %mul3A_731 : i32
        %add3A_733 = arith.constant 5 : i32
        %add3A_734 = arith.addi %mul3A_732, %add3A_733 : i32
        %get3A_735 = arith.index_cast %add3A_734 : i32 to index
        %get3A_736 = arith.constant 64 : index
        %get3A_737 = tpu.vector_load %arg7[%get3A_735, %get3A_736] {strides = array<i32>} : memref<128x128xf32, #tpu.memory_space<vmem>>, vector<1x16xf32>,
        %get3A_738 = vector.shape_cast %get3A_737 : vector<1x16xf32> to vector<16xf32>
        %max3A_739 = arith.maximumf %max3A_730, %get3A_738 : vector<16xf32>
        %mul3A_740 = arith.constant 16 : i32
        %mul3A_741 = arith.muli %scan3A_106, %mul3A_740 : i32
        %add3A_742 = arith.constant 6 : i32
        %add3A_743 = arith.addi %mul3A_741, %add3A_742 : i32
        %get3A_744 = arith.index_cast %add3A_743 : i32 to index
        %get3A_745 = arith.constant 64 : index
        %get3A_746 = tpu.vector_load %arg7[%get3A_744, %get3A_745] {strides = array<i32>} : memref<128x128xf32, #tpu.memory_space<vmem>>, vector<1x16xf32>,
        %get3A_747 = vector.shape_cast %get3A_746 : vector<1x16xf32> to vector<16xf32>
        %max3A_748 = arith.maximumf %max3A_739, %get3A_747 : vector<16xf32>
        %mul3A_749 = arith.constant 16 : i32
        %mul3A_750 = arith.muli %scan3A_106, %mul3A_749 : i32
        %add3A_751 = arith.constant 7 : i32
        %add3A_752 = arith.addi %mul3A_750, %add3A_751 : i32
        %get3A_753 = arith.index_cast %add3A_752 : i32 to index
        %get3A_754 = arith.constant 64 : index
        %get3A_755 = tpu.vector_load %arg7[%get3A_753, %get3A_754] {strides = array<i32>} : memref<128x128xf32, #tpu.memory_space<vmem>>, vector<1x16xf32>,
        %get3A_756 = vector.shape_cast %get3A_755 : vector<1x16xf32> to vector<16xf32>
        %max3A_757 = arith.maximumf %max3A_748, %get3A_756 : vector<16xf32>
        %mul3A_758 = arith.constant 16 : i32
        %mul3A_759 = arith.muli %scan3A_106, %mul3A_758 : i32
        %add3A_760 = arith.constant 8 : i32
        %add3A_761 = arith.addi %mul3A_759, %add3A_760 : i32
        %get3A_762 = arith.index_cast %add3A_761 : i32 to index
        %get3A_763 = arith.constant 64 : index
        %get3A_764 = tpu.vector_load %arg7[%get3A_762, %get3A_763] {strides = array<i32>} : memref<128x128xf32, #tpu.memory_space<vmem>>, vector<1x16xf32>,
        %get3A_765 = vector.shape_cast %get3A_764 : vector<1x16xf32> to vector<16xf32>
        %max3A_766 = arith.maximumf %max3A_757, %get3A_765 : vector<16xf32>
        %mul3A_767 = arith.constant 16 : i32
        %mul3A_768 = arith.muli %scan3A_106, %mul3A_767 : i32
        %add3A_769 = arith.constant 9 : i32
        %add3A_770 = arith.addi %mul3A_768, %add3A_769 : i32
        %get3A_771 = arith.index_cast %add3A_770 : i32 to index
        %get3A_772 = arith.constant 64 : index
        %get3A_773 = tpu.vector_load %arg7[%get3A_771, %get3A_772] {strides = array<i32>} : memref<128x128xf32, #tpu.memory_space<vmem>>, vector<1x16xf32>,
        %get3A_774 = vector.shape_cast %get3A_773 : vector<1x16xf32> to vector<16xf32>
        %max3A_775 = arith.maximumf %max3A_766, %get3A_774 : vector<16xf32>
        %mul3A_776 = arith.constant 16 : i32
        %mul3A_777 = arith.muli %scan3A_106, %mul3A_776 : i32
        %add3A_778 = arith.constant 10 : i32
        %add3A_779 = arith.addi %mul3A_777, %add3A_778 : i32
        %get3A_780 = arith.index_cast %add3A_779 : i32 to index
        %get3A_781 = arith.constant 64 : index
        %get3A_782 = tpu.vector_load %arg7[%get3A_780, %get3A_781] {strides = array<i32>} : memref<128x128xf32, #tpu.memory_space<vmem>>, vector<1x16xf32>,
        %get3A_783 = vector.shape_cast %get3A_782 : vector<1x16xf32> to vector<16xf32>
        %max3A_784 = arith.maximumf %max3A_775, %get3A_783 : vector<16xf32>
        %mul3A_785 = arith.constant 16 : i32
        %mul3A_786 = arith.muli %scan3A_106, %mul3A_785 : i32
        %add3A_787 = arith.constant 11 : i32
        %add3A_788 = arith.addi %mul3A_786, %add3A_787 : i32
        %get3A_789 = arith.index_cast %add3A_788 : i32 to index
        %get3A_790 = arith.constant 64 : index
        %get3A_791 = tpu.vector_load %arg7[%get3A_789, %get3A_790] {strides = array<i32>} : memref<128x128xf32, #tpu.memory_space<vmem>>, vector<1x16xf32>,
        %get3A_792 = vector.shape_cast %get3A_791 : vector<1x16xf32> to vector<16xf32>
        %max3A_793 = arith.maximumf %max3A_784, %get3A_792 : vector<16xf32>
        %mul3A_794 = arith.constant 16 : i32
        %mul3A_795 = arith.muli %scan3A_106, %mul3A_794 : i32
        %add3A_796 = arith.constant 12 : i32
        %add3A_797 = arith.addi %mul3A_795, %add3A_796 : i32
        %get3A_798 = arith.index_cast %add3A_797 : i32 to index
        %get3A_799 = arith.constant 64 : index
        %get3A_800 = tpu.vector_load %arg7[%get3A_798, %get3A_799] {strides = array<i32>} : memref<128x128xf32, #tpu.memory_space<vmem>>, vector<1x16xf32>,
        %get3A_801 = vector.shape_cast %get3A_800 : vector<1x16xf32> to vector<16xf32>
        %max3A_802 = arith.maximumf %max3A_793, %get3A_801 : vector<16xf32>
        %mul3A_803 = arith.constant 16 : i32
        %mul3A_804 = arith.muli %scan3A_106, %mul3A_803 : i32
        %add3A_805 = arith.constant 13 : i32
        %add3A_806 = arith.addi %mul3A_804, %add3A_805 : i32
        %get3A_807 = arith.index_cast %add3A_806 : i32 to index
        %get3A_808 = arith.constant 64 : index
        %get3A_809 = tpu.vector_load %arg7[%get3A_807, %get3A_808] {strides = array<i32>} : memref<128x128xf32, #tpu.memory_space<vmem>>, vector<1x16xf32>,
        %get3A_810 = vector.shape_cast %get3A_809 : vector<1x16xf32> to vector<16xf32>
        %max3A_811 = arith.maximumf %max3A_802, %get3A_810 : vector<16xf32>
        %mul3A_812 = arith.constant 16 : i32
        %mul3A_813 = arith.muli %scan3A_106, %mul3A_812 : i32
        %add3A_814 = arith.constant 14 : i32
        %add3A_815 = arith.addi %mul3A_813, %add3A_814 : i32
        %get3A_816 = arith.index_cast %add3A_815 : i32 to index
        %get3A_817 = arith.constant 64 : index
        %get3A_818 = tpu.vector_load %arg7[%get3A_816, %get3A_817] {strides = array<i32>} : memref<128x128xf32, #tpu.memory_space<vmem>>, vector<1x16xf32>,
        %get3A_819 = vector.shape_cast %get3A_818 : vector<1x16xf32> to vector<16xf32>
        %max3A_820 = arith.maximumf %max3A_811, %get3A_819 : vector<16xf32>
        %mul3A_821 = arith.constant 16 : i32
        %mul3A_822 = arith.muli %scan3A_106, %mul3A_821 : i32
        %add3A_823 = arith.constant 15 : i32
        %add3A_824 = arith.addi %mul3A_822, %add3A_823 : i32
        %get3A_825 = arith.index_cast %add3A_824 : i32 to index
        %get3A_826 = arith.constant 64 : index
        %get3A_827 = tpu.vector_load %arg7[%get3A_825, %get3A_826] {strides = array<i32>} : memref<128x128xf32, #tpu.memory_space<vmem>>, vector<1x16xf32>,
        %get3A_828 = vector.shape_cast %get3A_827 : vector<1x16xf32> to vector<16xf32>
        %max3A_829 = arith.maximumf %max3A_820, %get3A_828 : vector<16xf32>
        %swap3A_830 = arith.index_cast %scan3A_106 : i32 to index
        %swap3A_831 = arith.constant 64 : index
        %swap3A_832 = tpu.vector_load %arg10[%swap3A_830, %swap3A_831] {strides = array<i32>} : memref<8x128xf32, #tpu.memory_space<vmem>>, vector<1x16xf32>,
        %swap3A_833 = vector.shape_cast %swap3A_832 : vector<1x16xf32> to vector<16xf32>
        %swap3A_834 = vector.shape_cast %max3A_829 : vector<16xf32> to vector<1x16xf32>
        tpu.vector_store %arg10[%swap3A_830, %swap3A_831], %swap3A_834 {strides = array<i32>} : memref<8x128xf32, #tpu.memory_space<vmem>>, vector<1x16xf32>,
        %mul3A_835 = arith.constant 16 : i32
        %mul3A_836 = arith.muli %scan3A_106, %mul3A_835 : i32
        %get3A_837 = arith.index_cast %mul3A_836 : i32 to index
        %get3A_838 = arith.constant 80 : index
        %get3A_839 = tpu.vector_load %arg7[%get3A_837, %get3A_838] {strides = array<i32>} : memref<128x128xf32, #tpu.memory_space<vmem>>, vector<1x16xf32>,
        %get3A_840 = vector.shape_cast %get3A_839 : vector<1x16xf32> to vector<16xf32>
        %mul3A_841 = arith.constant 16 : i32
        %mul3A_842 = arith.muli %scan3A_106, %mul3A_841 : i32
        %add3A_843 = arith.constant 1 : i32
        %add3A_844 = arith.addi %mul3A_842, %add3A_843 : i32
        %get3A_845 = arith.index_cast %add3A_844 : i32 to index
        %get3A_846 = arith.constant 80 : index
        %get3A_847 = tpu.vector_load %arg7[%get3A_845, %get3A_846] {strides = array<i32>} : memref<128x128xf32, #tpu.memory_space<vmem>>, vector<1x16xf32>,
        %get3A_848 = vector.shape_cast %get3A_847 : vector<1x16xf32> to vector<16xf32>
        %max3A_849 = arith.maximumf %get3A_840, %get3A_848 : vector<16xf32>
        %mul3A_850 = arith.constant 16 : i32
        %mul3A_851 = arith.muli %scan3A_106, %mul3A_850 : i32
        %add3A_852 = arith.constant 2 : i32
        %add3A_853 = arith.addi %mul3A_851, %add3A_852 : i32
        %get3A_854 = arith.index_cast %add3A_853 : i32 to index
        %get3A_855 = arith.constant 80 : index
        %get3A_856 = tpu.vector_load %arg7[%get3A_854, %get3A_855] {strides = array<i32>} : memref<128x128xf32, #tpu.memory_space<vmem>>, vector<1x16xf32>,
        %get3A_857 = vector.shape_cast %get3A_856 : vector<1x16xf32> to vector<16xf32>
        %max3A_858 = arith.maximumf %max3A_849, %get3A_857 : vector<16xf32>
        %mul3A_859 = arith.constant 16 : i32
        %mul3A_860 = arith.muli %scan3A_106, %mul3A_859 : i32
        %add3A_861 = arith.constant 3 : i32
        %add3A_862 = arith.addi %mul3A_860, %add3A_861 : i32
        %get3A_863 = arith.index_cast %add3A_862 : i32 to index
        %get3A_864 = arith.constant 80 : index
        %get3A_865 = tpu.vector_load %arg7[%get3A_863, %get3A_864] {strides = array<i32>} : memref<128x128xf32, #tpu.memory_space<vmem>>, vector<1x16xf32>,
        %get3A_866 = vector.shape_cast %get3A_865 : vector<1x16xf32> to vector<16xf32>
        %max3A_867 = arith.maximumf %max3A_858, %get3A_866 : vector<16xf32>
        %mul3A_868 = arith.constant 16 : i32
        %mul3A_869 = arith.muli %scan3A_106, %mul3A_868 : i32
        %add3A_870 = arith.constant 4 : i32
        %add3A_871 = arith.addi %mul3A_869, %add3A_870 : i32
        %get3A_872 = arith.index_cast %add3A_871 : i32 to index
        %get3A_873 = arith.constant 80 : index
        %get3A_874 = tpu.vector_load %arg7[%get3A_872, %get3A_873] {strides = array<i32>} : memref<128x128xf32, #tpu.memory_space<vmem>>, vector<1x16xf32>,
        %get3A_875 = vector.shape_cast %get3A_874 : vector<1x16xf32> to vector<16xf32>
        %max3A_876 = arith.maximumf %max3A_867, %get3A_875 : vector<16xf32>
        %mul3A_877 = arith.constant 16 : i32
        %mul3A_878 = arith.muli %scan3A_106, %mul3A_877 : i32
        %add3A_879 = arith.constant 5 : i32
        %add3A_880 = arith.addi %mul3A_878, %add3A_879 : i32
        %get3A_881 = arith.index_cast %add3A_880 : i32 to index
        %get3A_882 = arith.constant 80 : index
        %get3A_883 = tpu.vector_load %arg7[%get3A_881, %get3A_882] {strides = array<i32>} : memref<128x128xf32, #tpu.memory_space<vmem>>, vector<1x16xf32>,
        %get3A_884 = vector.shape_cast %get3A_883 : vector<1x16xf32> to vector<16xf32>
        %max3A_885 = arith.maximumf %max3A_876, %get3A_884 : vector<16xf32>
        %mul3A_886 = arith.constant 16 : i32
        %mul3A_887 = arith.muli %scan3A_106, %mul3A_886 : i32
        %add3A_888 = arith.constant 6 : i32
        %add3A_889 = arith.addi %mul3A_887, %add3A_888 : i32
        %get3A_890 = arith.index_cast %add3A_889 : i32 to index
        %get3A_891 = arith.constant 80 : index
        %get3A_892 = tpu.vector_load %arg7[%get3A_890, %get3A_891] {strides = array<i32>} : memref<128x128xf32, #tpu.memory_space<vmem>>, vector<1x16xf32>,
        %get3A_893 = vector.shape_cast %get3A_892 : vector<1x16xf32> to vector<16xf32>
        %max3A_894 = arith.maximumf %max3A_885, %get3A_893 : vector<16xf32>
        %mul3A_895 = arith.constant 16 : i32
        %mul3A_896 = arith.muli %scan3A_106, %mul3A_895 : i32
        %add3A_897 = arith.constant 7 : i32
        %add3A_898 = arith.addi %mul3A_896, %add3A_897 : i32
        %get3A_899 = arith.index_cast %add3A_898 : i32 to index
        %get3A_900 = arith.constant 80 : index
        %get3A_901 = tpu.vector_load %arg7[%get3A_899, %get3A_900] {strides = array<i32>} : memref<128x128xf32, #tpu.memory_space<vmem>>, vector<1x16xf32>,
        %get3A_902 = vector.shape_cast %get3A_901 : vector<1x16xf32> to vector<16xf32>
        %max3A_903 = arith.maximumf %max3A_894, %get3A_902 : vector<16xf32>
        %mul3A_904 = arith.constant 16 : i32
        %mul3A_905 = arith.muli %scan3A_106, %mul3A_904 : i32
        %add3A_906 = arith.constant 8 : i32
        %add3A_907 = arith.addi %mul3A_905, %add3A_906 : i32
        %get3A_908 = arith.index_cast %add3A_907 : i32 to index
        %get3A_909 = arith.constant 80 : index
        %get3A_910 = tpu.vector_load %arg7[%get3A_908, %get3A_909] {strides = array<i32>} : memref<128x128xf32, #tpu.memory_space<vmem>>, vector<1x16xf32>,
        %get3A_911 = vector.shape_cast %get3A_910 : vector<1x16xf32> to vector<16xf32>
        %max3A_912 = arith.maximumf %max3A_903, %get3A_911 : vector<16xf32>
        %mul3A_913 = arith.constant 16 : i32
        %mul3A_914 = arith.muli %scan3A_106, %mul3A_913 : i32
        %add3A_915 = arith.constant 9 : i32
        %add3A_916 = arith.addi %mul3A_914, %add3A_915 : i32
        %get3A_917 = arith.index_cast %add3A_916 : i32 to index
        %get3A_918 = arith.constant 80 : index
        %get3A_919 = tpu.vector_load %arg7[%get3A_917, %get3A_918] {strides = array<i32>} : memref<128x128xf32, #tpu.memory_space<vmem>>, vector<1x16xf32>,
        %get3A_920 = vector.shape_cast %get3A_919 : vector<1x16xf32> to vector<16xf32>
        %max3A_921 = arith.maximumf %max3A_912, %get3A_920 : vector<16xf32>
        %mul3A_922 = arith.constant 16 : i32
        %mul3A_923 = arith.muli %scan3A_106, %mul3A_922 : i32
        %add3A_924 = arith.constant 10 : i32
        %add3A_925 = arith.addi %mul3A_923, %add3A_924 : i32
        %get3A_926 = arith.index_cast %add3A_925 : i32 to index
        %get3A_927 = arith.constant 80 : index
        %get3A_928 = tpu.vector_load %arg7[%get3A_926, %get3A_927] {strides = array<i32>} : memref<128x128xf32, #tpu.memory_space<vmem>>, vector<1x16xf32>,
        %get3A_929 = vector.shape_cast %get3A_928 : vector<1x16xf32> to vector<16xf32>
        %max3A_930 = arith.maximumf %max3A_921, %get3A_929 : vector<16xf32>
        %mul3A_931 = arith.constant 16 : i32
        %mul3A_932 = arith.muli %scan3A_106, %mul3A_931 : i32
        %add3A_933 = arith.constant 11 : i32
        %add3A_934 = arith.addi %mul3A_932, %add3A_933 : i32
        %get3A_935 = arith.index_cast %add3A_934 : i32 to index
        %get3A_936 = arith.constant 80 : index
        %get3A_937 = tpu.vector_load %arg7[%get3A_935, %get3A_936] {strides = array<i32>} : memref<128x128xf32, #tpu.memory_space<vmem>>, vector<1x16xf32>,
        %get3A_938 = vector.shape_cast %get3A_937 : vector<1x16xf32> to vector<16xf32>
        %max3A_939 = arith.maximumf %max3A_930, %get3A_938 : vector<16xf32>
        %mul3A_940 = arith.constant 16 : i32
        %mul3A_941 = arith.muli %scan3A_106, %mul3A_940 : i32
        %add3A_942 = arith.constant 12 : i32
        %add3A_943 = arith.addi %mul3A_941, %add3A_942 : i32
        %get3A_944 = arith.index_cast %add3A_943 : i32 to index
        %get3A_945 = arith.constant 80 : index
        %get3A_946 = tpu.vector_load %arg7[%get3A_944, %get3A_945] {strides = array<i32>} : memref<128x128xf32, #tpu.memory_space<vmem>>, vector<1x16xf32>,
        %get3A_947 = vector.shape_cast %get3A_946 : vector<1x16xf32> to vector<16xf32>
        %max3A_948 = arith.maximumf %max3A_939, %get3A_947 : vector<16xf32>
        %mul3A_949 = arith.constant 16 : i32
        %mul3A_950 = arith.muli %scan3A_106, %mul3A_949 : i32
        %add3A_951 = arith.constant 13 : i32
        %add3A_952 = arith.addi %mul3A_950, %add3A_951 : i32
        %get3A_953 = arith.index_cast %add3A_952 : i32 to index
        %get3A_954 = arith.constant 80 : index
        %get3A_955 = tpu.vector_load %arg7[%get3A_953, %get3A_954] {strides = array<i32>} : memref<128x128xf32, #tpu.memory_space<vmem>>, vector<1x16xf32>,
        %get3A_956 = vector.shape_cast %get3A_955 : vector<1x16xf32> to vector<16xf32>
        %max3A_957 = arith.maximumf %max3A_948, %get3A_956 : vector<16xf32>
        %mul3A_958 = arith.constant 16 : i32
        %mul3A_959 = arith.muli %scan3A_106, %mul3A_958 : i32
        %add3A_960 = arith.constant 14 : i32
        %add3A_961 = arith.addi %mul3A_959, %add3A_960 : i32
        %get3A_962 = arith.index_cast %add3A_961 : i32 to index
        %get3A_963 = arith.constant 80 : index
        %get3A_964 = tpu.vector_load %arg7[%get3A_962, %get3A_963] {strides = array<i32>} : memref<128x128xf32, #tpu.memory_space<vmem>>, vector<1x16xf32>,
        %get3A_965 = vector.shape_cast %get3A_964 : vector<1x16xf32> to vector<16xf32>
        %max3A_966 = arith.maximumf %max3A_957, %get3A_965 : vector<16xf32>
        %mul3A_967 = arith.constant 16 : i32
        %mul3A_968 = arith.muli %scan3A_106, %mul3A_967 : i32
        %add3A_969 = arith.constant 15 : i32
        %add3A_970 = arith.addi %mul3A_968, %add3A_969 : i32
        %get3A_971 = arith.index_cast %add3A_970 : i32 to index
        %get3A_972 = arith.constant 80 : index
        %get3A_973 = tpu.vector_load %arg7[%get3A_971, %get3A_972] {strides = array<i32>} : memref<128x128xf32, #tpu.memory_space<vmem>>, vector<1x16xf32>,
        %get3A_974 = vector.shape_cast %get3A_973 : vector<1x16xf32> to vector<16xf32>
        %max3A_975 = arith.maximumf %max3A_966, %get3A_974 : vector<16xf32>
        %swap3A_976 = arith.index_cast %scan3A_106 : i32 to index
        %swap3A_977 = arith.constant 80 : index
        %swap3A_978 = tpu.vector_load %arg10[%swap3A_976, %swap3A_977] {strides = array<i32>} : memref<8x128xf32, #tpu.memory_space<vmem>>, vector<1x16xf32>,
        %swap3A_979 = vector.shape_cast %swap3A_978 : vector<1x16xf32> to vector<16xf32>
        %swap3A_980 = vector.shape_cast %max3A_975 : vector<16xf32> to vector<1x16xf32>
        tpu.vector_store %arg10[%swap3A_976, %swap3A_977], %swap3A_980 {strides = array<i32>} : memref<8x128xf32, #tpu.memory_space<vmem>>, vector<1x16xf32>,
        %mul3A_981 = arith.constant 16 : i32
        %mul3A_982 = arith.muli %scan3A_106, %mul3A_981 : i32
        %get3A_983 = arith.index_cast %mul3A_982 : i32 to index
        %get3A_984 = arith.constant 96 : index
        %get3A_985 = tpu.vector_load %arg7[%get3A_983, %get3A_984] {strides = array<i32>} : memref<128x128xf32, #tpu.memory_space<vmem>>, vector<1x16xf32>,
        %get3A_986 = vector.shape_cast %get3A_985 : vector<1x16xf32> to vector<16xf32>
        %mul3A_987 = arith.constant 16 : i32
        %mul3A_988 = arith.muli %scan3A_106, %mul3A_987 : i32
        %add3A_989 = arith.constant 1 : i32
        %add3A_990 = arith.addi %mul3A_988, %add3A_989 : i32
        %get3A_991 = arith.index_cast %add3A_990 : i32 to index
        %get3A_992 = arith.constant 96 : index
        %get3A_993 = tpu.vector_load %arg7[%get3A_991, %get3A_992] {strides = array<i32>} : memref<128x128xf32, #tpu.memory_space<vmem>>, vector<1x16xf32>,
        %get3A_994 = vector.shape_cast %get3A_993 : vector<1x16xf32> to vector<16xf32>
        %max3A_995 = arith.maximumf %get3A_986, %get3A_994 : vector<16xf32>
        %mul3A_996 = arith.constant 16 : i32
        %mul3A_997 = arith.muli %scan3A_106, %mul3A_996 : i32
        %add3A_998 = arith.constant 2 : i32
        %add3A_999 = arith.addi %mul3A_997, %add3A_998 : i32
        %get3A_1000 = arith.index_cast %add3A_999 : i32 to index
        %get3A_1001 = arith.constant 96 : index
        %get3A_1002 = tpu.vector_load %arg7[%get3A_1000, %get3A_1001] {strides = array<i32>} : memref<128x128xf32, #tpu.memory_space<vmem>>, vector<1x16xf32>,
        %get3A_1003 = vector.shape_cast %get3A_1002 : vector<1x16xf32> to vector<16xf32>
        %max3A_1004 = arith.maximumf %max3A_995, %get3A_1003 : vector<16xf32>
        %mul3A_1005 = arith.constant 16 : i32
        %mul3A_1006 = arith.muli %scan3A_106, %mul3A_1005 : i32
        %add3A_1007 = arith.constant 3 : i32
        %add3A_1008 = arith.addi %mul3A_1006, %add3A_1007 : i32
        %get3A_1009 = arith.index_cast %add3A_1008 : i32 to index
        %get3A_1010 = arith.constant 96 : index
        %get3A_1011 = tpu.vector_load %arg7[%get3A_1009, %get3A_1010] {strides = array<i32>} : memref<128x128xf32, #tpu.memory_space<vmem>>, vector<1x16xf32>,
        %get3A_1012 = vector.shape_cast %get3A_1011 : vector<1x16xf32> to vector<16xf32>
        %max3A_1013 = arith.maximumf %max3A_1004, %get3A_1012 : vector<16xf32>
        %mul3A_1014 = arith.constant 16 : i32
        %mul3A_1015 = arith.muli %scan3A_106, %mul3A_1014 : i32
        %add3A_1016 = arith.constant 4 : i32
        %add3A_1017 = arith.addi %mul3A_1015, %add3A_1016 : i32
        %get3A_1018 = arith.index_cast %add3A_1017 : i32 to index
        %get3A_1019 = arith.constant 96 : index
        %get3A_1020 = tpu.vector_load %arg7[%get3A_1018, %get3A_1019] {strides = array<i32>} : memref<128x128xf32, #tpu.memory_space<vmem>>, vector<1x16xf32>,
        %get3A_1021 = vector.shape_cast %get3A_1020 : vector<1x16xf32> to vector<16xf32>
        %max3A_1022 = arith.maximumf %max3A_1013, %get3A_1021 : vector<16xf32>
        %mul3A_1023 = arith.constant 16 : i32
        %mul3A_1024 = arith.muli %scan3A_106, %mul3A_1023 : i32
        %add3A_1025 = arith.constant 5 : i32
        %add3A_1026 = arith.addi %mul3A_1024, %add3A_1025 : i32
        %get3A_1027 = arith.index_cast %add3A_1026 : i32 to index
        %get3A_1028 = arith.constant 96 : index
        %get3A_1029 = tpu.vector_load %arg7[%get3A_1027, %get3A_1028] {strides = array<i32>} : memref<128x128xf32, #tpu.memory_space<vmem>>, vector<1x16xf32>,
        %get3A_1030 = vector.shape_cast %get3A_1029 : vector<1x16xf32> to vector<16xf32>
        %max3A_1031 = arith.maximumf %max3A_1022, %get3A_1030 : vector<16xf32>
        %mul3A_1032 = arith.constant 16 : i32
        %mul3A_1033 = arith.muli %scan3A_106, %mul3A_1032 : i32
        %add3A_1034 = arith.constant 6 : i32
        %add3A_1035 = arith.addi %mul3A_1033, %add3A_1034 : i32
        %get3A_1036 = arith.index_cast %add3A_1035 : i32 to index
        %get3A_1037 = arith.constant 96 : index
        %get3A_1038 = tpu.vector_load %arg7[%get3A_1036, %get3A_1037] {strides = array<i32>} : memref<128x128xf32, #tpu.memory_space<vmem>>, vector<1x16xf32>,
        %get3A_1039 = vector.shape_cast %get3A_1038 : vector<1x16xf32> to vector<16xf32>
        %max3A_1040 = arith.maximumf %max3A_1031, %get3A_1039 : vector<16xf32>
        %mul3A_1041 = arith.constant 16 : i32
        %mul3A_1042 = arith.muli %scan3A_106, %mul3A_1041 : i32
        %add3A_1043 = arith.constant 7 : i32
        %add3A_1044 = arith.addi %mul3A_1042, %add3A_1043 : i32
        %get3A_1045 = arith.index_cast %add3A_1044 : i32 to index
        %get3A_1046 = arith.constant 96 : index
        %get3A_1047 = tpu.vector_load %arg7[%get3A_1045, %get3A_1046] {strides = array<i32>} : memref<128x128xf32, #tpu.memory_space<vmem>>, vector<1x16xf32>,
        %get3A_1048 = vector.shape_cast %get3A_1047 : vector<1x16xf32> to vector<16xf32>
        %max3A_1049 = arith.maximumf %max3A_1040, %get3A_1048 : vector<16xf32>
        %mul3A_1050 = arith.constant 16 : i32
        %mul3A_1051 = arith.muli %scan3A_106, %mul3A_1050 : i32
        %add3A_1052 = arith.constant 8 : i32
        %add3A_1053 = arith.addi %mul3A_1051, %add3A_1052 : i32
        %get3A_1054 = arith.index_cast %add3A_1053 : i32 to index
        %get3A_1055 = arith.constant 96 : index
        %get3A_1056 = tpu.vector_load %arg7[%get3A_1054, %get3A_1055] {strides = array<i32>} : memref<128x128xf32, #tpu.memory_space<vmem>>, vector<1x16xf32>,
        %get3A_1057 = vector.shape_cast %get3A_1056 : vector<1x16xf32> to vector<16xf32>
        %max3A_1058 = arith.maximumf %max3A_1049, %get3A_1057 : vector<16xf32>
        %mul3A_1059 = arith.constant 16 : i32
        %mul3A_1060 = arith.muli %scan3A_106, %mul3A_1059 : i32
        %add3A_1061 = arith.constant 9 : i32
        %add3A_1062 = arith.addi %mul3A_1060, %add3A_1061 : i32
        %get3A_1063 = arith.index_cast %add3A_1062 : i32 to index
        %get3A_1064 = arith.constant 96 : index
        %get3A_1065 = tpu.vector_load %arg7[%get3A_1063, %get3A_1064] {strides = array<i32>} : memref<128x128xf32, #tpu.memory_space<vmem>>, vector<1x16xf32>,
        %get3A_1066 = vector.shape_cast %get3A_1065 : vector<1x16xf32> to vector<16xf32>
        %max3A_1067 = arith.maximumf %max3A_1058, %get3A_1066 : vector<16xf32>
        %mul3A_1068 = arith.constant 16 : i32
        %mul3A_1069 = arith.muli %scan3A_106, %mul3A_1068 : i32
        %add3A_1070 = arith.constant 10 : i32
        %add3A_1071 = arith.addi %mul3A_1069, %add3A_1070 : i32
        %get3A_1072 = arith.index_cast %add3A_1071 : i32 to index
        %get3A_1073 = arith.constant 96 : index
        %get3A_1074 = tpu.vector_load %arg7[%get3A_1072, %get3A_1073] {strides = array<i32>} : memref<128x128xf32, #tpu.memory_space<vmem>>, vector<1x16xf32>,
        %get3A_1075 = vector.shape_cast %get3A_1074 : vector<1x16xf32> to vector<16xf32>
        %max3A_1076 = arith.maximumf %max3A_1067, %get3A_1075 : vector<16xf32>
        %mul3A_1077 = arith.constant 16 : i32
        %mul3A_1078 = arith.muli %scan3A_106, %mul3A_1077 : i32
        %add3A_1079 = arith.constant 11 : i32
        %add3A_1080 = arith.addi %mul3A_1078, %add3A_1079 : i32
        %get3A_1081 = arith.index_cast %add3A_1080 : i32 to index
        %get3A_1082 = arith.constant 96 : index
        %get3A_1083 = tpu.vector_load %arg7[%get3A_1081, %get3A_1082] {strides = array<i32>} : memref<128x128xf32, #tpu.memory_space<vmem>>, vector<1x16xf32>,
        %get3A_1084 = vector.shape_cast %get3A_1083 : vector<1x16xf32> to vector<16xf32>
        %max3A_1085 = arith.maximumf %max3A_1076, %get3A_1084 : vector<16xf32>
        %mul3A_1086 = arith.constant 16 : i32
        %mul3A_1087 = arith.muli %scan3A_106, %mul3A_1086 : i32
        %add3A_1088 = arith.constant 12 : i32
        %add3A_1089 = arith.addi %mul3A_1087, %add3A_1088 : i32
        %get3A_1090 = arith.index_cast %add3A_1089 : i32 to index
        %get3A_1091 = arith.constant 96 : index
        %get3A_1092 = tpu.vector_load %arg7[%get3A_1090, %get3A_1091] {strides = array<i32>} : memref<128x128xf32, #tpu.memory_space<vmem>>, vector<1x16xf32>,
        %get3A_1093 = vector.shape_cast %get3A_1092 : vector<1x16xf32> to vector<16xf32>
        %max3A_1094 = arith.maximumf %max3A_1085, %get3A_1093 : vector<16xf32>
        %mul3A_1095 = arith.constant 16 : i32
        %mul3A_1096 = arith.muli %scan3A_106, %mul3A_1095 : i32
        %add3A_1097 = arith.constant 13 : i32
        %add3A_1098 = arith.addi %mul3A_1096, %add3A_1097 : i32
        %get3A_1099 = arith.index_cast %add3A_1098 : i32 to index
        %get3A_1100 = arith.constant 96 : index
        %get3A_1101 = tpu.vector_load %arg7[%get3A_1099, %get3A_1100] {strides = array<i32>} : memref<128x128xf32, #tpu.memory_space<vmem>>, vector<1x16xf32>,
        %get3A_1102 = vector.shape_cast %get3A_1101 : vector<1x16xf32> to vector<16xf32>
        %max3A_1103 = arith.maximumf %max3A_1094, %get3A_1102 : vector<16xf32>
        %mul3A_1104 = arith.constant 16 : i32
        %mul3A_1105 = arith.muli %scan3A_106, %mul3A_1104 : i32
        %add3A_1106 = arith.constant 14 : i32
        %add3A_1107 = arith.addi %mul3A_1105, %add3A_1106 : i32
        %get3A_1108 = arith.index_cast %add3A_1107 : i32 to index
        %get3A_1109 = arith.constant 96 : index
        %get3A_1110 = tpu.vector_load %arg7[%get3A_1108, %get3A_1109] {strides = array<i32>} : memref<128x128xf32, #tpu.memory_space<vmem>>, vector<1x16xf32>,
        %get3A_1111 = vector.shape_cast %get3A_1110 : vector<1x16xf32> to vector<16xf32>
        %max3A_1112 = arith.maximumf %max3A_1103, %get3A_1111 : vector<16xf32>
        %mul3A_1113 = arith.constant 16 : i32
        %mul3A_1114 = arith.muli %scan3A_106, %mul3A_1113 : i32
        %add3A_1115 = arith.constant 15 : i32
        %add3A_1116 = arith.addi %mul3A_1114, %add3A_1115 : i32
        %get3A_1117 = arith.index_cast %add3A_1116 : i32 to index
        %get3A_1118 = arith.constant 96 : index
        %get3A_1119 = tpu.vector_load %arg7[%get3A_1117, %get3A_1118] {strides = array<i32>} : memref<128x128xf32, #tpu.memory_space<vmem>>, vector<1x16xf32>,
        %get3A_1120 = vector.shape_cast %get3A_1119 : vector<1x16xf32> to vector<16xf32>
        %max3A_1121 = arith.maximumf %max3A_1112, %get3A_1120 : vector<16xf32>
        %swap3A_1122 = arith.index_cast %scan3A_106 : i32 to index
        %swap3A_1123 = arith.constant 96 : index
        %swap3A_1124 = tpu.vector_load %arg10[%swap3A_1122, %swap3A_1123] {strides = array<i32>} : memref<8x128xf32, #tpu.memory_space<vmem>>, vector<1x16xf32>,
        %swap3A_1125 = vector.shape_cast %swap3A_1124 : vector<1x16xf32> to vector<16xf32>
        %swap3A_1126 = vector.shape_cast %max3A_1121 : vector<16xf32> to vector<1x16xf32>
        tpu.vector_store %arg10[%swap3A_1122, %swap3A_1123], %swap3A_1126 {strides = array<i32>} : memref<8x128xf32, #tpu.memory_space<vmem>>, vector<1x16xf32>,
        %mul3A_1127 = arith.constant 16 : i32
        %mul3A_1128 = arith.muli %scan3A_106, %mul3A_1127 : i32
        %get3A_1129 = arith.index_cast %mul3A_1128 : i32 to index
        %get3A_1130 = arith.constant 112 : index
        %get3A_1131 = tpu.vector_load %arg7[%get3A_1129, %get3A_1130] {strides = array<i32>} : memref<128x128xf32, #tpu.memory_space<vmem>>, vector<1x16xf32>,
        %get3A_1132 = vector.shape_cast %get3A_1131 : vector<1x16xf32> to vector<16xf32>
        %mul3A_1133 = arith.constant 16 : i32
        %mul3A_1134 = arith.muli %scan3A_106, %mul3A_1133 : i32
        %add3A_1135 = arith.constant 1 : i32
        %add3A_1136 = arith.addi %mul3A_1134, %add3A_1135 : i32
        %get3A_1137 = arith.index_cast %add3A_1136 : i32 to index
        %get3A_1138 = arith.constant 112 : index
        %get3A_1139 = tpu.vector_load %arg7[%get3A_1137, %get3A_1138] {strides = array<i32>} : memref<128x128xf32, #tpu.memory_space<vmem>>, vector<1x16xf32>,
        %get3A_1140 = vector.shape_cast %get3A_1139 : vector<1x16xf32> to vector<16xf32>
        %max3A_1141 = arith.maximumf %get3A_1132, %get3A_1140 : vector<16xf32>
        %mul3A_1142 = arith.constant 16 : i32
        %mul3A_1143 = arith.muli %scan3A_106, %mul3A_1142 : i32
        %add3A_1144 = arith.constant 2 : i32
        %add3A_1145 = arith.addi %mul3A_1143, %add3A_1144 : i32
        %get3A_1146 = arith.index_cast %add3A_1145 : i32 to index
        %get3A_1147 = arith.constant 112 : index
        %get3A_1148 = tpu.vector_load %arg7[%get3A_1146, %get3A_1147] {strides = array<i32>} : memref<128x128xf32, #tpu.memory_space<vmem>>, vector<1x16xf32>,
        %get3A_1149 = vector.shape_cast %get3A_1148 : vector<1x16xf32> to vector<16xf32>
        %max3A_1150 = arith.maximumf %max3A_1141, %get3A_1149 : vector<16xf32>
        %mul3A_1151 = arith.constant 16 : i32
        %mul3A_1152 = arith.muli %scan3A_106, %mul3A_1151 : i32
        %add3A_1153 = arith.constant 3 : i32
        %add3A_1154 = arith.addi %mul3A_1152, %add3A_1153 : i32
        %get3A_1155 = arith.index_cast %add3A_1154 : i32 to index
        %get3A_1156 = arith.constant 112 : index
        %get3A_1157 = tpu.vector_load %arg7[%get3A_1155, %get3A_1156] {strides = array<i32>} : memref<128x128xf32, #tpu.memory_space<vmem>>, vector<1x16xf32>,
        %get3A_1158 = vector.shape_cast %get3A_1157 : vector<1x16xf32> to vector<16xf32>
        %max3A_1159 = arith.maximumf %max3A_1150, %get3A_1158 : vector<16xf32>
        %mul3A_1160 = arith.constant 16 : i32
        %mul3A_1161 = arith.muli %scan3A_106, %mul3A_1160 : i32
        %add3A_1162 = arith.constant 4 : i32
        %add3A_1163 = arith.addi %mul3A_1161, %add3A_1162 : i32
        %get3A_1164 = arith.index_cast %add3A_1163 : i32 to index
        %get3A_1165 = arith.constant 112 : index
        %get3A_1166 = tpu.vector_load %arg7[%get3A_1164, %get3A_1165] {strides = array<i32>} : memref<128x128xf32, #tpu.memory_space<vmem>>, vector<1x16xf32>,
        %get3A_1167 = vector.shape_cast %get3A_1166 : vector<1x16xf32> to vector<16xf32>
        %max3A_1168 = arith.maximumf %max3A_1159, %get3A_1167 : vector<16xf32>
        %mul3A_1169 = arith.constant 16 : i32
        %mul3A_1170 = arith.muli %scan3A_106, %mul3A_1169 : i32
        %add3A_1171 = arith.constant 5 : i32
        %add3A_1172 = arith.addi %mul3A_1170, %add3A_1171 : i32
        %get3A_1173 = arith.index_cast %add3A_1172 : i32 to index
        %get3A_1174 = arith.constant 112 : index
        %get3A_1175 = tpu.vector_load %arg7[%get3A_1173, %get3A_1174] {strides = array<i32>} : memref<128x128xf32, #tpu.memory_space<vmem>>, vector<1x16xf32>,
        %get3A_1176 = vector.shape_cast %get3A_1175 : vector<1x16xf32> to vector<16xf32>
        %max3A_1177 = arith.maximumf %max3A_1168, %get3A_1176 : vector<16xf32>
        %mul3A_1178 = arith.constant 16 : i32
        %mul3A_1179 = arith.muli %scan3A_106, %mul3A_1178 : i32
        %add3A_1180 = arith.constant 6 : i32
        %add3A_1181 = arith.addi %mul3A_1179, %add3A_1180 : i32
        %get3A_1182 = arith.index_cast %add3A_1181 : i32 to index
        %get3A_1183 = arith.constant 112 : index
        %get3A_1184 = tpu.vector_load %arg7[%get3A_1182, %get3A_1183] {strides = array<i32>} : memref<128x128xf32, #tpu.memory_space<vmem>>, vector<1x16xf32>,
        %get3A_1185 = vector.shape_cast %get3A_1184 : vector<1x16xf32> to vector<16xf32>
        %max3A_1186 = arith.maximumf %max3A_1177, %get3A_1185 : vector<16xf32>
        %mul3A_1187 = arith.constant 16 : i32
        %mul3A_1188 = arith.muli %scan3A_106, %mul3A_1187 : i32
        %add3A_1189 = arith.constant 7 : i32
        %add3A_1190 = arith.addi %mul3A_1188, %add3A_1189 : i32
        %get3A_1191 = arith.index_cast %add3A_1190 : i32 to index
        %get3A_1192 = arith.constant 112 : index
        %get3A_1193 = tpu.vector_load %arg7[%get3A_1191, %get3A_1192] {strides = array<i32>} : memref<128x128xf32, #tpu.memory_space<vmem>>, vector<1x16xf32>,
        %get3A_1194 = vector.shape_cast %get3A_1193 : vector<1x16xf32> to vector<16xf32>
        %max3A_1195 = arith.maximumf %max3A_1186, %get3A_1194 : vector<16xf32>
        %mul3A_1196 = arith.constant 16 : i32
        %mul3A_1197 = arith.muli %scan3A_106, %mul3A_1196 : i32
        %add3A_1198 = arith.constant 8 : i32
        %add3A_1199 = arith.addi %mul3A_1197, %add3A_1198 : i32
        %get3A_1200 = arith.index_cast %add3A_1199 : i32 to index
        %get3A_1201 = arith.constant 112 : index
        %get3A_1202 = tpu.vector_load %arg7[%get3A_1200, %get3A_1201] {strides = array<i32>} : memref<128x128xf32, #tpu.memory_space<vmem>>, vector<1x16xf32>,
        %get3A_1203 = vector.shape_cast %get3A_1202 : vector<1x16xf32> to vector<16xf32>
        %max3A_1204 = arith.maximumf %max3A_1195, %get3A_1203 : vector<16xf32>
        %mul3A_1205 = arith.constant 16 : i32
        %mul3A_1206 = arith.muli %scan3A_106, %mul3A_1205 : i32
        %add3A_1207 = arith.constant 9 : i32
        %add3A_1208 = arith.addi %mul3A_1206, %add3A_1207 : i32
        %get3A_1209 = arith.index_cast %add3A_1208 : i32 to index
        %get3A_1210 = arith.constant 112 : index
        %get3A_1211 = tpu.vector_load %arg7[%get3A_1209, %get3A_1210] {strides = array<i32>} : memref<128x128xf32, #tpu.memory_space<vmem>>, vector<1x16xf32>,
        %get3A_1212 = vector.shape_cast %get3A_1211 : vector<1x16xf32> to vector<16xf32>
        %max3A_1213 = arith.maximumf %max3A_1204, %get3A_1212 : vector<16xf32>
        %mul3A_1214 = arith.constant 16 : i32
        %mul3A_1215 = arith.muli %scan3A_106, %mul3A_1214 : i32
        %add3A_1216 = arith.constant 10 : i32
        %add3A_1217 = arith.addi %mul3A_1215, %add3A_1216 : i32
        %get3A_1218 = arith.index_cast %add3A_1217 : i32 to index
        %get3A_1219 = arith.constant 112 : index
        %get3A_1220 = tpu.vector_load %arg7[%get3A_1218, %get3A_1219] {strides = array<i32>} : memref<128x128xf32, #tpu.memory_space<vmem>>, vector<1x16xf32>,
        %get3A_1221 = vector.shape_cast %get3A_1220 : vector<1x16xf32> to vector<16xf32>
        %max3A_1222 = arith.maximumf %max3A_1213, %get3A_1221 : vector<16xf32>
        %mul3A_1223 = arith.constant 16 : i32
        %mul3A_1224 = arith.muli %scan3A_106, %mul3A_1223 : i32
        %add3A_1225 = arith.constant 11 : i32
        %add3A_1226 = arith.addi %mul3A_1224, %add3A_1225 : i32
        %get3A_1227 = arith.index_cast %add3A_1226 : i32 to index
        %get3A_1228 = arith.constant 112 : index
        %get3A_1229 = tpu.vector_load %arg7[%get3A_1227, %get3A_1228] {strides = array<i32>} : memref<128x128xf32, #tpu.memory_space<vmem>>, vector<1x16xf32>,
        %get3A_1230 = vector.shape_cast %get3A_1229 : vector<1x16xf32> to vector<16xf32>
        %max3A_1231 = arith.maximumf %max3A_1222, %get3A_1230 : vector<16xf32>
        %mul3A_1232 = arith.constant 16 : i32
        %mul3A_1233 = arith.muli %scan3A_106, %mul3A_1232 : i32
        %add3A_1234 = arith.constant 12 : i32
        %add3A_1235 = arith.addi %mul3A_1233, %add3A_1234 : i32
        %get3A_1236 = arith.index_cast %add3A_1235 : i32 to index
        %get3A_1237 = arith.constant 112 : index
        %get3A_1238 = tpu.vector_load %arg7[%get3A_1236, %get3A_1237] {strides = array<i32>} : memref<128x128xf32, #tpu.memory_space<vmem>>, vector<1x16xf32>,
        %get3A_1239 = vector.shape_cast %get3A_1238 : vector<1x16xf32> to vector<16xf32>
        %max3A_1240 = arith.maximumf %max3A_1231, %get3A_1239 : vector<16xf32>
        %mul3A_1241 = arith.constant 16 : i32
        %mul3A_1242 = arith.muli %scan3A_106, %mul3A_1241 : i32
        %add3A_1243 = arith.constant 13 : i32
        %add3A_1244 = arith.addi %mul3A_1242, %add3A_1243 : i32
        %get3A_1245 = arith.index_cast %add3A_1244 : i32 to index
        %get3A_1246 = arith.constant 112 : index
        %get3A_1247 = tpu.vector_load %arg7[%get3A_1245, %get3A_1246] {strides = array<i32>} : memref<128x128xf32, #tpu.memory_space<vmem>>, vector<1x16xf32>,
        %get3A_1248 = vector.shape_cast %get3A_1247 : vector<1x16xf32> to vector<16xf32>
        %max3A_1249 = arith.maximumf %max3A_1240, %get3A_1248 : vector<16xf32>
        %mul3A_1250 = arith.constant 16 : i32
        %mul3A_1251 = arith.muli %scan3A_106, %mul3A_1250 : i32
        %add3A_1252 = arith.constant 14 : i32
        %add3A_1253 = arith.addi %mul3A_1251, %add3A_1252 : i32
        %get3A_1254 = arith.index_cast %add3A_1253 : i32 to index
        %get3A_1255 = arith.constant 112 : index
        %get3A_1256 = tpu.vector_load %arg7[%get3A_1254, %get3A_1255] {strides = array<i32>} : memref<128x128xf32, #tpu.memory_space<vmem>>, vector<1x16xf32>,
        %get3A_1257 = vector.shape_cast %get3A_1256 : vector<1x16xf32> to vector<16xf32>
        %max3A_1258 = arith.maximumf %max3A_1249, %get3A_1257 : vector<16xf32>
        %mul3A_1259 = arith.constant 16 : i32
        %mul3A_1260 = arith.muli %scan3A_106, %mul3A_1259 : i32
        %add3A_1261 = arith.constant 15 : i32
        %add3A_1262 = arith.addi %mul3A_1260, %add3A_1261 : i32
        %get3A_1263 = arith.index_cast %add3A_1262 : i32 to index
        %get3A_1264 = arith.constant 112 : index
        %get3A_1265 = tpu.vector_load %arg7[%get3A_1263, %get3A_1264] {strides = array<i32>} : memref<128x128xf32, #tpu.memory_space<vmem>>, vector<1x16xf32>,
        %get3A_1266 = vector.shape_cast %get3A_1265 : vector<1x16xf32> to vector<16xf32>
        %max3A_1267 = arith.maximumf %max3A_1258, %get3A_1266 : vector<16xf32>
        %swap3A_1268 = arith.index_cast %scan3A_106 : i32 to index
        %swap3A_1269 = arith.constant 112 : index
        %swap3A_1270 = tpu.vector_load %arg10[%swap3A_1268, %swap3A_1269] {strides = array<i32>} : memref<8x128xf32, #tpu.memory_space<vmem>>, vector<1x16xf32>,
        %swap3A_1271 = vector.shape_cast %swap3A_1270 : vector<1x16xf32> to vector<16xf32>
        %swap3A_1272 = vector.shape_cast %max3A_1267 : vector<16xf32> to vector<1x16xf32>
        tpu.vector_store %arg10[%swap3A_1268, %swap3A_1269], %swap3A_1272 {strides = array<i32>} : memref<8x128xf32, #tpu.memory_space<vmem>>, vector<1x16xf32>,
        %scan3A_1273 = arith.constant 0 : i32
        scf.yield %scan3A_1273 : i32
      }
      %scan3A_95 = arith.constant 8 : i32
      %add3A_96 = arith.constant 1 : i32
      %add3A_97 = arith.addi %mul3A_36, %add3A_96 : i32
      %mul3A_98 = arith.constant 8 : i32
      %mul3A_99 = arith.muli %add3A_97, %mul3A_98 : i32
      %add3A_100 = arith.addi %mul3A_6, %mul3A_99 : i32
      %dma_start3A_101 = arith.constant 0 : i32
      %dma_start3A_102 = tpu.memref_slice %arg4[%add3A_100, %dma_start3A_101] : memref<20000x128xf32, #tpu.memory_space<hbm>> -> memref<8x128xf32, #tpu.memory_space<hbm>>
      %dma_start3A_103 = arith.constant 0 : i32
      %dma_start3A_104 = tpu.memref_slice %arg4[%add3A_100, %dma_start3A_103] : memref<20000x128xf32, #tpu.memory_space<hbm>> -> memref<8x128xf32, #tpu.memory_space<hbm>>
      tpu.enqueue_dma source(%arg10 : memref<8x128xf32, #tpu.memory_space<vmem>>) target(%dma_start3A_104 : memref<8x128xf32, #tpu.memory_space<hbm>>) target_semaphore(%arg15 : memref<!tpu.dma_semaphore, #tpu.memory_space<semaphore_mem>>)
      %scan3A_105 = arith.constant 0 : i32
      scf.yield %scan3A_105 : i32
    }
    %scan3A_20 = arith.constant 39 : i32
    %convert_element_type3A_21 = arith.extui %lt3A_7 : i1 to i32
    %cond3A_22 = arith.constant 0 : i32
    %cond3A_23 = arith.cmpi ne, %convert_element_type3A_21, %cond3A_22 : i32
    scf.if %cond3A_23 {
      %dma_wait3A_33 = arith.constant 9984 : i32
      %dma_wait3A_34 = tpu.memref_slice %arg5[%dma_wait3A_33] : memref<10112xi32, #tpu.memory_space<vmem>> -> memref<128xi32, #tpu.memory_space<vmem>>
      %dma_wait3A_35 = arith.constant 0 : i32
      %dma_wait3A_36 = arith.constant 0 : i32
      %dma_wait3A_37 = tpu.memref_slice %arg2[%dma_wait3A_35, %dma_wait3A_36] : memref<20000x128xf32, #tpu.memory_space<hbm>> -> memref<20000x128xf32, #tpu.memory_space<hbm>>
      tpu.wait_indirect_dma semaphore(%arg13 : memref<!tpu.dma_semaphore, #tpu.memory_space<semaphore_mem>>) src(%dma_wait3A_37 : memref<20000x128xf32, #tpu.memory_space<hbm>>) dst(%arg8 : memref<128x128xf32, #tpu.memory_space<vmem>>)
      %add3A_38 = arith.constant 608 : i32
      %add3A_39 = arith.addi %mul3A_6, %add3A_38 : i32
      %dma_wait3A_40 = arith.constant 0 : i32
      %dma_wait3A_41 = tpu.memref_slice %arg4[%add3A_39, %dma_wait3A_40] : memref<20000x128xf32, #tpu.memory_space<hbm>> -> memref<8x128xf32, #tpu.memory_space<hbm>>
      %dma_wait3A_42 = arith.constant 0 : i32
      %dma_wait3A_43 = tpu.memref_slice %arg4[%add3A_39, %dma_wait3A_42] : memref<20000x128xf32, #tpu.memory_space<hbm>> -> memref<8x128xf32, #tpu.memory_space<hbm>>
      tpu.wait_dma2 semaphore(%arg14 : memref<!tpu.dma_semaphore, #tpu.memory_space<semaphore_mem>>) src(%arg9 : memref<8x128xf32, #tpu.memory_space<vmem>>) dst(%dma_wait3A_43 : memref<8x128xf32, #tpu.memory_space<hbm>>)
      %scan3A_44 = arith.constant 0 : i32
      %scan3A_45 = arith.constant 0 : i32
      %scan3A_46 = arith.constant 8 : i32
      %scan3A_47 = arith.addi %scan3A_45, %scan3A_46 : i32
      %scan3A_48 = arith.constant 1 : i32
      %scan3A_49 = scf.for %scan3A_63 = %scan3A_45 to %scan3A_47 step %scan3A_48 iter_args(%scan3A_64 = %scan3A_44) -> (i32)  : i32 {
        %mul3A_65 = arith.constant 16 : i32
        %mul3A_66 = arith.muli %scan3A_63, %mul3A_65 : i32
        %get3A = arith.index_cast %mul3A_66 : i32 to index
        %get3A_67 = arith.constant 0 : index
        %get3A_68 = tpu.vector_load %arg8[%get3A, %get3A_67] {strides = array<i32>} : memref<128x128xf32, #tpu.memory_space<vmem>>, vector<1x16xf32>,
        %get3A_69 = vector.shape_cast %get3A_68 : vector<1x16xf32> to vector<16xf32>
        %mul3A_70 = arith.constant 16 : i32
        %mul3A_71 = arith.muli %scan3A_63, %mul3A_70 : i32
        %add3A_72 = arith.constant 1 : i32
        %add3A_73 = arith.addi %mul3A_71, %add3A_72 : i32
        %get3A_74 = arith.index_cast %add3A_73 : i32 to index
        %get3A_75 = arith.constant 0 : index
        %get3A_76 = tpu.vector_load %arg8[%get3A_74, %get3A_75] {strides = array<i32>} : memref<128x128xf32, #tpu.memory_space<vmem>>, vector<1x16xf32>,
        %get3A_77 = vector.shape_cast %get3A_76 : vector<1x16xf32> to vector<16xf32>
        %max3A = arith.maximumf %get3A_69, %get3A_77 : vector<16xf32>
        %mul3A_78 = arith.constant 16 : i32
        %mul3A_79 = arith.muli %scan3A_63, %mul3A_78 : i32
        %add3A_80 = arith.constant 2 : i32
        %add3A_81 = arith.addi %mul3A_79, %add3A_80 : i32
        %get3A_82 = arith.index_cast %add3A_81 : i32 to index
        %get3A_83 = arith.constant 0 : index
        %get3A_84 = tpu.vector_load %arg8[%get3A_82, %get3A_83] {strides = array<i32>} : memref<128x128xf32, #tpu.memory_space<vmem>>, vector<1x16xf32>,
        %get3A_85 = vector.shape_cast %get3A_84 : vector<1x16xf32> to vector<16xf32>
        %max3A_86 = arith.maximumf %max3A, %get3A_85 : vector<16xf32>
        %mul3A_87 = arith.constant 16 : i32
        %mul3A_88 = arith.muli %scan3A_63, %mul3A_87 : i32
        %add3A_89 = arith.constant 3 : i32
        %add3A_90 = arith.addi %mul3A_88, %add3A_89 : i32
        %get3A_91 = arith.index_cast %add3A_90 : i32 to index
        %get3A_92 = arith.constant 0 : index
        %get3A_93 = tpu.vector_load %arg8[%get3A_91, %get3A_92] {strides = array<i32>} : memref<128x128xf32, #tpu.memory_space<vmem>>, vector<1x16xf32>,
        %get3A_94 = vector.shape_cast %get3A_93 : vector<1x16xf32> to vector<16xf32>
        %max3A_95 = arith.maximumf %max3A_86, %get3A_94 : vector<16xf32>
        %mul3A_96 = arith.constant 16 : i32
        %mul3A_97 = arith.muli %scan3A_63, %mul3A_96 : i32
        %add3A_98 = arith.constant 4 : i32
        %add3A_99 = arith.addi %mul3A_97, %add3A_98 : i32
        %get3A_100 = arith.index_cast %add3A_99 : i32 to index
        %get3A_101 = arith.constant 0 : index
        %get3A_102 = tpu.vector_load %arg8[%get3A_100, %get3A_101] {strides = array<i32>} : memref<128x128xf32, #tpu.memory_space<vmem>>, vector<1x16xf32>,
        %get3A_103 = vector.shape_cast %get3A_102 : vector<1x16xf32> to vector<16xf32>
        %max3A_104 = arith.maximumf %max3A_95, %get3A_103 : vector<16xf32>
        %mul3A_105 = arith.constant 16 : i32
        %mul3A_106 = arith.muli %scan3A_63, %mul3A_105 : i32
        %add3A_107 = arith.constant 5 : i32
        %add3A_108 = arith.addi %mul3A_106, %add3A_107 : i32
        %get3A_109 = arith.index_cast %add3A_108 : i32 to index
        %get3A_110 = arith.constant 0 : index
        %get3A_111 = tpu.vector_load %arg8[%get3A_109, %get3A_110] {strides = array<i32>} : memref<128x128xf32, #tpu.memory_space<vmem>>, vector<1x16xf32>,
        %get3A_112 = vector.shape_cast %get3A_111 : vector<1x16xf32> to vector<16xf32>
        %max3A_113 = arith.maximumf %max3A_104, %get3A_112 : vector<16xf32>
        %mul3A_114 = arith.constant 16 : i32
        %mul3A_115 = arith.muli %scan3A_63, %mul3A_114 : i32
        %add3A_116 = arith.constant 6 : i32
        %add3A_117 = arith.addi %mul3A_115, %add3A_116 : i32
        %get3A_118 = arith.index_cast %add3A_117 : i32 to index
        %get3A_119 = arith.constant 0 : index
        %get3A_120 = tpu.vector_load %arg8[%get3A_118, %get3A_119] {strides = array<i32>} : memref<128x128xf32, #tpu.memory_space<vmem>>, vector<1x16xf32>,
        %get3A_121 = vector.shape_cast %get3A_120 : vector<1x16xf32> to vector<16xf32>
        %max3A_122 = arith.maximumf %max3A_113, %get3A_121 : vector<16xf32>
        %mul3A_123 = arith.constant 16 : i32
        %mul3A_124 = arith.muli %scan3A_63, %mul3A_123 : i32
        %add3A_125 = arith.constant 7 : i32
        %add3A_126 = arith.addi %mul3A_124, %add3A_125 : i32
        %get3A_127 = arith.index_cast %add3A_126 : i32 to index
        %get3A_128 = arith.constant 0 : index
        %get3A_129 = tpu.vector_load %arg8[%get3A_127, %get3A_128] {strides = array<i32>} : memref<128x128xf32, #tpu.memory_space<vmem>>, vector<1x16xf32>,
        %get3A_130 = vector.shape_cast %get3A_129 : vector<1x16xf32> to vector<16xf32>
        %max3A_131 = arith.maximumf %max3A_122, %get3A_130 : vector<16xf32>
        %mul3A_132 = arith.constant 16 : i32
        %mul3A_133 = arith.muli %scan3A_63, %mul3A_132 : i32
        %add3A_134 = arith.constant 8 : i32
        %add3A_135 = arith.addi %mul3A_133, %add3A_134 : i32
        %get3A_136 = arith.index_cast %add3A_135 : i32 to index
        %get3A_137 = arith.constant 0 : index
        %get3A_138 = tpu.vector_load %arg8[%get3A_136, %get3A_137] {strides = array<i32>} : memref<128x128xf32, #tpu.memory_space<vmem>>, vector<1x16xf32>,
        %get3A_139 = vector.shape_cast %get3A_138 : vector<1x16xf32> to vector<16xf32>
        %max3A_140 = arith.maximumf %max3A_131, %get3A_139 : vector<16xf32>
        %mul3A_141 = arith.constant 16 : i32
        %mul3A_142 = arith.muli %scan3A_63, %mul3A_141 : i32
        %add3A_143 = arith.constant 9 : i32
        %add3A_144 = arith.addi %mul3A_142, %add3A_143 : i32
        %get3A_145 = arith.index_cast %add3A_144 : i32 to index
        %get3A_146 = arith.constant 0 : index
        %get3A_147 = tpu.vector_load %arg8[%get3A_145, %get3A_146] {strides = array<i32>} : memref<128x128xf32, #tpu.memory_space<vmem>>, vector<1x16xf32>,
        %get3A_148 = vector.shape_cast %get3A_147 : vector<1x16xf32> to vector<16xf32>
        %max3A_149 = arith.maximumf %max3A_140, %get3A_148 : vector<16xf32>
        %mul3A_150 = arith.constant 16 : i32
        %mul3A_151 = arith.muli %scan3A_63, %mul3A_150 : i32
        %add3A_152 = arith.constant 10 : i32
        %add3A_153 = arith.addi %mul3A_151, %add3A_152 : i32
        %get3A_154 = arith.index_cast %add3A_153 : i32 to index
        %get3A_155 = arith.constant 0 : index
        %get3A_156 = tpu.vector_load %arg8[%get3A_154, %get3A_155] {strides = array<i32>} : memref<128x128xf32, #tpu.memory_space<vmem>>, vector<1x16xf32>,
        %get3A_157 = vector.shape_cast %get3A_156 : vector<1x16xf32> to vector<16xf32>
        %max3A_158 = arith.maximumf %max3A_149, %get3A_157 : vector<16xf32>
        %mul3A_159 = arith.constant 16 : i32
        %mul3A_160 = arith.muli %scan3A_63, %mul3A_159 : i32
        %add3A_161 = arith.constant 11 : i32
        %add3A_162 = arith.addi %mul3A_160, %add3A_161 : i32
        %get3A_163 = arith.index_cast %add3A_162 : i32 to index
        %get3A_164 = arith.constant 0 : index
        %get3A_165 = tpu.vector_load %arg8[%get3A_163, %get3A_164] {strides = array<i32>} : memref<128x128xf32, #tpu.memory_space<vmem>>, vector<1x16xf32>,
        %get3A_166 = vector.shape_cast %get3A_165 : vector<1x16xf32> to vector<16xf32>
        %max3A_167 = arith.maximumf %max3A_158, %get3A_166 : vector<16xf32>
        %mul3A_168 = arith.constant 16 : i32
        %mul3A_169 = arith.muli %scan3A_63, %mul3A_168 : i32
        %add3A_170 = arith.constant 12 : i32
        %add3A_171 = arith.addi %mul3A_169, %add3A_170 : i32
        %get3A_172 = arith.index_cast %add3A_171 : i32 to index
        %get3A_173 = arith.constant 0 : index
        %get3A_174 = tpu.vector_load %arg8[%get3A_172, %get3A_173] {strides = array<i32>} : memref<128x128xf32, #tpu.memory_space<vmem>>, vector<1x16xf32>,
        %get3A_175 = vector.shape_cast %get3A_174 : vector<1x16xf32> to vector<16xf32>
        %max3A_176 = arith.maximumf %max3A_167, %get3A_175 : vector<16xf32>
        %mul3A_177 = arith.constant 16 : i32
        %mul3A_178 = arith.muli %scan3A_63, %mul3A_177 : i32
        %add3A_179 = arith.constant 13 : i32
        %add3A_180 = arith.addi %mul3A_178, %add3A_179 : i32
        %get3A_181 = arith.index_cast %add3A_180 : i32 to index
        %get3A_182 = arith.constant 0 : index
        %get3A_183 = tpu.vector_load %arg8[%get3A_181, %get3A_182] {strides = array<i32>} : memref<128x128xf32, #tpu.memory_space<vmem>>, vector<1x16xf32>,
        %get3A_184 = vector.shape_cast %get3A_183 : vector<1x16xf32> to vector<16xf32>
        %max3A_185 = arith.maximumf %max3A_176, %get3A_184 : vector<16xf32>
        %mul3A_186 = arith.constant 16 : i32
        %mul3A_187 = arith.muli %scan3A_63, %mul3A_186 : i32
        %add3A_188 = arith.constant 14 : i32
        %add3A_189 = arith.addi %mul3A_187, %add3A_188 : i32
        %get3A_190 = arith.index_cast %add3A_189 : i32 to index
        %get3A_191 = arith.constant 0 : index
        %get3A_192 = tpu.vector_load %arg8[%get3A_190, %get3A_191] {strides = array<i32>} : memref<128x128xf32, #tpu.memory_space<vmem>>, vector<1x16xf32>,
        %get3A_193 = vector.shape_cast %get3A_192 : vector<1x16xf32> to vector<16xf32>
        %max3A_194 = arith.maximumf %max3A_185, %get3A_193 : vector<16xf32>
        %mul3A_195 = arith.constant 16 : i32
        %mul3A_196 = arith.muli %scan3A_63, %mul3A_195 : i32
        %add3A_197 = arith.constant 15 : i32
        %add3A_198 = arith.addi %mul3A_196, %add3A_197 : i32
        %get3A_199 = arith.index_cast %add3A_198 : i32 to index
        %get3A_200 = arith.constant 0 : index
        %get3A_201 = tpu.vector_load %arg8[%get3A_199, %get3A_200] {strides = array<i32>} : memref<128x128xf32, #tpu.memory_space<vmem>>, vector<1x16xf32>,
        %get3A_202 = vector.shape_cast %get3A_201 : vector<1x16xf32> to vector<16xf32>
        %max3A_203 = arith.maximumf %max3A_194, %get3A_202 : vector<16xf32>
        %swap3A = arith.index_cast %scan3A_63 : i32 to index
        %swap3A_204 = arith.constant 0 : index
        %swap3A_205 = tpu.vector_load %arg9[%swap3A, %swap3A_204] {strides = array<i32>} : memref<8x128xf32, #tpu.memory_space<vmem>>, vector<1x16xf32>,
        %swap3A_206 = vector.shape_cast %swap3A_205 : vector<1x16xf32> to vector<16xf32>
        %swap3A_207 = vector.shape_cast %max3A_203 : vector<16xf32> to vector<1x16xf32>
        tpu.vector_store %arg9[%swap3A, %swap3A_204], %swap3A_207 {strides = array<i32>} : memref<8x128xf32, #tpu.memory_space<vmem>>, vector<1x16xf32>,
        %mul3A_208 = arith.constant 16 : i32
        %mul3A_209 = arith.muli %scan3A_63, %mul3A_208 : i32
        %get3A_210 = arith.index_cast %mul3A_209 : i32 to index
        %get3A_211 = arith.constant 16 : index
        %get3A_212 = tpu.vector_load %arg8[%get3A_210, %get3A_211] {strides = array<i32>} : memref<128x128xf32, #tpu.memory_space<vmem>>, vector<1x16xf32>,
        %get3A_213 = vector.shape_cast %get3A_212 : vector<1x16xf32> to vector<16xf32>
        %mul3A_214 = arith.constant 16 : i32
        %mul3A_215 = arith.muli %scan3A_63, %mul3A_214 : i32
        %add3A_216 = arith.constant 1 : i32
        %add3A_217 = arith.addi %mul3A_215, %add3A_216 : i32
        %get3A_218 = arith.index_cast %add3A_217 : i32 to index
        %get3A_219 = arith.constant 16 : index
        %get3A_220 = tpu.vector_load %arg8[%get3A_218, %get3A_219] {strides = array<i32>} : memref<128x128xf32, #tpu.memory_space<vmem>>, vector<1x16xf32>,
        %get3A_221 = vector.shape_cast %get3A_220 : vector<1x16xf32> to vector<16xf32>
        %max3A_222 = arith.maximumf %get3A_213, %get3A_221 : vector<16xf32>
        %mul3A_223 = arith.constant 16 : i32
        %mul3A_224 = arith.muli %scan3A_63, %mul3A_223 : i32
        %add3A_225 = arith.constant 2 : i32
        %add3A_226 = arith.addi %mul3A_224, %add3A_225 : i32
        %get3A_227 = arith.index_cast %add3A_226 : i32 to index
        %get3A_228 = arith.constant 16 : index
        %get3A_229 = tpu.vector_load %arg8[%get3A_227, %get3A_228] {strides = array<i32>} : memref<128x128xf32, #tpu.memory_space<vmem>>, vector<1x16xf32>,
        %get3A_230 = vector.shape_cast %get3A_229 : vector<1x16xf32> to vector<16xf32>
        %max3A_231 = arith.maximumf %max3A_222, %get3A_230 : vector<16xf32>
        %mul3A_232 = arith.constant 16 : i32
        %mul3A_233 = arith.muli %scan3A_63, %mul3A_232 : i32
        %add3A_234 = arith.constant 3 : i32
        %add3A_235 = arith.addi %mul3A_233, %add3A_234 : i32
        %get3A_236 = arith.index_cast %add3A_235 : i32 to index
        %get3A_237 = arith.constant 16 : index
        %get3A_238 = tpu.vector_load %arg8[%get3A_236, %get3A_237] {strides = array<i32>} : memref<128x128xf32, #tpu.memory_space<vmem>>, vector<1x16xf32>,
        %get3A_239 = vector.shape_cast %get3A_238 : vector<1x16xf32> to vector<16xf32>
        %max3A_240 = arith.maximumf %max3A_231, %get3A_239 : vector<16xf32>
        %mul3A_241 = arith.constant 16 : i32
        %mul3A_242 = arith.muli %scan3A_63, %mul3A_241 : i32
        %add3A_243 = arith.constant 4 : i32
        %add3A_244 = arith.addi %mul3A_242, %add3A_243 : i32
        %get3A_245 = arith.index_cast %add3A_244 : i32 to index
        %get3A_246 = arith.constant 16 : index
        %get3A_247 = tpu.vector_load %arg8[%get3A_245, %get3A_246] {strides = array<i32>} : memref<128x128xf32, #tpu.memory_space<vmem>>, vector<1x16xf32>,
        %get3A_248 = vector.shape_cast %get3A_247 : vector<1x16xf32> to vector<16xf32>
        %max3A_249 = arith.maximumf %max3A_240, %get3A_248 : vector<16xf32>
        %mul3A_250 = arith.constant 16 : i32
        %mul3A_251 = arith.muli %scan3A_63, %mul3A_250 : i32
        %add3A_252 = arith.constant 5 : i32
        %add3A_253 = arith.addi %mul3A_251, %add3A_252 : i32
        %get3A_254 = arith.index_cast %add3A_253 : i32 to index
        %get3A_255 = arith.constant 16 : index
        %get3A_256 = tpu.vector_load %arg8[%get3A_254, %get3A_255] {strides = array<i32>} : memref<128x128xf32, #tpu.memory_space<vmem>>, vector<1x16xf32>,
        %get3A_257 = vector.shape_cast %get3A_256 : vector<1x16xf32> to vector<16xf32>
        %max3A_258 = arith.maximumf %max3A_249, %get3A_257 : vector<16xf32>
        %mul3A_259 = arith.constant 16 : i32
        %mul3A_260 = arith.muli %scan3A_63, %mul3A_259 : i32
        %add3A_261 = arith.constant 6 : i32
        %add3A_262 = arith.addi %mul3A_260, %add3A_261 : i32
        %get3A_263 = arith.index_cast %add3A_262 : i32 to index
        %get3A_264 = arith.constant 16 : index
        %get3A_265 = tpu.vector_load %arg8[%get3A_263, %get3A_264] {strides = array<i32>} : memref<128x128xf32, #tpu.memory_space<vmem>>, vector<1x16xf32>,
        %get3A_266 = vector.shape_cast %get3A_265 : vector<1x16xf32> to vector<16xf32>
        %max3A_267 = arith.maximumf %max3A_258, %get3A_266 : vector<16xf32>
        %mul3A_268 = arith.constant 16 : i32
        %mul3A_269 = arith.muli %scan3A_63, %mul3A_268 : i32
        %add3A_270 = arith.constant 7 : i32
        %add3A_271 = arith.addi %mul3A_269, %add3A_270 : i32
        %get3A_272 = arith.index_cast %add3A_271 : i32 to index
        %get3A_273 = arith.constant 16 : index
        %get3A_274 = tpu.vector_load %arg8[%get3A_272, %get3A_273] {strides = array<i32>} : memref<128x128xf32, #tpu.memory_space<vmem>>, vector<1x16xf32>,
        %get3A_275 = vector.shape_cast %get3A_274 : vector<1x16xf32> to vector<16xf32>
        %max3A_276 = arith.maximumf %max3A_267, %get3A_275 : vector<16xf32>
        %mul3A_277 = arith.constant 16 : i32
        %mul3A_278 = arith.muli %scan3A_63, %mul3A_277 : i32
        %add3A_279 = arith.constant 8 : i32
        %add3A_280 = arith.addi %mul3A_278, %add3A_279 : i32
        %get3A_281 = arith.index_cast %add3A_280 : i32 to index
        %get3A_282 = arith.constant 16 : index
        %get3A_283 = tpu.vector_load %arg8[%get3A_281, %get3A_282] {strides = array<i32>} : memref<128x128xf32, #tpu.memory_space<vmem>>, vector<1x16xf32>,
        %get3A_284 = vector.shape_cast %get3A_283 : vector<1x16xf32> to vector<16xf32>
        %max3A_285 = arith.maximumf %max3A_276, %get3A_284 : vector<16xf32>
        %mul3A_286 = arith.constant 16 : i32
        %mul3A_287 = arith.muli %scan3A_63, %mul3A_286 : i32
        %add3A_288 = arith.constant 9 : i32
        %add3A_289 = arith.addi %mul3A_287, %add3A_288 : i32
        %get3A_290 = arith.index_cast %add3A_289 : i32 to index
        %get3A_291 = arith.constant 16 : index
        %get3A_292 = tpu.vector_load %arg8[%get3A_290, %get3A_291] {strides = array<i32>} : memref<128x128xf32, #tpu.memory_space<vmem>>, vector<1x16xf32>,
        %get3A_293 = vector.shape_cast %get3A_292 : vector<1x16xf32> to vector<16xf32>
        %max3A_294 = arith.maximumf %max3A_285, %get3A_293 : vector<16xf32>
        %mul3A_295 = arith.constant 16 : i32
        %mul3A_296 = arith.muli %scan3A_63, %mul3A_295 : i32
        %add3A_297 = arith.constant 10 : i32
        %add3A_298 = arith.addi %mul3A_296, %add3A_297 : i32
        %get3A_299 = arith.index_cast %add3A_298 : i32 to index
        %get3A_300 = arith.constant 16 : index
        %get3A_301 = tpu.vector_load %arg8[%get3A_299, %get3A_300] {strides = array<i32>} : memref<128x128xf32, #tpu.memory_space<vmem>>, vector<1x16xf32>,
        %get3A_302 = vector.shape_cast %get3A_301 : vector<1x16xf32> to vector<16xf32>
        %max3A_303 = arith.maximumf %max3A_294, %get3A_302 : vector<16xf32>
        %mul3A_304 = arith.constant 16 : i32
        %mul3A_305 = arith.muli %scan3A_63, %mul3A_304 : i32
        %add3A_306 = arith.constant 11 : i32
        %add3A_307 = arith.addi %mul3A_305, %add3A_306 : i32
        %get3A_308 = arith.index_cast %add3A_307 : i32 to index
        %get3A_309 = arith.constant 16 : index
        %get3A_310 = tpu.vector_load %arg8[%get3A_308, %get3A_309] {strides = array<i32>} : memref<128x128xf32, #tpu.memory_space<vmem>>, vector<1x16xf32>,
        %get3A_311 = vector.shape_cast %get3A_310 : vector<1x16xf32> to vector<16xf32>
        %max3A_312 = arith.maximumf %max3A_303, %get3A_311 : vector<16xf32>
        %mul3A_313 = arith.constant 16 : i32
        %mul3A_314 = arith.muli %scan3A_63, %mul3A_313 : i32
        %add3A_315 = arith.constant 12 : i32
        %add3A_316 = arith.addi %mul3A_314, %add3A_315 : i32
        %get3A_317 = arith.index_cast %add3A_316 : i32 to index
        %get3A_318 = arith.constant 16 : index
        %get3A_319 = tpu.vector_load %arg8[%get3A_317, %get3A_318] {strides = array<i32>} : memref<128x128xf32, #tpu.memory_space<vmem>>, vector<1x16xf32>,
        %get3A_320 = vector.shape_cast %get3A_319 : vector<1x16xf32> to vector<16xf32>
        %max3A_321 = arith.maximumf %max3A_312, %get3A_320 : vector<16xf32>
        %mul3A_322 = arith.constant 16 : i32
        %mul3A_323 = arith.muli %scan3A_63, %mul3A_322 : i32
        %add3A_324 = arith.constant 13 : i32
        %add3A_325 = arith.addi %mul3A_323, %add3A_324 : i32
        %get3A_326 = arith.index_cast %add3A_325 : i32 to index
        %get3A_327 = arith.constant 16 : index
        %get3A_328 = tpu.vector_load %arg8[%get3A_326, %get3A_327] {strides = array<i32>} : memref<128x128xf32, #tpu.memory_space<vmem>>, vector<1x16xf32>,
        %get3A_329 = vector.shape_cast %get3A_328 : vector<1x16xf32> to vector<16xf32>
        %max3A_330 = arith.maximumf %max3A_321, %get3A_329 : vector<16xf32>
        %mul3A_331 = arith.constant 16 : i32
        %mul3A_332 = arith.muli %scan3A_63, %mul3A_331 : i32
        %add3A_333 = arith.constant 14 : i32
        %add3A_334 = arith.addi %mul3A_332, %add3A_333 : i32
        %get3A_335 = arith.index_cast %add3A_334 : i32 to index
        %get3A_336 = arith.constant 16 : index
        %get3A_337 = tpu.vector_load %arg8[%get3A_335, %get3A_336] {strides = array<i32>} : memref<128x128xf32, #tpu.memory_space<vmem>>, vector<1x16xf32>,
        %get3A_338 = vector.shape_cast %get3A_337 : vector<1x16xf32> to vector<16xf32>
        %max3A_339 = arith.maximumf %max3A_330, %get3A_338 : vector<16xf32>
        %mul3A_340 = arith.constant 16 : i32
        %mul3A_341 = arith.muli %scan3A_63, %mul3A_340 : i32
        %add3A_342 = arith.constant 15 : i32
        %add3A_343 = arith.addi %mul3A_341, %add3A_342 : i32
        %get3A_344 = arith.index_cast %add3A_343 : i32 to index
        %get3A_345 = arith.constant 16 : index
        %get3A_346 = tpu.vector_load %arg8[%get3A_344, %get3A_345] {strides = array<i32>} : memref<128x128xf32, #tpu.memory_space<vmem>>, vector<1x16xf32>,
        %get3A_347 = vector.shape_cast %get3A_346 : vector<1x16xf32> to vector<16xf32>
        %max3A_348 = arith.maximumf %max3A_339, %get3A_347 : vector<16xf32>
        %swap3A_349 = arith.index_cast %scan3A_63 : i32 to index
        %swap3A_350 = arith.constant 16 : index
        %swap3A_351 = tpu.vector_load %arg9[%swap3A_349, %swap3A_350] {strides = array<i32>} : memref<8x128xf32, #tpu.memory_space<vmem>>, vector<1x16xf32>,
        %swap3A_352 = vector.shape_cast %swap3A_351 : vector<1x16xf32> to vector<16xf32>
        %swap3A_353 = vector.shape_cast %max3A_348 : vector<16xf32> to vector<1x16xf32>
        tpu.vector_store %arg9[%swap3A_349, %swap3A_350], %swap3A_353 {strides = array<i32>} : memref<8x128xf32, #tpu.memory_space<vmem>>, vector<1x16xf32>,
        %mul3A_354 = arith.constant 16 : i32
        %mul3A_355 = arith.muli %scan3A_63, %mul3A_354 : i32
        %get3A_356 = arith.index_cast %mul3A_355 : i32 to index
        %get3A_357 = arith.constant 32 : index
        %get3A_358 = tpu.vector_load %arg8[%get3A_356, %get3A_357] {strides = array<i32>} : memref<128x128xf32, #tpu.memory_space<vmem>>, vector<1x16xf32>,
        %get3A_359 = vector.shape_cast %get3A_358 : vector<1x16xf32> to vector<16xf32>
        %mul3A_360 = arith.constant 16 : i32
        %mul3A_361 = arith.muli %scan3A_63, %mul3A_360 : i32
        %add3A_362 = arith.constant 1 : i32
        %add3A_363 = arith.addi %mul3A_361, %add3A_362 : i32
        %get3A_364 = arith.index_cast %add3A_363 : i32 to index
        %get3A_365 = arith.constant 32 : index
        %get3A_366 = tpu.vector_load %arg8[%get3A_364, %get3A_365] {strides = array<i32>} : memref<128x128xf32, #tpu.memory_space<vmem>>, vector<1x16xf32>,
        %get3A_367 = vector.shape_cast %get3A_366 : vector<1x16xf32> to vector<16xf32>
        %max3A_368 = arith.maximumf %get3A_359, %get3A_367 : vector<16xf32>
        %mul3A_369 = arith.constant 16 : i32
        %mul3A_370 = arith.muli %scan3A_63, %mul3A_369 : i32
        %add3A_371 = arith.constant 2 : i32
        %add3A_372 = arith.addi %mul3A_370, %add3A_371 : i32
        %get3A_373 = arith.index_cast %add3A_372 : i32 to index
        %get3A_374 = arith.constant 32 : index
        %get3A_375 = tpu.vector_load %arg8[%get3A_373, %get3A_374] {strides = array<i32>} : memref<128x128xf32, #tpu.memory_space<vmem>>, vector<1x16xf32>,
        %get3A_376 = vector.shape_cast %get3A_375 : vector<1x16xf32> to vector<16xf32>
        %max3A_377 = arith.maximumf %max3A_368, %get3A_376 : vector<16xf32>
        %mul3A_378 = arith.constant 16 : i32
        %mul3A_379 = arith.muli %scan3A_63, %mul3A_378 : i32
        %add3A_380 = arith.constant 3 : i32
        %add3A_381 = arith.addi %mul3A_379, %add3A_380 : i32
        %get3A_382 = arith.index_cast %add3A_381 : i32 to index
        %get3A_383 = arith.constant 32 : index
        %get3A_384 = tpu.vector_load %arg8[%get3A_382, %get3A_383] {strides = array<i32>} : memref<128x128xf32, #tpu.memory_space<vmem>>, vector<1x16xf32>,
        %get3A_385 = vector.shape_cast %get3A_384 : vector<1x16xf32> to vector<16xf32>
        %max3A_386 = arith.maximumf %max3A_377, %get3A_385 : vector<16xf32>
        %mul3A_387 = arith.constant 16 : i32
        %mul3A_388 = arith.muli %scan3A_63, %mul3A_387 : i32
        %add3A_389 = arith.constant 4 : i32
        %add3A_390 = arith.addi %mul3A_388, %add3A_389 : i32
        %get3A_391 = arith.index_cast %add3A_390 : i32 to index
        %get3A_392 = arith.constant 32 : index
        %get3A_393 = tpu.vector_load %arg8[%get3A_391, %get3A_392] {strides = array<i32>} : memref<128x128xf32, #tpu.memory_space<vmem>>, vector<1x16xf32>,
        %get3A_394 = vector.shape_cast %get3A_393 : vector<1x16xf32> to vector<16xf32>
        %max3A_395 = arith.maximumf %max3A_386, %get3A_394 : vector<16xf32>
        %mul3A_396 = arith.constant 16 : i32
        %mul3A_397 = arith.muli %scan3A_63, %mul3A_396 : i32
        %add3A_398 = arith.constant 5 : i32
        %add3A_399 = arith.addi %mul3A_397, %add3A_398 : i32
        %get3A_400 = arith.index_cast %add3A_399 : i32 to index
        %get3A_401 = arith.constant 32 : index
        %get3A_402 = tpu.vector_load %arg8[%get3A_400, %get3A_401] {strides = array<i32>} : memref<128x128xf32, #tpu.memory_space<vmem>>, vector<1x16xf32>,
        %get3A_403 = vector.shape_cast %get3A_402 : vector<1x16xf32> to vector<16xf32>
        %max3A_404 = arith.maximumf %max3A_395, %get3A_403 : vector<16xf32>
        %mul3A_405 = arith.constant 16 : i32
        %mul3A_406 = arith.muli %scan3A_63, %mul3A_405 : i32
        %add3A_407 = arith.constant 6 : i32
        %add3A_408 = arith.addi %mul3A_406, %add3A_407 : i32
        %get3A_409 = arith.index_cast %add3A_408 : i32 to index
        %get3A_410 = arith.constant 32 : index
        %get3A_411 = tpu.vector_load %arg8[%get3A_409, %get3A_410] {strides = array<i32>} : memref<128x128xf32, #tpu.memory_space<vmem>>, vector<1x16xf32>,
        %get3A_412 = vector.shape_cast %get3A_411 : vector<1x16xf32> to vector<16xf32>
        %max3A_413 = arith.maximumf %max3A_404, %get3A_412 : vector<16xf32>
        %mul3A_414 = arith.constant 16 : i32
        %mul3A_415 = arith.muli %scan3A_63, %mul3A_414 : i32
        %add3A_416 = arith.constant 7 : i32
        %add3A_417 = arith.addi %mul3A_415, %add3A_416 : i32
        %get3A_418 = arith.index_cast %add3A_417 : i32 to index
        %get3A_419 = arith.constant 32 : index
        %get3A_420 = tpu.vector_load %arg8[%get3A_418, %get3A_419] {strides = array<i32>} : memref<128x128xf32, #tpu.memory_space<vmem>>, vector<1x16xf32>,
        %get3A_421 = vector.shape_cast %get3A_420 : vector<1x16xf32> to vector<16xf32>
        %max3A_422 = arith.maximumf %max3A_413, %get3A_421 : vector<16xf32>
        %mul3A_423 = arith.constant 16 : i32
        %mul3A_424 = arith.muli %scan3A_63, %mul3A_423 : i32
        %add3A_425 = arith.constant 8 : i32
        %add3A_426 = arith.addi %mul3A_424, %add3A_425 : i32
        %get3A_427 = arith.index_cast %add3A_426 : i32 to index
        %get3A_428 = arith.constant 32 : index
        %get3A_429 = tpu.vector_load %arg8[%get3A_427, %get3A_428] {strides = array<i32>} : memref<128x128xf32, #tpu.memory_space<vmem>>, vector<1x16xf32>,
        %get3A_430 = vector.shape_cast %get3A_429 : vector<1x16xf32> to vector<16xf32>
        %max3A_431 = arith.maximumf %max3A_422, %get3A_430 : vector<16xf32>
        %mul3A_432 = arith.constant 16 : i32
        %mul3A_433 = arith.muli %scan3A_63, %mul3A_432 : i32
        %add3A_434 = arith.constant 9 : i32
        %add3A_435 = arith.addi %mul3A_433, %add3A_434 : i32
        %get3A_436 = arith.index_cast %add3A_435 : i32 to index
        %get3A_437 = arith.constant 32 : index
        %get3A_438 = tpu.vector_load %arg8[%get3A_436, %get3A_437] {strides = array<i32>} : memref<128x128xf32, #tpu.memory_space<vmem>>, vector<1x16xf32>,
        %get3A_439 = vector.shape_cast %get3A_438 : vector<1x16xf32> to vector<16xf32>
        %max3A_440 = arith.maximumf %max3A_431, %get3A_439 : vector<16xf32>
        %mul3A_441 = arith.constant 16 : i32
        %mul3A_442 = arith.muli %scan3A_63, %mul3A_441 : i32
        %add3A_443 = arith.constant 10 : i32
        %add3A_444 = arith.addi %mul3A_442, %add3A_443 : i32
        %get3A_445 = arith.index_cast %add3A_444 : i32 to index
        %get3A_446 = arith.constant 32 : index
        %get3A_447 = tpu.vector_load %arg8[%get3A_445, %get3A_446] {strides = array<i32>} : memref<128x128xf32, #tpu.memory_space<vmem>>, vector<1x16xf32>,
        %get3A_448 = vector.shape_cast %get3A_447 : vector<1x16xf32> to vector<16xf32>
        %max3A_449 = arith.maximumf %max3A_440, %get3A_448 : vector<16xf32>
        %mul3A_450 = arith.constant 16 : i32
        %mul3A_451 = arith.muli %scan3A_63, %mul3A_450 : i32
        %add3A_452 = arith.constant 11 : i32
        %add3A_453 = arith.addi %mul3A_451, %add3A_452 : i32
        %get3A_454 = arith.index_cast %add3A_453 : i32 to index
        %get3A_455 = arith.constant 32 : index
        %get3A_456 = tpu.vector_load %arg8[%get3A_454, %get3A_455] {strides = array<i32>} : memref<128x128xf32, #tpu.memory_space<vmem>>, vector<1x16xf32>,
        %get3A_457 = vector.shape_cast %get3A_456 : vector<1x16xf32> to vector<16xf32>
        %max3A_458 = arith.maximumf %max3A_449, %get3A_457 : vector<16xf32>
        %mul3A_459 = arith.constant 16 : i32
        %mul3A_460 = arith.muli %scan3A_63, %mul3A_459 : i32
        %add3A_461 = arith.constant 12 : i32
        %add3A_462 = arith.addi %mul3A_460, %add3A_461 : i32
        %get3A_463 = arith.index_cast %add3A_462 : i32 to index
        %get3A_464 = arith.constant 32 : index
        %get3A_465 = tpu.vector_load %arg8[%get3A_463, %get3A_464] {strides = array<i32>} : memref<128x128xf32, #tpu.memory_space<vmem>>, vector<1x16xf32>,
        %get3A_466 = vector.shape_cast %get3A_465 : vector<1x16xf32> to vector<16xf32>
        %max3A_467 = arith.maximumf %max3A_458, %get3A_466 : vector<16xf32>
        %mul3A_468 = arith.constant 16 : i32
        %mul3A_469 = arith.muli %scan3A_63, %mul3A_468 : i32
        %add3A_470 = arith.constant 13 : i32
        %add3A_471 = arith.addi %mul3A_469, %add3A_470 : i32
        %get3A_472 = arith.index_cast %add3A_471 : i32 to index
        %get3A_473 = arith.constant 32 : index
        %get3A_474 = tpu.vector_load %arg8[%get3A_472, %get3A_473] {strides = array<i32>} : memref<128x128xf32, #tpu.memory_space<vmem>>, vector<1x16xf32>,
        %get3A_475 = vector.shape_cast %get3A_474 : vector<1x16xf32> to vector<16xf32>
        %max3A_476 = arith.maximumf %max3A_467, %get3A_475 : vector<16xf32>
        %mul3A_477 = arith.constant 16 : i32
        %mul3A_478 = arith.muli %scan3A_63, %mul3A_477 : i32
        %add3A_479 = arith.constant 14 : i32
        %add3A_480 = arith.addi %mul3A_478, %add3A_479 : i32
        %get3A_481 = arith.index_cast %add3A_480 : i32 to index
        %get3A_482 = arith.constant 32 : index
        %get3A_483 = tpu.vector_load %arg8[%get3A_481, %get3A_482] {strides = array<i32>} : memref<128x128xf32, #tpu.memory_space<vmem>>, vector<1x16xf32>,
        %get3A_484 = vector.shape_cast %get3A_483 : vector<1x16xf32> to vector<16xf32>
        %max3A_485 = arith.maximumf %max3A_476, %get3A_484 : vector<16xf32>
        %mul3A_486 = arith.constant 16 : i32
        %mul3A_487 = arith.muli %scan3A_63, %mul3A_486 : i32
        %add3A_488 = arith.constant 15 : i32
        %add3A_489 = arith.addi %mul3A_487, %add3A_488 : i32
        %get3A_490 = arith.index_cast %add3A_489 : i32 to index
        %get3A_491 = arith.constant 32 : index
        %get3A_492 = tpu.vector_load %arg8[%get3A_490, %get3A_491] {strides = array<i32>} : memref<128x128xf32, #tpu.memory_space<vmem>>, vector<1x16xf32>,
        %get3A_493 = vector.shape_cast %get3A_492 : vector<1x16xf32> to vector<16xf32>
        %max3A_494 = arith.maximumf %max3A_485, %get3A_493 : vector<16xf32>
        %swap3A_495 = arith.index_cast %scan3A_63 : i32 to index
        %swap3A_496 = arith.constant 32 : index
        %swap3A_497 = tpu.vector_load %arg9[%swap3A_495, %swap3A_496] {strides = array<i32>} : memref<8x128xf32, #tpu.memory_space<vmem>>, vector<1x16xf32>,
        %swap3A_498 = vector.shape_cast %swap3A_497 : vector<1x16xf32> to vector<16xf32>
        %swap3A_499 = vector.shape_cast %max3A_494 : vector<16xf32> to vector<1x16xf32>
        tpu.vector_store %arg9[%swap3A_495, %swap3A_496], %swap3A_499 {strides = array<i32>} : memref<8x128xf32, #tpu.memory_space<vmem>>, vector<1x16xf32>,
        %mul3A_500 = arith.constant 16 : i32
        %mul3A_501 = arith.muli %scan3A_63, %mul3A_500 : i32
        %get3A_502 = arith.index_cast %mul3A_501 : i32 to index
        %get3A_503 = arith.constant 48 : index
        %get3A_504 = tpu.vector_load %arg8[%get3A_502, %get3A_503] {strides = array<i32>} : memref<128x128xf32, #tpu.memory_space<vmem>>, vector<1x16xf32>,
        %get3A_505 = vector.shape_cast %get3A_504 : vector<1x16xf32> to vector<16xf32>
        %mul3A_506 = arith.constant 16 : i32
        %mul3A_507 = arith.muli %scan3A_63, %mul3A_506 : i32
        %add3A_508 = arith.constant 1 : i32
        %add3A_509 = arith.addi %mul3A_507, %add3A_508 : i32
        %get3A_510 = arith.index_cast %add3A_509 : i32 to index
        %get3A_511 = arith.constant 48 : index
        %get3A_512 = tpu.vector_load %arg8[%get3A_510, %get3A_511] {strides = array<i32>} : memref<128x128xf32, #tpu.memory_space<vmem>>, vector<1x16xf32>,
        %get3A_513 = vector.shape_cast %get3A_512 : vector<1x16xf32> to vector<16xf32>
        %max3A_514 = arith.maximumf %get3A_505, %get3A_513 : vector<16xf32>
        %mul3A_515 = arith.constant 16 : i32
        %mul3A_516 = arith.muli %scan3A_63, %mul3A_515 : i32
        %add3A_517 = arith.constant 2 : i32
        %add3A_518 = arith.addi %mul3A_516, %add3A_517 : i32
        %get3A_519 = arith.index_cast %add3A_518 : i32 to index
        %get3A_520 = arith.constant 48 : index
        %get3A_521 = tpu.vector_load %arg8[%get3A_519, %get3A_520] {strides = array<i32>} : memref<128x128xf32, #tpu.memory_space<vmem>>, vector<1x16xf32>,
        %get3A_522 = vector.shape_cast %get3A_521 : vector<1x16xf32> to vector<16xf32>
        %max3A_523 = arith.maximumf %max3A_514, %get3A_522 : vector<16xf32>
        %mul3A_524 = arith.constant 16 : i32
        %mul3A_525 = arith.muli %scan3A_63, %mul3A_524 : i32
        %add3A_526 = arith.constant 3 : i32
        %add3A_527 = arith.addi %mul3A_525, %add3A_526 : i32
        %get3A_528 = arith.index_cast %add3A_527 : i32 to index
        %get3A_529 = arith.constant 48 : index
        %get3A_530 = tpu.vector_load %arg8[%get3A_528, %get3A_529] {strides = array<i32>} : memref<128x128xf32, #tpu.memory_space<vmem>>, vector<1x16xf32>,
        %get3A_531 = vector.shape_cast %get3A_530 : vector<1x16xf32> to vector<16xf32>
        %max3A_532 = arith.maximumf %max3A_523, %get3A_531 : vector<16xf32>
        %mul3A_533 = arith.constant 16 : i32
        %mul3A_534 = arith.muli %scan3A_63, %mul3A_533 : i32
        %add3A_535 = arith.constant 4 : i32
        %add3A_536 = arith.addi %mul3A_534, %add3A_535 : i32
        %get3A_537 = arith.index_cast %add3A_536 : i32 to index
        %get3A_538 = arith.constant 48 : index
        %get3A_539 = tpu.vector_load %arg8[%get3A_537, %get3A_538] {strides = array<i32>} : memref<128x128xf32, #tpu.memory_space<vmem>>, vector<1x16xf32>,
        %get3A_540 = vector.shape_cast %get3A_539 : vector<1x16xf32> to vector<16xf32>
        %max3A_541 = arith.maximumf %max3A_532, %get3A_540 : vector<16xf32>
        %mul3A_542 = arith.constant 16 : i32
        %mul3A_543 = arith.muli %scan3A_63, %mul3A_542 : i32
        %add3A_544 = arith.constant 5 : i32
        %add3A_545 = arith.addi %mul3A_543, %add3A_544 : i32
        %get3A_546 = arith.index_cast %add3A_545 : i32 to index
        %get3A_547 = arith.constant 48 : index
        %get3A_548 = tpu.vector_load %arg8[%get3A_546, %get3A_547] {strides = array<i32>} : memref<128x128xf32, #tpu.memory_space<vmem>>, vector<1x16xf32>,
        %get3A_549 = vector.shape_cast %get3A_548 : vector<1x16xf32> to vector<16xf32>
        %max3A_550 = arith.maximumf %max3A_541, %get3A_549 : vector<16xf32>
        %mul3A_551 = arith.constant 16 : i32
        %mul3A_552 = arith.muli %scan3A_63, %mul3A_551 : i32
        %add3A_553 = arith.constant 6 : i32
        %add3A_554 = arith.addi %mul3A_552, %add3A_553 : i32
        %get3A_555 = arith.index_cast %add3A_554 : i32 to index
        %get3A_556 = arith.constant 48 : index
        %get3A_557 = tpu.vector_load %arg8[%get3A_555, %get3A_556] {strides = array<i32>} : memref<128x128xf32, #tpu.memory_space<vmem>>, vector<1x16xf32>,
        %get3A_558 = vector.shape_cast %get3A_557 : vector<1x16xf32> to vector<16xf32>
        %max3A_559 = arith.maximumf %max3A_550, %get3A_558 : vector<16xf32>
        %mul3A_560 = arith.constant 16 : i32
        %mul3A_561 = arith.muli %scan3A_63, %mul3A_560 : i32
        %add3A_562 = arith.constant 7 : i32
        %add3A_563 = arith.addi %mul3A_561, %add3A_562 : i32
        %get3A_564 = arith.index_cast %add3A_563 : i32 to index
        %get3A_565 = arith.constant 48 : index
        %get3A_566 = tpu.vector_load %arg8[%get3A_564, %get3A_565] {strides = array<i32>} : memref<128x128xf32, #tpu.memory_space<vmem>>, vector<1x16xf32>,
        %get3A_567 = vector.shape_cast %get3A_566 : vector<1x16xf32> to vector<16xf32>
        %max3A_568 = arith.maximumf %max3A_559, %get3A_567 : vector<16xf32>
        %mul3A_569 = arith.constant 16 : i32
        %mul3A_570 = arith.muli %scan3A_63, %mul3A_569 : i32
        %add3A_571 = arith.constant 8 : i32
        %add3A_572 = arith.addi %mul3A_570, %add3A_571 : i32
        %get3A_573 = arith.index_cast %add3A_572 : i32 to index
        %get3A_574 = arith.constant 48 : index
        %get3A_575 = tpu.vector_load %arg8[%get3A_573, %get3A_574] {strides = array<i32>} : memref<128x128xf32, #tpu.memory_space<vmem>>, vector<1x16xf32>,
        %get3A_576 = vector.shape_cast %get3A_575 : vector<1x16xf32> to vector<16xf32>
        %max3A_577 = arith.maximumf %max3A_568, %get3A_576 : vector<16xf32>
        %mul3A_578 = arith.constant 16 : i32
        %mul3A_579 = arith.muli %scan3A_63, %mul3A_578 : i32
        %add3A_580 = arith.constant 9 : i32
        %add3A_581 = arith.addi %mul3A_579, %add3A_580 : i32
        %get3A_582 = arith.index_cast %add3A_581 : i32 to index
        %get3A_583 = arith.constant 48 : index
        %get3A_584 = tpu.vector_load %arg8[%get3A_582, %get3A_583] {strides = array<i32>} : memref<128x128xf32, #tpu.memory_space<vmem>>, vector<1x16xf32>,
        %get3A_585 = vector.shape_cast %get3A_584 : vector<1x16xf32> to vector<16xf32>
        %max3A_586 = arith.maximumf %max3A_577, %get3A_585 : vector<16xf32>
        %mul3A_587 = arith.constant 16 : i32
        %mul3A_588 = arith.muli %scan3A_63, %mul3A_587 : i32
        %add3A_589 = arith.constant 10 : i32
        %add3A_590 = arith.addi %mul3A_588, %add3A_589 : i32
        %get3A_591 = arith.index_cast %add3A_590 : i32 to index
        %get3A_592 = arith.constant 48 : index
        %get3A_593 = tpu.vector_load %arg8[%get3A_591, %get3A_592] {strides = array<i32>} : memref<128x128xf32, #tpu.memory_space<vmem>>, vector<1x16xf32>,
        %get3A_594 = vector.shape_cast %get3A_593 : vector<1x16xf32> to vector<16xf32>
        %max3A_595 = arith.maximumf %max3A_586, %get3A_594 : vector<16xf32>
        %mul3A_596 = arith.constant 16 : i32
        %mul3A_597 = arith.muli %scan3A_63, %mul3A_596 : i32
        %add3A_598 = arith.constant 11 : i32
        %add3A_599 = arith.addi %mul3A_597, %add3A_598 : i32
        %get3A_600 = arith.index_cast %add3A_599 : i32 to index
        %get3A_601 = arith.constant 48 : index
        %get3A_602 = tpu.vector_load %arg8[%get3A_600, %get3A_601] {strides = array<i32>} : memref<128x128xf32, #tpu.memory_space<vmem>>, vector<1x16xf32>,
        %get3A_603 = vector.shape_cast %get3A_602 : vector<1x16xf32> to vector<16xf32>
        %max3A_604 = arith.maximumf %max3A_595, %get3A_603 : vector<16xf32>
        %mul3A_605 = arith.constant 16 : i32
        %mul3A_606 = arith.muli %scan3A_63, %mul3A_605 : i32
        %add3A_607 = arith.constant 12 : i32
        %add3A_608 = arith.addi %mul3A_606, %add3A_607 : i32
        %get3A_609 = arith.index_cast %add3A_608 : i32 to index
        %get3A_610 = arith.constant 48 : index
        %get3A_611 = tpu.vector_load %arg8[%get3A_609, %get3A_610] {strides = array<i32>} : memref<128x128xf32, #tpu.memory_space<vmem>>, vector<1x16xf32>,
        %get3A_612 = vector.shape_cast %get3A_611 : vector<1x16xf32> to vector<16xf32>
        %max3A_613 = arith.maximumf %max3A_604, %get3A_612 : vector<16xf32>
        %mul3A_614 = arith.constant 16 : i32
        %mul3A_615 = arith.muli %scan3A_63, %mul3A_614 : i32
        %add3A_616 = arith.constant 13 : i32
        %add3A_617 = arith.addi %mul3A_615, %add3A_616 : i32
        %get3A_618 = arith.index_cast %add3A_617 : i32 to index
        %get3A_619 = arith.constant 48 : index
        %get3A_620 = tpu.vector_load %arg8[%get3A_618, %get3A_619] {strides = array<i32>} : memref<128x128xf32, #tpu.memory_space<vmem>>, vector<1x16xf32>,
        %get3A_621 = vector.shape_cast %get3A_620 : vector<1x16xf32> to vector<16xf32>
        %max3A_622 = arith.maximumf %max3A_613, %get3A_621 : vector<16xf32>
        %mul3A_623 = arith.constant 16 : i32
        %mul3A_624 = arith.muli %scan3A_63, %mul3A_623 : i32
        %add3A_625 = arith.constant 14 : i32
        %add3A_626 = arith.addi %mul3A_624, %add3A_625 : i32
        %get3A_627 = arith.index_cast %add3A_626 : i32 to index
        %get3A_628 = arith.constant 48 : index
        %get3A_629 = tpu.vector_load %arg8[%get3A_627, %get3A_628] {strides = array<i32>} : memref<128x128xf32, #tpu.memory_space<vmem>>, vector<1x16xf32>,
        %get3A_630 = vector.shape_cast %get3A_629 : vector<1x16xf32> to vector<16xf32>
        %max3A_631 = arith.maximumf %max3A_622, %get3A_630 : vector<16xf32>
        %mul3A_632 = arith.constant 16 : i32
        %mul3A_633 = arith.muli %scan3A_63, %mul3A_632 : i32
        %add3A_634 = arith.constant 15 : i32
        %add3A_635 = arith.addi %mul3A_633, %add3A_634 : i32
        %get3A_636 = arith.index_cast %add3A_635 : i32 to index
        %get3A_637 = arith.constant 48 : index
        %get3A_638 = tpu.vector_load %arg8[%get3A_636, %get3A_637] {strides = array<i32>} : memref<128x128xf32, #tpu.memory_space<vmem>>, vector<1x16xf32>,
        %get3A_639 = vector.shape_cast %get3A_638 : vector<1x16xf32> to vector<16xf32>
        %max3A_640 = arith.maximumf %max3A_631, %get3A_639 : vector<16xf32>
        %swap3A_641 = arith.index_cast %scan3A_63 : i32 to index
        %swap3A_642 = arith.constant 48 : index
        %swap3A_643 = tpu.vector_load %arg9[%swap3A_641, %swap3A_642] {strides = array<i32>} : memref<8x128xf32, #tpu.memory_space<vmem>>, vector<1x16xf32>,
        %swap3A_644 = vector.shape_cast %swap3A_643 : vector<1x16xf32> to vector<16xf32>
        %swap3A_645 = vector.shape_cast %max3A_640 : vector<16xf32> to vector<1x16xf32>
        tpu.vector_store %arg9[%swap3A_641, %swap3A_642], %swap3A_645 {strides = array<i32>} : memref<8x128xf32, #tpu.memory_space<vmem>>, vector<1x16xf32>,
        %mul3A_646 = arith.constant 16 : i32
        %mul3A_647 = arith.muli %scan3A_63, %mul3A_646 : i32
        %get3A_648 = arith.index_cast %mul3A_647 : i32 to index
        %get3A_649 = arith.constant 64 : index
        %get3A_650 = tpu.vector_load %arg8[%get3A_648, %get3A_649] {strides = array<i32>} : memref<128x128xf32, #tpu.memory_space<vmem>>, vector<1x16xf32>,
        %get3A_651 = vector.shape_cast %get3A_650 : vector<1x16xf32> to vector<16xf32>
        %mul3A_652 = arith.constant 16 : i32
        %mul3A_653 = arith.muli %scan3A_63, %mul3A_652 : i32
        %add3A_654 = arith.constant 1 : i32
        %add3A_655 = arith.addi %mul3A_653, %add3A_654 : i32
        %get3A_656 = arith.index_cast %add3A_655 : i32 to index
        %get3A_657 = arith.constant 64 : index
        %get3A_658 = tpu.vector_load %arg8[%get3A_656, %get3A_657] {strides = array<i32>} : memref<128x128xf32, #tpu.memory_space<vmem>>, vector<1x16xf32>,
        %get3A_659 = vector.shape_cast %get3A_658 : vector<1x16xf32> to vector<16xf32>
        %max3A_660 = arith.maximumf %get3A_651, %get3A_659 : vector<16xf32>
        %mul3A_661 = arith.constant 16 : i32
        %mul3A_662 = arith.muli %scan3A_63, %mul3A_661 : i32
        %add3A_663 = arith.constant 2 : i32
        %add3A_664 = arith.addi %mul3A_662, %add3A_663 : i32
        %get3A_665 = arith.index_cast %add3A_664 : i32 to index
        %get3A_666 = arith.constant 64 : index
        %get3A_667 = tpu.vector_load %arg8[%get3A_665, %get3A_666] {strides = array<i32>} : memref<128x128xf32, #tpu.memory_space<vmem>>, vector<1x16xf32>,
        %get3A_668 = vector.shape_cast %get3A_667 : vector<1x16xf32> to vector<16xf32>
        %max3A_669 = arith.maximumf %max3A_660, %get3A_668 : vector<16xf32>
        %mul3A_670 = arith.constant 16 : i32
        %mul3A_671 = arith.muli %scan3A_63, %mul3A_670 : i32
        %add3A_672 = arith.constant 3 : i32
        %add3A_673 = arith.addi %mul3A_671, %add3A_672 : i32
        %get3A_674 = arith.index_cast %add3A_673 : i32 to index
        %get3A_675 = arith.constant 64 : index
        %get3A_676 = tpu.vector_load %arg8[%get3A_674, %get3A_675] {strides = array<i32>} : memref<128x128xf32, #tpu.memory_space<vmem>>, vector<1x16xf32>,
        %get3A_677 = vector.shape_cast %get3A_676 : vector<1x16xf32> to vector<16xf32>
        %max3A_678 = arith.maximumf %max3A_669, %get3A_677 : vector<16xf32>
        %mul3A_679 = arith.constant 16 : i32
        %mul3A_680 = arith.muli %scan3A_63, %mul3A_679 : i32
        %add3A_681 = arith.constant 4 : i32
        %add3A_682 = arith.addi %mul3A_680, %add3A_681 : i32
        %get3A_683 = arith.index_cast %add3A_682 : i32 to index
        %get3A_684 = arith.constant 64 : index
        %get3A_685 = tpu.vector_load %arg8[%get3A_683, %get3A_684] {strides = array<i32>} : memref<128x128xf32, #tpu.memory_space<vmem>>, vector<1x16xf32>,
        %get3A_686 = vector.shape_cast %get3A_685 : vector<1x16xf32> to vector<16xf32>
        %max3A_687 = arith.maximumf %max3A_678, %get3A_686 : vector<16xf32>
        %mul3A_688 = arith.constant 16 : i32
        %mul3A_689 = arith.muli %scan3A_63, %mul3A_688 : i32
        %add3A_690 = arith.constant 5 : i32
        %add3A_691 = arith.addi %mul3A_689, %add3A_690 : i32
        %get3A_692 = arith.index_cast %add3A_691 : i32 to index
        %get3A_693 = arith.constant 64 : index
        %get3A_694 = tpu.vector_load %arg8[%get3A_692, %get3A_693] {strides = array<i32>} : memref<128x128xf32, #tpu.memory_space<vmem>>, vector<1x16xf32>,
        %get3A_695 = vector.shape_cast %get3A_694 : vector<1x16xf32> to vector<16xf32>
        %max3A_696 = arith.maximumf %max3A_687, %get3A_695 : vector<16xf32>
        %mul3A_697 = arith.constant 16 : i32
        %mul3A_698 = arith.muli %scan3A_63, %mul3A_697 : i32
        %add3A_699 = arith.constant 6 : i32
        %add3A_700 = arith.addi %mul3A_698, %add3A_699 : i32
        %get3A_701 = arith.index_cast %add3A_700 : i32 to index
        %get3A_702 = arith.constant 64 : index
        %get3A_703 = tpu.vector_load %arg8[%get3A_701, %get3A_702] {strides = array<i32>} : memref<128x128xf32, #tpu.memory_space<vmem>>, vector<1x16xf32>,
        %get3A_704 = vector.shape_cast %get3A_703 : vector<1x16xf32> to vector<16xf32>
        %max3A_705 = arith.maximumf %max3A_696, %get3A_704 : vector<16xf32>
        %mul3A_706 = arith.constant 16 : i32
        %mul3A_707 = arith.muli %scan3A_63, %mul3A_706 : i32
        %add3A_708 = arith.constant 7 : i32
        %add3A_709 = arith.addi %mul3A_707, %add3A_708 : i32
        %get3A_710 = arith.index_cast %add3A_709 : i32 to index
        %get3A_711 = arith.constant 64 : index
        %get3A_712 = tpu.vector_load %arg8[%get3A_710, %get3A_711] {strides = array<i32>} : memref<128x128xf32, #tpu.memory_space<vmem>>, vector<1x16xf32>,
        %get3A_713 = vector.shape_cast %get3A_712 : vector<1x16xf32> to vector<16xf32>
        %max3A_714 = arith.maximumf %max3A_705, %get3A_713 : vector<16xf32>
        %mul3A_715 = arith.constant 16 : i32
        %mul3A_716 = arith.muli %scan3A_63, %mul3A_715 : i32
        %add3A_717 = arith.constant 8 : i32
        %add3A_718 = arith.addi %mul3A_716, %add3A_717 : i32
        %get3A_719 = arith.index_cast %add3A_718 : i32 to index
        %get3A_720 = arith.constant 64 : index
        %get3A_721 = tpu.vector_load %arg8[%get3A_719, %get3A_720] {strides = array<i32>} : memref<128x128xf32, #tpu.memory_space<vmem>>, vector<1x16xf32>,
        %get3A_722 = vector.shape_cast %get3A_721 : vector<1x16xf32> to vector<16xf32>
        %max3A_723 = arith.maximumf %max3A_714, %get3A_722 : vector<16xf32>
        %mul3A_724 = arith.constant 16 : i32
        %mul3A_725 = arith.muli %scan3A_63, %mul3A_724 : i32
        %add3A_726 = arith.constant 9 : i32
        %add3A_727 = arith.addi %mul3A_725, %add3A_726 : i32
        %get3A_728 = arith.index_cast %add3A_727 : i32 to index
        %get3A_729 = arith.constant 64 : index
        %get3A_730 = tpu.vector_load %arg8[%get3A_728, %get3A_729] {strides = array<i32>} : memref<128x128xf32, #tpu.memory_space<vmem>>, vector<1x16xf32>,
        %get3A_731 = vector.shape_cast %get3A_730 : vector<1x16xf32> to vector<16xf32>
        %max3A_732 = arith.maximumf %max3A_723, %get3A_731 : vector<16xf32>
        %mul3A_733 = arith.constant 16 : i32
        %mul3A_734 = arith.muli %scan3A_63, %mul3A_733 : i32
        %add3A_735 = arith.constant 10 : i32
        %add3A_736 = arith.addi %mul3A_734, %add3A_735 : i32
        %get3A_737 = arith.index_cast %add3A_736 : i32 to index
        %get3A_738 = arith.constant 64 : index
        %get3A_739 = tpu.vector_load %arg8[%get3A_737, %get3A_738] {strides = array<i32>} : memref<128x128xf32, #tpu.memory_space<vmem>>, vector<1x16xf32>,
        %get3A_740 = vector.shape_cast %get3A_739 : vector<1x16xf32> to vector<16xf32>
        %max3A_741 = arith.maximumf %max3A_732, %get3A_740 : vector<16xf32>
        %mul3A_742 = arith.constant 16 : i32
        %mul3A_743 = arith.muli %scan3A_63, %mul3A_742 : i32
        %add3A_744 = arith.constant 11 : i32
        %add3A_745 = arith.addi %mul3A_743, %add3A_744 : i32
        %get3A_746 = arith.index_cast %add3A_745 : i32 to index
        %get3A_747 = arith.constant 64 : index
        %get3A_748 = tpu.vector_load %arg8[%get3A_746, %get3A_747] {strides = array<i32>} : memref<128x128xf32, #tpu.memory_space<vmem>>, vector<1x16xf32>,
        %get3A_749 = vector.shape_cast %get3A_748 : vector<1x16xf32> to vector<16xf32>
        %max3A_750 = arith.maximumf %max3A_741, %get3A_749 : vector<16xf32>
        %mul3A_751 = arith.constant 16 : i32
        %mul3A_752 = arith.muli %scan3A_63, %mul3A_751 : i32
        %add3A_753 = arith.constant 12 : i32
        %add3A_754 = arith.addi %mul3A_752, %add3A_753 : i32
        %get3A_755 = arith.index_cast %add3A_754 : i32 to index
        %get3A_756 = arith.constant 64 : index
        %get3A_757 = tpu.vector_load %arg8[%get3A_755, %get3A_756] {strides = array<i32>} : memref<128x128xf32, #tpu.memory_space<vmem>>, vector<1x16xf32>,
        %get3A_758 = vector.shape_cast %get3A_757 : vector<1x16xf32> to vector<16xf32>
        %max3A_759 = arith.maximumf %max3A_750, %get3A_758 : vector<16xf32>
        %mul3A_760 = arith.constant 16 : i32
        %mul3A_761 = arith.muli %scan3A_63, %mul3A_760 : i32
        %add3A_762 = arith.constant 13 : i32
        %add3A_763 = arith.addi %mul3A_761, %add3A_762 : i32
        %get3A_764 = arith.index_cast %add3A_763 : i32 to index
        %get3A_765 = arith.constant 64 : index
        %get3A_766 = tpu.vector_load %arg8[%get3A_764, %get3A_765] {strides = array<i32>} : memref<128x128xf32, #tpu.memory_space<vmem>>, vector<1x16xf32>,
        %get3A_767 = vector.shape_cast %get3A_766 : vector<1x16xf32> to vector<16xf32>
        %max3A_768 = arith.maximumf %max3A_759, %get3A_767 : vector<16xf32>
        %mul3A_769 = arith.constant 16 : i32
        %mul3A_770 = arith.muli %scan3A_63, %mul3A_769 : i32
        %add3A_771 = arith.constant 14 : i32
        %add3A_772 = arith.addi %mul3A_770, %add3A_771 : i32
        %get3A_773 = arith.index_cast %add3A_772 : i32 to index
        %get3A_774 = arith.constant 64 : index
        %get3A_775 = tpu.vector_load %arg8[%get3A_773, %get3A_774] {strides = array<i32>} : memref<128x128xf32, #tpu.memory_space<vmem>>, vector<1x16xf32>,
        %get3A_776 = vector.shape_cast %get3A_775 : vector<1x16xf32> to vector<16xf32>
        %max3A_777 = arith.maximumf %max3A_768, %get3A_776 : vector<16xf32>
        %mul3A_778 = arith.constant 16 : i32
        %mul3A_779 = arith.muli %scan3A_63, %mul3A_778 : i32
        %add3A_780 = arith.constant 15 : i32
        %add3A_781 = arith.addi %mul3A_779, %add3A_780 : i32
        %get3A_782 = arith.index_cast %add3A_781 : i32 to index
        %get3A_783 = arith.constant 64 : index
        %get3A_784 = tpu.vector_load %arg8[%get3A_782, %get3A_783] {strides = array<i32>} : memref<128x128xf32, #tpu.memory_space<vmem>>, vector<1x16xf32>,
        %get3A_785 = vector.shape_cast %get3A_784 : vector<1x16xf32> to vector<16xf32>
        %max3A_786 = arith.maximumf %max3A_777, %get3A_785 : vector<16xf32>
        %swap3A_787 = arith.index_cast %scan3A_63 : i32 to index
        %swap3A_788 = arith.constant 64 : index
        %swap3A_789 = tpu.vector_load %arg9[%swap3A_787, %swap3A_788] {strides = array<i32>} : memref<8x128xf32, #tpu.memory_space<vmem>>, vector<1x16xf32>,
        %swap3A_790 = vector.shape_cast %swap3A_789 : vector<1x16xf32> to vector<16xf32>
        %swap3A_791 = vector.shape_cast %max3A_786 : vector<16xf32> to vector<1x16xf32>
        tpu.vector_store %arg9[%swap3A_787, %swap3A_788], %swap3A_791 {strides = array<i32>} : memref<8x128xf32, #tpu.memory_space<vmem>>, vector<1x16xf32>,
        %mul3A_792 = arith.constant 16 : i32
        %mul3A_793 = arith.muli %scan3A_63, %mul3A_792 : i32
        %get3A_794 = arith.index_cast %mul3A_793 : i32 to index
        %get3A_795 = arith.constant 80 : index
        %get3A_796 = tpu.vector_load %arg8[%get3A_794, %get3A_795] {strides = array<i32>} : memref<128x128xf32, #tpu.memory_space<vmem>>, vector<1x16xf32>,
        %get3A_797 = vector.shape_cast %get3A_796 : vector<1x16xf32> to vector<16xf32>
        %mul3A_798 = arith.constant 16 : i32
        %mul3A_799 = arith.muli %scan3A_63, %mul3A_798 : i32
        %add3A_800 = arith.constant 1 : i32
        %add3A_801 = arith.addi %mul3A_799, %add3A_800 : i32
        %get3A_802 = arith.index_cast %add3A_801 : i32 to index
        %get3A_803 = arith.constant 80 : index
        %get3A_804 = tpu.vector_load %arg8[%get3A_802, %get3A_803] {strides = array<i32>} : memref<128x128xf32, #tpu.memory_space<vmem>>, vector<1x16xf32>,
        %get3A_805 = vector.shape_cast %get3A_804 : vector<1x16xf32> to vector<16xf32>
        %max3A_806 = arith.maximumf %get3A_797, %get3A_805 : vector<16xf32>
        %mul3A_807 = arith.constant 16 : i32
        %mul3A_808 = arith.muli %scan3A_63, %mul3A_807 : i32
        %add3A_809 = arith.constant 2 : i32
        %add3A_810 = arith.addi %mul3A_808, %add3A_809 : i32
        %get3A_811 = arith.index_cast %add3A_810 : i32 to index
        %get3A_812 = arith.constant 80 : index
        %get3A_813 = tpu.vector_load %arg8[%get3A_811, %get3A_812] {strides = array<i32>} : memref<128x128xf32, #tpu.memory_space<vmem>>, vector<1x16xf32>,
        %get3A_814 = vector.shape_cast %get3A_813 : vector<1x16xf32> to vector<16xf32>
        %max3A_815 = arith.maximumf %max3A_806, %get3A_814 : vector<16xf32>
        %mul3A_816 = arith.constant 16 : i32
        %mul3A_817 = arith.muli %scan3A_63, %mul3A_816 : i32
        %add3A_818 = arith.constant 3 : i32
        %add3A_819 = arith.addi %mul3A_817, %add3A_818 : i32
        %get3A_820 = arith.index_cast %add3A_819 : i32 to index
        %get3A_821 = arith.constant 80 : index
        %get3A_822 = tpu.vector_load %arg8[%get3A_820, %get3A_821] {strides = array<i32>} : memref<128x128xf32, #tpu.memory_space<vmem>>, vector<1x16xf32>,
        %get3A_823 = vector.shape_cast %get3A_822 : vector<1x16xf32> to vector<16xf32>
        %max3A_824 = arith.maximumf %max3A_815, %get3A_823 : vector<16xf32>
        %mul3A_825 = arith.constant 16 : i32
        %mul3A_826 = arith.muli %scan3A_63, %mul3A_825 : i32
        %add3A_827 = arith.constant 4 : i32
        %add3A_828 = arith.addi %mul3A_826, %add3A_827 : i32
        %get3A_829 = arith.index_cast %add3A_828 : i32 to index
        %get3A_830 = arith.constant 80 : index
        %get3A_831 = tpu.vector_load %arg8[%get3A_829, %get3A_830] {strides = array<i32>} : memref<128x128xf32, #tpu.memory_space<vmem>>, vector<1x16xf32>,
        %get3A_832 = vector.shape_cast %get3A_831 : vector<1x16xf32> to vector<16xf32>
        %max3A_833 = arith.maximumf %max3A_824, %get3A_832 : vector<16xf32>
        %mul3A_834 = arith.constant 16 : i32
        %mul3A_835 = arith.muli %scan3A_63, %mul3A_834 : i32
        %add3A_836 = arith.constant 5 : i32
        %add3A_837 = arith.addi %mul3A_835, %add3A_836 : i32
        %get3A_838 = arith.index_cast %add3A_837 : i32 to index
        %get3A_839 = arith.constant 80 : index
        %get3A_840 = tpu.vector_load %arg8[%get3A_838, %get3A_839] {strides = array<i32>} : memref<128x128xf32, #tpu.memory_space<vmem>>, vector<1x16xf32>,
        %get3A_841 = vector.shape_cast %get3A_840 : vector<1x16xf32> to vector<16xf32>
        %max3A_842 = arith.maximumf %max3A_833, %get3A_841 : vector<16xf32>
        %mul3A_843 = arith.constant 16 : i32
        %mul3A_844 = arith.muli %scan3A_63, %mul3A_843 : i32
        %add3A_845 = arith.constant 6 : i32
        %add3A_846 = arith.addi %mul3A_844, %add3A_845 : i32
        %get3A_847 = arith.index_cast %add3A_846 : i32 to index
        %get3A_848 = arith.constant 80 : index
        %get3A_849 = tpu.vector_load %arg8[%get3A_847, %get3A_848] {strides = array<i32>} : memref<128x128xf32, #tpu.memory_space<vmem>>, vector<1x16xf32>,
        %get3A_850 = vector.shape_cast %get3A_849 : vector<1x16xf32> to vector<16xf32>
        %max3A_851 = arith.maximumf %max3A_842, %get3A_850 : vector<16xf32>
        %mul3A_852 = arith.constant 16 : i32
        %mul3A_853 = arith.muli %scan3A_63, %mul3A_852 : i32
        %add3A_854 = arith.constant 7 : i32
        %add3A_855 = arith.addi %mul3A_853, %add3A_854 : i32
        %get3A_856 = arith.index_cast %add3A_855 : i32 to index
        %get3A_857 = arith.constant 80 : index
        %get3A_858 = tpu.vector_load %arg8[%get3A_856, %get3A_857] {strides = array<i32>} : memref<128x128xf32, #tpu.memory_space<vmem>>, vector<1x16xf32>,
        %get3A_859 = vector.shape_cast %get3A_858 : vector<1x16xf32> to vector<16xf32>
        %max3A_860 = arith.maximumf %max3A_851, %get3A_859 : vector<16xf32>
        %mul3A_861 = arith.constant 16 : i32
        %mul3A_862 = arith.muli %scan3A_63, %mul3A_861 : i32
        %add3A_863 = arith.constant 8 : i32
        %add3A_864 = arith.addi %mul3A_862, %add3A_863 : i32
        %get3A_865 = arith.index_cast %add3A_864 : i32 to index
        %get3A_866 = arith.constant 80 : index
        %get3A_867 = tpu.vector_load %arg8[%get3A_865, %get3A_866] {strides = array<i32>} : memref<128x128xf32, #tpu.memory_space<vmem>>, vector<1x16xf32>,
        %get3A_868 = vector.shape_cast %get3A_867 : vector<1x16xf32> to vector<16xf32>
        %max3A_869 = arith.maximumf %max3A_860, %get3A_868 : vector<16xf32>
        %mul3A_870 = arith.constant 16 : i32
        %mul3A_871 = arith.muli %scan3A_63, %mul3A_870 : i32
        %add3A_872 = arith.constant 9 : i32
        %add3A_873 = arith.addi %mul3A_871, %add3A_872 : i32
        %get3A_874 = arith.index_cast %add3A_873 : i32 to index
        %get3A_875 = arith.constant 80 : index
        %get3A_876 = tpu.vector_load %arg8[%get3A_874, %get3A_875] {strides = array<i32>} : memref<128x128xf32, #tpu.memory_space<vmem>>, vector<1x16xf32>,
        %get3A_877 = vector.shape_cast %get3A_876 : vector<1x16xf32> to vector<16xf32>
        %max3A_878 = arith.maximumf %max3A_869, %get3A_877 : vector<16xf32>
        %mul3A_879 = arith.constant 16 : i32
        %mul3A_880 = arith.muli %scan3A_63, %mul3A_879 : i32
        %add3A_881 = arith.constant 10 : i32
        %add3A_882 = arith.addi %mul3A_880, %add3A_881 : i32
        %get3A_883 = arith.index_cast %add3A_882 : i32 to index
        %get3A_884 = arith.constant 80 : index
        %get3A_885 = tpu.vector_load %arg8[%get3A_883, %get3A_884] {strides = array<i32>} : memref<128x128xf32, #tpu.memory_space<vmem>>, vector<1x16xf32>,
        %get3A_886 = vector.shape_cast %get3A_885 : vector<1x16xf32> to vector<16xf32>
        %max3A_887 = arith.maximumf %max3A_878, %get3A_886 : vector<16xf32>
        %mul3A_888 = arith.constant 16 : i32
        %mul3A_889 = arith.muli %scan3A_63, %mul3A_888 : i32
        %add3A_890 = arith.constant 11 : i32
        %add3A_891 = arith.addi %mul3A_889, %add3A_890 : i32
        %get3A_892 = arith.index_cast %add3A_891 : i32 to index
        %get3A_893 = arith.constant 80 : index
        %get3A_894 = tpu.vector_load %arg8[%get3A_892, %get3A_893] {strides = array<i32>} : memref<128x128xf32, #tpu.memory_space<vmem>>, vector<1x16xf32>,
        %get3A_895 = vector.shape_cast %get3A_894 : vector<1x16xf32> to vector<16xf32>
        %max3A_896 = arith.maximumf %max3A_887, %get3A_895 : vector<16xf32>
        %mul3A_897 = arith.constant 16 : i32
        %mul3A_898 = arith.muli %scan3A_63, %mul3A_897 : i32
        %add3A_899 = arith.constant 12 : i32
        %add3A_900 = arith.addi %mul3A_898, %add3A_899 : i32
        %get3A_901 = arith.index_cast %add3A_900 : i32 to index
        %get3A_902 = arith.constant 80 : index
        %get3A_903 = tpu.vector_load %arg8[%get3A_901, %get3A_902] {strides = array<i32>} : memref<128x128xf32, #tpu.memory_space<vmem>>, vector<1x16xf32>,
        %get3A_904 = vector.shape_cast %get3A_903 : vector<1x16xf32> to vector<16xf32>
        %max3A_905 = arith.maximumf %max3A_896, %get3A_904 : vector<16xf32>
        %mul3A_906 = arith.constant 16 : i32
        %mul3A_907 = arith.muli %scan3A_63, %mul3A_906 : i32
        %add3A_908 = arith.constant 13 : i32
        %add3A_909 = arith.addi %mul3A_907, %add3A_908 : i32
        %get3A_910 = arith.index_cast %add3A_909 : i32 to index
        %get3A_911 = arith.constant 80 : index
        %get3A_912 = tpu.vector_load %arg8[%get3A_910, %get3A_911] {strides = array<i32>} : memref<128x128xf32, #tpu.memory_space<vmem>>, vector<1x16xf32>,
        %get3A_913 = vector.shape_cast %get3A_912 : vector<1x16xf32> to vector<16xf32>
        %max3A_914 = arith.maximumf %max3A_905, %get3A_913 : vector<16xf32>
        %mul3A_915 = arith.constant 16 : i32
        %mul3A_916 = arith.muli %scan3A_63, %mul3A_915 : i32
        %add3A_917 = arith.constant 14 : i32
        %add3A_918 = arith.addi %mul3A_916, %add3A_917 : i32
        %get3A_919 = arith.index_cast %add3A_918 : i32 to index
        %get3A_920 = arith.constant 80 : index
        %get3A_921 = tpu.vector_load %arg8[%get3A_919, %get3A_920] {strides = array<i32>} : memref<128x128xf32, #tpu.memory_space<vmem>>, vector<1x16xf32>,
        %get3A_922 = vector.shape_cast %get3A_921 : vector<1x16xf32> to vector<16xf32>
        %max3A_923 = arith.maximumf %max3A_914, %get3A_922 : vector<16xf32>
        %mul3A_924 = arith.constant 16 : i32
        %mul3A_925 = arith.muli %scan3A_63, %mul3A_924 : i32
        %add3A_926 = arith.constant 15 : i32
        %add3A_927 = arith.addi %mul3A_925, %add3A_926 : i32
        %get3A_928 = arith.index_cast %add3A_927 : i32 to index
        %get3A_929 = arith.constant 80 : index
        %get3A_930 = tpu.vector_load %arg8[%get3A_928, %get3A_929] {strides = array<i32>} : memref<128x128xf32, #tpu.memory_space<vmem>>, vector<1x16xf32>,
        %get3A_931 = vector.shape_cast %get3A_930 : vector<1x16xf32> to vector<16xf32>
        %max3A_932 = arith.maximumf %max3A_923, %get3A_931 : vector<16xf32>
        %swap3A_933 = arith.index_cast %scan3A_63 : i32 to index
        %swap3A_934 = arith.constant 80 : index
        %swap3A_935 = tpu.vector_load %arg9[%swap3A_933, %swap3A_934] {strides = array<i32>} : memref<8x128xf32, #tpu.memory_space<vmem>>, vector<1x16xf32>,
        %swap3A_936 = vector.shape_cast %swap3A_935 : vector<1x16xf32> to vector<16xf32>
        %swap3A_937 = vector.shape_cast %max3A_932 : vector<16xf32> to vector<1x16xf32>
        tpu.vector_store %arg9[%swap3A_933, %swap3A_934], %swap3A_937 {strides = array<i32>} : memref<8x128xf32, #tpu.memory_space<vmem>>, vector<1x16xf32>,
        %mul3A_938 = arith.constant 16 : i32
        %mul3A_939 = arith.muli %scan3A_63, %mul3A_938 : i32
        %get3A_940 = arith.index_cast %mul3A_939 : i32 to index
        %get3A_941 = arith.constant 96 : index
        %get3A_942 = tpu.vector_load %arg8[%get3A_940, %get3A_941] {strides = array<i32>} : memref<128x128xf32, #tpu.memory_space<vmem>>, vector<1x16xf32>,
        %get3A_943 = vector.shape_cast %get3A_942 : vector<1x16xf32> to vector<16xf32>
        %mul3A_944 = arith.constant 16 : i32
        %mul3A_945 = arith.muli %scan3A_63, %mul3A_944 : i32
        %add3A_946 = arith.constant 1 : i32
        %add3A_947 = arith.addi %mul3A_945, %add3A_946 : i32
        %get3A_948 = arith.index_cast %add3A_947 : i32 to index
        %get3A_949 = arith.constant 96 : index
        %get3A_950 = tpu.vector_load %arg8[%get3A_948, %get3A_949] {strides = array<i32>} : memref<128x128xf32, #tpu.memory_space<vmem>>, vector<1x16xf32>,
        %get3A_951 = vector.shape_cast %get3A_950 : vector<1x16xf32> to vector<16xf32>
        %max3A_952 = arith.maximumf %get3A_943, %get3A_951 : vector<16xf32>
        %mul3A_953 = arith.constant 16 : i32
        %mul3A_954 = arith.muli %scan3A_63, %mul3A_953 : i32
        %add3A_955 = arith.constant 2 : i32
        %add3A_956 = arith.addi %mul3A_954, %add3A_955 : i32
        %get3A_957 = arith.index_cast %add3A_956 : i32 to index
        %get3A_958 = arith.constant 96 : index
        %get3A_959 = tpu.vector_load %arg8[%get3A_957, %get3A_958] {strides = array<i32>} : memref<128x128xf32, #tpu.memory_space<vmem>>, vector<1x16xf32>,
        %get3A_960 = vector.shape_cast %get3A_959 : vector<1x16xf32> to vector<16xf32>
        %max3A_961 = arith.maximumf %max3A_952, %get3A_960 : vector<16xf32>
        %mul3A_962 = arith.constant 16 : i32
        %mul3A_963 = arith.muli %scan3A_63, %mul3A_962 : i32
        %add3A_964 = arith.constant 3 : i32
        %add3A_965 = arith.addi %mul3A_963, %add3A_964 : i32
        %get3A_966 = arith.index_cast %add3A_965 : i32 to index
        %get3A_967 = arith.constant 96 : index
        %get3A_968 = tpu.vector_load %arg8[%get3A_966, %get3A_967] {strides = array<i32>} : memref<128x128xf32, #tpu.memory_space<vmem>>, vector<1x16xf32>,
        %get3A_969 = vector.shape_cast %get3A_968 : vector<1x16xf32> to vector<16xf32>
        %max3A_970 = arith.maximumf %max3A_961, %get3A_969 : vector<16xf32>
        %mul3A_971 = arith.constant 16 : i32
        %mul3A_972 = arith.muli %scan3A_63, %mul3A_971 : i32
        %add3A_973 = arith.constant 4 : i32
        %add3A_974 = arith.addi %mul3A_972, %add3A_973 : i32
        %get3A_975 = arith.index_cast %add3A_974 : i32 to index
        %get3A_976 = arith.constant 96 : index
        %get3A_977 = tpu.vector_load %arg8[%get3A_975, %get3A_976] {strides = array<i32>} : memref<128x128xf32, #tpu.memory_space<vmem>>, vector<1x16xf32>,
        %get3A_978 = vector.shape_cast %get3A_977 : vector<1x16xf32> to vector<16xf32>
        %max3A_979 = arith.maximumf %max3A_970, %get3A_978 : vector<16xf32>
        %mul3A_980 = arith.constant 16 : i32
        %mul3A_981 = arith.muli %scan3A_63, %mul3A_980 : i32
        %add3A_982 = arith.constant 5 : i32
        %add3A_983 = arith.addi %mul3A_981, %add3A_982 : i32
        %get3A_984 = arith.index_cast %add3A_983 : i32 to index
        %get3A_985 = arith.constant 96 : index
        %get3A_986 = tpu.vector_load %arg8[%get3A_984, %get3A_985] {strides = array<i32>} : memref<128x128xf32, #tpu.memory_space<vmem>>, vector<1x16xf32>,
        %get3A_987 = vector.shape_cast %get3A_986 : vector<1x16xf32> to vector<16xf32>
        %max3A_988 = arith.maximumf %max3A_979, %get3A_987 : vector<16xf32>
        %mul3A_989 = arith.constant 16 : i32
        %mul3A_990 = arith.muli %scan3A_63, %mul3A_989 : i32
        %add3A_991 = arith.constant 6 : i32
        %add3A_992 = arith.addi %mul3A_990, %add3A_991 : i32
        %get3A_993 = arith.index_cast %add3A_992 : i32 to index
        %get3A_994 = arith.constant 96 : index
        %get3A_995 = tpu.vector_load %arg8[%get3A_993, %get3A_994] {strides = array<i32>} : memref<128x128xf32, #tpu.memory_space<vmem>>, vector<1x16xf32>,
        %get3A_996 = vector.shape_cast %get3A_995 : vector<1x16xf32> to vector<16xf32>
        %max3A_997 = arith.maximumf %max3A_988, %get3A_996 : vector<16xf32>
        %mul3A_998 = arith.constant 16 : i32
        %mul3A_999 = arith.muli %scan3A_63, %mul3A_998 : i32
        %add3A_1000 = arith.constant 7 : i32
        %add3A_1001 = arith.addi %mul3A_999, %add3A_1000 : i32
        %get3A_1002 = arith.index_cast %add3A_1001 : i32 to index
        %get3A_1003 = arith.constant 96 : index
        %get3A_1004 = tpu.vector_load %arg8[%get3A_1002, %get3A_1003] {strides = array<i32>} : memref<128x128xf32, #tpu.memory_space<vmem>>, vector<1x16xf32>,
        %get3A_1005 = vector.shape_cast %get3A_1004 : vector<1x16xf32> to vector<16xf32>
        %max3A_1006 = arith.maximumf %max3A_997, %get3A_1005 : vector<16xf32>
        %mul3A_1007 = arith.constant 16 : i32
        %mul3A_1008 = arith.muli %scan3A_63, %mul3A_1007 : i32
        %add3A_1009 = arith.constant 8 : i32
        %add3A_1010 = arith.addi %mul3A_1008, %add3A_1009 : i32
        %get3A_1011 = arith.index_cast %add3A_1010 : i32 to index
        %get3A_1012 = arith.constant 96 : index
        %get3A_1013 = tpu.vector_load %arg8[%get3A_1011, %get3A_1012] {strides = array<i32>} : memref<128x128xf32, #tpu.memory_space<vmem>>, vector<1x16xf32>,
        %get3A_1014 = vector.shape_cast %get3A_1013 : vector<1x16xf32> to vector<16xf32>
        %max3A_1015 = arith.maximumf %max3A_1006, %get3A_1014 : vector<16xf32>
        %mul3A_1016 = arith.constant 16 : i32
        %mul3A_1017 = arith.muli %scan3A_63, %mul3A_1016 : i32
        %add3A_1018 = arith.constant 9 : i32
        %add3A_1019 = arith.addi %mul3A_1017, %add3A_1018 : i32
        %get3A_1020 = arith.index_cast %add3A_1019 : i32 to index
        %get3A_1021 = arith.constant 96 : index
        %get3A_1022 = tpu.vector_load %arg8[%get3A_1020, %get3A_1021] {strides = array<i32>} : memref<128x128xf32, #tpu.memory_space<vmem>>, vector<1x16xf32>,
        %get3A_1023 = vector.shape_cast %get3A_1022 : vector<1x16xf32> to vector<16xf32>
        %max3A_1024 = arith.maximumf %max3A_1015, %get3A_1023 : vector<16xf32>
        %mul3A_1025 = arith.constant 16 : i32
        %mul3A_1026 = arith.muli %scan3A_63, %mul3A_1025 : i32
        %add3A_1027 = arith.constant 10 : i32
        %add3A_1028 = arith.addi %mul3A_1026, %add3A_1027 : i32
        %get3A_1029 = arith.index_cast %add3A_1028 : i32 to index
        %get3A_1030 = arith.constant 96 : index
        %get3A_1031 = tpu.vector_load %arg8[%get3A_1029, %get3A_1030] {strides = array<i32>} : memref<128x128xf32, #tpu.memory_space<vmem>>, vector<1x16xf32>,
        %get3A_1032 = vector.shape_cast %get3A_1031 : vector<1x16xf32> to vector<16xf32>
        %max3A_1033 = arith.maximumf %max3A_1024, %get3A_1032 : vector<16xf32>
        %mul3A_1034 = arith.constant 16 : i32
        %mul3A_1035 = arith.muli %scan3A_63, %mul3A_1034 : i32
        %add3A_1036 = arith.constant 11 : i32
        %add3A_1037 = arith.addi %mul3A_1035, %add3A_1036 : i32
        %get3A_1038 = arith.index_cast %add3A_1037 : i32 to index
        %get3A_1039 = arith.constant 96 : index
        %get3A_1040 = tpu.vector_load %arg8[%get3A_1038, %get3A_1039] {strides = array<i32>} : memref<128x128xf32, #tpu.memory_space<vmem>>, vector<1x16xf32>,
        %get3A_1041 = vector.shape_cast %get3A_1040 : vector<1x16xf32> to vector<16xf32>
        %max3A_1042 = arith.maximumf %max3A_1033, %get3A_1041 : vector<16xf32>
        %mul3A_1043 = arith.constant 16 : i32
        %mul3A_1044 = arith.muli %scan3A_63, %mul3A_1043 : i32
        %add3A_1045 = arith.constant 12 : i32
        %add3A_1046 = arith.addi %mul3A_1044, %add3A_1045 : i32
        %get3A_1047 = arith.index_cast %add3A_1046 : i32 to index
        %get3A_1048 = arith.constant 96 : index
        %get3A_1049 = tpu.vector_load %arg8[%get3A_1047, %get3A_1048] {strides = array<i32>} : memref<128x128xf32, #tpu.memory_space<vmem>>, vector<1x16xf32>,
        %get3A_1050 = vector.shape_cast %get3A_1049 : vector<1x16xf32> to vector<16xf32>
        %max3A_1051 = arith.maximumf %max3A_1042, %get3A_1050 : vector<16xf32>
        %mul3A_1052 = arith.constant 16 : i32
        %mul3A_1053 = arith.muli %scan3A_63, %mul3A_1052 : i32
        %add3A_1054 = arith.constant 13 : i32
        %add3A_1055 = arith.addi %mul3A_1053, %add3A_1054 : i32
        %get3A_1056 = arith.index_cast %add3A_1055 : i32 to index
        %get3A_1057 = arith.constant 96 : index
        %get3A_1058 = tpu.vector_load %arg8[%get3A_1056, %get3A_1057] {strides = array<i32>} : memref<128x128xf32, #tpu.memory_space<vmem>>, vector<1x16xf32>,
        %get3A_1059 = vector.shape_cast %get3A_1058 : vector<1x16xf32> to vector<16xf32>
        %max3A_1060 = arith.maximumf %max3A_1051, %get3A_1059 : vector<16xf32>
        %mul3A_1061 = arith.constant 16 : i32
        %mul3A_1062 = arith.muli %scan3A_63, %mul3A_1061 : i32
        %add3A_1063 = arith.constant 14 : i32
        %add3A_1064 = arith.addi %mul3A_1062, %add3A_1063 : i32
        %get3A_1065 = arith.index_cast %add3A_1064 : i32 to index
        %get3A_1066 = arith.constant 96 : index
        %get3A_1067 = tpu.vector_load %arg8[%get3A_1065, %get3A_1066] {strides = array<i32>} : memref<128x128xf32, #tpu.memory_space<vmem>>, vector<1x16xf32>,
        %get3A_1068 = vector.shape_cast %get3A_1067 : vector<1x16xf32> to vector<16xf32>
        %max3A_1069 = arith.maximumf %max3A_1060, %get3A_1068 : vector<16xf32>
        %mul3A_1070 = arith.constant 16 : i32
        %mul3A_1071 = arith.muli %scan3A_63, %mul3A_1070 : i32
        %add3A_1072 = arith.constant 15 : i32
        %add3A_1073 = arith.addi %mul3A_1071, %add3A_1072 : i32
        %get3A_1074 = arith.index_cast %add3A_1073 : i32 to index
        %get3A_1075 = arith.constant 96 : index
        %get3A_1076 = tpu.vector_load %arg8[%get3A_1074, %get3A_1075] {strides = array<i32>} : memref<128x128xf32, #tpu.memory_space<vmem>>, vector<1x16xf32>,
        %get3A_1077 = vector.shape_cast %get3A_1076 : vector<1x16xf32> to vector<16xf32>
        %max3A_1078 = arith.maximumf %max3A_1069, %get3A_1077 : vector<16xf32>
        %swap3A_1079 = arith.index_cast %scan3A_63 : i32 to index
        %swap3A_1080 = arith.constant 96 : index
        %swap3A_1081 = tpu.vector_load %arg9[%swap3A_1079, %swap3A_1080] {strides = array<i32>} : memref<8x128xf32, #tpu.memory_space<vmem>>, vector<1x16xf32>,
        %swap3A_1082 = vector.shape_cast %swap3A_1081 : vector<1x16xf32> to vector<16xf32>
        %swap3A_1083 = vector.shape_cast %max3A_1078 : vector<16xf32> to vector<1x16xf32>
        tpu.vector_store %arg9[%swap3A_1079, %swap3A_1080], %swap3A_1083 {strides = array<i32>} : memref<8x128xf32, #tpu.memory_space<vmem>>, vector<1x16xf32>,
        %mul3A_1084 = arith.constant 16 : i32
        %mul3A_1085 = arith.muli %scan3A_63, %mul3A_1084 : i32
        %get3A_1086 = arith.index_cast %mul3A_1085 : i32 to index
        %get3A_1087 = arith.constant 112 : index
        %get3A_1088 = tpu.vector_load %arg8[%get3A_1086, %get3A_1087] {strides = array<i32>} : memref<128x128xf32, #tpu.memory_space<vmem>>, vector<1x16xf32>,
        %get3A_1089 = vector.shape_cast %get3A_1088 : vector<1x16xf32> to vector<16xf32>
        %mul3A_1090 = arith.constant 16 : i32
        %mul3A_1091 = arith.muli %scan3A_63, %mul3A_1090 : i32
        %add3A_1092 = arith.constant 1 : i32
        %add3A_1093 = arith.addi %mul3A_1091, %add3A_1092 : i32
        %get3A_1094 = arith.index_cast %add3A_1093 : i32 to index
        %get3A_1095 = arith.constant 112 : index
        %get3A_1096 = tpu.vector_load %arg8[%get3A_1094, %get3A_1095] {strides = array<i32>} : memref<128x128xf32, #tpu.memory_space<vmem>>, vector<1x16xf32>,
        %get3A_1097 = vector.shape_cast %get3A_1096 : vector<1x16xf32> to vector<16xf32>
        %max3A_1098 = arith.maximumf %get3A_1089, %get3A_1097 : vector<16xf32>
        %mul3A_1099 = arith.constant 16 : i32
        %mul3A_1100 = arith.muli %scan3A_63, %mul3A_1099 : i32
        %add3A_1101 = arith.constant 2 : i32
        %add3A_1102 = arith.addi %mul3A_1100, %add3A_1101 : i32
        %get3A_1103 = arith.index_cast %add3A_1102 : i32 to index
        %get3A_1104 = arith.constant 112 : index
        %get3A_1105 = tpu.vector_load %arg8[%get3A_1103, %get3A_1104] {strides = array<i32>} : memref<128x128xf32, #tpu.memory_space<vmem>>, vector<1x16xf32>,
        %get3A_1106 = vector.shape_cast %get3A_1105 : vector<1x16xf32> to vector<16xf32>
        %max3A_1107 = arith.maximumf %max3A_1098, %get3A_1106 : vector<16xf32>
        %mul3A_1108 = arith.constant 16 : i32
        %mul3A_1109 = arith.muli %scan3A_63, %mul3A_1108 : i32
        %add3A_1110 = arith.constant 3 : i32
        %add3A_1111 = arith.addi %mul3A_1109, %add3A_1110 : i32
        %get3A_1112 = arith.index_cast %add3A_1111 : i32 to index
        %get3A_1113 = arith.constant 112 : index
        %get3A_1114 = tpu.vector_load %arg8[%get3A_1112, %get3A_1113] {strides = array<i32>} : memref<128x128xf32, #tpu.memory_space<vmem>>, vector<1x16xf32>,
        %get3A_1115 = vector.shape_cast %get3A_1114 : vector<1x16xf32> to vector<16xf32>
        %max3A_1116 = arith.maximumf %max3A_1107, %get3A_1115 : vector<16xf32>
        %mul3A_1117 = arith.constant 16 : i32
        %mul3A_1118 = arith.muli %scan3A_63, %mul3A_1117 : i32
        %add3A_1119 = arith.constant 4 : i32
        %add3A_1120 = arith.addi %mul3A_1118, %add3A_1119 : i32
        %get3A_1121 = arith.index_cast %add3A_1120 : i32 to index
        %get3A_1122 = arith.constant 112 : index
        %get3A_1123 = tpu.vector_load %arg8[%get3A_1121, %get3A_1122] {strides = array<i32>} : memref<128x128xf32, #tpu.memory_space<vmem>>, vector<1x16xf32>,
        %get3A_1124 = vector.shape_cast %get3A_1123 : vector<1x16xf32> to vector<16xf32>
        %max3A_1125 = arith.maximumf %max3A_1116, %get3A_1124 : vector<16xf32>
        %mul3A_1126 = arith.constant 16 : i32
        %mul3A_1127 = arith.muli %scan3A_63, %mul3A_1126 : i32
        %add3A_1128 = arith.constant 5 : i32
        %add3A_1129 = arith.addi %mul3A_1127, %add3A_1128 : i32
        %get3A_1130 = arith.index_cast %add3A_1129 : i32 to index
        %get3A_1131 = arith.constant 112 : index
        %get3A_1132 = tpu.vector_load %arg8[%get3A_1130, %get3A_1131] {strides = array<i32>} : memref<128x128xf32, #tpu.memory_space<vmem>>, vector<1x16xf32>,
        %get3A_1133 = vector.shape_cast %get3A_1132 : vector<1x16xf32> to vector<16xf32>
        %max3A_1134 = arith.maximumf %max3A_1125, %get3A_1133 : vector<16xf32>
        %mul3A_1135 = arith.constant 16 : i32
        %mul3A_1136 = arith.muli %scan3A_63, %mul3A_1135 : i32
        %add3A_1137 = arith.constant 6 : i32
        %add3A_1138 = arith.addi %mul3A_1136, %add3A_1137 : i32
        %get3A_1139 = arith.index_cast %add3A_1138 : i32 to index
        %get3A_1140 = arith.constant 112 : index
        %get3A_1141 = tpu.vector_load %arg8[%get3A_1139, %get3A_1140] {strides = array<i32>} : memref<128x128xf32, #tpu.memory_space<vmem>>, vector<1x16xf32>,
        %get3A_1142 = vector.shape_cast %get3A_1141 : vector<1x16xf32> to vector<16xf32>
        %max3A_1143 = arith.maximumf %max3A_1134, %get3A_1142 : vector<16xf32>
        %mul3A_1144 = arith.constant 16 : i32
        %mul3A_1145 = arith.muli %scan3A_63, %mul3A_1144 : i32
        %add3A_1146 = arith.constant 7 : i32
        %add3A_1147 = arith.addi %mul3A_1145, %add3A_1146 : i32
        %get3A_1148 = arith.index_cast %add3A_1147 : i32 to index
        %get3A_1149 = arith.constant 112 : index
        %get3A_1150 = tpu.vector_load %arg8[%get3A_1148, %get3A_1149] {strides = array<i32>} : memref<128x128xf32, #tpu.memory_space<vmem>>, vector<1x16xf32>,
        %get3A_1151 = vector.shape_cast %get3A_1150 : vector<1x16xf32> to vector<16xf32>
        %max3A_1152 = arith.maximumf %max3A_1143, %get3A_1151 : vector<16xf32>
        %mul3A_1153 = arith.constant 16 : i32
        %mul3A_1154 = arith.muli %scan3A_63, %mul3A_1153 : i32
        %add3A_1155 = arith.constant 8 : i32
        %add3A_1156 = arith.addi %mul3A_1154, %add3A_1155 : i32
        %get3A_1157 = arith.index_cast %add3A_1156 : i32 to index
        %get3A_1158 = arith.constant 112 : index
        %get3A_1159 = tpu.vector_load %arg8[%get3A_1157, %get3A_1158] {strides = array<i32>} : memref<128x128xf32, #tpu.memory_space<vmem>>, vector<1x16xf32>,
        %get3A_1160 = vector.shape_cast %get3A_1159 : vector<1x16xf32> to vector<16xf32>
        %max3A_1161 = arith.maximumf %max3A_1152, %get3A_1160 : vector<16xf32>
        %mul3A_1162 = arith.constant 16 : i32
        %mul3A_1163 = arith.muli %scan3A_63, %mul3A_1162 : i32
        %add3A_1164 = arith.constant 9 : i32
        %add3A_1165 = arith.addi %mul3A_1163, %add3A_1164 : i32
        %get3A_1166 = arith.index_cast %add3A_1165 : i32 to index
        %get3A_1167 = arith.constant 112 : index
        %get3A_1168 = tpu.vector_load %arg8[%get3A_1166, %get3A_1167] {strides = array<i32>} : memref<128x128xf32, #tpu.memory_space<vmem>>, vector<1x16xf32>,
        %get3A_1169 = vector.shape_cast %get3A_1168 : vector<1x16xf32> to vector<16xf32>
        %max3A_1170 = arith.maximumf %max3A_1161, %get3A_1169 : vector<16xf32>
        %mul3A_1171 = arith.constant 16 : i32
        %mul3A_1172 = arith.muli %scan3A_63, %mul3A_1171 : i32
        %add3A_1173 = arith.constant 10 : i32
        %add3A_1174 = arith.addi %mul3A_1172, %add3A_1173 : i32
        %get3A_1175 = arith.index_cast %add3A_1174 : i32 to index
        %get3A_1176 = arith.constant 112 : index
        %get3A_1177 = tpu.vector_load %arg8[%get3A_1175, %get3A_1176] {strides = array<i32>} : memref<128x128xf32, #tpu.memory_space<vmem>>, vector<1x16xf32>,
        %get3A_1178 = vector.shape_cast %get3A_1177 : vector<1x16xf32> to vector<16xf32>
        %max3A_1179 = arith.maximumf %max3A_1170, %get3A_1178 : vector<16xf32>
        %mul3A_1180 = arith.constant 16 : i32
        %mul3A_1181 = arith.muli %scan3A_63, %mul3A_1180 : i32
        %add3A_1182 = arith.constant 11 : i32
        %add3A_1183 = arith.addi %mul3A_1181, %add3A_1182 : i32
        %get3A_1184 = arith.index_cast %add3A_1183 : i32 to index
        %get3A_1185 = arith.constant 112 : index
        %get3A_1186 = tpu.vector_load %arg8[%get3A_1184, %get3A_1185] {strides = array<i32>} : memref<128x128xf32, #tpu.memory_space<vmem>>, vector<1x16xf32>,
        %get3A_1187 = vector.shape_cast %get3A_1186 : vector<1x16xf32> to vector<16xf32>
        %max3A_1188 = arith.maximumf %max3A_1179, %get3A_1187 : vector<16xf32>
        %mul3A_1189 = arith.constant 16 : i32
        %mul3A_1190 = arith.muli %scan3A_63, %mul3A_1189 : i32
        %add3A_1191 = arith.constant 12 : i32
        %add3A_1192 = arith.addi %mul3A_1190, %add3A_1191 : i32
        %get3A_1193 = arith.index_cast %add3A_1192 : i32 to index
        %get3A_1194 = arith.constant 112 : index
        %get3A_1195 = tpu.vector_load %arg8[%get3A_1193, %get3A_1194] {strides = array<i32>} : memref<128x128xf32, #tpu.memory_space<vmem>>, vector<1x16xf32>,
        %get3A_1196 = vector.shape_cast %get3A_1195 : vector<1x16xf32> to vector<16xf32>
        %max3A_1197 = arith.maximumf %max3A_1188, %get3A_1196 : vector<16xf32>
        %mul3A_1198 = arith.constant 16 : i32
        %mul3A_1199 = arith.muli %scan3A_63, %mul3A_1198 : i32
        %add3A_1200 = arith.constant 13 : i32
        %add3A_1201 = arith.addi %mul3A_1199, %add3A_1200 : i32
        %get3A_1202 = arith.index_cast %add3A_1201 : i32 to index
        %get3A_1203 = arith.constant 112 : index
        %get3A_1204 = tpu.vector_load %arg8[%get3A_1202, %get3A_1203] {strides = array<i32>} : memref<128x128xf32, #tpu.memory_space<vmem>>, vector<1x16xf32>,
        %get3A_1205 = vector.shape_cast %get3A_1204 : vector<1x16xf32> to vector<16xf32>
        %max3A_1206 = arith.maximumf %max3A_1197, %get3A_1205 : vector<16xf32>
        %mul3A_1207 = arith.constant 16 : i32
        %mul3A_1208 = arith.muli %scan3A_63, %mul3A_1207 : i32
        %add3A_1209 = arith.constant 14 : i32
        %add3A_1210 = arith.addi %mul3A_1208, %add3A_1209 : i32
        %get3A_1211 = arith.index_cast %add3A_1210 : i32 to index
        %get3A_1212 = arith.constant 112 : index
        %get3A_1213 = tpu.vector_load %arg8[%get3A_1211, %get3A_1212] {strides = array<i32>} : memref<128x128xf32, #tpu.memory_space<vmem>>, vector<1x16xf32>,
        %get3A_1214 = vector.shape_cast %get3A_1213 : vector<1x16xf32> to vector<16xf32>
        %max3A_1215 = arith.maximumf %max3A_1206, %get3A_1214 : vector<16xf32>
        %mul3A_1216 = arith.constant 16 : i32
        %mul3A_1217 = arith.muli %scan3A_63, %mul3A_1216 : i32
        %add3A_1218 = arith.constant 15 : i32
        %add3A_1219 = arith.addi %mul3A_1217, %add3A_1218 : i32
        %get3A_1220 = arith.index_cast %add3A_1219 : i32 to index
        %get3A_1221 = arith.constant 112 : index
        %get3A_1222 = tpu.vector_load %arg8[%get3A_1220, %get3A_1221] {strides = array<i32>} : memref<128x128xf32, #tpu.memory_space<vmem>>, vector<1x16xf32>,
        %get3A_1223 = vector.shape_cast %get3A_1222 : vector<1x16xf32> to vector<16xf32>
        %max3A_1224 = arith.maximumf %max3A_1215, %get3A_1223 : vector<16xf32>
        %swap3A_1225 = arith.index_cast %scan3A_63 : i32 to index
        %swap3A_1226 = arith.constant 112 : index
        %swap3A_1227 = tpu.vector_load %arg9[%swap3A_1225, %swap3A_1226] {strides = array<i32>} : memref<8x128xf32, #tpu.memory_space<vmem>>, vector<1x16xf32>,
        %swap3A_1228 = vector.shape_cast %swap3A_1227 : vector<1x16xf32> to vector<16xf32>
        %swap3A_1229 = vector.shape_cast %max3A_1224 : vector<16xf32> to vector<1x16xf32>
        tpu.vector_store %arg9[%swap3A_1225, %swap3A_1226], %swap3A_1229 {strides = array<i32>} : memref<8x128xf32, #tpu.memory_space<vmem>>, vector<1x16xf32>,
        %scan3A_1230 = arith.constant 0 : i32
        scf.yield %scan3A_1230 : i32
      }
      %scan3A_50 = arith.constant 8 : i32
      %add3A_51 = arith.constant 624 : i32
      %add3A_52 = arith.addi %mul3A_6, %add3A_51 : i32
      %dma_start3A_53 = arith.constant 0 : i32
      %dma_start3A_54 = tpu.memref_slice %arg4[%add3A_52, %dma_start3A_53] : memref<20000x128xf32, #tpu.memory_space<hbm>> -> memref<8x128xf32, #tpu.memory_space<hbm>>
      %dma_start3A_55 = arith.constant 0 : i32
      %dma_start3A_56 = tpu.memref_slice %arg4[%add3A_52, %dma_start3A_55] : memref<20000x128xf32, #tpu.memory_space<hbm>> -> memref<8x128xf32, #tpu.memory_space<hbm>>
      tpu.enqueue_dma source(%arg9 : memref<8x128xf32, #tpu.memory_space<vmem>>) target(%dma_start3A_56 : memref<8x128xf32, #tpu.memory_space<hbm>>) target_semaphore(%arg14 : memref<!tpu.dma_semaphore, #tpu.memory_space<semaphore_mem>>)
      %add3A_57 = arith.constant 624 : i32
      %add3A_58 = arith.addi %mul3A_6, %add3A_57 : i32
      %dma_wait3A_59 = arith.constant 0 : i32
      %dma_wait3A_60 = tpu.memref_slice %arg4[%add3A_58, %dma_wait3A_59] : memref<20000x128xf32, #tpu.memory_space<hbm>> -> memref<8x128xf32, #tpu.memory_space<hbm>>
      %dma_wait3A_61 = arith.constant 0 : i32
      %dma_wait3A_62 = tpu.memref_slice %arg4[%add3A_58, %dma_wait3A_61] : memref<20000x128xf32, #tpu.memory_space<hbm>> -> memref<8x128xf32, #tpu.memory_space<hbm>>
      tpu.wait_dma2 semaphore(%arg14 : memref<!tpu.dma_semaphore, #tpu.memory_space<semaphore_mem>>) src(%arg9 : memref<8x128xf32, #tpu.memory_space<vmem>>) dst(%dma_wait3A_62 : memref<8x128xf32, #tpu.memory_space<hbm>>)
    } else {
    }
    %ge3A = arith.constant 4 : i32
    %ge3A_24 = arith.cmpi sge, %add3A, %ge3A : i32
    %convert_element_type3A_25 = arith.extui %ge3A_24 : i1 to i32
    %cond3A_26 = arith.constant 0 : i32
    %cond3A_27 = arith.cmpi ne, %convert_element_type3A_25, %cond3A_26 : i32
    scf.if %cond3A_27 {
      %add3A_33 = arith.constant 608 : i32
      %add3A_34 = arith.addi %mul3A_6, %add3A_33 : i32
      %dma_wait3A_35 = arith.constant 0 : i32
      %dma_wait3A_36 = tpu.memref_slice %arg4[%add3A_34, %dma_wait3A_35] : memref<20000x128xf32, #tpu.memory_space<hbm>> -> memref<8x128xf32, #tpu.memory_space<hbm>>
      %dma_wait3A_37 = arith.constant 0 : i32
      %dma_wait3A_38 = tpu.memref_slice %arg4[%add3A_34, %dma_wait3A_37] : memref<20000x128xf32, #tpu.memory_space<hbm>> -> memref<8x128xf32, #tpu.memory_space<hbm>>
      tpu.wait_dma2 semaphore(%arg14 : memref<!tpu.dma_semaphore, #tpu.memory_space<semaphore_mem>>) src(%arg9 : memref<8x128xf32, #tpu.memory_space<vmem>>) dst(%dma_wait3A_38 : memref<8x128xf32, #tpu.memory_space<hbm>>)
    } else {
    }
    %add3A_28 = arith.constant 616 : i32
    %add3A_29 = arith.addi %mul3A_6, %add3A_28 : i32
    %dma_wait3A = arith.constant 0 : i32
    %dma_wait3A_30 = tpu.memref_slice %arg4[%add3A_29, %dma_wait3A] : memref<20000x128xf32, #tpu.memory_space<hbm>> -> memref<8x128xf32, #tpu.memory_space<hbm>>
    %dma_wait3A_31 = arith.constant 0 : i32
    %dma_wait3A_32 = tpu.memref_slice %arg4[%add3A_29, %dma_wait3A_31] : memref<20000x128xf32, #tpu.memory_space<hbm>> -> memref<8x128xf32, #tpu.memory_space<hbm>>
    tpu.wait_dma2 semaphore(%arg15 : memref<!tpu.dma_semaphore, #tpu.memory_space<semaphore_mem>>) src(%arg10 : memref<8x128xf32, #tpu.memory_space<vmem>>) dst(%dma_wait3A_32 : memref<8x128xf32, #tpu.memory_space<hbm>>)
    return
  }
}

module attributes {stable_mosaic.version = 14 : i64} {
  func.func @_k1_body(%arg0: i32, %arg1: memref<2000x128xf32, #tpu.memory_space<vmem>>, %arg2: memref<128x128xf32, #tpu.memory_space<vmem>>, %arg3: memref<128x128xf32, #tpu.memory_space<vmem>>, %arg4: memref<2500x128xi32, #tpu.memory_space<vmem>>, %arg5: memref<2000x128xf32, #tpu.memory_space<vmem>>, %arg6: memref<2000x128xf32, #tpu.memory_space<vmem>>, %arg7: memref<2500x128xi32, #tpu.memory_space<vmem>>) attributes {dimension_semantics = [#tpu.dimension_semantics<arbitrary>], iteration_bounds = array<i64: 10>, scalar_prefetch = 0 : i64, scratch_operands = 0 : i64, tpu.core_type = #tpu.core_type<tc>, window_params = [{transform_indices = @transform_0, window_bounds = array<i64: 2000, 128>}, {pipeline_mode = #tpu.pipeline_mode<synchronous>, transform_indices = @transform_1, window_bounds = array<i64: 128, 128>}, {pipeline_mode = #tpu.pipeline_mode<synchronous>, transform_indices = @transform_2, window_bounds = array<i64: 128, 128>}, {pipeline_mode = #tpu.pipeline_mode<synchronous>, transform_indices = @transform_3, window_bounds = array<i64: 2500, 128>}, {transform_indices = @transform_4, window_bounds = array<i64: 2000, 128>}, {transform_indices = @transform_5, window_bounds = array<i64: 2000, 128>}, {pipeline_mode = #tpu.pipeline_mode<synchronous>, transform_indices = @transform_6, window_bounds = array<i64: 2500, 128>}]} {
    %get3A = arith.constant 0 : index
    %get3A_0 = arith.constant 0 : index
    %get3A_1 = vector.load %arg1[%get3A, %get3A_0] : memref<2000x128xf32, #tpu.memory_space<vmem>>, vector<2000x128xf32>
    %get3A_2 = arith.constant 0 : index
    %get3A_3 = arith.constant 0 : index
    %get3A_4 = vector.load %arg2[%get3A_2, %get3A_3] : memref<128x128xf32, #tpu.memory_space<vmem>>, vector<128x128xf32>
    %dot_general3A = arith.constant dense<0.000000e+00> : vector<2000x128xf32>
    %dot_general3A_5 = tpu.matmul %get3A_1, %get3A_4, %dot_general3A {dimension_numbers = #tpu.dot_dimension_numbers<[1], [1], [0], [0], [0, 0, 1, 0], [], []>, transpose_lhs_hint = false} : vector<2000x128xf32>, vector<128x128xf32>, vector<2000x128xf32> -> vector<2000x128xf32>
    %swap3A = arith.constant 0 : index
    %swap3A_6 = arith.constant 0 : index
    %swap3A_7 = vector.load %arg5[%swap3A, %swap3A_6] : memref<2000x128xf32, #tpu.memory_space<vmem>>, vector<2000x128xf32>
    tpu.vector_store %arg5[%swap3A, %swap3A_6], %dot_general3A_5 {strides = array<i32>} : memref<2000x128xf32, #tpu.memory_space<vmem>>, vector<2000x128xf32>,
    %get3A_8 = arith.constant 0 : index
    %get3A_9 = arith.constant 0 : index
    %get3A_10 = vector.load %arg3[%get3A_8, %get3A_9] : memref<128x128xf32, #tpu.memory_space<vmem>>, vector<128x128xf32>
    %dot_general3A_11 = arith.constant dense<0.000000e+00> : vector<2000x128xf32>
    %dot_general3A_12 = tpu.matmul %get3A_1, %get3A_10, %dot_general3A_11 {dimension_numbers = #tpu.dot_dimension_numbers<[1], [1], [0], [0], [0, 0, 1, 0], [], []>, transpose_lhs_hint = false} : vector<2000x128xf32>, vector<128x128xf32>, vector<2000x128xf32> -> vector<2000x128xf32>
    %swap3A_13 = arith.constant 0 : index
    %swap3A_14 = arith.constant 0 : index
    %swap3A_15 = vector.load %arg6[%swap3A_13, %swap3A_14] : memref<2000x128xf32, #tpu.memory_space<vmem>>, vector<2000x128xf32>
    tpu.vector_store %arg6[%swap3A_13, %swap3A_14], %dot_general3A_12 {strides = array<i32>} : memref<2000x128xf32, #tpu.memory_space<vmem>>, vector<2000x128xf32>,
    %eq3A = arith.constant 0 : i32
    %eq3A_16 = arith.cmpi eq, %arg0, %eq3A : i32
    %convert_element_type3A = arith.extui %eq3A_16 : i1 to i32
    %cond3A = arith.constant 0 : i32
    %cond3A_17 = arith.cmpi ne, %convert_element_type3A, %cond3A : i32
    scf.if %cond3A_17 {
      %iota3A = tpu.iota {dimensions = array<i32: 0>} : vector<2500x128xi32>
      %jit3A = arith.constant 1250 : i32
      %div3A = vector.broadcast %jit3A : i32 to vector<2500x128xi32>
      %div3A_18 = arith.divsi %iota3A, %div3A : vector<2500x128xi32>
      %sign3A = arith.constant 0 : i32
      %sign3A_19 = vector.broadcast %sign3A : i32 to vector<2500x128xi32>
      %sign3A_20 = arith.cmpi sgt, %iota3A, %sign3A_19 : vector<2500x128xi32>
      %sign3A_21 = arith.extui %sign3A_20 : vector<2500x128xi1> to vector<2500x128xi32>
      %sign3A_22 = arith.constant 0 : i32
      %sign3A_23 = vector.broadcast %sign3A_22 : i32 to vector<2500x128xi32>
      %sign3A_24 = arith.cmpi slt, %iota3A, %sign3A_23 : vector<2500x128xi32>
      %sign3A_25 = arith.extui %sign3A_24 : vector<2500x128xi1> to vector<2500x128xi32>
      %sign3A_26 = arith.subi %sign3A_21, %sign3A_25 : vector<2500x128xi32>
      %sign3A_27 = arith.constant 0 : i32
      %sign3A_28 = arith.cmpi sgt, %jit3A, %sign3A_27 : i32
      %sign3A_29 = arith.extui %sign3A_28 : i1 to i32
      %sign3A_30 = arith.constant 0 : i32
      %sign3A_31 = arith.cmpi slt, %jit3A, %sign3A_30 : i32
      %sign3A_32 = arith.extui %sign3A_31 : i1 to i32
      %sign3A_33 = arith.subi %sign3A_29, %sign3A_32 : i32
      %ne3A = vector.broadcast %sign3A_33 : i32 to vector<2500x128xi32>
      %ne3A_34 = arith.cmpi ne, %sign3A_26, %ne3A : vector<2500x128xi32>
      %rem3A = vector.broadcast %jit3A : i32 to vector<2500x128xi32>
      %rem3A_35 = arith.remsi %iota3A, %rem3A : vector<2500x128xi32>
      %ne3A_36 = arith.constant 0 : i32
      %ne3A_37 = vector.broadcast %ne3A_36 : i32 to vector<2500x128xi32>
      %ne3A_38 = arith.cmpi ne, %rem3A_35, %ne3A_37 : vector<2500x128xi32>
      %and3A = arith.andi %ne3A_34, %ne3A_38 : vector<2500x128xi1>
      %sub3A = arith.constant 1 : i32
      %sub3A_39 = vector.broadcast %sub3A : i32 to vector<2500x128xi32>
      %sub3A_40 = arith.subi %div3A_18, %sub3A_39 : vector<2500x128xi32>
      %select_n3A = arith.select %and3A, %sub3A_40, %div3A_18 : vector<2500x128xi1>, vector<2500x128xi32>
      %get3A_41 = arith.constant 0 : index
      %get3A_42 = arith.constant 0 : index
      %get3A_43 = vector.load %arg4[%get3A_41, %get3A_42] : memref<2500x128xi32, #tpu.memory_space<vmem>>, vector<2500x128xi32>
      %mul3A = arith.constant 10000 : i32
      %mul3A_44 = vector.broadcast %mul3A : i32 to vector<2500x128xi32>
      %mul3A_45 = arith.muli %select_n3A, %mul3A_44 : vector<2500x128xi32>
      %add3A = arith.addi %get3A_43, %mul3A_45 : vector<2500x128xi32>
      %swap3A_46 = arith.constant 0 : index
      %swap3A_47 = arith.constant 0 : index
      %swap3A_48 = vector.load %arg7[%swap3A_46, %swap3A_47] : memref<2500x128xi32, #tpu.memory_space<vmem>>, vector<2500x128xi32>
      tpu.vector_store %arg7[%swap3A_46, %swap3A_47], %add3A {strides = array<i32>} : memref<2500x128xi32, #tpu.memory_space<vmem>>, vector<2500x128xi32>,
    } else {
    }
    return
  }
  func.func @transform_0(%arg0: i32) -> (i32, i32) {
    %c0_i32 = arith.constant 0 : i32
    %c0_i32_0 = arith.constant 0 : i32
    return %arg0, %c0_i32 : i32, i32
  }
  func.func @transform_1(%arg0: i32) -> (i32, i32) {
    %c0_i32 = arith.constant 0 : i32
    %c0_i32_0 = arith.constant 0 : i32
    %c0_i32_1 = arith.constant 0 : i32
    return %c0_i32, %c0_i32_0 : i32, i32
  }
  func.func @transform_2(%arg0: i32) -> (i32, i32) {
    %c0_i32 = arith.constant 0 : i32
    %c0_i32_0 = arith.constant 0 : i32
    %c0_i32_1 = arith.constant 0 : i32
    return %c0_i32, %c0_i32_0 : i32, i32
  }
  func.func @transform_3(%arg0: i32) -> (i32, i32) {
    %c0_i32 = arith.constant 0 : i32
    %c0_i32_0 = arith.constant 0 : i32
    %c0_i32_1 = arith.constant 0 : i32
    return %c0_i32, %c0_i32_0 : i32, i32
  }
  func.func @transform_4(%arg0: i32) -> (i32, i32) {
    %c0_i32 = arith.constant 0 : i32
    %c0_i32_0 = arith.constant 0 : i32
    return %arg0, %c0_i32 : i32, i32
  }
  func.func @transform_5(%arg0: i32) -> (i32, i32) {
    %c0_i32 = arith.constant 0 : i32
    %c0_i32_0 = arith.constant 0 : i32
    return %arg0, %c0_i32 : i32, i32
  }
  func.func @transform_6(%arg0: i32) -> (i32, i32) {
    %c0_i32 = arith.constant 0 : i32
    %c0_i32_0 = arith.constant 0 : i32
    %c0_i32_1 = arith.constant 0 : i32
    return %c0_i32, %c0_i32_0 : i32, i32
  }
}

module attributes {stable_mosaic.version = 14 : i64} {
  func.func @_k5_body(%arg0: i32, %arg1: memref<2000x128xf32, #tpu.memory_space<vmem>>, %arg2: memref<2000x128xf32, #tpu.memory_space<vmem>>, %arg3: memref<2000x128xf32, #tpu.memory_space<vmem>>, %arg4: memref<128x128xf32, #tpu.memory_space<vmem>>, %arg5: memref<128x128xf32, #tpu.memory_space<vmem>>, %arg6: memref<128x128xf32, #tpu.memory_space<vmem>>, %arg7: memref<10x128xf32, #tpu.memory_space<vmem>>, %arg8: memref<2x128xf32, #tpu.memory_space<vmem>>, %arg9: memref<2000x128xf32, #tpu.memory_space<vmem>>, %arg10: memref<20000x128xf32, #tpu.memory_space<vmem>>, %arg11: memref<20000x128xf32, #tpu.memory_space<vmem>>, %arg12: memref<1x256xf32, #tpu.memory_space<vmem>>, %arg13: memref<256x256xf32, #tpu.memory_space<vmem>>, %arg14: memref<16x128xf32, #tpu.memory_space<vmem>>, %arg15: memref<1x128xf32, #tpu.memory_space<vmem>>, %arg16: memref<1x128xf32, #tpu.memory_space<vmem>>) attributes {dimension_semantics = [#tpu.dimension_semantics<arbitrary>], iteration_bounds = array<i64: 30>, scalar_prefetch = 0 : i64, scratch_operands = 7 : i64, tpu.core_type = #tpu.core_type<tc>, window_params = [{transform_indices = @transform_0, window_bounds = array<i64: 2000, 128>}, {transform_indices = @transform_1, window_bounds = array<i64: 2000, 128>}, {transform_indices = @transform_2, window_bounds = array<i64: 2000, 128>}, {pipeline_mode = #tpu.pipeline_mode<synchronous>, transform_indices = @transform_3, window_bounds = array<i64: 128, 128>}, {pipeline_mode = #tpu.pipeline_mode<synchronous>, transform_indices = @transform_4, window_bounds = array<i64: 128, 128>}, {pipeline_mode = #tpu.pipeline_mode<synchronous>, transform_indices = @transform_5, window_bounds = array<i64: 128, 128>}, {pipeline_mode = #tpu.pipeline_mode<synchronous>, transform_indices = @transform_6, window_bounds = array<i64: 10, 128>}, {pipeline_mode = #tpu.pipeline_mode<synchronous>, transform_indices = @transform_7, window_bounds = array<i64: 2, 128>}, {transform_indices = @transform_8, window_bounds = array<i64: 2000, 128>}]} {
    %lt3A = arith.constant 10 : i32
    %lt3A_0 = arith.cmpi slt, %arg0, %lt3A : i32
    %convert_element_type3A = arith.extui %lt3A_0 : i1 to i32
    %cond3A = arith.constant 0 : i32
    %cond3A_1 = arith.cmpi ne, %convert_element_type3A, %cond3A : i32
    scf.if %cond3A_1 {
      %get3A = arith.constant 0 : index
      %get3A_17 = arith.constant 0 : index
      %get3A_18 = vector.load %arg1[%get3A, %get3A_17] : memref<2000x128xf32, #tpu.memory_space<vmem>>, vector<2000x128xf32>
      %get3A_19 = arith.constant 0 : index
      %get3A_20 = arith.constant 0 : index
      %get3A_21 = vector.load %arg2[%get3A_19, %get3A_20] : memref<2000x128xf32, #tpu.memory_space<vmem>>, vector<2000x128xf32>
      %sub3A = arith.subf %get3A_18, %get3A_21 : vector<2000x128xf32>
      %get3A_22 = arith.constant 0 : index
      %get3A_23 = arith.constant 0 : index
      %get3A_24 = vector.load %arg4[%get3A_22, %get3A_23] : memref<128x128xf32, #tpu.memory_space<vmem>>, vector<128x128xf32>
      %dot_general3A = arith.constant dense<0.000000e+00> : vector<2000x128xf32>
      %dot_general3A_25 = tpu.matmul %sub3A, %get3A_24, %dot_general3A {dimension_numbers = #tpu.dot_dimension_numbers<[1], [1], [0], [0], [0, 0, 1, 0], [], []>, transpose_lhs_hint = false} : vector<2000x128xf32>, vector<128x128xf32>, vector<2000x128xf32> -> vector<2000x128xf32>
      %mul3A = arith.constant 2000 : i32
      %mul3A_26 = arith.muli %arg0, %mul3A : i32
      %swap3A = arith.index_cast %mul3A_26 : i32 to index
      %swap3A_27 = arith.constant 0 : index
      %swap3A_28 = vector.load %arg10[%swap3A, %swap3A_27] : memref<20000x128xf32, #tpu.memory_space<vmem>>, vector<2000x128xf32>
      tpu.vector_store %arg10[%swap3A, %swap3A_27], %dot_general3A_25 {strides = array<i32>} : memref<20000x128xf32, #tpu.memory_space<vmem>>, vector<2000x128xf32>,
      %get3A_29 = arith.constant 0 : index
      %get3A_30 = arith.constant 0 : index
      %get3A_31 = vector.load %arg3[%get3A_29, %get3A_30] : memref<2000x128xf32, #tpu.memory_space<vmem>>, vector<2000x128xf32>
      %concatenate3A = tpu.concatenate %dot_general3A_25, %get3A_31 in 1 : vector<2000x128xf32>, vector<2000x128xf32> -> vector<2000x256xf32>
      %eq3A_32 = arith.constant 0 : i32
      %eq3A_33 = arith.cmpi eq, %arg0, %eq3A_32 : i32
      %convert_element_type3A_34 = arith.extui %eq3A_33 : i1 to i32
      %cond3A_35 = arith.constant 0 : i32
      %cond3A_36 = arith.cmpi ne, %convert_element_type3A_34, %cond3A_35 : i32
      scf.if %cond3A_36 {
        %broadcast_in_dim3A_53 = arith.constant 0.000000e+00 : f32
        %broadcast_in_dim3A_54 = vector.broadcast %broadcast_in_dim3A_53 : f32 to vector<1x256xf32>
        %swap3A_55 = arith.constant 0 : index
        %swap3A_56 = arith.constant 0 : index
        %swap3A_57 = vector.load %arg12[%swap3A_55, %swap3A_56] : memref<1x256xf32, #tpu.memory_space<vmem>>, vector<1x256xf32>
        tpu.vector_store %arg12[%swap3A_55, %swap3A_56], %broadcast_in_dim3A_54 {strides = array<i32>} : memref<1x256xf32, #tpu.memory_space<vmem>>, vector<1x256xf32>,
        %broadcast_in_dim3A_58 = arith.constant 0.000000e+00 : f32
        %broadcast_in_dim3A_59 = vector.broadcast %broadcast_in_dim3A_58 : f32 to vector<256x256xf32>
        %swap3A_60 = arith.constant 0 : index
        %swap3A_61 = arith.constant 0 : index
        %swap3A_62 = vector.load %arg13[%swap3A_60, %swap3A_61] : memref<256x256xf32, #tpu.memory_space<vmem>>, vector<256x256xf32>
        tpu.vector_store %arg13[%swap3A_60, %swap3A_61], %broadcast_in_dim3A_59 {strides = array<i32>} : memref<256x256xf32, #tpu.memory_space<vmem>>, vector<256x256xf32>,
      } else {
      }
      %get3A_37 = arith.constant 0 : index
      %get3A_38 = arith.constant 0 : index
      %get3A_39 = vector.load %arg12[%get3A_37, %get3A_38] : memref<1x256xf32, #tpu.memory_space<vmem>>, vector<1x256xf32>
      %reduce_sum3A = arith.constant dense<0.000000e+00> : vector<256xf32>
      %reduce_sum3A_40 = vector.multi_reduction <add>, %concatenate3A, %reduce_sum3A [0] : vector<2000x256xf32> to vector<256xf32>
      %broadcast_in_dim3A = vector.shape_cast %reduce_sum3A_40 : vector<256xf32> to vector<1x256xf32>
      %add3A = arith.addf %get3A_39, %broadcast_in_dim3A : vector<1x256xf32>
      %swap3A_41 = arith.constant 0 : index
      %swap3A_42 = arith.constant 0 : index
      %swap3A_43 = vector.load %arg12[%swap3A_41, %swap3A_42] : memref<1x256xf32, #tpu.memory_space<vmem>>, vector<1x256xf32>
      tpu.vector_store %arg12[%swap3A_41, %swap3A_42], %add3A {strides = array<i32>} : memref<1x256xf32, #tpu.memory_space<vmem>>, vector<1x256xf32>,
      %get3A_44 = arith.constant 0 : index
      %get3A_45 = arith.constant 0 : index
      %get3A_46 = vector.load %arg13[%get3A_44, %get3A_45] : memref<256x256xf32, #tpu.memory_space<vmem>>, vector<256x256xf32>
      %dot_general3A_47 = arith.constant dense<0.000000e+00> : vector<256x256xf32>
      %dot_general3A_48 = tpu.matmul %concatenate3A, %concatenate3A, %dot_general3A_47 {dimension_numbers = #tpu.dot_dimension_numbers<[0], [0], [1], [1], [0, 1, 1, 1], [], []>, transpose_lhs_hint = false} : vector<2000x256xf32>, vector<2000x256xf32>, vector<256x256xf32> -> vector<256x256xf32>
      %add3A_49 = arith.addf %get3A_46, %dot_general3A_48 : vector<256x256xf32>
      %swap3A_50 = arith.constant 0 : index
      %swap3A_51 = arith.constant 0 : index
      %swap3A_52 = vector.load %arg13[%swap3A_50, %swap3A_51] : memref<256x256xf32, #tpu.memory_space<vmem>>, vector<256x256xf32>
      tpu.vector_store %arg13[%swap3A_50, %swap3A_51], %add3A_49 {strides = array<i32>} : memref<256x256xf32, #tpu.memory_space<vmem>>, vector<256x256xf32>,
    } else {
    }
    %eq3A = arith.constant 10 : i32
    %eq3A_2 = arith.cmpi eq, %arg0, %eq3A : i32
    %convert_element_type3A_3 = arith.extui %eq3A_2 : i1 to i32
    %cond3A_4 = arith.constant 0 : i32
    %cond3A_5 = arith.cmpi ne, %convert_element_type3A_3, %cond3A_4 : i32
    scf.if %cond3A_5 {
      %get3A = arith.constant 0 : index
      %get3A_17 = arith.constant 0 : index
      %get3A_18 = vector.load %arg12[%get3A, %get3A_17] : memref<1x256xf32, #tpu.memory_space<vmem>>, vector<1x256xf32>
      %get3A_19 = arith.constant 0 : index
      %get3A_20 = arith.constant 0 : index
      %get3A_21 = vector.load %arg13[%get3A_19, %get3A_20] : memref<256x256xf32, #tpu.memory_space<vmem>>, vector<256x256xf32>
      %get3A_22 = arith.constant 0 : index
      %get3A_23 = arith.constant 0 : index
      %get3A_24 = vector.load %arg5[%get3A_22, %get3A_23] : memref<128x128xf32, #tpu.memory_space<vmem>>, vector<128x128xf32>
      %get3A_25 = arith.constant 0 : index
      %get3A_26 = arith.constant 0 : index
      %get3A_27 = vector.load %arg6[%get3A_25, %get3A_26] : memref<128x128xf32, #tpu.memory_space<vmem>>, vector<128x128xf32>
      %get3A_28 = arith.constant 0 : index
      %get3A_29 = arith.constant 0 : index
      %get3A_30 = vector.load %arg7[%get3A_28, %get3A_29] : memref<10x128xf32, #tpu.memory_space<vmem>>, vector<1x128xf32>
      %get3A_31 = arith.constant 1 : index
      %get3A_32 = arith.constant 0 : index
      %get3A_33 = vector.load %arg7[%get3A_31, %get3A_32] : memref<10x128xf32, #tpu.memory_space<vmem>>, vector<1x128xf32>
      %get3A_34 = arith.constant 2 : index
      %get3A_35 = arith.constant 0 : index
      %get3A_36 = vector.load %arg7[%get3A_34, %get3A_35] : memref<10x128xf32, #tpu.memory_space<vmem>>, vector<1x128xf32>
      %get3A_37 = arith.constant 3 : index
      %get3A_38 = arith.constant 0 : index
      %get3A_39 = vector.load %arg7[%get3A_37, %get3A_38] : memref<10x128xf32, #tpu.memory_space<vmem>>, vector<1x128xf32>
      %get3A_40 = arith.constant 4 : index
      %get3A_41 = arith.constant 0 : index
      %get3A_42 = vector.load %arg7[%get3A_40, %get3A_41] : memref<10x128xf32, #tpu.memory_space<vmem>>, vector<1x128xf32>
      %get3A_43 = arith.constant 5 : index
      %get3A_44 = arith.constant 0 : index
      %get3A_45 = vector.load %arg7[%get3A_43, %get3A_44] : memref<10x128xf32, #tpu.memory_space<vmem>>, vector<1x128xf32>
      %get3A_46 = arith.constant 6 : index
      %get3A_47 = arith.constant 0 : index
      %get3A_48 = vector.load %arg7[%get3A_46, %get3A_47] : memref<10x128xf32, #tpu.memory_space<vmem>>, vector<1x128xf32>
      %get3A_49 = arith.constant 7 : index
      %get3A_50 = arith.constant 0 : index
      %get3A_51 = vector.load %arg7[%get3A_49, %get3A_50] : memref<10x128xf32, #tpu.memory_space<vmem>>, vector<1x128xf32>
      %get3A_52 = arith.constant 8 : index
      %get3A_53 = arith.constant 0 : index
      %get3A_54 = vector.load %arg7[%get3A_52, %get3A_53] : memref<10x128xf32, #tpu.memory_space<vmem>>, vector<1x128xf32>
      %get3A_55 = arith.constant 9 : index
      %get3A_56 = arith.constant 0 : index
      %get3A_57 = vector.load %arg7[%get3A_55, %get3A_56] : memref<10x128xf32, #tpu.memory_space<vmem>>, vector<1x128xf32>
      %div3A = arith.constant 2.000000e+04 : f32
      %div3A_58 = vector.broadcast %div3A : f32 to vector<1x256xf32>
      %div3A_59 = arith.divf %get3A_18, %div3A_58 : vector<1x256xf32>
      %dot_general3A = arith.constant dense<0.000000e+00> : vector<256x256xf32>
      %dot_general3A_60 = tpu.matmul %div3A_59, %div3A_59, %dot_general3A {dimension_numbers = #tpu.dot_dimension_numbers<[0], [0], [1], [1], [0, 1, 1, 1], [], []>, transpose_lhs_hint = false} : vector<1x256xf32>, vector<1x256xf32>, vector<256x256xf32> -> vector<256x256xf32>
      %div3A_61 = arith.constant 2.000000e+04 : f32
      %div3A_62 = vector.broadcast %div3A_61 : f32 to vector<256x256xf32>
      %div3A_63 = arith.divf %get3A_21, %div3A_62 : vector<256x256xf32>
      %sub3A = arith.subf %div3A_63, %dot_general3A_60 : vector<256x256xf32>
      %iota3A = tpu.iota {dimensions = array<i32: 0>} : vector<256x256xi32>
      %iota3A_64 = tpu.iota {dimensions = array<i32: 1>} : vector<256x256xi32>
      %eq3A_65 = arith.cmpi eq, %iota3A, %iota3A_64 : vector<256x256xi32>
      %jit3A = arith.constant 0.000000e+00 : f32
      %broadcast_in_dim3A = vector.broadcast %jit3A : f32 to vector<256x256xf32>
      %select_n3A = arith.select %eq3A_65, %get3A_21, %broadcast_in_dim3A : vector<256x256xi1>, vector<256x256xf32>
      %reduce_sum3A = arith.constant dense<0.000000e+00> : vector<256xf32>
      %reduce_sum3A_66 = vector.multi_reduction <add>, %select_n3A, %reduce_sum3A [0] : vector<256x256xf32> to vector<256xf32>
      %broadcast_in_dim3A_67 = vector.shape_cast %reduce_sum3A_66 : vector<256xf32> to vector<1x256xf32>
      %div3A_68 = arith.constant 2.000000e+04 : f32
      %div3A_69 = vector.broadcast %div3A_68 : f32 to vector<1x256xf32>
      %div3A_70 = arith.divf %broadcast_in_dim3A_67, %div3A_69 : vector<1x256xf32>
      %mul3A = arith.mulf %div3A_59, %div3A_59 : vector<1x256xf32>
      %sub3A_71 = arith.subf %div3A_70, %mul3A : vector<1x256xf32>
      %slice3A = vector.extract_strided_slice %sub3A_71 {offsets = [0, 0], sizes = [1, 128], strides = [1, 1]} : vector<1x256xf32> to vector<1x128xf32>
      %add3A = arith.constant 9.99999974E-6 : f32
      %add3A_72 = vector.broadcast %add3A : f32 to vector<1x128xf32>
      %add3A_73 = arith.addf %slice3A, %add3A_72 : vector<1x128xf32>
      %rsqrt3A = math.rsqrt %add3A_73 : vector<1x128xf32>
      %mul3A_74 = arith.mulf %get3A_30, %rsqrt3A : vector<1x128xf32>
      %slice3A_75 = vector.extract_strided_slice %div3A_59 {offsets = [0, 0], sizes = [1, 128], strides = [1, 1]} : vector<1x256xf32> to vector<1x128xf32>
      %mul3A_76 = arith.mulf %mul3A_74, %slice3A_75 : vector<1x128xf32>
      %sub3A_77 = arith.subf %get3A_33, %mul3A_76 : vector<1x128xf32>
      %slice3A_78 = vector.extract_strided_slice %sub3A_71 {offsets = [0, 128], sizes = [1, 128], strides = [1, 1]} : vector<1x256xf32> to vector<1x128xf32>
      %add3A_79 = arith.constant 9.99999974E-6 : f32
      %add3A_80 = vector.broadcast %add3A_79 : f32 to vector<1x128xf32>
      %add3A_81 = arith.addf %slice3A_78, %add3A_80 : vector<1x128xf32>
      %rsqrt3A_82 = math.rsqrt %add3A_81 : vector<1x128xf32>
      %mul3A_83 = arith.mulf %get3A_36, %rsqrt3A_82 : vector<1x128xf32>
      %slice3A_84 = vector.extract_strided_slice %div3A_59 {offsets = [0, 128], sizes = [1, 128], strides = [1, 1]} : vector<1x256xf32> to vector<1x128xf32>
      %mul3A_85 = arith.mulf %mul3A_83, %slice3A_84 : vector<1x128xf32>
      %sub3A_86 = arith.subf %get3A_39, %mul3A_85 : vector<1x128xf32>
      %add3A_87 = arith.addf %get3A_33, %get3A_39 : vector<1x128xf32>
      %dot_general3A_88 = arith.constant dense<0.000000e+00> : vector<1x128xf32>
      %dot_general3A_89 = tpu.matmul %add3A_87, %get3A_24, %dot_general3A_88 {dimension_numbers = #tpu.dot_dimension_numbers<[1], [1], [0], [0], [0, 0, 1, 0], [], []>, transpose_lhs_hint = false} : vector<1x128xf32>, vector<128x128xf32>, vector<1x128xf32> -> vector<1x128xf32>
      %add3A_90 = arith.addf %dot_general3A_89, %get3A_42 : vector<1x128xf32>
      %mul3A_91 = vector.broadcast %mul3A_74 : vector<1x128xf32> to vector<128x128xf32>
      %mul3A_92 = arith.mulf %get3A_24, %mul3A_91 : vector<128x128xf32>
      %mul3A_93 = vector.broadcast %mul3A_83 : vector<1x128xf32> to vector<128x128xf32>
      %mul3A_94 = arith.mulf %get3A_24, %mul3A_93 : vector<128x128xf32>
      %concatenate3A = tpu.concatenate %mul3A_92, %mul3A_94 in 1 : vector<128x128xf32>, vector<128x128xf32> -> vector<128x256xf32>
      %dot_general3A_95 = arith.constant dense<0.000000e+00> : vector<128x256xf32>
      %dot_general3A_96 = tpu.matmul %concatenate3A, %sub3A, %dot_general3A_95 {dimension_numbers = #tpu.dot_dimension_numbers<[1], [0], [0], [1], [0, 0, 1, 1], [], []>, transpose_lhs_hint = false} : vector<128x256xf32>, vector<256x256xf32>, vector<128x256xf32> -> vector<128x256xf32>
      %mul3A_97 = arith.mulf %dot_general3A_96, %concatenate3A : vector<128x256xf32>
      %reduce_sum3A_98 = arith.constant dense<0.000000e+00> : vector<128xf32>
      %reduce_sum3A_99 = vector.multi_reduction <add>, %mul3A_97, %reduce_sum3A_98 [1] : vector<128x256xf32> to vector<128xf32>
      %reshape3A = vector.shape_cast %reduce_sum3A_99 : vector<128xf32> to vector<1x128xf32>
      %add3A_100 = arith.constant 9.99999974E-6 : f32
      %add3A_101 = vector.broadcast %add3A_100 : f32 to vector<1x128xf32>
      %add3A_102 = arith.addf %reshape3A, %add3A_101 : vector<1x128xf32>
      %rsqrt3A_103 = math.rsqrt %add3A_102 : vector<1x128xf32>
      %mul3A_104 = arith.mulf %get3A_45, %rsqrt3A_103 : vector<1x128xf32>
      %mul3A_105 = arith.mulf %mul3A_104, %add3A_90 : vector<1x128xf32>
      %sub3A_106 = arith.subf %get3A_48, %mul3A_105 : vector<1x128xf32>
      %dot_general3A_107 = arith.constant dense<0.000000e+00> : vector<1x128xf32>
      %dot_general3A_108 = tpu.matmul %get3A_48, %get3A_27, %dot_general3A_107 {dimension_numbers = #tpu.dot_dimension_numbers<[1], [1], [0], [0], [0, 0, 1, 0], [], []>, transpose_lhs_hint = false} : vector<1x128xf32>, vector<128x128xf32>, vector<1x128xf32> -> vector<1x128xf32>
      %add3A_109 = arith.addf %dot_general3A_108, %get3A_51 : vector<1x128xf32>
      %mul3A_110 = vector.broadcast %mul3A_104 : vector<1x128xf32> to vector<128x128xf32>
      %mul3A_111 = arith.mulf %get3A_27, %mul3A_110 : vector<128x128xf32>
      %dot_general3A_112 = arith.constant dense<0.000000e+00> : vector<128x256xf32>
      %dot_general3A_113 = tpu.matmul %mul3A_111, %concatenate3A, %dot_general3A_112 {dimension_numbers = #tpu.dot_dimension_numbers<[1], [0], [0], [1], [0, 0, 1, 1], [], []>, transpose_lhs_hint = false} : vector<128x128xf32>, vector<128x256xf32>, vector<128x256xf32> -> vector<128x256xf32>
      %dot_general3A_114 = arith.constant dense<0.000000e+00> : vector<128x256xf32>
      %dot_general3A_115 = tpu.matmul %dot_general3A_113, %sub3A, %dot_general3A_114 {dimension_numbers = #tpu.dot_dimension_numbers<[1], [0], [0], [1], [0, 0, 1, 1], [], []>, transpose_lhs_hint = false} : vector<128x256xf32>, vector<256x256xf32>, vector<128x256xf32> -> vector<128x256xf32>
      %mul3A_116 = arith.mulf %dot_general3A_115, %dot_general3A_113 : vector<128x256xf32>
      %reduce_sum3A_117 = arith.constant dense<0.000000e+00> : vector<128xf32>
      %reduce_sum3A_118 = vector.multi_reduction <add>, %mul3A_116, %reduce_sum3A_117 [1] : vector<128x256xf32> to vector<128xf32>
      %reshape3A_119 = vector.shape_cast %reduce_sum3A_118 : vector<128xf32> to vector<1x128xf32>
      %add3A_120 = arith.constant 9.99999974E-6 : f32
      %add3A_121 = vector.broadcast %add3A_120 : f32 to vector<1x128xf32>
      %add3A_122 = arith.addf %reshape3A_119, %add3A_121 : vector<1x128xf32>
      %rsqrt3A_123 = math.rsqrt %add3A_122 : vector<1x128xf32>
      %mul3A_124 = arith.mulf %get3A_54, %rsqrt3A_123 : vector<1x128xf32>
      %mul3A_125 = arith.mulf %mul3A_124, %add3A_109 : vector<1x128xf32>
      %sub3A_126 = arith.subf %get3A_57, %mul3A_125 : vector<1x128xf32>
      %swap3A = arith.constant 0 : index
      %swap3A_127 = arith.constant 0 : index
      %swap3A_128 = vector.load %arg14[%swap3A, %swap3A_127] : memref<16x128xf32, #tpu.memory_space<vmem>>, vector<1x128xf32>
      tpu.vector_store %arg14[%swap3A, %swap3A_127], %mul3A_74 {strides = array<i32>} : memref<16x128xf32, #tpu.memory_space<vmem>>, vector<1x128xf32>,
      %swap3A_129 = arith.constant 1 : index
      %swap3A_130 = arith.constant 0 : index
      %swap3A_131 = vector.load %arg14[%swap3A_129, %swap3A_130] : memref<16x128xf32, #tpu.memory_space<vmem>>, vector<1x128xf32>
      tpu.vector_store %arg14[%swap3A_129, %swap3A_130], %sub3A_77 {strides = array<i32>} : memref<16x128xf32, #tpu.memory_space<vmem>>, vector<1x128xf32>,
      %swap3A_132 = arith.constant 2 : index
      %swap3A_133 = arith.constant 0 : index
      %swap3A_134 = vector.load %arg14[%swap3A_132, %swap3A_133] : memref<16x128xf32, #tpu.memory_space<vmem>>, vector<1x128xf32>
      tpu.vector_store %arg14[%swap3A_132, %swap3A_133], %mul3A_83 {strides = array<i32>} : memref<16x128xf32, #tpu.memory_space<vmem>>, vector<1x128xf32>,
      %swap3A_135 = arith.constant 3 : index
      %swap3A_136 = arith.constant 0 : index
      %swap3A_137 = vector.load %arg14[%swap3A_135, %swap3A_136] : memref<16x128xf32, #tpu.memory_space<vmem>>, vector<1x128xf32>
      tpu.vector_store %arg14[%swap3A_135, %swap3A_136], %sub3A_86 {strides = array<i32>} : memref<16x128xf32, #tpu.memory_space<vmem>>, vector<1x128xf32>,
      %swap3A_138 = arith.constant 4 : index
      %swap3A_139 = arith.constant 0 : index
      %swap3A_140 = vector.load %arg14[%swap3A_138, %swap3A_139] : memref<16x128xf32, #tpu.memory_space<vmem>>, vector<1x128xf32>
      tpu.vector_store %arg14[%swap3A_138, %swap3A_139], %get3A_42 {strides = array<i32>} : memref<16x128xf32, #tpu.memory_space<vmem>>, vector<1x128xf32>,
      %swap3A_141 = arith.constant 5 : index
      %swap3A_142 = arith.constant 0 : index
      %swap3A_143 = vector.load %arg14[%swap3A_141, %swap3A_142] : memref<16x128xf32, #tpu.memory_space<vmem>>, vector<1x128xf32>
      tpu.vector_store %arg14[%swap3A_141, %swap3A_142], %mul3A_104 {strides = array<i32>} : memref<16x128xf32, #tpu.memory_space<vmem>>, vector<1x128xf32>,
      %swap3A_144 = arith.constant 6 : index
      %swap3A_145 = arith.constant 0 : index
      %swap3A_146 = vector.load %arg14[%swap3A_144, %swap3A_145] : memref<16x128xf32, #tpu.memory_space<vmem>>, vector<1x128xf32>
      tpu.vector_store %arg14[%swap3A_144, %swap3A_145], %sub3A_106 {strides = array<i32>} : memref<16x128xf32, #tpu.memory_space<vmem>>, vector<1x128xf32>,
      %swap3A_147 = arith.constant 7 : index
      %swap3A_148 = arith.constant 0 : index
      %swap3A_149 = vector.load %arg14[%swap3A_147, %swap3A_148] : memref<16x128xf32, #tpu.memory_space<vmem>>, vector<1x128xf32>
      tpu.vector_store %arg14[%swap3A_147, %swap3A_148], %get3A_51 {strides = array<i32>} : memref<16x128xf32, #tpu.memory_space<vmem>>, vector<1x128xf32>,
      %swap3A_150 = arith.constant 8 : index
      %swap3A_151 = arith.constant 0 : index
      %swap3A_152 = vector.load %arg14[%swap3A_150, %swap3A_151] : memref<16x128xf32, #tpu.memory_space<vmem>>, vector<1x128xf32>
      tpu.vector_store %arg14[%swap3A_150, %swap3A_151], %mul3A_124 {strides = array<i32>} : memref<16x128xf32, #tpu.memory_space<vmem>>, vector<1x128xf32>,
      %swap3A_153 = arith.constant 9 : index
      %swap3A_154 = arith.constant 0 : index
      %swap3A_155 = vector.load %arg14[%swap3A_153, %swap3A_154] : memref<16x128xf32, #tpu.memory_space<vmem>>, vector<1x128xf32>
      tpu.vector_store %arg14[%swap3A_153, %swap3A_154], %sub3A_126 {strides = array<i32>} : memref<16x128xf32, #tpu.memory_space<vmem>>, vector<1x128xf32>,
    } else {
    }
    %ge3A = arith.constant 10 : i32
    %ge3A_6 = arith.cmpi sge, %arg0, %ge3A : i32
    %lt3A_7 = arith.constant 20 : i32
    %lt3A_8 = arith.cmpi slt, %arg0, %lt3A_7 : i32
    %and3A = arith.andi %ge3A_6, %lt3A_8 : i1
    %convert_element_type3A_9 = arith.extui %and3A : i1 to i32
    %cond3A_10 = arith.constant 0 : i32
    %cond3A_11 = arith.cmpi ne, %convert_element_type3A_9, %cond3A_10 : i32
    scf.if %cond3A_11 {
      %sub3A = arith.constant 10 : i32
      %sub3A_17 = arith.subi %arg0, %sub3A : i32
      %mul3A = arith.constant 2000 : i32
      %mul3A_18 = arith.muli %sub3A_17, %mul3A : i32
      %get3A = arith.index_cast %mul3A_18 : i32 to index
      %get3A_19 = arith.constant 0 : index
      %get3A_20 = vector.load %arg10[%get3A, %get3A_19] : memref<20000x128xf32, #tpu.memory_space<vmem>>, vector<2000x128xf32>
      %get3A_21 = arith.constant 0 : index
      %get3A_22 = arith.constant 0 : index
      %get3A_23 = vector.load %arg3[%get3A_21, %get3A_22] : memref<2000x128xf32, #tpu.memory_space<vmem>>, vector<2000x128xf32>
      %get3A_24 = arith.constant 0 : index
      %get3A_25 = arith.constant 0 : index
      %get3A_26 = vector.load %arg14[%get3A_24, %get3A_25] : memref<16x128xf32, #tpu.memory_space<vmem>>, vector<16x128xf32>
      %slice3A = vector.extract_strided_slice %get3A_26 {offsets = [0, 0], sizes = [1, 128], strides = [1, 1]} : vector<16x128xf32> to vector<1x128xf32>
      %slice3A_27 = vector.extract_strided_slice %get3A_26 {offsets = [1, 0], sizes = [1, 128], strides = [1, 1]} : vector<16x128xf32> to vector<1x128xf32>
      %slice3A_28 = vector.extract_strided_slice %get3A_26 {offsets = [2, 0], sizes = [1, 128], strides = [1, 1]} : vector<16x128xf32> to vector<1x128xf32>
      %slice3A_29 = vector.extract_strided_slice %get3A_26 {offsets = [3, 0], sizes = [1, 128], strides = [1, 1]} : vector<16x128xf32> to vector<1x128xf32>
      %slice3A_30 = vector.extract_strided_slice %get3A_26 {offsets = [4, 0], sizes = [1, 128], strides = [1, 1]} : vector<16x128xf32> to vector<1x128xf32>
      %slice3A_31 = vector.extract_strided_slice %get3A_26 {offsets = [5, 0], sizes = [1, 128], strides = [1, 1]} : vector<16x128xf32> to vector<1x128xf32>
      %slice3A_32 = vector.extract_strided_slice %get3A_26 {offsets = [6, 0], sizes = [1, 128], strides = [1, 1]} : vector<16x128xf32> to vector<1x128xf32>
      %slice3A_33 = vector.extract_strided_slice %get3A_26 {offsets = [7, 0], sizes = [1, 128], strides = [1, 1]} : vector<16x128xf32> to vector<1x128xf32>
      %slice3A_34 = vector.extract_strided_slice %get3A_26 {offsets = [8, 0], sizes = [1, 128], strides = [1, 1]} : vector<16x128xf32> to vector<1x128xf32>
      %slice3A_35 = vector.extract_strided_slice %get3A_26 {offsets = [9, 0], sizes = [1, 128], strides = [1, 1]} : vector<16x128xf32> to vector<1x128xf32>
      %mul3A_36 = vector.broadcast %slice3A : vector<1x128xf32> to vector<2000x128xf32>
      %mul3A_37 = arith.mulf %get3A_20, %mul3A_36 : vector<2000x128xf32>
      %add3A = vector.broadcast %slice3A_27 : vector<1x128xf32> to vector<2000x128xf32>
      %add3A_38 = arith.addf %mul3A_37, %add3A : vector<2000x128xf32>
      %mul3A_39 = vector.broadcast %slice3A_28 : vector<1x128xf32> to vector<2000x128xf32>
      %mul3A_40 = arith.mulf %get3A_23, %mul3A_39 : vector<2000x128xf32>
      %add3A_41 = vector.broadcast %slice3A_29 : vector<1x128xf32> to vector<2000x128xf32>
      %add3A_42 = arith.addf %mul3A_40, %add3A_41 : vector<2000x128xf32>
      %add3A_43 = arith.addf %add3A_38, %add3A_42 : vector<2000x128xf32>
      %get3A_44 = arith.constant 0 : index
      %get3A_45 = arith.constant 0 : index
      %get3A_46 = vector.load %arg5[%get3A_44, %get3A_45] : memref<128x128xf32, #tpu.memory_space<vmem>>, vector<128x128xf32>
      %dot_general3A = arith.constant dense<0.000000e+00> : vector<2000x128xf32>
      %dot_general3A_47 = tpu.matmul %add3A_43, %get3A_46, %dot_general3A {dimension_numbers = #tpu.dot_dimension_numbers<[1], [1], [0], [0], [0, 0, 1, 0], [], []>, transpose_lhs_hint = false} : vector<2000x128xf32>, vector<128x128xf32>, vector<2000x128xf32> -> vector<2000x128xf32>
      %add3A_48 = vector.broadcast %slice3A_30 : vector<1x128xf32> to vector<2000x128xf32>
      %add3A_49 = arith.addf %dot_general3A_47, %add3A_48 : vector<2000x128xf32>
      %mul3A_50 = vector.broadcast %slice3A_31 : vector<1x128xf32> to vector<2000x128xf32>
      %mul3A_51 = arith.mulf %add3A_49, %mul3A_50 : vector<2000x128xf32>
      %add3A_52 = vector.broadcast %slice3A_32 : vector<1x128xf32> to vector<2000x128xf32>
      %add3A_53 = arith.addf %mul3A_51, %add3A_52 : vector<2000x128xf32>
      %get3A_54 = arith.constant 0 : index
      %get3A_55 = arith.constant 0 : index
      %get3A_56 = vector.load %arg6[%get3A_54, %get3A_55] : memref<128x128xf32, #tpu.memory_space<vmem>>, vector<128x128xf32>
      %dot_general3A_57 = arith.constant dense<0.000000e+00> : vector<2000x128xf32>
      %dot_general3A_58 = tpu.matmul %add3A_53, %get3A_56, %dot_general3A_57 {dimension_numbers = #tpu.dot_dimension_numbers<[1], [1], [0], [0], [0, 0, 1, 0], [], []>, transpose_lhs_hint = false} : vector<2000x128xf32>, vector<128x128xf32>, vector<2000x128xf32> -> vector<2000x128xf32>
      %add3A_59 = vector.broadcast %slice3A_33 : vector<1x128xf32> to vector<2000x128xf32>
      %add3A_60 = arith.addf %dot_general3A_58, %add3A_59 : vector<2000x128xf32>
      %mul3A_61 = vector.broadcast %slice3A_34 : vector<1x128xf32> to vector<2000x128xf32>
      %mul3A_62 = arith.mulf %add3A_60, %mul3A_61 : vector<2000x128xf32>
      %add3A_63 = vector.broadcast %slice3A_35 : vector<1x128xf32> to vector<2000x128xf32>
      %add3A_64 = arith.addf %mul3A_62, %add3A_63 : vector<2000x128xf32>
      %logistic3A = arith.negf %add3A_64 : vector<2000x128xf32>
      %logistic3A_65 = math.exp %logistic3A : vector<2000x128xf32>
      %logistic3A_66 = arith.constant 1.000000e+00 : f32
      %logistic3A_67 = vector.broadcast %logistic3A_66 : f32 to vector<2000x128xf32>
      %logistic3A_68 = arith.addf %logistic3A_67, %logistic3A_65 : vector<2000x128xf32>
      %logistic3A_69 = arith.divf %logistic3A_67, %logistic3A_68 : vector<2000x128xf32>
      %sub3A_70 = arith.subf %add3A_38, %add3A_42 : vector<2000x128xf32>
      %mul3A_71 = arith.mulf %logistic3A_69, %sub3A_70 : vector<2000x128xf32>
      %add3A_72 = arith.addf %add3A_42, %mul3A_71 : vector<2000x128xf32>
      %mul3A_73 = arith.constant 2000 : i32
      %mul3A_74 = arith.muli %sub3A_17, %mul3A_73 : i32
      %swap3A = arith.index_cast %mul3A_74 : i32 to index
      %swap3A_75 = arith.constant 0 : index
      %swap3A_76 = vector.load %arg11[%swap3A, %swap3A_75] : memref<20000x128xf32, #tpu.memory_space<vmem>>, vector<2000x128xf32>
      tpu.vector_store %arg11[%swap3A, %swap3A_75], %add3A_72 {strides = array<i32>} : memref<20000x128xf32, #tpu.memory_space<vmem>>, vector<2000x128xf32>,
      %eq3A_77 = arith.constant 10 : i32
      %eq3A_78 = arith.cmpi eq, %arg0, %eq3A_77 : i32
      %convert_element_type3A_79 = arith.extui %eq3A_78 : i1 to i32
      %cond3A_80 = arith.constant 0 : i32
      %cond3A_81 = arith.cmpi ne, %convert_element_type3A_79, %cond3A_80 : i32
      scf.if %cond3A_81 {
        %broadcast_in_dim3A_101 = arith.constant 0.000000e+00 : f32
        %broadcast_in_dim3A_102 = vector.broadcast %broadcast_in_dim3A_101 : f32 to vector<1x128xf32>
        %swap3A_103 = arith.constant 0 : index
        %swap3A_104 = arith.constant 0 : index
        %swap3A_105 = vector.load %arg15[%swap3A_103, %swap3A_104] : memref<1x128xf32, #tpu.memory_space<vmem>>, vector<1x128xf32>
        tpu.vector_store %arg15[%swap3A_103, %swap3A_104], %broadcast_in_dim3A_102 {strides = array<i32>} : memref<1x128xf32, #tpu.memory_space<vmem>>, vector<1x128xf32>,
        %broadcast_in_dim3A_106 = arith.constant 0.000000e+00 : f32
        %broadcast_in_dim3A_107 = vector.broadcast %broadcast_in_dim3A_106 : f32 to vector<1x128xf32>
        %swap3A_108 = arith.constant 0 : index
        %swap3A_109 = arith.constant 0 : index
        %swap3A_110 = vector.load %arg16[%swap3A_108, %swap3A_109] : memref<1x128xf32, #tpu.memory_space<vmem>>, vector<1x128xf32>
        tpu.vector_store %arg16[%swap3A_108, %swap3A_109], %broadcast_in_dim3A_107 {strides = array<i32>} : memref<1x128xf32, #tpu.memory_space<vmem>>, vector<1x128xf32>,
      } else {
      }
      %get3A_82 = arith.constant 0 : index
      %get3A_83 = arith.constant 0 : index
      %get3A_84 = vector.load %arg15[%get3A_82, %get3A_83] : memref<1x128xf32, #tpu.memory_space<vmem>>, vector<1x128xf32>
      %reduce_sum3A = arith.constant dense<0.000000e+00> : vector<128xf32>
      %reduce_sum3A_85 = vector.multi_reduction <add>, %add3A_72, %reduce_sum3A [0] : vector<2000x128xf32> to vector<128xf32>
      %broadcast_in_dim3A = vector.shape_cast %reduce_sum3A_85 : vector<128xf32> to vector<1x128xf32>
      %add3A_86 = arith.addf %get3A_84, %broadcast_in_dim3A : vector<1x128xf32>
      %swap3A_87 = arith.constant 0 : index
      %swap3A_88 = arith.constant 0 : index
      %swap3A_89 = vector.load %arg15[%swap3A_87, %swap3A_88] : memref<1x128xf32, #tpu.memory_space<vmem>>, vector<1x128xf32>
      tpu.vector_store %arg15[%swap3A_87, %swap3A_88], %add3A_86 {strides = array<i32>} : memref<1x128xf32, #tpu.memory_space<vmem>>, vector<1x128xf32>,
      %get3A_90 = arith.constant 0 : index
      %get3A_91 = arith.constant 0 : index
      %get3A_92 = vector.load %arg16[%get3A_90, %get3A_91] : memref<1x128xf32, #tpu.memory_space<vmem>>, vector<1x128xf32>
      %mul3A_93 = arith.mulf %add3A_72, %add3A_72 : vector<2000x128xf32>
      %reduce_sum3A_94 = arith.constant dense<0.000000e+00> : vector<128xf32>
      %reduce_sum3A_95 = vector.multi_reduction <add>, %mul3A_93, %reduce_sum3A_94 [0] : vector<2000x128xf32> to vector<128xf32>
      %broadcast_in_dim3A_96 = vector.shape_cast %reduce_sum3A_95 : vector<128xf32> to vector<1x128xf32>
      %add3A_97 = arith.addf %get3A_92, %broadcast_in_dim3A_96 : vector<1x128xf32>
      %swap3A_98 = arith.constant 0 : index
      %swap3A_99 = arith.constant 0 : index
      %swap3A_100 = vector.load %arg16[%swap3A_98, %swap3A_99] : memref<1x128xf32, #tpu.memory_space<vmem>>, vector<1x128xf32>
      tpu.vector_store %arg16[%swap3A_98, %swap3A_99], %add3A_97 {strides = array<i32>} : memref<1x128xf32, #tpu.memory_space<vmem>>, vector<1x128xf32>,
    } else {
    }
    %ge3A_12 = arith.constant 20 : i32
    %ge3A_13 = arith.cmpi sge, %arg0, %ge3A_12 : i32
    %convert_element_type3A_14 = arith.extui %ge3A_13 : i1 to i32
    %cond3A_15 = arith.constant 0 : i32
    %cond3A_16 = arith.cmpi ne, %convert_element_type3A_14, %cond3A_15 : i32
    scf.if %cond3A_16 {
      %sub3A = arith.constant 20 : i32
      %sub3A_17 = arith.subi %arg0, %sub3A : i32
      %get3A = arith.constant 0 : index
      %get3A_18 = arith.constant 0 : index
      %get3A_19 = vector.load %arg15[%get3A, %get3A_18] : memref<1x128xf32, #tpu.memory_space<vmem>>, vector<1x128xf32>
      %div3A = arith.constant 2.000000e+04 : f32
      %div3A_20 = vector.broadcast %div3A : f32 to vector<1x128xf32>
      %div3A_21 = arith.divf %get3A_19, %div3A_20 : vector<1x128xf32>
      %get3A_22 = arith.constant 0 : index
      %get3A_23 = arith.constant 0 : index
      %get3A_24 = vector.load %arg16[%get3A_22, %get3A_23] : memref<1x128xf32, #tpu.memory_space<vmem>>, vector<1x128xf32>
      %div3A_25 = arith.constant 2.000000e+04 : f32
      %div3A_26 = vector.broadcast %div3A_25 : f32 to vector<1x128xf32>
      %div3A_27 = arith.divf %get3A_24, %div3A_26 : vector<1x128xf32>
      %mul3A = arith.mulf %div3A_21, %div3A_21 : vector<1x128xf32>
      %sub3A_28 = arith.subf %div3A_27, %mul3A : vector<1x128xf32>
      %get3A_29 = arith.constant 0 : index
      %get3A_30 = arith.constant 0 : index
      %get3A_31 = vector.load %arg8[%get3A_29, %get3A_30] : memref<2x128xf32, #tpu.memory_space<vmem>>, vector<1x128xf32>
      %add3A = arith.constant 9.99999974E-6 : f32
      %add3A_32 = vector.broadcast %add3A : f32 to vector<1x128xf32>
      %add3A_33 = arith.addf %sub3A_28, %add3A_32 : vector<1x128xf32>
      %rsqrt3A = math.rsqrt %add3A_33 : vector<1x128xf32>
      %mul3A_34 = arith.mulf %get3A_31, %rsqrt3A : vector<1x128xf32>
      %mul3A_35 = arith.constant 2000 : i32
      %mul3A_36 = arith.muli %sub3A_17, %mul3A_35 : i32
      %get3A_37 = arith.index_cast %mul3A_36 : i32 to index
      %get3A_38 = arith.constant 0 : index
      %get3A_39 = vector.load %arg11[%get3A_37, %get3A_38] : memref<20000x128xf32, #tpu.memory_space<vmem>>, vector<2000x128xf32>
      %sub3A_40 = vector.broadcast %div3A_21 : vector<1x128xf32> to vector<2000x128xf32>
      %sub3A_41 = arith.subf %get3A_39, %sub3A_40 : vector<2000x128xf32>
      %mul3A_42 = vector.broadcast %mul3A_34 : vector<1x128xf32> to vector<2000x128xf32>
      %mul3A_43 = arith.mulf %sub3A_41, %mul3A_42 : vector<2000x128xf32>
      %get3A_44 = arith.constant 1 : index
      %get3A_45 = arith.constant 0 : index
      %get3A_46 = vector.load %arg8[%get3A_44, %get3A_45] : memref<2x128xf32, #tpu.memory_space<vmem>>, vector<1x128xf32>
      %add3A_47 = vector.broadcast %get3A_46 : vector<1x128xf32> to vector<2000x128xf32>
      %add3A_48 = arith.addf %mul3A_43, %add3A_47 : vector<2000x128xf32>
      %swap3A = arith.constant 0 : index
      %swap3A_49 = arith.constant 0 : index
      %swap3A_50 = vector.load %arg9[%swap3A, %swap3A_49] : memref<2000x128xf32, #tpu.memory_space<vmem>>, vector<2000x128xf32>
      tpu.vector_store %arg9[%swap3A, %swap3A_49], %add3A_48 {strides = array<i32>} : memref<2000x128xf32, #tpu.memory_space<vmem>>, vector<2000x128xf32>,
    } else {
    }
    return
  }
  func.func @transform_0(%arg0: i32) -> (i32, i32) {
    %min3A = arith.constant 9 : i32
    %min3A_0 = arith.minsi %arg0, %min3A : i32
    %c0_i32 = arith.constant 0 : i32
    %c0_i32_1 = arith.constant 0 : i32
    return %min3A_0, %c0_i32 : i32, i32
  }
  func.func @transform_1(%arg0: i32) -> (i32, i32) {
    %min3A = arith.constant 9 : i32
    %min3A_0 = arith.minsi %arg0, %min3A : i32
    %c0_i32 = arith.constant 0 : i32
    %c0_i32_1 = arith.constant 0 : i32
    return %min3A_0, %c0_i32 : i32, i32
  }
  func.func @transform_2(%arg0: i32) -> (i32, i32) {
    %lt3A = arith.constant 10 : i32
    %lt3A_0 = arith.cmpi slt, %arg0, %lt3A : i32
    %sub3A = arith.constant 10 : i32
    %sub3A_1 = arith.subi %arg0, %sub3A : i32
    %min3A = arith.constant 9 : i32
    %min3A_2 = arith.minsi %sub3A_1, %min3A : i32
    %select_n3A = arith.select %lt3A_0, %arg0, %min3A_2 : i32
    %c0_i32 = arith.constant 0 : i32
    %c0_i32_3 = arith.constant 0 : i32
    return %select_n3A, %c0_i32 : i32, i32
  }
  func.func @transform_3(%arg0: i32) -> (i32, i32) {
    %c0_i32 = arith.constant 0 : i32
    %c0_i32_0 = arith.constant 0 : i32
    %c0_i32_1 = arith.constant 0 : i32
    return %c0_i32, %c0_i32_0 : i32, i32
  }
  func.func @transform_4(%arg0: i32) -> (i32, i32) {
    %c0_i32 = arith.constant 0 : i32
    %c0_i32_0 = arith.constant 0 : i32
    %c0_i32_1 = arith.constant 0 : i32
    return %c0_i32, %c0_i32_0 : i32, i32
  }
  func.func @transform_5(%arg0: i32) -> (i32, i32) {
    %c0_i32 = arith.constant 0 : i32
    %c0_i32_0 = arith.constant 0 : i32
    %c0_i32_1 = arith.constant 0 : i32
    return %c0_i32, %c0_i32_0 : i32, i32
  }
  func.func @transform_6(%arg0: i32) -> (i32, i32) {
    %c0_i32 = arith.constant 0 : i32
    %c0_i32_0 = arith.constant 0 : i32
    %c0_i32_1 = arith.constant 0 : i32
    return %c0_i32, %c0_i32_0 : i32, i32
  }
  func.func @transform_7(%arg0: i32) -> (i32, i32) {
    %c0_i32 = arith.constant 0 : i32
    %c0_i32_0 = arith.constant 0 : i32
    %c0_i32_1 = arith.constant 0 : i32
    return %c0_i32, %c0_i32_0 : i32, i32
  }
  func.func @transform_8(%arg0: i32) -> (i32, i32) {
    %sub3A = arith.constant 20 : i32
    %sub3A_0 = arith.subi %arg0, %sub3A : i32
    %max3A = arith.constant 0 : i32
    %max3A_1 = arith.maxsi %sub3A_0, %max3A : i32
    %c0_i32 = arith.constant 0 : i32
    %c0_i32_2 = arith.constant 0 : i32
    return %max3A_1, %c0_i32 : i32, i32
  }
}

</mosaic_0001>

<sc_bundles>
// kernel: kernel.5.cloned.1.call-start
scs
__scs_entry_jumppad:
0x0: {  	(pc) =	sbr.rel $0x88, $3  }
0x1: {  	(tag) =	ssettag $0x0;
	lr =	simm.s32 $0x1  }
0x2: {  	[smem:$0x3F8E] =	sst lr;
	_ =	strace $0xD0000000  }
0x3: {  	_ = 	snop  }
0x4: {  	_ = 	snop  }
0x5: {  	_ = 	snop  }
0x6: {  	_ = 	snop  }
0x7: {  	_ = 	snop  }
__scs_overlays_trampoline_lowered:
0x8: {  	[smem:$0x3F9D] =	sst s0  }
0x9: {  	[smem:$0x3F9E] =	sst s1  }
0xa: {  	[smem:$0x3F9F] =	sst s2  }
0xb: {  	[smem:$0x3FA0] =	sst s3  }
0xc: {  	[smem:$0x3FA1] =	sst s4  }
0xd: {  	[smem:$0x3FA2] =	sst s5  }
0xe: {  	[smem:$0x3FA3] =	sst s6  }
0xf: {  	[smem:$0x3FA4] =	sst s7  }
0x10: {  	[smem:$0x3FA5] =	sst s8  }
0x11: {  	[smem:$0x3FA6] =	sst s9;
	s0 =	simm.s32 @!p0 $0x0  }
0x12: {  	s1 =	sld [smem:$0x3F8C];
	s0 =	simm.s32 @p0 $0x1  }
0x13: {  	[smem:$0x3FA7] =	sst s0;
	s0 =	simm.s32 @!p1 $0x0  }
0x14: {  	s2 =	sld [smem:$0x3F8B];
	s0 =	simm.s32 @p1 $0x1  }
0x15: {  	[smem:$0x3FA8] =	sst s0;
	s0 =	simm.s32 @!p2 $0x0  }
0x16: {  	s3 =	sld [smem:$0x3FDB];
	s0 =	simm.s32 @p2 $0x1  }
0x17: {  	s4 =	simm.s32 $0x1BF5;
	[smem:$0x3FAA] =	sst s0  }
0x18: {  	s0 =	sld [smem:$0x3F8D];
	_ =	swait.ge [sflag:s4], $0x0  }
0x19: {  	s7 =	sld [smem:$0x3F8E]  }
0x1a: {  	s8 =	sadd.s32 $0xFFFFE003, lr  }
0x1b: {  	s9 =	sadd.s32 $0xFFFFFEF7, lr;
	s5 =	simm.s32 $0xFFFFFFFF;
	p2 =	slt.u32 s8, $0xFFFFF086  }
0x1c: {  	p1 =	slt.u32 s9, $0xF7A;
	s5 =	simm.s32 @!p2 $0x0  }
0x1d: {  	s5 =	simm.s32 @p1 $0x1;
	p0 =	seq.s32 s7, s2  }
0x1e: {  	s7 =	smul.u32 @!p0 $0xF7A, s2;
	p2 =	seq.s32 @!p0 s5, $0x0  }
0x1f: {  	s9 =	smul.u32 $0xF7A, s1;
	s8 =	simm.s32 @!p0 $0x1BF5;
	p2 =	por !p2, p0  }
0x20: {  	[sflag:s8] =	ssyncset.s32 @!p0 $0xFFFFF086;
	s6 =	sadd.s32 @!p0 s3, s7;
	s7 =	simm.s32 @!p0 $0x108  }
0x21: {  	s3 =	sadd.s32 s3, s9;
	s6 =	sadd.s32 @!p0 $0x88, s6;
	s7 =	simm.s32 @p2 $0x1082  }
0x22: {  	[simem:s7], [sflag:s8] =	dma.local @!p0 [hbm:s6], $0xF7A  }
0x23: {  	s9 =	sor.u32 $0xD0000000, s2;
	s6 =	simm.s32 $0x108;
	_ =	swait.ge @!p0 [sflag:s8], $0x0  }
0x24: {  	s3 =	sadd.s32 $0x88, s3;
	s6 =	simm.s32 @!p1 $0x1082;
	[sflag:s4] =	ssyncset.s32 $0xFFFFF086  }
0x25: {  	[simem:s6], [sflag:s4] =	dma.local [hbm:s3], $0xF7A  }
0x26: {  	[smem:$0x3F8E] =	sst s1;
	(tag) =	ssettag s2;
	_ =	strace s9  }
0x27: {  	s1 =	sld [smem:$0x3F9E]  }
0x28: {  	s2 =	sld [smem:$0x3F9F]  }
0x29: {  	s4 =	sld [smem:$0x3FA1]  }
0x2a: {  	p0 =	seq.s32 s5, $0x0;
	s5 =	sld [smem:$0x3FA2]  }
0x2b: {  	s6 =	sld [smem:$0x3FA3]  }
0x2c: {  	s7 =	sld [smem:$0x3FA4]  }
0x2d: {  	s3 =	simm.s32 $0x108;
	s8 =	sld [smem:$0x3FA5]  }
0x2e: {  	s3 =	simm.s32 @!p0 $0x1082;
	s9 =	sld [smem:$0x3FA6]  }
0x2f: {  	lr =	sadd.s32 s0, s3;
	s0 =	sld [smem:$0x3F9D]  }
0x30: {  	s3 =	sld [smem:$0x3FA0]  }
0x31: {  	[smem:$0x3FA9] =	sst s10  }
0x32: {  	s10 =	sld [smem:$0x3FA7];
	_ =	sdelay $0x3  }
0x33: {  	p0 =	seq.s32 s10, $0x1;
	s10 =	sld [smem:$0x3FA9];
	_ =	sdelay $0x3  }
0x34: {  	[smem:$0x3FA9] =	sst s10  }
0x35: {  	s10 =	sld [smem:$0x3FA8];
	_ =	sdelay $0x3  }
0x36: {  	p1 =	seq.s32 s10, $0x1;
	s10 =	sld [smem:$0x3FA9];
	_ =	sdelay $0x3  }
0x37: {  	[smem:$0x3FA9] =	sst s10  }
0x38: {  	s10 =	sld [smem:$0x3FAA]  }
0x39: {  	_ = 	snop;
	(pc) =	sbr.ind lr, $3  }
0x3a: {  	_ = 	snop  }
0x3b: {  	_ = 	snop  }
0x3c: {  	p2 =	seq.s32 s10, $0x1;
	s10 =	sld [smem:$0x3FA9]  }
0x3d: {  	_ =	shalt  }
0x3e: {  	_ =	shalt  }
0x3f: {  	_ =	shalt  }
0x40: {  	_ =	shalt  }
0x41: {  	_ =	shalt  }
0x42: {  	_ =	shalt  }
0x43: {  	_ =	shalt  }
0x44: {  	_ =	shalt  }
0x45: {  	_ =	shalt  }
0x46: {  	_ =	shalt  }
0x47: {  	_ =	shalt  }
0x48: {  	_ =	shalt  }
0x49: {  	_ =	shalt  }
0x4a: {  	_ =	shalt  }
0x4b: {  	_ =	shalt  }
0x4c: {  	_ =	shalt  }
0x4d: {  	_ =	shalt  }
0x4e: {  	_ =	shalt  }
0x4f: {  	_ =	shalt  }
0x50: {  	_ =	shalt  }
0x51: {  	_ =	shalt  }
0x52: {  	_ =	shalt  }
0x53: {  	_ =	shalt  }
0x54: {  	_ =	shalt  }
0x55: {  	_ =	shalt  }
0x56: {  	_ =	shalt  }
0x57: {  	_ =	shalt  }
0x58: {  	_ =	shalt  }
0x59: {  	_ =	shalt  }
0x5a: {  	_ =	shalt  }
0x5b: {  	_ =	shalt  }
0x5c: {  	_ =	shalt  }
0x5d: {  	_ =	shalt  }
0x5e: {  	_ =	shalt  }
0x5f: {  	_ =	shalt  }
0x60: {  	_ =	shalt  }
0x61: {  	_ =	shalt  }
0x62: {  	_ =	shalt  }
0x63: {  	_ =	shalt  }
0x64: {  	_ =	shalt  }
0x65: {  	_ =	shalt  }
0x66: {  	_ =	shalt  }
0x67: {  	_ =	shalt  }
0x68: {  	_ =	shalt  }
0x69: {  	_ =	shalt  }
0x6a: {  	_ =	shalt  }
0x6b: {  	_ =	shalt  }
0x6c: {  	_ =	shalt  }
0x6d: {  	_ =	shalt  }
0x6e: {  	_ =	shalt  }
0x6f: {  	_ =	shalt  }
0x70: {  	_ =	shalt  }
0x71: {  	_ =	shalt  }
0x72: {  	_ =	shalt  }
0x73: {  	_ =	shalt  }
0x74: {  	_ =	shalt  }
0x75: {  	_ =	shalt  }
0x76: {  	_ =	shalt  }
0x77: {  	_ =	shalt  }
0x78: {  	_ =	shalt  }
0x79: {  	_ =	shalt  }
0x7a: {  	_ =	shalt  }
0x7b: {  	_ =	shalt  }
0x7c: {  	_ =	shalt  }
0x7d: {  	_ =	shalt  }
0x7e: {  	_ =	shalt  }
0x7f: {  	_ =	shalt  }
0x80: {  	_ =	shalt  }
0x81: {  	_ =	shalt  }
0x82: {  	_ =	shalt  }
0x83: {  	_ =	shalt  }
0x84: {  	_ =	shalt  }
0x85: {  	_ =	shalt  }
0x86: {  	_ =	shalt  }
0x87: {  	_ =	shalt  }
.Lfunc_end0:
.L_simem_size_0:
called_computation_lowered:
.L_overlay_start_0:
0x88: {  	s2 =	sld [smem:$0x3FD9]  }
0x89: {  	s3 =	sld [smem:$0x3FFE];
	_ =	sdelay $0x1  }
0x8a: {  	s1 =	srdreg.scid  }
0x8b: {  	s0 =	sand.u32 $0x1, s1  }
0x8c: {  	s17 =	sshll.u32 s0, $0xA;
	s2 =	sadd.s32 s3, s2  }
0x8d: {  	s2 =	sadd.s32 s2, s17  }
0x8e: {  	[smem:$0x3FB5] =	sst s2  }
0x8f: {  	_ = 	snop  }
0x90: {  	s2 =	sld [smem:$0x3FD0];
	(tm) =	ssettm $0x1  }
0x91: {  	s18 =	sld [smem:$0x3FFB];
	_ =	sdelay $0x3  }
0x92: {  	_ =	strace s18  }
0x93: {  	s3 =	sld [smem:$0x3FFC];
	_ =	sdelay $0x3  }
0x94: {  	_ =	strace s3  }
0x95: {  	s3 =	sld [smem:$0x3FFD];
	_ =	sdelay $0x3  }
0x96: {  	_ =	strace s3  }
0x97: {  	_ =	strace $0x8FFFFFFF  }
0x98: {  	s19 =	sld [smem:$0x3FDB];
	_ =	sdelay $0x1  }
0x99: {  	s4 =	simm.s32 $_scs_section_size  }
0x9a: {  	s5 =	simm.s32 $_size__tile_overlayer_lowered;
	s6 =	simm.s32 $_tile_overlayer_lowered  }
0x9b: {  	s22 =	simm.s32 $0x1BFF;
	s21 =	sshll.u32 s6, $0x1;
	s3 =	sadd.s32 s4, s19  }
0x9c: {  	s7 =	simm.s32 $0x0;
	s20 =	sshll.u32 s5, $0x1;
	s5 =	sadd.s32 s21, s3  }
0x9d: {  	[timem:s7], [sflag:s22] =	dma.local [hbm:s5], s20  }
0x9e: {  	_ =	swait.ge [sflag:s22], s20  }
0x9f: {  	s4 =	ssub.s32 $0x0, s20;
	[sflag:s22] =	ssyncset.done $0x0  }
0xa0: {  	[sflag:s22] =	ssyncadd.s32 s4;
	_ =	sdelay $0x1  }
0xa1: {  	s23 =	simm.s32 $0x1B8B  }
0xa2: {  	_ =	swait.ge [sflag:s23], $0x1  }
0xa3: {  	[sflag:s23] =	ssyncset.done $0x0  }
0xa4: {  	s25 =	simm.s32 $0x1B8E;
	s24 =	sld [smem:$0x3FFE];
	[sflag:s23] =	ssyncadd.s32 $0xFFFFFFFF  }
0xa5: {  	s26 =	simm.s32 $execute0_lowered;
	[smem:$0x3FD2] =	sst s25  }
0xa6: {  	s5 =	sshll.u32 s26, $0x1;
	_ =	strace $0x80000046;
	[dreg:$0x1] =	wrdreg $0xFFFFFFFF  }
0xa7: {  	s28 =	simm.s32 $_size_execute0_lowered;
	s3 =	sadd.s32 s3, s5;
	[dreg:$0x0] =	wrdreg $0x0  }
0xa8: {  	s5 =	sshll.u32 s28, $0x1;
	[dreg:$0x2] =	wrdreg s3  }
0xa9: {  	[dreg:$0x3] =	wrdreg s5  }
0xaa: {  	[dreg:$0x4] =	wrdreg $0xC0  }
0xab: {  	_ =	task [dreg:s7], $0x5FFFF  }
0xac: {  	[dreg:$0x1] =	wrdreg $0xFFFFFFFF  }
0xad: {  	[dreg:$0x0] =	wrdreg $0x60  }
0xae: {  	[dreg:$0x2] =	wrdreg s2  }
0xaf: {  	[dreg:$0x3] =	wrdreg s24  }
0xb0: {  	[dreg:$0x4] =	wrdreg $0x9  }
0xb1: {  	_ =	task.clear_ibuf [dreg:s7], $0x5FFFF;
	_ =	strace $0x90000046  }
0xb2: {  	s29 =	simm.s32 $0x9;
	_ =	strace $0x80000048  }
0xb3: {  	_ =	swait.ge [sflag:s29], $0x1  }
0xb4: {  	[sflag:s29] =	ssyncadd.s32 $0xFFFFFFFF  }
0xb5: {  	_ =	strace $0x90000048  }
0xb6: {  	_ =	sfence  }
0xb7: {  	s30 =	sld [smem:$0x0];
	_ =	sdelay $0x2  }
0xb8: {  	s31 =	sshll.u32 s1, $0xD;
	s1 =	sshrl.u32 s1, $0x2  }
0xb9: {  	s3 =	sand.u32 $0x4000, s31;
	s1 =	sadd.s32 s1, s30  }
0xba: {  	s0 =	sor.u32 s3, s0;
	s1 =	sshll.u32 s1, $0x11  }
0xbb: {  	s0 =	sor.u32 s1, s0  }
0xbc: {  	s0 =	sadd.s32 $0x8F2B, s0  }
0xbd: {  	[sflag:s0] =	ssyncadd.remote.s32 $0x1  }
0xbe: {  	_ =	sfence.sel $0xFFFF  }
0xbf: {  	[dreg:$0x0] =	wrdreg $0xFFFFFFFF;
	(pc) =	sbr.abs _section_cstart, $3  }
0xc0: {  	[dreg:$0x1] =	wrdreg $0xFFFFFFFF  }
0xc1: {  	_ =	task.clear_ibuf [dreg:s7], $0x2FFFF;
	_ =	strace $0x9FFFFFFF  }
0xc2: {  	(tm) =	ssettm $0x7FFFFFFF  }
0xc3: {  	_ =	shalt  }
tec
execute0_lowered:
.L_overlay_start_1:
0x0: {  	(tag) =	ssettag $0x1  }
0x1: {  	s1 =	srdreg.scid;
	s2 =	rddreg [dreg:$0x0]  }
0x2: {  	s0 =	stileid.u32;
	s6 =	rddreg [dreg:$0x1]  }
0x3: {  	s3 =	simm.s32 $0x0;
	s11 =	simm.s32 $0x6;
	s12 =	simm.s32 $0x80  }
0x4: {  	s13 =	simm.s32 $0x2780;
	s14 =	simm.s32 $0x6780;
	s15 =	simm.s32 $0x1  }
0x5: {  	s16 =	simm.s32 $0xE780;
	s17 =	simm.s32 $0x2;
	s18 =	simm.s32 $0x5  }
0x6: {  	s19 =	simm.s32 $0xEB80;
	s20 =	simm.s32 $0x3;
	s21 =	simm.s32 $0x4  }
0x7: {  	s22 =	simm.s32 $0x0;
	s5 =	sand.u32 $0x1, s1;
	s30 =	sshll.u32 s0, $0x1  }
0x8: {  	[smem:$0x7FF] =	sst s3;
	p0 =	sgt.u32 s0, $0x1;
	s1 =	sor.u32 s5, s30  }
0x9: {  	s8 =	ssub.s32 $0x2, s5;
	s5 =	sadd.s32 $0x5B000, s6;
	s4 =	smul.u32 $0x4E, s1  }
.Ltmp0:
0xa: {  	s7 =	smin.u32 s1, $0x4;
	s1 =	rddreg [dreg:$0x2];
	(pc) =	sbr.rel .LBB2_1-.Ltmp0, $4  }
0xb: {  	_ =	strace $0x80000047;
	s9 =	sshrl.u32 s8, $0x1;
	s4 =	sadd.s32 s7, s4  }
0xc: {  	s10 =	ssub.s32 s8, s9;
	s7 =	sshll.u32 s4, $0x4;
	s31 =	sshll.u32 s4, $0x7  }
0xd: {  	s10 =	smax.u32 s10, $0x1;
	s7 =	sadd.s32 s7, s6;
	s8 =	sadd.s32 s5, s31  }
0xe: {  	s6 =	sadd.s32 $0x51200, s7;
	s7 =	sadd.s32 $0x516E0, s7;
	s9 =	sadd.s32 $0x2700, s8  }
.LBB2_15:
0xf: {  	s22 =	sadd.s32 $0x1, s22  }
0x10: {  	_ =	swait.ge [sflag:s21], $0x400;
	p1 =	sne.s32 s22, s10  }
.Ltmp1:
0x11: {  	[sflag:s21] =	ssyncset.done $0x0;
	(pc) =	sbr.rel @!p1 .LBB2_16-.Ltmp1, $4  }
0x12: {  	[sflag:s21] =	ssyncadd.s32 $0xFFFFFC00  }
0x13: {  	_ =	swait.ge [sflag:s18], $0x400  }
0x14: {  	[sflag:s18] =	ssyncset.done $0x0  }
0x15: {  	[sflag:s18] =	ssyncadd.s32 $0xFFFFFC00  }
.LBB2_1:
0x16: {  	[tilespmem:s3], [sflag:$0x6] =	stream.linear.gather [hbm4b:s6+s3], $0x2700, $0x38;
	[tilespmem:$0xEF80] =	vst v63  }
0x17: {  	_ =	swait.ge [sflag:s11], $0x2700  }
0x18: {  	[sflag:s11] =	ssyncset.done $0x0  }
0x19: {  	s23 =	simm.s32 @!p0 $0x0;
	s24 =	simm.s32 @!p0 $0x2700;
	[sflag:s11] =	ssyncadd.s32 $0xFFFFD900  }
0x1a: {  	[tilespmem:s24], [sflag:$0x6] =	stream.linear.gather @!p0 [hbm4b:s7+s23], $0x80, $0x38;
	[tilespmem:$0xEF80] =	vst v63  }
0x1b: {  	s23 =	simm.s32 @!p0 $0x6  }
0x1c: {  	_ =	swait.ge @!p0 [sflag:s23], $0x80  }
0x1d: {  	[sflag:s23] =	ssyncset.done @!p0 $0x0  }
0x1e: {  	s25 =	simm.s32 @!p0 $0xA780;
	[sflag:s23] =	ssyncadd.s32 @!p0 $0xFFFFFF80;
	s23 =	simm.s32 @!p0 $0x80  }
0x1f: {  	[tilespmem:s25], [sflag:$0x3] =	stream.indirect.gather @!p0 [hbm4b:s2+s23], $0x80, s24, s23, $0xb8;
	[tilespmem:$0xEF80] =	vst v63  }
0x20: {  	s23 =	simm.s32 $0x0  }
0x21: {  	[tilespmem:s13], [sflag:$0x1] =	stream.indirect.gather [hbm4b:s2+s12], $0x80, s3, s12, $0xb8;
	[tilespmem:$0xEF80] =	vst v63  }
.LBB2_2:
0x22: {  	s24 =	sshllo.u32 s23, $0x1  }
0x23: {  	s25 =	sshll.u32 s24, $0x7  }
0x24: {  	s25 =	sand.u32 $0x3FFFFF80, s25  }
0x25: {  	[tilespmem:s14], [sflag:$0x2] =	stream.indirect.gather [hbm4b:s2+s12], $0x80, s25, s12, $0xb8;
	[tilespmem:$0xEF80] =	vst v63  }
0x26: {  	_ =	swait.ge [sflag:s15], $0x4000  }
0x27: {  	p1 =	seq.s32 s23, $0x0;
	[sflag:s15] =	ssyncset.done $0x0  }
0x28: {  	s25 =	simm.s32 @!p1 $0x4;
	[sflag:s15] =	ssyncadd.s32 $0xFFFFC000  }
0x29: {  	_ =	swait.ge @!p1 [sflag:s25], $0x400  }
0x2a: {  	[sflag:s25] =	ssyncset.done @!p1 $0x0  }
0x2b: {  	[sflag:s25] =	ssyncadd.s32 @!p1 $0xFFFFFC00;
	s25 =	simm.s32 $0x2B80  }
0x2c: {  	v0 =	vld [tilespmem:s25+$0xFFFFFC80]  }
0x2d: {  	v1 =	vld [tilespmem:s25+$0xFFFFFC00]  }
0x2e: {  	v2 =	vld [tilespmem:s25+$0xFFFFFD00]  }
0x2f: {  	v3 =	vld [tilespmem:s25+$0xFFFFFD80]  }
0x30: {  	v4 =	vld [tilespmem:s25+$0xFFFFFE00]  }
0x31: {  	v5 =	vld [tilespmem:s25+$0xFFFFFE80]  }
0x32: {  	v0 =	vmax.f32 v1, v0;
	v1 =	vld [tilespmem:s25+$0xFFFFFF00]  }
0x33: {  	v0 =	vmax.f32 v0, v2;
	v2 =	vld [tilespmem:s25+$0xFFFFFF80]  }
0x34: {  	v0 =	vmax.f32 v0, v3;
	v3 =	vld [tilespmem:s25+$0x0]  }
0x35: {  	v0 =	vmax.f32 v0, v4;
	v4 =	vld [tilespmem:s25+$0x80]  }
0x36: {  	v0 =	vmax.f32 v0, v5;
	v5 =	vld [tilespmem:s25+$0x100]  }
0x37: {  	v0 =	vmax.f32 v0, v1;
	v1 =	vld [tilespmem:s25+$0x180]  }
0x38: {  	v0 =	vmax.f32 v0, v2;
	v2 =	vld [tilespmem:s25+$0x200]  }
0x39: {  	v0 =	vmax.f32 v0, v3;
	v3 =	vld [tilespmem:s25+$0x280]  }
0x3a: {  	v0 =	vmax.f32 v0, v4;
	v4 =	vld [tilespmem:s25+$0x300]  }
0x3b: {  	v0 =	vmax.f32 v0, v5;
	v5 =	vld [tilespmem:s25+$0x380]  }
0x3c: {  	v0 =	vmax.f32 v0, v1  }
0x3d: {  	v0 =	vmax.f32 v0, v2  }
0x3e: {  	v0 =	vmax.f32 v0, v3  }
0x3f: {  	v0 =	vmax.f32 v0, v4  }
0x40: {  	s26 =	simm.s32 $0x0;
	v0 =	vmax.f32 v0, v5  }
0x41: {  	[tilespmem:s26+$0xE780] =	vst v0  }
0x42: {  	v0 =	vld [tilespmem:s25+$0xFFFFFC10]  }
0x43: {  	v1 =	vld [tilespmem:s25+$0xFFFFFC90]  }
0x44: {  	v2 =	vld [tilespmem:s25+$0xFFFFFD10]  }
0x45: {  	v3 =	vld [tilespmem:s25+$0xFFFFFD90]  }
0x46: {  	v4 =	vld [tilespmem:s25+$0xFFFFFE10]  }
0x47: {  	v5 =	vld [tilespmem:s25+$0xFFFFFE90]  }
0x48: {  	v0 =	vmax.f32 v0, v1;
	v1 =	vld [tilespmem:s25+$0xFFFFFF10]  }
0x49: {  	v0 =	vmax.f32 v0, v2;
	v2 =	vld [tilespmem:s25+$0xFFFFFF90]  }
0x4a: {  	v0 =	vmax.f32 v0, v3;
	v3 =	vld [tilespmem:s25+$0x10]  }
0x4b: {  	v0 =	vmax.f32 v0, v4;
	v4 =	vld [tilespmem:s25+$0x90]  }
0x4c: {  	v0 =	vmax.f32 v0, v5;
	v5 =	vld [tilespmem:s25+$0x110]  }
0x4d: {  	v0 =	vmax.f32 v0, v1;
	v1 =	vld [tilespmem:s25+$0x190]  }
0x4e: {  	v0 =	vmax.f32 v0, v2;
	v2 =	vld [tilespmem:s25+$0x210]  }
0x4f: {  	v0 =	vmax.f32 v0, v3;
	v3 =	vld [tilespmem:s25+$0x290]  }
0x50: {  	v0 =	vmax.f32 v0, v4;
	v4 =	vld [tilespmem:s25+$0x310]  }
0x51: {  	v0 =	vmax.f32 v0, v5;
	v5 =	vld [tilespmem:s25+$0x390]  }
0x52: {  	v0 =	vmax.f32 v0, v1  }
0x53: {  	v0 =	vmax.f32 v0, v2  }
0x54: {  	v0 =	vmax.f32 v0, v3  }
0x55: {  	v0 =	vmax.f32 v0, v4  }
0x56: {  	v0 =	vmax.f32 v0, v5  }
0x57: {  	[tilespmem:s26+$0xE790] =	vst v0  }
0x58: {  	v0 =	vld [tilespmem:s25+$0xFFFFFC20]  }
0x59: {  	v1 =	vld [tilespmem:s25+$0xFFFFFCA0]  }
0x5a: {  	v2 =	vld [tilespmem:s25+$0xFFFFFD20]  }
0x5b: {  	v3 =	vld [tilespmem:s25+$0xFFFFFDA0]  }
0x5c: {  	v4 =	vld [tilespmem:s25+$0xFFFFFE20]  }
0x5d: {  	v5 =	vld [tilespmem:s25+$0xFFFFFEA0]  }
0x5e: {  	v0 =	vmax.f32 v0, v1;
	v1 =	vld [tilespmem:s25+$0xFFFFFF20]  }
0x5f: {  	v0 =	vmax.f32 v0, v2;
	v2 =	vld [tilespmem:s25+$0xFFFFFFA0]  }
0x60: {  	v0 =	vmax.f32 v0, v3;
	v3 =	vld [tilespmem:s25+$0x20]  }
0x61: {  	v0 =	vmax.f32 v0, v4;
	v4 =	vld [tilespmem:s25+$0xA0]  }
0x62: {  	v0 =	vmax.f32 v0, v5;
	v5 =	vld [tilespmem:s25+$0x120]  }
0x63: {  	v0 =	vmax.f32 v0, v1;
	v1 =	vld [tilespmem:s25+$0x1A0]  }
0x64: {  	v0 =	vmax.f32 v0, v2;
	v2 =	vld [tilespmem:s25+$0x220]  }
0x65: {  	v0 =	vmax.f32 v0, v3;
	v3 =	vld [tilespmem:s25+$0x2A0]  }
0x66: {  	v0 =	vmax.f32 v0, v4;
	v4 =	vld [tilespmem:s25+$0x320]  }
0x67: {  	v0 =	vmax.f32 v0, v5;
	v5 =	vld [tilespmem:s25+$0x3A0]  }
0x68: {  	v0 =	vmax.f32 v0, v1  }
0x69: {  	v0 =	vmax.f32 v0, v2  }
0x6a: {  	v0 =	vmax.f32 v0, v3  }
0x6b: {  	v0 =	vmax.f32 v0, v4  }
0x6c: {  	v0 =	vmax.f32 v0, v5  }
0x6d: {  	[tilespmem:s26+$0xE7A0] =	vst v0  }
0x6e: {  	v0 =	vld [tilespmem:s25+$0xFFFFFC30]  }
0x6f: {  	v1 =	vld [tilespmem:s25+$0xFFFFFCB0]  }
0x70: {  	v2 =	vld [tilespmem:s25+$0xFFFFFD30]  }
0x71: {  	v3 =	vld [tilespmem:s25+$0xFFFFFDB0]  }
0x72: {  	v4 =	vld [tilespmem:s25+$0xFFFFFE30]  }
0x73: {  	v5 =	vld [tilespmem:s25+$0xFFFFFEB0]  }
0x74: {  	v0 =	vmax.f32 v0, v1;
	v1 =	vld [tilespmem:s25+$0xFFFFFF30]  }
0x75: {  	v0 =	vmax.f32 v0, v2;
	v2 =	vld [tilespmem:s25+$0xFFFFFFB0]  }
0x76: {  	v0 =	vmax.f32 v0, v3;
	v3 =	vld [tilespmem:s25+$0x30]  }
0x77: {  	v0 =	vmax.f32 v0, v4;
	v4 =	vld [tilespmem:s25+$0xB0]  }
0x78: {  	v0 =	vmax.f32 v0, v5;
	v5 =	vld [tilespmem:s25+$0x130]  }
0x79: {  	v0 =	vmax.f32 v0, v1;
	v1 =	vld [tilespmem:s25+$0x1B0]  }
0x7a: {  	v0 =	vmax.f32 v0, v2;
	v2 =	vld [tilespmem:s25+$0x230]  }
0x7b: {  	v0 =	vmax.f32 v0, v3;
	v3 =	vld [tilespmem:s25+$0x2B0]  }
0x7c: {  	v0 =	vmax.f32 v0, v4;
	v4 =	vld [tilespmem:s25+$0x330]  }
0x7d: {  	v0 =	vmax.f32 v0, v5;
	v5 =	vld [tilespmem:s25+$0x3B0]  }
0x7e: {  	v0 =	vmax.f32 v0, v1  }
0x7f: {  	v0 =	vmax.f32 v0, v2  }
0x80: {  	v0 =	vmax.f32 v0, v3  }
0x81: {  	v0 =	vmax.f32 v0, v4  }
0x82: {  	v0 =	vmax.f32 v0, v5  }
0x83: {  	[tilespmem:s26+$0xE7B0] =	vst v0  }
0x84: {  	v0 =	vld [tilespmem:s25+$0xFFFFFC40]  }
0x85: {  	v1 =	vld [tilespmem:s25+$0xFFFFFCC0]  }
0x86: {  	v2 =	vld [tilespmem:s25+$0xFFFFFD40]  }
0x87: {  	v3 =	vld [tilespmem:s25+$0xFFFFFDC0]  }
0x88: {  	v4 =	vld [tilespmem:s25+$0xFFFFFE40]  }
0x89: {  	v5 =	vld [tilespmem:s25+$0xFFFFFEC0]  }
0x8a: {  	v0 =	vmax.f32 v0, v1;
	v1 =	vld [tilespmem:s25+$0xFFFFFF40]  }
0x8b: {  	v0 =	vmax.f32 v0, v2;
	v2 =	vld [tilespmem:s25+$0xFFFFFFC0]  }
0x8c: {  	v0 =	vmax.f32 v0, v3;
	v3 =	vld [tilespmem:s25+$0x40]  }
0x8d: {  	v0 =	vmax.f32 v0, v4;
	v4 =	vld [tilespmem:s25+$0xC0]  }
0x8e: {  	v0 =	vmax.f32 v0, v5;
	v5 =	vld [tilespmem:s25+$0x140]  }
0x8f: {  	v0 =	vmax.f32 v0, v1;
	v1 =	vld [tilespmem:s25+$0x1C0]  }
0x90: {  	v0 =	vmax.f32 v0, v2;
	v2 =	vld [tilespmem:s25+$0x240]  }
0x91: {  	v0 =	vmax.f32 v0, v3;
	v3 =	vld [tilespmem:s25+$0x2C0]  }
0x92: {  	v0 =	vmax.f32 v0, v4;
	v4 =	vld [tilespmem:s25+$0x340]  }
0x93: {  	v0 =	vmax.f32 v0, v5;
	v5 =	vld [tilespmem:s25+$0x3C0]  }
0x94: {  	v0 =	vmax.f32 v0, v1  }
0x95: {  	v0 =	vmax.f32 v0, v2  }
0x96: {  	v0 =	vmax.f32 v0, v3  }
0x97: {  	v0 =	vmax.f32 v0, v4  }
0x98: {  	v0 =	vmax.f32 v0, v5  }
0x99: {  	[tilespmem:s26+$0xE7C0] =	vst v0  }
0x9a: {  	v0 =	vld [tilespmem:s25+$0xFFFFFC50]  }
0x9b: {  	v1 =	vld [tilespmem:s25+$0xFFFFFCD0]  }
0x9c: {  	v2 =	vld [tilespmem:s25+$0xFFFFFD50]  }
0x9d: {  	v3 =	vld [tilespmem:s25+$0xFFFFFDD0]  }
0x9e: {  	v4 =	vld [tilespmem:s25+$0xFFFFFE50]  }
0x9f: {  	v5 =	vld [tilespmem:s25+$0xFFFFFED0]  }
0xa0: {  	v0 =	vmax.f32 v0, v1;
	v1 =	vld [tilespmem:s25+$0xFFFFFF50]  }
0xa1: {  	v0 =	vmax.f32 v0, v2;
	v2 =	vld [tilespmem:s25+$0xFFFFFFD0]  }
0xa2: {  	v0 =	vmax.f32 v0, v3;
	v3 =	vld [tilespmem:s25+$0x50]  }
0xa3: {  	v0 =	vmax.f32 v0, v4;
	v4 =	vld [tilespmem:s25+$0xD0]  }
0xa4: {  	v0 =	vmax.f32 v0, v5;
	v5 =	vld [tilespmem:s25+$0x150]  }
0xa5: {  	v0 =	vmax.f32 v0, v1;
	v1 =	vld [tilespmem:s25+$0x1D0]  }
0xa6: {  	v0 =	vmax.f32 v0, v2;
	v2 =	vld [tilespmem:s25+$0x250]  }
0xa7: {  	v0 =	vmax.f32 v0, v3;
	v3 =	vld [tilespmem:s25+$0x2D0]  }
0xa8: {  	v0 =	vmax.f32 v0, v4;
	v4 =	vld [tilespmem:s25+$0x350]  }
0xa9: {  	v0 =	vmax.f32 v0, v5;
	v5 =	vld [tilespmem:s25+$0x3D0]  }
0xaa: {  	v0 =	vmax.f32 v0, v1  }
0xab: {  	v0 =	vmax.f32 v0, v2  }
0xac: {  	v0 =	vmax.f32 v0, v3  }
0xad: {  	v0 =	vmax.f32 v0, v4  }
0xae: {  	v0 =	vmax.f32 v0, v5  }
0xaf: {  	[tilespmem:s26+$0xE7D0] =	vst v0  }
0xb0: {  	v0 =	vld [tilespmem:s25+$0xFFFFFC60]  }
0xb1: {  	v1 =	vld [tilespmem:s25+$0xFFFFFCE0]  }
0xb2: {  	v2 =	vld [tilespmem:s25+$0xFFFFFD60]  }
0xb3: {  	v3 =	vld [tilespmem:s25+$0xFFFFFDE0]  }
0xb4: {  	v4 =	vld [tilespmem:s25+$0xFFFFFE60]  }
0xb5: {  	v5 =	vld [tilespmem:s25+$0xFFFFFEE0]  }
0xb6: {  	v0 =	vmax.f32 v0, v1;
	v1 =	vld [tilespmem:s25+$0xFFFFFF60]  }
0xb7: {  	v0 =	vmax.f32 v0, v2;
	v2 =	vld [tilespmem:s25+$0xFFFFFFE0]  }
0xb8: {  	v0 =	vmax.f32 v0, v3;
	v3 =	vld [tilespmem:s25+$0x60]  }
0xb9: {  	v0 =	vmax.f32 v0, v4;
	v4 =	vld [tilespmem:s25+$0xE0]  }
0xba: {  	v0 =	vmax.f32 v0, v5;
	v5 =	vld [tilespmem:s25+$0x160]  }
0xbb: {  	v0 =	vmax.f32 v0, v1;
	v1 =	vld [tilespmem:s25+$0x1E0]  }
0xbc: {  	v0 =	vmax.f32 v0, v2;
	v2 =	vld [tilespmem:s25+$0x260]  }
0xbd: {  	v0 =	vmax.f32 v0, v3;
	v3 =	vld [tilespmem:s25+$0x2E0]  }
0xbe: {  	v0 =	vmax.f32 v0, v4;
	v4 =	vld [tilespmem:s25+$0x360]  }
0xbf: {  	v0 =	vmax.f32 v0, v5;
	v5 =	vld [tilespmem:s25+$0x3E0]  }
0xc0: {  	v0 =	vmax.f32 v0, v1  }
0xc1: {  	v0 =	vmax.f32 v0, v2  }
0xc2: {  	v0 =	vmax.f32 v0, v3  }
0xc3: {  	v0 =	vmax.f32 v0, v4  }
0xc4: {  	v0 =	vmax.f32 v0, v5  }
0xc5: {  	[tilespmem:s26+$0xE7E0] =	vst v0  }
0xc6: {  	v0 =	vld [tilespmem:s25+$0xFFFFFC70]  }
0xc7: {  	v1 =	vld [tilespmem:s25+$0xFFFFFCF0]  }
0xc8: {  	v2 =	vld [tilespmem:s25+$0xFFFFFD70]  }
0xc9: {  	v3 =	vld [tilespmem:s25+$0xFFFFFDF0]  }
0xca: {  	v5 =	vld [tilespmem:s25+$0xFFFFFE70]  }
0xcb: {  	v6 =	vld [tilespmem:s25+$0xFFFFFEF0]  }
0xcc: {  	v7 =	vld [tilespmem:s25+$0xFFFFFF70];
	v0 =	vmax.f32 v0, v1  }
0xcd: {  	v8 =	vld [tilespmem:s25+$0xFFFFFFF0];
	v0 =	vmax.f32 v0, v2  }
0xce: {  	v4 =	vld [tilespmem:s25+$0x70];
	v0 =	vmax.f32 v0, v3  }
0xcf: {  	v1 =	vld [tilespmem:s25+$0xF0];
	v0 =	vmax.f32 v0, v5  }
0xd0: {  	v2 =	vld [tilespmem:s25+$0x170];
	v0 =	vmax.f32 v0, v6  }
0xd1: {  	v3 =	vmax.f32 v0, v7;
	v0 =	vld [tilespmem:s25+$0x1F0]  }
0xd2: {  	s28 =	simm.s32 $0x200;
	s29 =	simm.s32 $0x2B80;
	v5 =	vmax.f32 v3, v8;
	v3 =	vld [tilespmem:s25+$0x270]  }
.LBB2_3:
0xd3: {  	p2 =	sne.s32 s28, $0xE00  }
0xd4: {  	v4 =	vmax.f32 v5, v4;
	v5 =	vld [tilespmem:s25+$0x2F0];
	s29 =	sadd.s32 $0x800, s29;
	s30 =	smov.u32 s28;
	s28 =	sadd.s32 $0x200, s28  }
0xd5: {  	v1 =	vmax.f32 v4, v1;
	v4 =	vld [tilespmem:s25+$0x370]  }
0xd6: {  	v1 =	vmax.f32 v1, v2;
	v2 =	vld [tilespmem:s25+$0x3F0];
	s25 =	smov.u32 s29  }
0xd7: {  	v0 =	vmax.f32 v1, v0  }
0xd8: {  	v0 =	vmax.f32 v0, v3  }
0xd9: {  	v0 =	vmax.f32 v0, v5  }
0xda: {  	v0 =	vmax.f32 v0, v4  }
0xdb: {  	v0 =	vmax.f32 v0, v2  }
0xdc: {  	[tilespmem:s26+$0xE7F0] =	vst v0  }
0xdd: {  	v0 =	vld [tilespmem:s29+$0xFFFFFD00]  }
0xde: {  	v1 =	vld [tilespmem:s29+$0xFFFFFC80]  }
0xdf: {  	v2 =	vld [tilespmem:s29+$0xFFFFFC00]  }
0xe0: {  	v3 =	vld [tilespmem:s29+$0xFFFFFD80]  }
0xe1: {  	v4 =	vld [tilespmem:s29+$0xFFFFFE00];
	_ =	sdelay $0x1  }
0xe2: {  	v5 =	vld [tilespmem:s29+$0xFFFFFE80]  }
0xe3: {  	v1 =	vmax.f32 v2, v1;
	v2 =	vld [tilespmem:s29+$0xFFFFFF00]  }
0xe4: {  	v0 =	vmax.f32 v1, v0;
	v1 =	vld [tilespmem:s29+$0xFFFFFF80]  }
0xe5: {  	v0 =	vmax.f32 v0, v3;
	v3 =	vld [tilespmem:s29+$0x0]  }
0xe6: {  	v0 =	vmax.f32 v0, v4;
	v4 =	vld [tilespmem:s29+$0x80]  }
0xe7: {  	v0 =	vmax.f32 v0, v5;
	v5 =	vld [tilespmem:s29+$0x100]  }
0xe8: {  	v0 =	vmax.f32 v0, v2;
	v2 =	vld [tilespmem:s29+$0x180]  }
0xe9: {  	v0 =	vmax.f32 v0, v1;
	v1 =	vld [tilespmem:s29+$0x200]  }
0xea: {  	v0 =	vmax.f32 v0, v3;
	v3 =	vld [tilespmem:s29+$0x280]  }
0xeb: {  	v0 =	vmax.f32 v0, v4;
	v4 =	vld [tilespmem:s29+$0x300]  }
0xec: {  	v0 =	vmax.f32 v0, v5;
	v5 =	vld [tilespmem:s29+$0x380]  }
0xed: {  	v0 =	vmax.f32 v0, v2  }
0xee: {  	v0 =	vmax.f32 v0, v1  }
0xef: {  	v0 =	vmax.f32 v0, v3  }
0xf0: {  	v0 =	vmax.f32 v0, v4  }
0xf1: {  	s26 =	sshra.s32 s30, $0x2;
	v0 =	vmax.f32 v0, v5  }
0xf2: {  	[tilespmem:s26+$0xE780] =	vst v0  }
0xf3: {  	v0 =	vld [tilespmem:s29+$0xFFFFFC10]  }
0xf4: {  	v1 =	vld [tilespmem:s29+$0xFFFFFC90]  }
0xf5: {  	v2 =	vld [tilespmem:s29+$0xFFFFFD10]  }
0xf6: {  	v3 =	vld [tilespmem:s29+$0xFFFFFD90]  }
0xf7: {  	v4 =	vld [tilespmem:s29+$0xFFFFFE10]  }
0xf8: {  	v5 =	vld [tilespmem:s29+$0xFFFFFE90]  }
0xf9: {  	v0 =	vmax.f32 v0, v1;
	v1 =	vld [tilespmem:s29+$0xFFFFFF10]  }
0xfa: {  	v0 =	vmax.f32 v0, v2;
	v2 =	vld [tilespmem:s29+$0xFFFFFF90]  }
0xfb: {  	v0 =	vmax.f32 v0, v3;
	v3 =	vld [tilespmem:s29+$0x10]  }
0xfc: {  	v0 =	vmax.f32 v0, v4;
	v4 =	vld [tilespmem:s29+$0x90]  }
0xfd: {  	v0 =	vmax.f32 v0, v5;
	v5 =	vld [tilespmem:s29+$0x110]  }
0xfe: {  	v0 =	vmax.f32 v0, v1;
	v1 =	vld [tilespmem:s29+$0x190]  }
0xff: {  	v0 =	vmax.f32 v0, v2;
	v2 =	vld [tilespmem:s29+$0x210]  }
0x100: {  	v0 =	vmax.f32 v0, v3;
	v3 =	vld [tilespmem:s29+$0x290]  }
0x101: {  	v0 =	vmax.f32 v0, v4;
	v4 =	vld [tilespmem:s29+$0x310]  }
0x102: {  	v0 =	vmax.f32 v0, v5;
	v5 =	vld [tilespmem:s29+$0x390]  }
0x103: {  	v0 =	vmax.f32 v0, v1  }
0x104: {  	v0 =	vmax.f32 v0, v2  }
0x105: {  	v0 =	vmax.f32 v0, v3  }
0x106: {  	v0 =	vmax.f32 v0, v4  }
0x107: {  	v0 =	vmax.f32 v0, v5  }
0x108: {  	[tilespmem:s26+$0xE790] =	vst v0  }
0x109: {  	v0 =	vld [tilespmem:s29+$0xFFFFFC20]  }
0x10a: {  	v1 =	vld [tilespmem:s29+$0xFFFFFCA0]  }
0x10b: {  	v2 =	vld [tilespmem:s29+$0xFFFFFD20]  }
0x10c: {  	v3 =	vld [tilespmem:s29+$0xFFFFFDA0]  }
0x10d: {  	v4 =	vld [tilespmem:s29+$0xFFFFFE20]  }
0x10e: {  	v5 =	vld [tilespmem:s29+$0xFFFFFEA0]  }
0x10f: {  	v0 =	vmax.f32 v0, v1;
	v1 =	vld [tilespmem:s29+$0xFFFFFF20]  }
0x110: {  	v0 =	vmax.f32 v0, v2;
	v2 =	vld [tilespmem:s29+$0xFFFFFFA0]  }
0x111: {  	v0 =	vmax.f32 v0, v3;
	v3 =	vld [tilespmem:s29+$0x20]  }
0x112: {  	v0 =	vmax.f32 v0, v4;
	v4 =	vld [tilespmem:s29+$0xA0]  }
0x113: {  	v0 =	vmax.f32 v0, v5;
	v5 =	vld [tilespmem:s29+$0x120]  }
0x114: {  	v0 =	vmax.f32 v0, v1;
	v1 =	vld [tilespmem:s29+$0x1A0]  }
0x115: {  	v0 =	vmax.f32 v0, v2;
	v2 =	vld [tilespmem:s29+$0x220]  }
0x116: {  	v0 =	vmax.f32 v0, v3;
	v3 =	vld [tilespmem:s29+$0x2A0]  }
0x117: {  	v0 =	vmax.f32 v0, v4;
	v4 =	vld [tilespmem:s29+$0x320]  }
0x118: {  	v0 =	vmax.f32 v0, v5;
	v5 =	vld [tilespmem:s29+$0x3A0]  }
0x119: {  	v0 =	vmax.f32 v0, v1  }
0x11a: {  	v0 =	vmax.f32 v0, v2  }
0x11b: {  	v0 =	vmax.f32 v0, v3  }
0x11c: {  	v0 =	vmax.f32 v0, v4  }
0x11d: {  	v0 =	vmax.f32 v0, v5  }
0x11e: {  	[tilespmem:s26+$0xE7A0] =	vst v0  }
0x11f: {  	v0 =	vld [tilespmem:s29+$0xFFFFFC30]  }
0x120: {  	v1 =	vld [tilespmem:s29+$0xFFFFFCB0]  }
0x121: {  	v2 =	vld [tilespmem:s29+$0xFFFFFD30]  }
0x122: {  	v3 =	vld [tilespmem:s29+$0xFFFFFDB0]  }
0x123: {  	v4 =	vld [tilespmem:s29+$0xFFFFFE30]  }
0x124: {  	v5 =	vld [tilespmem:s29+$0xFFFFFEB0]  }
0x125: {  	v0 =	vmax.f32 v0, v1;
	v1 =	vld [tilespmem:s29+$0xFFFFFF30]  }
0x126: {  	v0 =	vmax.f32 v0, v2;
	v2 =	vld [tilespmem:s29+$0xFFFFFFB0]  }
0x127: {  	v0 =	vmax.f32 v0, v3;
	v3 =	vld [tilespmem:s29+$0x30]  }
0x128: {  	v0 =	vmax.f32 v0, v4;
	v4 =	vld [tilespmem:s29+$0xB0]  }
0x129: {  	v0 =	vmax.f32 v0, v5;
	v5 =	vld [tilespmem:s29+$0x130]  }
0x12a: {  	v0 =	vmax.f32 v0, v1;
	v1 =	vld [tilespmem:s29+$0x1B0]  }
0x12b: {  	v0 =	vmax.f32 v0, v2;
	v2 =	vld [tilespmem:s29+$0x230]  }
0x12c: {  	v0 =	vmax.f32 v0, v3;
	v3 =	vld [tilespmem:s29+$0x2B0]  }
0x12d: {  	v0 =	vmax.f32 v0, v4;
	v4 =	vld [tilespmem:s29+$0x330]  }
0x12e: {  	v0 =	vmax.f32 v0, v5;
	v5 =	vld [tilespmem:s29+$0x3B0]  }
0x12f: {  	v0 =	vmax.f32 v0, v1  }
0x130: {  	v0 =	vmax.f32 v0, v2  }
0x131: {  	v0 =	vmax.f32 v0, v3  }
0x132: {  	v0 =	vmax.f32 v0, v4  }
0x133: {  	v0 =	vmax.f32 v0, v5  }
0x134: {  	[tilespmem:s26+$0xE7B0] =	vst v0  }
0x135: {  	v0 =	vld [tilespmem:s29+$0xFFFFFC40]  }
0x136: {  	v1 =	vld [tilespmem:s29+$0xFFFFFCC0]  }
0x137: {  	v2 =	vld [tilespmem:s29+$0xFFFFFD40]  }
0x138: {  	v3 =	vld [tilespmem:s29+$0xFFFFFDC0]  }
0x139: {  	v4 =	vld [tilespmem:s29+$0xFFFFFE40]  }
0x13a: {  	v5 =	vld [tilespmem:s29+$0xFFFFFEC0]  }
0x13b: {  	v0 =	vmax.f32 v0, v1;
	v1 =	vld [tilespmem:s29+$0xFFFFFF40]  }
0x13c: {  	v0 =	vmax.f32 v0, v2;
	v2 =	vld [tilespmem:s29+$0xFFFFFFC0]  }
0x13d: {  	v0 =	vmax.f32 v0, v3;
	v3 =	vld [tilespmem:s29+$0x40]  }
0x13e: {  	v0 =	vmax.f32 v0, v4;
	v4 =	vld [tilespmem:s29+$0xC0]  }
0x13f: {  	v0 =	vmax.f32 v0, v5;
	v5 =	vld [tilespmem:s29+$0x140]  }
0x140: {  	v0 =	vmax.f32 v0, v1;
	v1 =	vld [tilespmem:s29+$0x1C0]  }
0x141: {  	v0 =	vmax.f32 v0, v2;
	v2 =	vld [tilespmem:s29+$0x240]  }
0x142: {  	v0 =	vmax.f32 v0, v3;
	v3 =	vld [tilespmem:s29+$0x2C0]  }
0x143: {  	v0 =	vmax.f32 v0, v4;
	v4 =	vld [tilespmem:s29+$0x340]  }
0x144: {  	v0 =	vmax.f32 v0, v5;
	v5 =	vld [tilespmem:s29+$0x3C0]  }
0x145: {  	v0 =	vmax.f32 v0, v1  }
0x146: {  	v0 =	vmax.f32 v0, v2  }
0x147: {  	v0 =	vmax.f32 v0, v3  }
0x148: {  	v0 =	vmax.f32 v0, v4  }
0x149: {  	v0 =	vmax.f32 v0, v5  }
0x14a: {  	[tilespmem:s26+$0xE7C0] =	vst v0  }
0x14b: {  	v0 =	vld [tilespmem:s29+$0xFFFFFC50]  }
0x14c: {  	v1 =	vld [tilespmem:s29+$0xFFFFFCD0]  }
0x14d: {  	v2 =	vld [tilespmem:s29+$0xFFFFFD50]  }
0x14e: {  	v3 =	vld [tilespmem:s29+$0xFFFFFDD0]  }
0x14f: {  	v4 =	vld [tilespmem:s29+$0xFFFFFE50]  }
0x150: {  	v5 =	vld [tilespmem:s29+$0xFFFFFED0]  }
0x151: {  	v0 =	vmax.f32 v0, v1;
	v1 =	vld [tilespmem:s29+$0xFFFFFF50]  }
0x152: {  	v0 =	vmax.f32 v0, v2;
	v2 =	vld [tilespmem:s29+$0xFFFFFFD0]  }
0x153: {  	v0 =	vmax.f32 v0, v3;
	v3 =	vld [tilespmem:s29+$0x50]  }
0x154: {  	v0 =	vmax.f32 v0, v4;
	v4 =	vld [tilespmem:s29+$0xD0]  }
0x155: {  	v0 =	vmax.f32 v0, v5;
	v5 =	vld [tilespmem:s29+$0x150]  }
0x156: {  	v0 =	vmax.f32 v0, v1;
	v1 =	vld [tilespmem:s29+$0x1D0]  }
0x157: {  	v0 =	vmax.f32 v0, v2;
	v2 =	vld [tilespmem:s29+$0x250]  }
0x158: {  	v0 =	vmax.f32 v0, v3;
	v3 =	vld [tilespmem:s29+$0x2D0]  }
0x159: {  	v0 =	vmax.f32 v0, v4;
	v4 =	vld [tilespmem:s29+$0x350]  }
0x15a: {  	v0 =	vmax.f32 v0, v5;
	v5 =	vld [tilespmem:s29+$0x3D0]  }
0x15b: {  	v0 =	vmax.f32 v0, v1  }
0x15c: {  	v0 =	vmax.f32 v0, v2  }
0x15d: {  	v0 =	vmax.f32 v0, v3  }
0x15e: {  	v0 =	vmax.f32 v0, v4  }
0x15f: {  	v0 =	vmax.f32 v0, v5  }
0x160: {  	[tilespmem:s26+$0xE7D0] =	vst v0  }
0x161: {  	v0 =	vld [tilespmem:s29+$0xFFFFFC60]  }
0x162: {  	v1 =	vld [tilespmem:s29+$0xFFFFFCE0]  }
0x163: {  	v2 =	vld [tilespmem:s29+$0xFFFFFD60]  }
0x164: {  	v3 =	vld [tilespmem:s29+$0xFFFFFDE0]  }
0x165: {  	v4 =	vld [tilespmem:s29+$0xFFFFFE60]  }
0x166: {  	v5 =	vld [tilespmem:s29+$0xFFFFFEE0]  }
0x167: {  	v0 =	vmax.f32 v0, v1;
	v1 =	vld [tilespmem:s29+$0xFFFFFF60]  }
0x168: {  	v0 =	vmax.f32 v0, v2;
	v2 =	vld [tilespmem:s29+$0xFFFFFFE0]  }
0x169: {  	v0 =	vmax.f32 v0, v3;
	v3 =	vld [tilespmem:s29+$0x60]  }
0x16a: {  	v0 =	vmax.f32 v0, v4;
	v4 =	vld [tilespmem:s29+$0xE0]  }
0x16b: {  	v0 =	vmax.f32 v0, v5;
	v5 =	vld [tilespmem:s29+$0x160]  }
0x16c: {  	v0 =	vmax.f32 v0, v1;
	v1 =	vld [tilespmem:s29+$0x1E0]  }
0x16d: {  	v0 =	vmax.f32 v0, v2;
	v2 =	vld [tilespmem:s29+$0x260]  }
0x16e: {  	v0 =	vmax.f32 v0, v3;
	v3 =	vld [tilespmem:s29+$0x2E0]  }
0x16f: {  	v0 =	vmax.f32 v0, v4;
	v4 =	vld [tilespmem:s29+$0x360]  }
0x170: {  	v0 =	vmax.f32 v0, v5;
	v5 =	vld [tilespmem:s29+$0x3E0]  }
0x171: {  	v0 =	vmax.f32 v0, v1  }
0x172: {  	v0 =	vmax.f32 v0, v2  }
0x173: {  	v0 =	vmax.f32 v0, v3  }
0x174: {  	v0 =	vmax.f32 v0, v4  }
0x175: {  	v0 =	vmax.f32 v0, v5  }
0x176: {  	[tilespmem:s26+$0xE7E0] =	vst v0  }
0x177: {  	v0 =	vld [tilespmem:s29+$0xFFFFFC70]  }
0x178: {  	v1 =	vld [tilespmem:s29+$0xFFFFFCF0]  }
0x179: {  	v2 =	vld [tilespmem:s29+$0xFFFFFD70]  }
0x17a: {  	v3 =	vld [tilespmem:s29+$0xFFFFFDF0]  }
0x17b: {  	v5 =	vld [tilespmem:s29+$0xFFFFFE70]  }
0x17c: {  	v6 =	vld [tilespmem:s29+$0xFFFFFEF0]  }
0x17d: {  	v0 =	vmax.f32 v0, v1;
	v7 =	vld [tilespmem:s29+$0xFFFFFF70]  }
0x17e: {  	v0 =	vmax.f32 v0, v2;
	v8 =	vld [tilespmem:s29+$0xFFFFFFF0]  }
.Ltmp2:
0x17f: {  	v0 =	vmax.f32 v0, v3;
	v4 =	vld [tilespmem:s29+$0x70];
	(pc) =	sbr.rel @p2 .LBB2_3-.Ltmp2, $4  }
0x180: {  	v0 =	vmax.f32 v0, v5;
	v1 =	vld [tilespmem:s29+$0xF0]  }
0x181: {  	v0 =	vmax.f32 v0, v6;
	v2 =	vld [tilespmem:s29+$0x170]  }
0x182: {  	v3 =	vmax.f32 v0, v7;
	v0 =	vld [tilespmem:s29+$0x1F0]  }
0x183: {  	v5 =	vmax.f32 v3, v8;
	v3 =	vld [tilespmem:s29+$0x270]  }
0x184: {  	v4 =	vmax.f32 v5, v4;
	v61 =	vld [tilespmem:s25+$0x2F0]  }
0x185: {  	v62 =	vld [tilespmem:s25+$0x370];
	v1 =	vmax.f32 v4, v1  }
0x186: {  	v63 =	vld [tilespmem:s25+$0x3F0];
	v1 =	vmax.f32 v1, v2  }
0x187: {  	v0 =	vmax.f32 v1, v0  }
0x188: {  	p2 =	sne.s32 s23, $0x26;
	v0 =	vmax.f32 v0, v3  }
.Ltmp3:
0x189: {  	v0 =	vmax.f32 v0, v61;
	(pc) =	sbr.rel @p2 .LBB2_6-.Ltmp3, $4  }
0x18a: {  	v0 =	vmax.f32 v0, v62  }
0x18b: {  	s25 =	sshll.u32 s23, $0x8;
	v0 =	vmax.f32 v0, v63  }
0x18c: {  	s31 =	sadd.s32 s25, s8;
	[tilespmem:s26+$0xE7F0] =	vst v0  }
0x18d: {  	[hbm4b:s31+s3] =	stream.linear.scatter [tilespmem:s16], [sflag:$0x4], $0x400, $0x38;
	[tilespmem:$0xEF80] =	vst v63  }
.Ltmp4:
0x18e: {  	(pc) =	sbr.rel .LBB2_7-.Ltmp4, $4  }
0x18f: {  	_ = 	snop  }
0x190: {  	_ =	swait.ge [sflag:s17], $0x4000  }
0x191: {  	[sflag:s17] =	ssyncset.done $0x0  }
0x192: {  	[sflag:s17] =	ssyncadd.s32 $0xFFFFC000  }
.LBB2_6:
0x193: {  	s25 =	sand.u32 $0x3FFFFF00, s25  }
.Ltmp5:
0x194: {  	s25 =	sadd.s32 $0x100, s25;
	(pc) =	sbr.rel @p1 .LBB2_8-.Ltmp5, $4  }
0x195: {  	[tilespmem:s13], [sflag:$0x1] =	stream.indirect.gather [hbm4b:s2+s12], $0x80, s25, s12, $0xb8;
	[tilespmem:$0xEF80] =	vst v63  }
0x196: {  	_ =	swait.ge [sflag:s17], $0x4000  }
0x197: {  	[sflag:s17] =	ssyncset.done $0x0  }
0x198: {  	[sflag:s17] =	ssyncadd.s32 $0xFFFFC000  }
.LBB2_7:
0x199: {  	_ =	swait.ge [sflag:s18], $0x400  }
0x19a: {  	[sflag:s18] =	ssyncset.done $0x0  }
0x19b: {  	[sflag:s18] =	ssyncadd.s32 $0xFFFFFC00  }
.LBB2_8:
0x19c: {  	s25 =	simm.s32 $0x6B80  }
0x19d: {  	v0 =	vld [tilespmem:s25+$0xFFFFFC80]  }
0x19e: {  	v1 =	vld [tilespmem:s25+$0xFFFFFC00]  }
0x19f: {  	v2 =	vld [tilespmem:s25+$0xFFFFFD00]  }
0x1a0: {  	v3 =	vld [tilespmem:s25+$0xFFFFFD80]  }
0x1a1: {  	v4 =	vld [tilespmem:s25+$0xFFFFFE00]  }
0x1a2: {  	v5 =	vld [tilespmem:s25+$0xFFFFFE80]  }
0x1a3: {  	v0 =	vmax.f32 v1, v0;
	v1 =	vld [tilespmem:s25+$0xFFFFFF00]  }
0x1a4: {  	v0 =	vmax.f32 v0, v2;
	v2 =	vld [tilespmem:s25+$0xFFFFFF80]  }
0x1a5: {  	v0 =	vmax.f32 v0, v3;
	v3 =	vld [tilespmem:s25+$0x0]  }
0x1a6: {  	v0 =	vmax.f32 v0, v4;
	v4 =	vld [tilespmem:s25+$0x80]  }
0x1a7: {  	v0 =	vmax.f32 v0, v5;
	v5 =	vld [tilespmem:s25+$0x100]  }
0x1a8: {  	v0 =	vmax.f32 v0, v1;
	v1 =	vld [tilespmem:s25+$0x180]  }
0x1a9: {  	v0 =	vmax.f32 v0, v2;
	v2 =	vld [tilespmem:s25+$0x200]  }
0x1aa: {  	v0 =	vmax.f32 v0, v3;
	v3 =	vld [tilespmem:s25+$0x280]  }
0x1ab: {  	v0 =	vmax.f32 v0, v4;
	v4 =	vld [tilespmem:s25+$0x300]  }
0x1ac: {  	v0 =	vmax.f32 v0, v5;
	v5 =	vld [tilespmem:s25+$0x380]  }
0x1ad: {  	v0 =	vmax.f32 v0, v1  }
0x1ae: {  	v0 =	vmax.f32 v0, v2  }
0x1af: {  	v0 =	vmax.f32 v0, v3  }
0x1b0: {  	v0 =	vmax.f32 v0, v4  }
0x1b1: {  	s26 =	simm.s32 $0x0;
	v0 =	vmax.f32 v0, v5  }
0x1b2: {  	[tilespmem:s26+$0xEB80] =	vst v0  }
0x1b3: {  	v0 =	vld [tilespmem:s25+$0xFFFFFC10]  }
0x1b4: {  	v1 =	vld [tilespmem:s25+$0xFFFFFC90]  }
0x1b5: {  	v2 =	vld [tilespmem:s25+$0xFFFFFD10]  }
0x1b6: {  	v3 =	vld [tilespmem:s25+$0xFFFFFD90]  }
0x1b7: {  	v4 =	vld [tilespmem:s25+$0xFFFFFE10]  }
0x1b8: {  	v5 =	vld [tilespmem:s25+$0xFFFFFE90]  }
0x1b9: {  	v0 =	vmax.f32 v0, v1;
	v1 =	vld [tilespmem:s25+$0xFFFFFF10]  }
0x1ba: {  	v0 =	vmax.f32 v0, v2;
	v2 =	vld [tilespmem:s25+$0xFFFFFF90]  }
0x1bb: {  	v0 =	vmax.f32 v0, v3;
	v3 =	vld [tilespmem:s25+$0x10]  }
0x1bc: {  	v0 =	vmax.f32 v0, v4;
	v4 =	vld [tilespmem:s25+$0x90]  }
0x1bd: {  	v0 =	vmax.f32 v0, v5;
	v5 =	vld [tilespmem:s25+$0x110]  }
0x1be: {  	v0 =	vmax.f32 v0, v1;
	v1 =	vld [tilespmem:s25+$0x190]  }
0x1bf: {  	v0 =	vmax.f32 v0, v2;
	v2 =	vld [tilespmem:s25+$0x210]  }
0x1c0: {  	v0 =	vmax.f32 v0, v3;
	v3 =	vld [tilespmem:s25+$0x290]  }
0x1c1: {  	v0 =	vmax.f32 v0, v4;
	v4 =	vld [tilespmem:s25+$0x310]  }
0x1c2: {  	v0 =	vmax.f32 v0, v5;
	v5 =	vld [tilespmem:s25+$0x390]  }
0x1c3: {  	v0 =	vmax.f32 v0, v1  }
0x1c4: {  	v0 =	vmax.f32 v0, v2  }
0x1c5: {  	v0 =	vmax.f32 v0, v3  }
0x1c6: {  	v0 =	vmax.f32 v0, v4  }
0x1c7: {  	v0 =	vmax.f32 v0, v5  }
0x1c8: {  	[tilespmem:s26+$0xEB90] =	vst v0  }
0x1c9: {  	v0 =	vld [tilespmem:s25+$0xFFFFFC20]  }
0x1ca: {  	v1 =	vld [tilespmem:s25+$0xFFFFFCA0]  }
0x1cb: {  	v2 =	vld [tilespmem:s25+$0xFFFFFD20]  }
0x1cc: {  	v3 =	vld [tilespmem:s25+$0xFFFFFDA0]  }
0x1cd: {  	v4 =	vld [tilespmem:s25+$0xFFFFFE20]  }
0x1ce: {  	v5 =	vld [tilespmem:s25+$0xFFFFFEA0]  }
0x1cf: {  	v0 =	vmax.f32 v0, v1;
	v1 =	vld [tilespmem:s25+$0xFFFFFF20]  }
0x1d0: {  	v0 =	vmax.f32 v0, v2;
	v2 =	vld [tilespmem:s25+$0xFFFFFFA0]  }
0x1d1: {  	v0 =	vmax.f32 v0, v3;
	v3 =	vld [tilespmem:s25+$0x20]  }
0x1d2: {  	v0 =	vmax.f32 v0, v4;
	v4 =	vld [tilespmem:s25+$0xA0]  }
0x1d3: {  	v0 =	vmax.f32 v0, v5;
	v5 =	vld [tilespmem:s25+$0x120]  }
0x1d4: {  	v0 =	vmax.f32 v0, v1;
	v1 =	vld [tilespmem:s25+$0x1A0]  }
0x1d5: {  	v0 =	vmax.f32 v0, v2;
	v2 =	vld [tilespmem:s25+$0x220]  }
0x1d6: {  	v0 =	vmax.f32 v0, v3;
	v3 =	vld [tilespmem:s25+$0x2A0]  }
0x1d7: {  	v0 =	vmax.f32 v0, v4;
	v4 =	vld [tilespmem:s25+$0x320]  }
0x1d8: {  	v0 =	vmax.f32 v0, v5;
	v5 =	vld [tilespmem:s25+$0x3A0]  }
0x1d9: {  	v0 =	vmax.f32 v0, v1  }
0x1da: {  	v0 =	vmax.f32 v0, v2  }
0x1db: {  	v0 =	vmax.f32 v0, v3  }
0x1dc: {  	v0 =	vmax.f32 v0, v4  }
0x1dd: {  	v0 =	vmax.f32 v0, v5  }
0x1de: {  	[tilespmem:s26+$0xEBA0] =	vst v0  }
0x1df: {  	v0 =	vld [tilespmem:s25+$0xFFFFFC30]  }
0x1e0: {  	v1 =	vld [tilespmem:s25+$0xFFFFFCB0]  }
0x1e1: {  	v2 =	vld [tilespmem:s25+$0xFFFFFD30]  }
0x1e2: {  	v3 =	vld [tilespmem:s25+$0xFFFFFDB0]  }
0x1e3: {  	v4 =	vld [tilespmem:s25+$0xFFFFFE30]  }
0x1e4: {  	v5 =	vld [tilespmem:s25+$0xFFFFFEB0]  }
0x1e5: {  	v0 =	vmax.f32 v0, v1;
	v1 =	vld [tilespmem:s25+$0xFFFFFF30]  }
0x1e6: {  	v0 =	vmax.f32 v0, v2;
	v2 =	vld [tilespmem:s25+$0xFFFFFFB0]  }
0x1e7: {  	v0 =	vmax.f32 v0, v3;
	v3 =	vld [tilespmem:s25+$0x30]  }
0x1e8: {  	v0 =	vmax.f32 v0, v4;
	v4 =	vld [tilespmem:s25+$0xB0]  }
0x1e9: {  	v0 =	vmax.f32 v0, v5;
	v5 =	vld [tilespmem:s25+$0x130]  }
0x1ea: {  	v0 =	vmax.f32 v0, v1;
	v1 =	vld [tilespmem:s25+$0x1B0]  }
0x1eb: {  	v0 =	vmax.f32 v0, v2;
	v2 =	vld [tilespmem:s25+$0x230]  }
0x1ec: {  	v0 =	vmax.f32 v0, v3;
	v3 =	vld [tilespmem:s25+$0x2B0]  }
0x1ed: {  	v0 =	vmax.f32 v0, v4;
	v4 =	vld [tilespmem:s25+$0x330]  }
0x1ee: {  	v0 =	vmax.f32 v0, v5;
	v5 =	vld [tilespmem:s25+$0x3B0]  }
0x1ef: {  	v0 =	vmax.f32 v0, v1  }
0x1f0: {  	v0 =	vmax.f32 v0, v2  }
0x1f1: {  	v0 =	vmax.f32 v0, v3  }
0x1f2: {  	v0 =	vmax.f32 v0, v4  }
0x1f3: {  	v0 =	vmax.f32 v0, v5  }
0x1f4: {  	[tilespmem:s26+$0xEBB0] =	vst v0  }
0x1f5: {  	v0 =	vld [tilespmem:s25+$0xFFFFFC40]  }
0x1f6: {  	v1 =	vld [tilespmem:s25+$0xFFFFFCC0]  }
0x1f7: {  	v2 =	vld [tilespmem:s25+$0xFFFFFD40]  }
0x1f8: {  	v3 =	vld [tilespmem:s25+$0xFFFFFDC0]  }
0x1f9: {  	v4 =	vld [tilespmem:s25+$0xFFFFFE40]  }
0x1fa: {  	v5 =	vld [tilespmem:s25+$0xFFFFFEC0]  }
0x1fb: {  	v0 =	vmax.f32 v0, v1;
	v1 =	vld [tilespmem:s25+$0xFFFFFF40]  }
0x1fc: {  	v0 =	vmax.f32 v0, v2;
	v2 =	vld [tilespmem:s25+$0xFFFFFFC0]  }
0x1fd: {  	v0 =	vmax.f32 v0, v3;
	v3 =	vld [tilespmem:s25+$0x40]  }
0x1fe: {  	v0 =	vmax.f32 v0, v4;
	v4 =	vld [tilespmem:s25+$0xC0]  }
0x1ff: {  	v0 =	vmax.f32 v0, v5;
	v5 =	vld [tilespmem:s25+$0x140]  }
0x200: {  	v0 =	vmax.f32 v0, v1;
	v1 =	vld [tilespmem:s25+$0x1C0]  }
0x201: {  	v0 =	vmax.f32 v0, v2;
	v2 =	vld [tilespmem:s25+$0x240]  }
0x202: {  	v0 =	vmax.f32 v0, v3;
	v3 =	vld [tilespmem:s25+$0x2C0]  }
0x203: {  	v0 =	vmax.f32 v0, v4;
	v4 =	vld [tilespmem:s25+$0x340]  }
0x204: {  	v0 =	vmax.f32 v0, v5;
	v5 =	vld [tilespmem:s25+$0x3C0]  }
0x205: {  	v0 =	vmax.f32 v0, v1  }
0x206: {  	v0 =	vmax.f32 v0, v2  }
0x207: {  	v0 =	vmax.f32 v0, v3  }
0x208: {  	v0 =	vmax.f32 v0, v4  }
0x209: {  	v0 =	vmax.f32 v0, v5  }
0x20a: {  	[tilespmem:s26+$0xEBC0] =	vst v0  }
0x20b: {  	v0 =	vld [tilespmem:s25+$0xFFFFFC50]  }
0x20c: {  	v1 =	vld [tilespmem:s25+$0xFFFFFCD0]  }
0x20d: {  	v2 =	vld [tilespmem:s25+$0xFFFFFD50]  }
0x20e: {  	v3 =	vld [tilespmem:s25+$0xFFFFFDD0]  }
0x20f: {  	v4 =	vld [tilespmem:s25+$0xFFFFFE50]  }
0x210: {  	v5 =	vld [tilespmem:s25+$0xFFFFFED0]  }
0x211: {  	v0 =	vmax.f32 v0, v1;
	v1 =	vld [tilespmem:s25+$0xFFFFFF50]  }
0x212: {  	v0 =	vmax.f32 v0, v2;
	v2 =	vld [tilespmem:s25+$0xFFFFFFD0]  }
0x213: {  	v0 =	vmax.f32 v0, v3;
	v3 =	vld [tilespmem:s25+$0x50]  }
0x214: {  	v0 =	vmax.f32 v0, v4;
	v4 =	vld [tilespmem:s25+$0xD0]  }
0x215: {  	v0 =	vmax.f32 v0, v5;
	v5 =	vld [tilespmem:s25+$0x150]  }
0x216: {  	v0 =	vmax.f32 v0, v1;
	v1 =	vld [tilespmem:s25+$0x1D0]  }
0x217: {  	v0 =	vmax.f32 v0, v2;
	v2 =	vld [tilespmem:s25+$0x250]  }
0x218: {  	v0 =	vmax.f32 v0, v3;
	v3 =	vld [tilespmem:s25+$0x2D0]  }
0x219: {  	v0 =	vmax.f32 v0, v4;
	v4 =	vld [tilespmem:s25+$0x350]  }
0x21a: {  	v0 =	vmax.f32 v0, v5;
	v5 =	vld [tilespmem:s25+$0x3D0]  }
0x21b: {  	v0 =	vmax.f32 v0, v1  }
0x21c: {  	v0 =	vmax.f32 v0, v2  }
0x21d: {  	v0 =	vmax.f32 v0, v3  }
0x21e: {  	v0 =	vmax.f32 v0, v4  }
0x21f: {  	v0 =	vmax.f32 v0, v5  }
0x220: {  	[tilespmem:s26+$0xEBD0] =	vst v0  }
0x221: {  	v0 =	vld [tilespmem:s25+$0xFFFFFC60]  }
0x222: {  	v1 =	vld [tilespmem:s25+$0xFFFFFCE0]  }
0x223: {  	v2 =	vld [tilespmem:s25+$0xFFFFFD60]  }
0x224: {  	v3 =	vld [tilespmem:s25+$0xFFFFFDE0]  }
0x225: {  	v4 =	vld [tilespmem:s25+$0xFFFFFE60]  }
0x226: {  	v5 =	vld [tilespmem:s25+$0xFFFFFEE0]  }
0x227: {  	v0 =	vmax.f32 v0, v1;
	v1 =	vld [tilespmem:s25+$0xFFFFFF60]  }
0x228: {  	v0 =	vmax.f32 v0, v2;
	v2 =	vld [tilespmem:s25+$0xFFFFFFE0]  }
0x229: {  	v0 =	vmax.f32 v0, v3;
	v3 =	vld [tilespmem:s25+$0x60]  }
0x22a: {  	v0 =	vmax.f32 v0, v4;
	v4 =	vld [tilespmem:s25+$0xE0]  }
0x22b: {  	v0 =	vmax.f32 v0, v5;
	v5 =	vld [tilespmem:s25+$0x160]  }
0x22c: {  	v0 =	vmax.f32 v0, v1;
	v1 =	vld [tilespmem:s25+$0x1E0]  }
0x22d: {  	v0 =	vmax.f32 v0, v2;
	v2 =	vld [tilespmem:s25+$0x260]  }
0x22e: {  	v0 =	vmax.f32 v0, v3;
	v3 =	vld [tilespmem:s25+$0x2E0]  }
0x22f: {  	v0 =	vmax.f32 v0, v4;
	v4 =	vld [tilespmem:s25+$0x360]  }
0x230: {  	v0 =	vmax.f32 v0, v5;
	v5 =	vld [tilespmem:s25+$0x3E0]  }
0x231: {  	v0 =	vmax.f32 v0, v1  }
0x232: {  	v0 =	vmax.f32 v0, v2  }
0x233: {  	v0 =	vmax.f32 v0, v3  }
0x234: {  	v0 =	vmax.f32 v0, v4  }
0x235: {  	v0 =	vmax.f32 v0, v5  }
0x236: {  	[tilespmem:s26+$0xEBE0] =	vst v0  }
0x237: {  	v0 =	vld [tilespmem:s25+$0xFFFFFC70]  }
0x238: {  	v1 =	vld [tilespmem:s25+$0xFFFFFCF0]  }
0x239: {  	v2 =	vld [tilespmem:s25+$0xFFFFFD70]  }
0x23a: {  	v3 =	vld [tilespmem:s25+$0xFFFFFDF0]  }
0x23b: {  	v5 =	vld [tilespmem:s25+$0xFFFFFE70]  }
0x23c: {  	v6 =	vld [tilespmem:s25+$0xFFFFFEF0]  }
0x23d: {  	v7 =	vld [tilespmem:s25+$0xFFFFFF70];
	v0 =	vmax.f32 v0, v1  }
0x23e: {  	v8 =	vld [tilespmem:s25+$0xFFFFFFF0];
	v0 =	vmax.f32 v0, v2  }
0x23f: {  	v4 =	vld [tilespmem:s25+$0x70];
	v0 =	vmax.f32 v0, v3  }
0x240: {  	v1 =	vld [tilespmem:s25+$0xF0];
	v0 =	vmax.f32 v0, v5  }
0x241: {  	v2 =	vld [tilespmem:s25+$0x170];
	v0 =	vmax.f32 v0, v6  }
0x242: {  	v3 =	vmax.f32 v0, v7;
	v0 =	vld [tilespmem:s25+$0x1F0]  }
0x243: {  	s28 =	simm.s32 $0x200;
	s29 =	simm.s32 $0x6B80;
	v5 =	vmax.f32 v3, v8;
	v3 =	vld [tilespmem:s25+$0x270]  }
.LBB2_9:
0x244: {  	p1 =	sne.s32 s28, $0xE00  }
0x245: {  	v4 =	vmax.f32 v5, v4;
	v5 =	vld [tilespmem:s25+$0x2F0];
	s29 =	sadd.s32 $0x800, s29;
	s30 =	smov.u32 s28;
	s28 =	sadd.s32 $0x200, s28  }
0x246: {  	v1 =	vmax.f32 v4, v1;
	v4 =	vld [tilespmem:s25+$0x370]  }
0x247: {  	v1 =	vmax.f32 v1, v2;
	v2 =	vld [tilespmem:s25+$0x3F0];
	s25 =	smov.u32 s29  }
0x248: {  	v0 =	vmax.f32 v1, v0  }
0x249: {  	v0 =	vmax.f32 v0, v3  }
0x24a: {  	v0 =	vmax.f32 v0, v5  }
0x24b: {  	v0 =	vmax.f32 v0, v4  }
0x24c: {  	v0 =	vmax.f32 v0, v2  }
0x24d: {  	[tilespmem:s26+$0xEBF0] =	vst v0  }
0x24e: {  	v0 =	vld [tilespmem:s29+$0xFFFFFD00]  }
0x24f: {  	v1 =	vld [tilespmem:s29+$0xFFFFFC80]  }
0x250: {  	v2 =	vld [tilespmem:s29+$0xFFFFFC00]  }
0x251: {  	v3 =	vld [tilespmem:s29+$0xFFFFFD80]  }
0x252: {  	v4 =	vld [tilespmem:s29+$0xFFFFFE00];
	_ =	sdelay $0x1  }
0x253: {  	v5 =	vld [tilespmem:s29+$0xFFFFFE80]  }
0x254: {  	v1 =	vmax.f32 v2, v1;
	v2 =	vld [tilespmem:s29+$0xFFFFFF00]  }
0x255: {  	v0 =	vmax.f32 v1, v0;
	v1 =	vld [tilespmem:s29+$0xFFFFFF80]  }
0x256: {  	v0 =	vmax.f32 v0, v3;
	v3 =	vld [tilespmem:s29+$0x0]  }
0x257: {  	v0 =	vmax.f32 v0, v4;
	v4 =	vld [tilespmem:s29+$0x80]  }
0x258: {  	v0 =	vmax.f32 v0, v5;
	v5 =	vld [tilespmem:s29+$0x100]  }
0x259: {  	v0 =	vmax.f32 v0, v2;
	v2 =	vld [tilespmem:s29+$0x180]  }
0x25a: {  	v0 =	vmax.f32 v0, v1;
	v1 =	vld [tilespmem:s29+$0x200]  }
0x25b: {  	v0 =	vmax.f32 v0, v3;
	v3 =	vld [tilespmem:s29+$0x280]  }
0x25c: {  	v0 =	vmax.f32 v0, v4;
	v4 =	vld [tilespmem:s29+$0x300]  }
0x25d: {  	v0 =	vmax.f32 v0, v5;
	v5 =	vld [tilespmem:s29+$0x380]  }
0x25e: {  	v0 =	vmax.f32 v0, v2  }
0x25f: {  	v0 =	vmax.f32 v0, v1  }
0x260: {  	v0 =	vmax.f32 v0, v3  }
0x261: {  	v0 =	vmax.f32 v0, v4  }
0x262: {  	s26 =	sshra.s32 s30, $0x2;
	v0 =	vmax.f32 v0, v5  }
0x263: {  	[tilespmem:s26+$0xEB80] =	vst v0  }
0x264: {  	v0 =	vld [tilespmem:s29+$0xFFFFFC10]  }
0x265: {  	v1 =	vld [tilespmem:s29+$0xFFFFFC90]  }
0x266: {  	v2 =	vld [tilespmem:s29+$0xFFFFFD10]  }
0x267: {  	v3 =	vld [tilespmem:s29+$0xFFFFFD90]  }
0x268: {  	v4 =	vld [tilespmem:s29+$0xFFFFFE10]  }
0x269: {  	v5 =	vld [tilespmem:s29+$0xFFFFFE90]  }
0x26a: {  	v0 =	vmax.f32 v0, v1;
	v1 =	vld [tilespmem:s29+$0xFFFFFF10]  }
0x26b: {  	v0 =	vmax.f32 v0, v2;
	v2 =	vld [tilespmem:s29+$0xFFFFFF90]  }
0x26c: {  	v0 =	vmax.f32 v0, v3;
	v3 =	vld [tilespmem:s29+$0x10]  }
0x26d: {  	v0 =	vmax.f32 v0, v4;
	v4 =	vld [tilespmem:s29+$0x90]  }
0x26e: {  	v0 =	vmax.f32 v0, v5;
	v5 =	vld [tilespmem:s29+$0x110]  }
0x26f: {  	v0 =	vmax.f32 v0, v1;
	v1 =	vld [tilespmem:s29+$0x190]  }
0x270: {  	v0 =	vmax.f32 v0, v2;
	v2 =	vld [tilespmem:s29+$0x210]  }
0x271: {  	v0 =	vmax.f32 v0, v3;
	v3 =	vld [tilespmem:s29+$0x290]  }
0x272: {  	v0 =	vmax.f32 v0, v4;
	v4 =	vld [tilespmem:s29+$0x310]  }
0x273: {  	v0 =	vmax.f32 v0, v5;
	v5 =	vld [tilespmem:s29+$0x390]  }
0x274: {  	v0 =	vmax.f32 v0, v1  }
0x275: {  	v0 =	vmax.f32 v0, v2  }
0x276: {  	v0 =	vmax.f32 v0, v3  }
0x277: {  	v0 =	vmax.f32 v0, v4  }
0x278: {  	v0 =	vmax.f32 v0, v5  }
0x279: {  	[tilespmem:s26+$0xEB90] =	vst v0  }
0x27a: {  	v0 =	vld [tilespmem:s29+$0xFFFFFC20]  }
0x27b: {  	v1 =	vld [tilespmem:s29+$0xFFFFFCA0]  }
0x27c: {  	v2 =	vld [tilespmem:s29+$0xFFFFFD20]  }
0x27d: {  	v3 =	vld [tilespmem:s29+$0xFFFFFDA0]  }
0x27e: {  	v4 =	vld [tilespmem:s29+$0xFFFFFE20]  }
0x27f: {  	v5 =	vld [tilespmem:s29+$0xFFFFFEA0]  }
0x280: {  	v0 =	vmax.f32 v0, v1;
	v1 =	vld [tilespmem:s29+$0xFFFFFF20]  }
0x281: {  	v0 =	vmax.f32 v0, v2;
	v2 =	vld [tilespmem:s29+$0xFFFFFFA0]  }
0x282: {  	v0 =	vmax.f32 v0, v3;
	v3 =	vld [tilespmem:s29+$0x20]  }
0x283: {  	v0 =	vmax.f32 v0, v4;
	v4 =	vld [tilespmem:s29+$0xA0]  }
0x284: {  	v0 =	vmax.f32 v0, v5;
	v5 =	vld [tilespmem:s29+$0x120]  }
0x285: {  	v0 =	vmax.f32 v0, v1;
	v1 =	vld [tilespmem:s29+$0x1A0]  }
0x286: {  	v0 =	vmax.f32 v0, v2;
	v2 =	vld [tilespmem:s29+$0x220]  }
0x287: {  	v0 =	vmax.f32 v0, v3;
	v3 =	vld [tilespmem:s29+$0x2A0]  }
0x288: {  	v0 =	vmax.f32 v0, v4;
	v4 =	vld [tilespmem:s29+$0x320]  }
0x289: {  	v0 =	vmax.f32 v0, v5;
	v5 =	vld [tilespmem:s29+$0x3A0]  }
0x28a: {  	v0 =	vmax.f32 v0, v1  }
0x28b: {  	v0 =	vmax.f32 v0, v2  }
0x28c: {  	v0 =	vmax.f32 v0, v3  }
0x28d: {  	v0 =	vmax.f32 v0, v4  }
0x28e: {  	v0 =	vmax.f32 v0, v5  }
0x28f: {  	[tilespmem:s26+$0xEBA0] =	vst v0  }
0x290: {  	v0 =	vld [tilespmem:s29+$0xFFFFFC30]  }
0x291: {  	v1 =	vld [tilespmem:s29+$0xFFFFFCB0]  }
0x292: {  	v2 =	vld [tilespmem:s29+$0xFFFFFD30]  }
0x293: {  	v3 =	vld [tilespmem:s29+$0xFFFFFDB0]  }
0x294: {  	v4 =	vld [tilespmem:s29+$0xFFFFFE30]  }
0x295: {  	v5 =	vld [tilespmem:s29+$0xFFFFFEB0]  }
0x296: {  	v0 =	vmax.f32 v0, v1;
	v1 =	vld [tilespmem:s29+$0xFFFFFF30]  }
0x297: {  	v0 =	vmax.f32 v0, v2;
	v2 =	vld [tilespmem:s29+$0xFFFFFFB0]  }
0x298: {  	v0 =	vmax.f32 v0, v3;
	v3 =	vld [tilespmem:s29+$0x30]  }
0x299: {  	v0 =	vmax.f32 v0, v4;
	v4 =	vld [tilespmem:s29+$0xB0]  }
0x29a: {  	v0 =	vmax.f32 v0, v5;
	v5 =	vld [tilespmem:s29+$0x130]  }
0x29b: {  	v0 =	vmax.f32 v0, v1;
	v1 =	vld [tilespmem:s29+$0x1B0]  }
0x29c: {  	v0 =	vmax.f32 v0, v2;
	v2 =	vld [tilespmem:s29+$0x230]  }
0x29d: {  	v0 =	vmax.f32 v0, v3;
	v3 =	vld [tilespmem:s29+$0x2B0]  }
0x29e: {  	v0 =	vmax.f32 v0, v4;
	v4 =	vld [tilespmem:s29+$0x330]  }
0x29f: {  	v0 =	vmax.f32 v0, v5;
	v5 =	vld [tilespmem:s29+$0x3B0]  }
0x2a0: {  	v0 =	vmax.f32 v0, v1  }
0x2a1: {  	v0 =	vmax.f32 v0, v2  }
0x2a2: {  	v0 =	vmax.f32 v0, v3  }
0x2a3: {  	v0 =	vmax.f32 v0, v4  }
0x2a4: {  	v0 =	vmax.f32 v0, v5  }
0x2a5: {  	[tilespmem:s26+$0xEBB0] =	vst v0  }
0x2a6: {  	v0 =	vld [tilespmem:s29+$0xFFFFFC40]  }
0x2a7: {  	v1 =	vld [tilespmem:s29+$0xFFFFFCC0]  }
0x2a8: {  	v2 =	vld [tilespmem:s29+$0xFFFFFD40]  }
0x2a9: {  	v3 =	vld [tilespmem:s29+$0xFFFFFDC0]  }
0x2aa: {  	v4 =	vld [tilespmem:s29+$0xFFFFFE40]  }
0x2ab: {  	v5 =	vld [tilespmem:s29+$0xFFFFFEC0]  }
0x2ac: {  	v0 =	vmax.f32 v0, v1;
	v1 =	vld [tilespmem:s29+$0xFFFFFF40]  }
0x2ad: {  	v0 =	vmax.f32 v0, v2;
	v2 =	vld [tilespmem:s29+$0xFFFFFFC0]  }
0x2ae: {  	v0 =	vmax.f32 v0, v3;
	v3 =	vld [tilespmem:s29+$0x40]  }
0x2af: {  	v0 =	vmax.f32 v0, v4;
	v4 =	vld [tilespmem:s29+$0xC0]  }
0x2b0: {  	v0 =	vmax.f32 v0, v5;
	v5 =	vld [tilespmem:s29+$0x140]  }
0x2b1: {  	v0 =	vmax.f32 v0, v1;
	v1 =	vld [tilespmem:s29+$0x1C0]  }
0x2b2: {  	v0 =	vmax.f32 v0, v2;
	v2 =	vld [tilespmem:s29+$0x240]  }
0x2b3: {  	v0 =	vmax.f32 v0, v3;
	v3 =	vld [tilespmem:s29+$0x2C0]  }
0x2b4: {  	v0 =	vmax.f32 v0, v4;
	v4 =	vld [tilespmem:s29+$0x340]  }
0x2b5: {  	v0 =	vmax.f32 v0, v5;
	v5 =	vld [tilespmem:s29+$0x3C0]  }
0x2b6: {  	v0 =	vmax.f32 v0, v1  }
0x2b7: {  	v0 =	vmax.f32 v0, v2  }
0x2b8: {  	v0 =	vmax.f32 v0, v3  }
0x2b9: {  	v0 =	vmax.f32 v0, v4  }
0x2ba: {  	v0 =	vmax.f32 v0, v5  }
0x2bb: {  	[tilespmem:s26+$0xEBC0] =	vst v0  }
0x2bc: {  	v0 =	vld [tilespmem:s29+$0xFFFFFC50]  }
0x2bd: {  	v1 =	vld [tilespmem:s29+$0xFFFFFCD0]  }
0x2be: {  	v2 =	vld [tilespmem:s29+$0xFFFFFD50]  }
0x2bf: {  	v3 =	vld [tilespmem:s29+$0xFFFFFDD0]  }
0x2c0: {  	v4 =	vld [tilespmem:s29+$0xFFFFFE50]  }
0x2c1: {  	v5 =	vld [tilespmem:s29+$0xFFFFFED0]  }
0x2c2: {  	v0 =	vmax.f32 v0, v1;
	v1 =	vld [tilespmem:s29+$0xFFFFFF50]  }
0x2c3: {  	v0 =	vmax.f32 v0, v2;
	v2 =	vld [tilespmem:s29+$0xFFFFFFD0]  }
0x2c4: {  	v0 =	vmax.f32 v0, v3;
	v3 =	vld [tilespmem:s29+$0x50]  }
0x2c5: {  	v0 =	vmax.f32 v0, v4;
	v4 =	vld [tilespmem:s29+$0xD0]  }
0x2c6: {  	v0 =	vmax.f32 v0, v5;
	v5 =	vld [tilespmem:s29+$0x150]  }
0x2c7: {  	v0 =	vmax.f32 v0, v1;
	v1 =	vld [tilespmem:s29+$0x1D0]  }
0x2c8: {  	v0 =	vmax.f32 v0, v2;
	v2 =	vld [tilespmem:s29+$0x250]  }
0x2c9: {  	v0 =	vmax.f32 v0, v3;
	v3 =	vld [tilespmem:s29+$0x2D0]  }
0x2ca: {  	v0 =	vmax.f32 v0, v4;
	v4 =	vld [tilespmem:s29+$0x350]  }
0x2cb: {  	v0 =	vmax.f32 v0, v5;
	v5 =	vld [tilespmem:s29+$0x3D0]  }
0x2cc: {  	v0 =	vmax.f32 v0, v1  }
0x2cd: {  	v0 =	vmax.f32 v0, v2  }
0x2ce: {  	v0 =	vmax.f32 v0, v3  }
0x2cf: {  	v0 =	vmax.f32 v0, v4  }
0x2d0: {  	v0 =	vmax.f32 v0, v5  }
0x2d1: {  	[tilespmem:s26+$0xEBD0] =	vst v0  }
0x2d2: {  	v0 =	vld [tilespmem:s29+$0xFFFFFC60]  }
0x2d3: {  	v1 =	vld [tilespmem:s29+$0xFFFFFCE0]  }
0x2d4: {  	v2 =	vld [tilespmem:s29+$0xFFFFFD60]  }
0x2d5: {  	v3 =	vld [tilespmem:s29+$0xFFFFFDE0]  }
0x2d6: {  	v4 =	vld [tilespmem:s29+$0xFFFFFE60]  }
0x2d7: {  	v5 =	vld [tilespmem:s29+$0xFFFFFEE0]  }
0x2d8: {  	v0 =	vmax.f32 v0, v1;
	v1 =	vld [tilespmem:s29+$0xFFFFFF60]  }
0x2d9: {  	v0 =	vmax.f32 v0, v2;
	v2 =	vld [tilespmem:s29+$0xFFFFFFE0]  }
0x2da: {  	v0 =	vmax.f32 v0, v3;
	v3 =	vld [tilespmem:s29+$0x60]  }
0x2db: {  	v0 =	vmax.f32 v0, v4;
	v4 =	vld [tilespmem:s29+$0xE0]  }
0x2dc: {  	v0 =	vmax.f32 v0, v5;
	v5 =	vld [tilespmem:s29+$0x160]  }
0x2dd: {  	v0 =	vmax.f32 v0, v1;
	v1 =	vld [tilespmem:s29+$0x1E0]  }
0x2de: {  	v0 =	vmax.f32 v0, v2;
	v2 =	vld [tilespmem:s29+$0x260]  }
0x2df: {  	v0 =	vmax.f32 v0, v3;
	v3 =	vld [tilespmem:s29+$0x2E0]  }
0x2e0: {  	v0 =	vmax.f32 v0, v4;
	v4 =	vld [tilespmem:s29+$0x360]  }
0x2e1: {  	v0 =	vmax.f32 v0, v5;
	v5 =	vld [tilespmem:s29+$0x3E0]  }
0x2e2: {  	v0 =	vmax.f32 v0, v1  }
0x2e3: {  	v0 =	vmax.f32 v0, v2  }
0x2e4: {  	v0 =	vmax.f32 v0, v3  }
0x2e5: {  	v0 =	vmax.f32 v0, v4  }
0x2e6: {  	v0 =	vmax.f32 v0, v5  }
0x2e7: {  	[tilespmem:s26+$0xEBE0] =	vst v0  }
0x2e8: {  	v0 =	vld [tilespmem:s29+$0xFFFFFC70]  }
0x2e9: {  	v1 =	vld [tilespmem:s29+$0xFFFFFCF0]  }
0x2ea: {  	v2 =	vld [tilespmem:s29+$0xFFFFFD70]  }
0x2eb: {  	v3 =	vld [tilespmem:s29+$0xFFFFFDF0]  }
0x2ec: {  	v5 =	vld [tilespmem:s29+$0xFFFFFE70]  }
0x2ed: {  	v6 =	vld [tilespmem:s29+$0xFFFFFEF0]  }
0x2ee: {  	v0 =	vmax.f32 v0, v1;
	v7 =	vld [tilespmem:s29+$0xFFFFFF70]  }
0x2ef: {  	v0 =	vmax.f32 v0, v2;
	v8 =	vld [tilespmem:s29+$0xFFFFFFF0]  }
.Ltmp6:
0x2f0: {  	v0 =	vmax.f32 v0, v3;
	v4 =	vld [tilespmem:s29+$0x70];
	(pc) =	sbr.rel @p1 .LBB2_9-.Ltmp6, $4  }
0x2f1: {  	v0 =	vmax.f32 v0, v5;
	v1 =	vld [tilespmem:s29+$0xF0]  }
0x2f2: {  	v0 =	vmax.f32 v0, v6;
	v2 =	vld [tilespmem:s29+$0x170]  }
0x2f3: {  	v3 =	vmax.f32 v0, v7;
	v0 =	vld [tilespmem:s29+$0x1F0]  }
0x2f4: {  	v5 =	vmax.f32 v3, v8;
	v3 =	vld [tilespmem:s29+$0x270]  }
0x2f5: {  	v4 =	vmax.f32 v5, v4;
	v61 =	vld [tilespmem:s25+$0x2F0]  }
0x2f6: {  	v62 =	vld [tilespmem:s25+$0x370];
	v1 =	vmax.f32 v4, v1  }
0x2f7: {  	v63 =	vld [tilespmem:s25+$0x3F0];
	v1 =	vmax.f32 v1, v2  }
0x2f8: {  	s23 =	sadd.s32 $0x1, s23;
	v0 =	vmax.f32 v1, v0  }
0x2f9: {  	p1 =	sne.s32 s23, $0x27;
	v0 =	vmax.f32 v0, v3  }
.Ltmp7:
0x2fa: {  	s24 =	sadd.s32 s4, s24;
	v0 =	vmax.f32 v0, v61;
	(pc) =	sbr.rel @p1 .LBB2_2-.Ltmp7, $4  }
0x2fb: {  	s24 =	sshll.u32 s24, $0x7;
	v0 =	vmax.f32 v0, v62  }
0x2fc: {  	s24 =	sand.u32 $0x1FFFFF80, s24;
	v0 =	vmax.f32 v0, v63  }
0x2fd: {  	s24 =	sadd.s32 s5, s24;
	[tilespmem:s26+$0xEBF0] =	vst v0  }
0x2fe: {  	[hbm4b:s24+s3] =	stream.linear.scatter [tilespmem:s19], [sflag:$0x5], $0x400, $0x38;
	[tilespmem:$0xEF80] =	vst v63  }
.Ltmp8:
0x2ff: {  	(pc) =	sbr.rel @p0 .LBB2_15-.Ltmp8, $1  }
0x300: {  	_ =	sdelay $0x3  }
0x301: {  	_ =	swait.ge [sflag:s20], $0x4000  }
0x302: {  	[sflag:s20] =	ssyncset.done $0x0  }
0x303: {  	[sflag:s20] =	ssyncadd.s32 $0xFFFFC000  }
0x304: {  	_ =	swait.ge [sflag:s21], $0x400  }
0x305: {  	[sflag:s21] =	ssyncset.done $0x0  }
0x306: {  	s23 =	simm.s32 $0xAB80;
	[sflag:s21] =	ssyncadd.s32 $0xFFFFFC00  }
0x307: {  	v0 =	vld [tilespmem:s23+$0xFFFFFC80]  }
0x308: {  	v1 =	vld [tilespmem:s23+$0xFFFFFC00]  }
0x309: {  	v2 =	vld [tilespmem:s23+$0xFFFFFD00]  }
0x30a: {  	v3 =	vld [tilespmem:s23+$0xFFFFFD80]  }
0x30b: {  	v4 =	vld [tilespmem:s23+$0xFFFFFE00]  }
0x30c: {  	v5 =	vld [tilespmem:s23+$0xFFFFFE80]  }
0x30d: {  	v0 =	vmax.f32 v1, v0;
	v1 =	vld [tilespmem:s23+$0xFFFFFF00]  }
0x30e: {  	v0 =	vmax.f32 v0, v2;
	v2 =	vld [tilespmem:s23+$0xFFFFFF80]  }
0x30f: {  	v0 =	vmax.f32 v0, v3;
	v3 =	vld [tilespmem:s23+$0x0]  }
0x310: {  	v0 =	vmax.f32 v0, v4;
	v4 =	vld [tilespmem:s23+$0x80]  }
0x311: {  	v0 =	vmax.f32 v0, v5;
	v5 =	vld [tilespmem:s23+$0x100]  }
0x312: {  	v0 =	vmax.f32 v0, v1;
	v1 =	vld [tilespmem:s23+$0x180]  }
0x313: {  	v0 =	vmax.f32 v0, v2;
	v2 =	vld [tilespmem:s23+$0x200]  }
0x314: {  	v0 =	vmax.f32 v0, v3;
	v3 =	vld [tilespmem:s23+$0x280]  }
0x315: {  	v0 =	vmax.f32 v0, v4;
	v4 =	vld [tilespmem:s23+$0x300]  }
0x316: {  	v0 =	vmax.f32 v0, v5;
	v5 =	vld [tilespmem:s23+$0x380]  }
0x317: {  	v0 =	vmax.f32 v0, v1  }
0x318: {  	v0 =	vmax.f32 v0, v2  }
0x319: {  	v0 =	vmax.f32 v0, v3  }
0x31a: {  	v0 =	vmax.f32 v0, v4  }
0x31b: {  	s24 =	simm.s32 $0x0;
	v0 =	vmax.f32 v0, v5  }
0x31c: {  	[tilespmem:s24+$0xE780] =	vst v0  }
0x31d: {  	v0 =	vld [tilespmem:s23+$0xFFFFFC10]  }
0x31e: {  	v1 =	vld [tilespmem:s23+$0xFFFFFC90]  }
0x31f: {  	v2 =	vld [tilespmem:s23+$0xFFFFFD10]  }
0x320: {  	v3 =	vld [tilespmem:s23+$0xFFFFFD90]  }
0x321: {  	v4 =	vld [tilespmem:s23+$0xFFFFFE10]  }
0x322: {  	v5 =	vld [tilespmem:s23+$0xFFFFFE90]  }
0x323: {  	v0 =	vmax.f32 v0, v1;
	v1 =	vld [tilespmem:s23+$0xFFFFFF10]  }
0x324: {  	v0 =	vmax.f32 v0, v2;
	v2 =	vld [tilespmem:s23+$0xFFFFFF90]  }
0x325: {  	v0 =	vmax.f32 v0, v3;
	v3 =	vld [tilespmem:s23+$0x10]  }
0x326: {  	v0 =	vmax.f32 v0, v4;
	v4 =	vld [tilespmem:s23+$0x90]  }
0x327: {  	v0 =	vmax.f32 v0, v5;
	v5 =	vld [tilespmem:s23+$0x110]  }
0x328: {  	v0 =	vmax.f32 v0, v1;
	v1 =	vld [tilespmem:s23+$0x190]  }
0x329: {  	v0 =	vmax.f32 v0, v2;
	v2 =	vld [tilespmem:s23+$0x210]  }
0x32a: {  	v0 =	vmax.f32 v0, v3;
	v3 =	vld [tilespmem:s23+$0x290]  }
0x32b: {  	v0 =	vmax.f32 v0, v4;
	v4 =	vld [tilespmem:s23+$0x310]  }
0x32c: {  	v0 =	vmax.f32 v0, v5;
	v5 =	vld [tilespmem:s23+$0x390]  }
0x32d: {  	v0 =	vmax.f32 v0, v1  }
0x32e: {  	v0 =	vmax.f32 v0, v2  }
0x32f: {  	v0 =	vmax.f32 v0, v3  }
0x330: {  	v0 =	vmax.f32 v0, v4  }
0x331: {  	v0 =	vmax.f32 v0, v5  }
0x332: {  	[tilespmem:s24+$0xE790] =	vst v0  }
0x333: {  	v0 =	vld [tilespmem:s23+$0xFFFFFC20]  }
0x334: {  	v1 =	vld [tilespmem:s23+$0xFFFFFCA0]  }
0x335: {  	v2 =	vld [tilespmem:s23+$0xFFFFFD20]  }
0x336: {  	v3 =	vld [tilespmem:s23+$0xFFFFFDA0]  }
0x337: {  	v4 =	vld [tilespmem:s23+$0xFFFFFE20]  }
0x338: {  	v5 =	vld [tilespmem:s23+$0xFFFFFEA0]  }
0x339: {  	v0 =	vmax.f32 v0, v1;
	v1 =	vld [tilespmem:s23+$0xFFFFFF20]  }
0x33a: {  	v0 =	vmax.f32 v0, v2;
	v2 =	vld [tilespmem:s23+$0xFFFFFFA0]  }
0x33b: {  	v0 =	vmax.f32 v0, v3;
	v3 =	vld [tilespmem:s23+$0x20]  }
0x33c: {  	v0 =	vmax.f32 v0, v4;
	v4 =	vld [tilespmem:s23+$0xA0]  }
0x33d: {  	v0 =	vmax.f32 v0, v5;
	v5 =	vld [tilespmem:s23+$0x120]  }
0x33e: {  	v0 =	vmax.f32 v0, v1;
	v1 =	vld [tilespmem:s23+$0x1A0]  }
0x33f: {  	v0 =	vmax.f32 v0, v2;
	v2 =	vld [tilespmem:s23+$0x220]  }
0x340: {  	v0 =	vmax.f32 v0, v3;
	v3 =	vld [tilespmem:s23+$0x2A0]  }
0x341: {  	v0 =	vmax.f32 v0, v4;
	v4 =	vld [tilespmem:s23+$0x320]  }
0x342: {  	v0 =	vmax.f32 v0, v5;
	v5 =	vld [tilespmem:s23+$0x3A0]  }
0x343: {  	v0 =	vmax.f32 v0, v1  }
0x344: {  	v0 =	vmax.f32 v0, v2  }
0x345: {  	v0 =	vmax.f32 v0, v3  }
0x346: {  	v0 =	vmax.f32 v0, v4  }
0x347: {  	v0 =	vmax.f32 v0, v5  }
0x348: {  	[tilespmem:s24+$0xE7A0] =	vst v0  }
0x349: {  	v0 =	vld [tilespmem:s23+$0xFFFFFC30]  }
0x34a: {  	v1 =	vld [tilespmem:s23+$0xFFFFFCB0]  }
0x34b: {  	v2 =	vld [tilespmem:s23+$0xFFFFFD30]  }
0x34c: {  	v3 =	vld [tilespmem:s23+$0xFFFFFDB0]  }
0x34d: {  	v4 =	vld [tilespmem:s23+$0xFFFFFE30]  }
0x34e: {  	v5 =	vld [tilespmem:s23+$0xFFFFFEB0]  }
0x34f: {  	v0 =	vmax.f32 v0, v1;
	v1 =	vld [tilespmem:s23+$0xFFFFFF30]  }
0x350: {  	v0 =	vmax.f32 v0, v2;
	v2 =	vld [tilespmem:s23+$0xFFFFFFB0]  }
0x351: {  	v0 =	vmax.f32 v0, v3;
	v3 =	vld [tilespmem:s23+$0x30]  }
0x352: {  	v0 =	vmax.f32 v0, v4;
	v4 =	vld [tilespmem:s23+$0xB0]  }
0x353: {  	v0 =	vmax.f32 v0, v5;
	v5 =	vld [tilespmem:s23+$0x130]  }
0x354: {  	v0 =	vmax.f32 v0, v1;
	v1 =	vld [tilespmem:s23+$0x1B0]  }
0x355: {  	v0 =	vmax.f32 v0, v2;
	v2 =	vld [tilespmem:s23+$0x230]  }
0x356: {  	v0 =	vmax.f32 v0, v3;
	v3 =	vld [tilespmem:s23+$0x2B0]  }
0x357: {  	v0 =	vmax.f32 v0, v4;
	v4 =	vld [tilespmem:s23+$0x330]  }
0x358: {  	v0 =	vmax.f32 v0, v5;
	v5 =	vld [tilespmem:s23+$0x3B0]  }
0x359: {  	v0 =	vmax.f32 v0, v1  }
0x35a: {  	v0 =	vmax.f32 v0, v2  }
0x35b: {  	v0 =	vmax.f32 v0, v3  }
0x35c: {  	v0 =	vmax.f32 v0, v4  }
0x35d: {  	v0 =	vmax.f32 v0, v5  }
0x35e: {  	[tilespmem:s24+$0xE7B0] =	vst v0  }
0x35f: {  	v0 =	vld [tilespmem:s23+$0xFFFFFC40]  }
0x360: {  	v1 =	vld [tilespmem:s23+$0xFFFFFCC0]  }
0x361: {  	v2 =	vld [tilespmem:s23+$0xFFFFFD40]  }
0x362: {  	v3 =	vld [tilespmem:s23+$0xFFFFFDC0]  }
0x363: {  	v4 =	vld [tilespmem:s23+$0xFFFFFE40]  }
0x364: {  	v5 =	vld [tilespmem:s23+$0xFFFFFEC0]  }
0x365: {  	v0 =	vmax.f32 v0, v1;
	v1 =	vld [tilespmem:s23+$0xFFFFFF40]  }
0x366: {  	v0 =	vmax.f32 v0, v2;
	v2 =	vld [tilespmem:s23+$0xFFFFFFC0]  }
0x367: {  	v0 =	vmax.f32 v0, v3;
	v3 =	vld [tilespmem:s23+$0x40]  }
0x368: {  	v0 =	vmax.f32 v0, v4;
	v4 =	vld [tilespmem:s23+$0xC0]  }
0x369: {  	v0 =	vmax.f32 v0, v5;
	v5 =	vld [tilespmem:s23+$0x140]  }
0x36a: {  	v0 =	vmax.f32 v0, v1;
	v1 =	vld [tilespmem:s23+$0x1C0]  }
0x36b: {  	v0 =	vmax.f32 v0, v2;
	v2 =	vld [tilespmem:s23+$0x240]  }
0x36c: {  	v0 =	vmax.f32 v0, v3;
	v3 =	vld [tilespmem:s23+$0x2C0]  }
0x36d: {  	v0 =	vmax.f32 v0, v4;
	v4 =	vld [tilespmem:s23+$0x340]  }
0x36e: {  	v0 =	vmax.f32 v0, v5;
	v5 =	vld [tilespmem:s23+$0x3C0]  }
0x36f: {  	v0 =	vmax.f32 v0, v1  }
0x370: {  	v0 =	vmax.f32 v0, v2  }
0x371: {  	v0 =	vmax.f32 v0, v3  }
0x372: {  	v0 =	vmax.f32 v0, v4  }
0x373: {  	v0 =	vmax.f32 v0, v5  }
0x374: {  	[tilespmem:s24+$0xE7C0] =	vst v0  }
0x375: {  	v0 =	vld [tilespmem:s23+$0xFFFFFC50]  }
0x376: {  	v1 =	vld [tilespmem:s23+$0xFFFFFCD0]  }
0x377: {  	v2 =	vld [tilespmem:s23+$0xFFFFFD50]  }
0x378: {  	v3 =	vld [tilespmem:s23+$0xFFFFFDD0]  }
0x379: {  	v4 =	vld [tilespmem:s23+$0xFFFFFE50]  }
0x37a: {  	v5 =	vld [tilespmem:s23+$0xFFFFFED0]  }
0x37b: {  	v0 =	vmax.f32 v0, v1;
	v1 =	vld [tilespmem:s23+$0xFFFFFF50]  }
0x37c: {  	v0 =	vmax.f32 v0, v2;
	v2 =	vld [tilespmem:s23+$0xFFFFFFD0]  }
0x37d: {  	v0 =	vmax.f32 v0, v3;
	v3 =	vld [tilespmem:s23+$0x50]  }
0x37e: {  	v0 =	vmax.f32 v0, v4;
	v4 =	vld [tilespmem:s23+$0xD0]  }
0x37f: {  	v0 =	vmax.f32 v0, v5;
	v5 =	vld [tilespmem:s23+$0x150]  }
0x380: {  	v0 =	vmax.f32 v0, v1;
	v1 =	vld [tilespmem:s23+$0x1D0]  }
0x381: {  	v0 =	vmax.f32 v0, v2;
	v2 =	vld [tilespmem:s23+$0x250]  }
0x382: {  	v0 =	vmax.f32 v0, v3;
	v3 =	vld [tilespmem:s23+$0x2D0]  }
0x383: {  	v0 =	vmax.f32 v0, v4;
	v4 =	vld [tilespmem:s23+$0x350]  }
0x384: {  	v0 =	vmax.f32 v0, v5;
	v5 =	vld [tilespmem:s23+$0x3D0]  }
0x385: {  	v0 =	vmax.f32 v0, v1  }
0x386: {  	v0 =	vmax.f32 v0, v2  }
0x387: {  	v0 =	vmax.f32 v0, v3  }
0x388: {  	v0 =	vmax.f32 v0, v4  }
0x389: {  	v0 =	vmax.f32 v0, v5  }
0x38a: {  	[tilespmem:s24+$0xE7D0] =	vst v0  }
0x38b: {  	v0 =	vld [tilespmem:s23+$0xFFFFFC60]  }
0x38c: {  	v1 =	vld [tilespmem:s23+$0xFFFFFCE0]  }
0x38d: {  	v2 =	vld [tilespmem:s23+$0xFFFFFD60]  }
0x38e: {  	v3 =	vld [tilespmem:s23+$0xFFFFFDE0]  }
0x38f: {  	v4 =	vld [tilespmem:s23+$0xFFFFFE60]  }
0x390: {  	v5 =	vld [tilespmem:s23+$0xFFFFFEE0]  }
0x391: {  	v0 =	vmax.f32 v0, v1;
	v1 =	vld [tilespmem:s23+$0xFFFFFF60]  }
0x392: {  	v0 =	vmax.f32 v0, v2;
	v2 =	vld [tilespmem:s23+$0xFFFFFFE0]  }
0x393: {  	v0 =	vmax.f32 v0, v3;
	v3 =	vld [tilespmem:s23+$0x60]  }
0x394: {  	v0 =	vmax.f32 v0, v4;
	v4 =	vld [tilespmem:s23+$0xE0]  }
0x395: {  	v0 =	vmax.f32 v0, v5;
	v5 =	vld [tilespmem:s23+$0x160]  }
0x396: {  	v0 =	vmax.f32 v0, v1;
	v1 =	vld [tilespmem:s23+$0x1E0]  }
0x397: {  	v0 =	vmax.f32 v0, v2;
	v2 =	vld [tilespmem:s23+$0x260]  }
0x398: {  	v0 =	vmax.f32 v0, v3;
	v3 =	vld [tilespmem:s23+$0x2E0]  }
0x399: {  	v0 =	vmax.f32 v0, v4;
	v4 =	vld [tilespmem:s23+$0x360]  }
0x39a: {  	v0 =	vmax.f32 v0, v5;
	v5 =	vld [tilespmem:s23+$0x3E0]  }
0x39b: {  	v0 =	vmax.f32 v0, v1  }
0x39c: {  	v0 =	vmax.f32 v0, v2  }
0x39d: {  	v0 =	vmax.f32 v0, v3  }
0x39e: {  	v0 =	vmax.f32 v0, v4  }
0x39f: {  	v0 =	vmax.f32 v0, v5  }
0x3a0: {  	[tilespmem:s24+$0xE7E0] =	vst v0  }
0x3a1: {  	v0 =	vld [tilespmem:s23+$0xFFFFFC70]  }
0x3a2: {  	v1 =	vld [tilespmem:s23+$0xFFFFFCF0]  }
0x3a3: {  	v2 =	vld [tilespmem:s23+$0xFFFFFD70]  }
0x3a4: {  	v3 =	vld [tilespmem:s23+$0xFFFFFDF0]  }
0x3a5: {  	v5 =	vld [tilespmem:s23+$0xFFFFFE70]  }
0x3a6: {  	v6 =	vld [tilespmem:s23+$0xFFFFFEF0]  }
0x3a7: {  	v7 =	vld [tilespmem:s23+$0xFFFFFF70];
	v0 =	vmax.f32 v0, v1  }
0x3a8: {  	v8 =	vld [tilespmem:s23+$0xFFFFFFF0];
	v0 =	vmax.f32 v0, v2  }
0x3a9: {  	v4 =	vld [tilespmem:s23+$0x70];
	v0 =	vmax.f32 v0, v3  }
0x3aa: {  	v1 =	vld [tilespmem:s23+$0xF0];
	v0 =	vmax.f32 v0, v5  }
0x3ab: {  	v2 =	vld [tilespmem:s23+$0x170];
	v0 =	vmax.f32 v0, v6  }
0x3ac: {  	v3 =	vmax.f32 v0, v7;
	v0 =	vld [tilespmem:s23+$0x1F0]  }
0x3ad: {  	s25 =	simm.s32 $0x200;
	s26 =	simm.s32 $0xAB80;
	v5 =	vmax.f32 v3, v8;
	v3 =	vld [tilespmem:s23+$0x270]  }
.LBB2_13:
0x3ae: {  	p1 =	sne.s32 s25, $0xE00  }
0x3af: {  	v4 =	vmax.f32 v5, v4;
	v5 =	vld [tilespmem:s23+$0x2F0];
	s26 =	sadd.s32 $0x800, s26;
	s28 =	smov.u32 s25;
	s25 =	sadd.s32 $0x200, s25  }
0x3b0: {  	v1 =	vmax.f32 v4, v1;
	v4 =	vld [tilespmem:s23+$0x370]  }
0x3b1: {  	v1 =	vmax.f32 v1, v2;
	v2 =	vld [tilespmem:s23+$0x3F0];
	s23 =	smov.u32 s26  }
0x3b2: {  	v0 =	vmax.f32 v1, v0  }
0x3b3: {  	v0 =	vmax.f32 v0, v3  }
0x3b4: {  	v0 =	vmax.f32 v0, v5  }
0x3b5: {  	v0 =	vmax.f32 v0, v4  }
0x3b6: {  	v0 =	vmax.f32 v0, v2  }
0x3b7: {  	[tilespmem:s24+$0xE7F0] =	vst v0  }
0x3b8: {  	v0 =	vld [tilespmem:s26+$0xFFFFFD00]  }
0x3b9: {  	v1 =	vld [tilespmem:s26+$0xFFFFFC80]  }
0x3ba: {  	v2 =	vld [tilespmem:s26+$0xFFFFFC00]  }
0x3bb: {  	v3 =	vld [tilespmem:s26+$0xFFFFFD80]  }
0x3bc: {  	v4 =	vld [tilespmem:s26+$0xFFFFFE00];
	_ =	sdelay $0x1  }
0x3bd: {  	v5 =	vld [tilespmem:s26+$0xFFFFFE80]  }
0x3be: {  	v1 =	vmax.f32 v2, v1;
	v2 =	vld [tilespmem:s26+$0xFFFFFF00]  }
0x3bf: {  	v0 =	vmax.f32 v1, v0;
	v1 =	vld [tilespmem:s26+$0xFFFFFF80]  }
0x3c0: {  	v0 =	vmax.f32 v0, v3;
	v3 =	vld [tilespmem:s26+$0x0]  }
0x3c1: {  	v0 =	vmax.f32 v0, v4;
	v4 =	vld [tilespmem:s26+$0x80]  }
0x3c2: {  	v0 =	vmax.f32 v0, v5;
	v5 =	vld [tilespmem:s26+$0x100]  }
0x3c3: {  	v0 =	vmax.f32 v0, v2;
	v2 =	vld [tilespmem:s26+$0x180]  }
0x3c4: {  	v0 =	vmax.f32 v0, v1;
	v1 =	vld [tilespmem:s26+$0x200]  }
0x3c5: {  	v0 =	vmax.f32 v0, v3;
	v3 =	vld [tilespmem:s26+$0x280]  }
0x3c6: {  	v0 =	vmax.f32 v0, v4;
	v4 =	vld [tilespmem:s26+$0x300]  }
0x3c7: {  	v0 =	vmax.f32 v0, v5;
	v5 =	vld [tilespmem:s26+$0x380]  }
0x3c8: {  	v0 =	vmax.f32 v0, v2  }
0x3c9: {  	v0 =	vmax.f32 v0, v1  }
0x3ca: {  	v0 =	vmax.f32 v0, v3  }
0x3cb: {  	v0 =	vmax.f32 v0, v4  }
0x3cc: {  	s24 =	sshra.s32 s28, $0x2;
	v0 =	vmax.f32 v0, v5  }
0x3cd: {  	[tilespmem:s24+$0xE780] =	vst v0  }
0x3ce: {  	v0 =	vld [tilespmem:s26+$0xFFFFFC10]  }
0x3cf: {  	v1 =	vld [tilespmem:s26+$0xFFFFFC90]  }
0x3d0: {  	v2 =	vld [tilespmem:s26+$0xFFFFFD10]  }
0x3d1: {  	v3 =	vld [tilespmem:s26+$0xFFFFFD90]  }
0x3d2: {  	v4 =	vld [tilespmem:s26+$0xFFFFFE10]  }
0x3d3: {  	v5 =	vld [tilespmem:s26+$0xFFFFFE90]  }
0x3d4: {  	v0 =	vmax.f32 v0, v1;
	v1 =	vld [tilespmem:s26+$0xFFFFFF10]  }
0x3d5: {  	v0 =	vmax.f32 v0, v2;
	v2 =	vld [tilespmem:s26+$0xFFFFFF90]  }
0x3d6: {  	v0 =	vmax.f32 v0, v3;
	v3 =	vld [tilespmem:s26+$0x10]  }
0x3d7: {  	v0 =	vmax.f32 v0, v4;
	v4 =	vld [tilespmem:s26+$0x90]  }
0x3d8: {  	v0 =	vmax.f32 v0, v5;
	v5 =	vld [tilespmem:s26+$0x110]  }
0x3d9: {  	v0 =	vmax.f32 v0, v1;
	v1 =	vld [tilespmem:s26+$0x190]  }
0x3da: {  	v0 =	vmax.f32 v0, v2;
	v2 =	vld [tilespmem:s26+$0x210]  }
0x3db: {  	v0 =	vmax.f32 v0, v3;
	v3 =	vld [tilespmem:s26+$0x290]  }
0x3dc: {  	v0 =	vmax.f32 v0, v4;
	v4 =	vld [tilespmem:s26+$0x310]  }
0x3dd: {  	v0 =	vmax.f32 v0, v5;
	v5 =	vld [tilespmem:s26+$0x390]  }
0x3de: {  	v0 =	vmax.f32 v0, v1  }
0x3df: {  	v0 =	vmax.f32 v0, v2  }
0x3e0: {  	v0 =	vmax.f32 v0, v3  }
0x3e1: {  	v0 =	vmax.f32 v0, v4  }
0x3e2: {  	v0 =	vmax.f32 v0, v5  }
0x3e3: {  	[tilespmem:s24+$0xE790] =	vst v0  }
0x3e4: {  	v0 =	vld [tilespmem:s26+$0xFFFFFC20]  }
0x3e5: {  	v1 =	vld [tilespmem:s26+$0xFFFFFCA0]  }
0x3e6: {  	v2 =	vld [tilespmem:s26+$0xFFFFFD20]  }
0x3e7: {  	v3 =	vld [tilespmem:s26+$0xFFFFFDA0]  }
0x3e8: {  	v4 =	vld [tilespmem:s26+$0xFFFFFE20]  }
0x3e9: {  	v5 =	vld [tilespmem:s26+$0xFFFFFEA0]  }
0x3ea: {  	v0 =	vmax.f32 v0, v1;
	v1 =	vld [tilespmem:s26+$0xFFFFFF20]  }
0x3eb: {  	v0 =	vmax.f32 v0, v2;
	v2 =	vld [tilespmem:s26+$0xFFFFFFA0]  }
0x3ec: {  	v0 =	vmax.f32 v0, v3;
	v3 =	vld [tilespmem:s26+$0x20]  }
0x3ed: {  	v0 =	vmax.f32 v0, v4;
	v4 =	vld [tilespmem:s26+$0xA0]  }
0x3ee: {  	v0 =	vmax.f32 v0, v5;
	v5 =	vld [tilespmem:s26+$0x120]  }
0x3ef: {  	v0 =	vmax.f32 v0, v1;
	v1 =	vld [tilespmem:s26+$0x1A0]  }
0x3f0: {  	v0 =	vmax.f32 v0, v2;
	v2 =	vld [tilespmem:s26+$0x220]  }
0x3f1: {  	v0 =	vmax.f32 v0, v3;
	v3 =	vld [tilespmem:s26+$0x2A0]  }
0x3f2: {  	v0 =	vmax.f32 v0, v4;
	v4 =	vld [tilespmem:s26+$0x320]  }
0x3f3: {  	v0 =	vmax.f32 v0, v5;
	v5 =	vld [tilespmem:s26+$0x3A0]  }
0x3f4: {  	v0 =	vmax.f32 v0, v1  }
0x3f5: {  	v0 =	vmax.f32 v0, v2  }
0x3f6: {  	v0 =	vmax.f32 v0, v3  }
0x3f7: {  	v0 =	vmax.f32 v0, v4  }
0x3f8: {  	v0 =	vmax.f32 v0, v5  }
0x3f9: {  	[tilespmem:s24+$0xE7A0] =	vst v0  }
0x3fa: {  	v0 =	vld [tilespmem:s26+$0xFFFFFC30]  }
0x3fb: {  	v1 =	vld [tilespmem:s26+$0xFFFFFCB0]  }
0x3fc: {  	v2 =	vld [tilespmem:s26+$0xFFFFFD30]  }
0x3fd: {  	v3 =	vld [tilespmem:s26+$0xFFFFFDB0]  }
0x3fe: {  	v4 =	vld [tilespmem:s26+$0xFFFFFE30]  }
0x3ff: {  	v5 =	vld [tilespmem:s26+$0xFFFFFEB0]  }
0x400: {  	v0 =	vmax.f32 v0, v1;
	v1 =	vld [tilespmem:s26+$0xFFFFFF30]  }
0x401: {  	v0 =	vmax.f32 v0, v2;
	v2 =	vld [tilespmem:s26+$0xFFFFFFB0]  }
0x402: {  	v0 =	vmax.f32 v0, v3;
	v3 =	vld [tilespmem:s26+$0x30]  }
0x403: {  	v0 =	vmax.f32 v0, v4;
	v4 =	vld [tilespmem:s26+$0xB0]  }
0x404: {  	v0 =	vmax.f32 v0, v5;
	v5 =	vld [tilespmem:s26+$0x130]  }
0x405: {  	v0 =	vmax.f32 v0, v1;
	v1 =	vld [tilespmem:s26+$0x1B0]  }
0x406: {  	v0 =	vmax.f32 v0, v2;
	v2 =	vld [tilespmem:s26+$0x230]  }
0x407: {  	v0 =	vmax.f32 v0, v3;
	v3 =	vld [tilespmem:s26+$0x2B0]  }
0x408: {  	v0 =	vmax.f32 v0, v4;
	v4 =	vld [tilespmem:s26+$0x330]  }
0x409: {  	v0 =	vmax.f32 v0, v5;
	v5 =	vld [tilespmem:s26+$0x3B0]  }
0x40a: {  	v0 =	vmax.f32 v0, v1  }
0x40b: {  	v0 =	vmax.f32 v0, v2  }
0x40c: {  	v0 =	vmax.f32 v0, v3  }
0x40d: {  	v0 =	vmax.f32 v0, v4  }
0x40e: {  	v0 =	vmax.f32 v0, v5  }
0x40f: {  	[tilespmem:s24+$0xE7B0] =	vst v0  }
0x410: {  	v0 =	vld [tilespmem:s26+$0xFFFFFC40]  }
0x411: {  	v1 =	vld [tilespmem:s26+$0xFFFFFCC0]  }
0x412: {  	v2 =	vld [tilespmem:s26+$0xFFFFFD40]  }
0x413: {  	v3 =	vld [tilespmem:s26+$0xFFFFFDC0]  }
0x414: {  	v4 =	vld [tilespmem:s26+$0xFFFFFE40]  }
0x415: {  	v5 =	vld [tilespmem:s26+$0xFFFFFEC0]  }
0x416: {  	v0 =	vmax.f32 v0, v1;
	v1 =	vld [tilespmem:s26+$0xFFFFFF40]  }
0x417: {  	v0 =	vmax.f32 v0, v2;
	v2 =	vld [tilespmem:s26+$0xFFFFFFC0]  }
0x418: {  	v0 =	vmax.f32 v0, v3;
	v3 =	vld [tilespmem:s26+$0x40]  }
0x419: {  	v0 =	vmax.f32 v0, v4;
	v4 =	vld [tilespmem:s26+$0xC0]  }
0x41a: {  	v0 =	vmax.f32 v0, v5;
	v5 =	vld [tilespmem:s26+$0x140]  }
0x41b: {  	v0 =	vmax.f32 v0, v1;
	v1 =	vld [tilespmem:s26+$0x1C0]  }
0x41c: {  	v0 =	vmax.f32 v0, v2;
	v2 =	vld [tilespmem:s26+$0x240]  }
0x41d: {  	v0 =	vmax.f32 v0, v3;
	v3 =	vld [tilespmem:s26+$0x2C0]  }
0x41e: {  	v0 =	vmax.f32 v0, v4;
	v4 =	vld [tilespmem:s26+$0x340]  }
0x41f: {  	v0 =	vmax.f32 v0, v5;
	v5 =	vld [tilespmem:s26+$0x3C0]  }
0x420: {  	v0 =	vmax.f32 v0, v1  }
0x421: {  	v0 =	vmax.f32 v0, v2  }
0x422: {  	v0 =	vmax.f32 v0, v3  }
0x423: {  	v0 =	vmax.f32 v0, v4  }
0x424: {  	v0 =	vmax.f32 v0, v5  }
0x425: {  	[tilespmem:s24+$0xE7C0] =	vst v0  }
0x426: {  	v0 =	vld [tilespmem:s26+$0xFFFFFC50]  }
0x427: {  	v1 =	vld [tilespmem:s26+$0xFFFFFCD0]  }
0x428: {  	v2 =	vld [tilespmem:s26+$0xFFFFFD50]  }
0x429: {  	v3 =	vld [tilespmem:s26+$0xFFFFFDD0]  }
0x42a: {  	v4 =	vld [tilespmem:s26+$0xFFFFFE50]  }
0x42b: {  	v5 =	vld [tilespmem:s26+$0xFFFFFED0]  }
0x42c: {  	v0 =	vmax.f32 v0, v1;
	v1 =	vld [tilespmem:s26+$0xFFFFFF50]  }
0x42d: {  	v0 =	vmax.f32 v0, v2;
	v2 =	vld [tilespmem:s26+$0xFFFFFFD0]  }
0x42e: {  	v0 =	vmax.f32 v0, v3;
	v3 =	vld [tilespmem:s26+$0x50]  }
0x42f: {  	v0 =	vmax.f32 v0, v4;
	v4 =	vld [tilespmem:s26+$0xD0]  }
0x430: {  	v0 =	vmax.f32 v0, v5;
	v5 =	vld [tilespmem:s26+$0x150]  }
0x431: {  	v0 =	vmax.f32 v0, v1;
	v1 =	vld [tilespmem:s26+$0x1D0]  }
0x432: {  	v0 =	vmax.f32 v0, v2;
	v2 =	vld [tilespmem:s26+$0x250]  }
0x433: {  	v0 =	vmax.f32 v0, v3;
	v3 =	vld [tilespmem:s26+$0x2D0]  }
0x434: {  	v0 =	vmax.f32 v0, v4;
	v4 =	vld [tilespmem:s26+$0x350]  }
0x435: {  	v0 =	vmax.f32 v0, v5;
	v5 =	vld [tilespmem:s26+$0x3D0]  }
0x436: {  	v0 =	vmax.f32 v0, v1  }
0x437: {  	v0 =	vmax.f32 v0, v2  }
0x438: {  	v0 =	vmax.f32 v0, v3  }
0x439: {  	v0 =	vmax.f32 v0, v4  }
0x43a: {  	v0 =	vmax.f32 v0, v5  }
0x43b: {  	[tilespmem:s24+$0xE7D0] =	vst v0  }
0x43c: {  	v0 =	vld [tilespmem:s26+$0xFFFFFC60]  }
0x43d: {  	v1 =	vld [tilespmem:s26+$0xFFFFFCE0]  }
0x43e: {  	v2 =	vld [tilespmem:s26+$0xFFFFFD60]  }
0x43f: {  	v3 =	vld [tilespmem:s26+$0xFFFFFDE0]  }
0x440: {  	v4 =	vld [tilespmem:s26+$0xFFFFFE60]  }
0x441: {  	v5 =	vld [tilespmem:s26+$0xFFFFFEE0]  }
0x442: {  	v0 =	vmax.f32 v0, v1;
	v1 =	vld [tilespmem:s26+$0xFFFFFF60]  }
0x443: {  	v0 =	vmax.f32 v0, v2;
	v2 =	vld [tilespmem:s26+$0xFFFFFFE0]  }
0x444: {  	v0 =	vmax.f32 v0, v3;
	v3 =	vld [tilespmem:s26+$0x60]  }
0x445: {  	v0 =	vmax.f32 v0, v4;
	v4 =	vld [tilespmem:s26+$0xE0]  }
0x446: {  	v0 =	vmax.f32 v0, v5;
	v5 =	vld [tilespmem:s26+$0x160]  }
0x447: {  	v0 =	vmax.f32 v0, v1;
	v1 =	vld [tilespmem:s26+$0x1E0]  }
0x448: {  	v0 =	vmax.f32 v0, v2;
	v2 =	vld [tilespmem:s26+$0x260]  }
0x449: {  	v0 =	vmax.f32 v0, v3;
	v3 =	vld [tilespmem:s26+$0x2E0]  }
0x44a: {  	v0 =	vmax.f32 v0, v4;
	v4 =	vld [tilespmem:s26+$0x360]  }
0x44b: {  	v0 =	vmax.f32 v0, v5;
	v5 =	vld [tilespmem:s26+$0x3E0]  }
0x44c: {  	v0 =	vmax.f32 v0, v1  }
0x44d: {  	v0 =	vmax.f32 v0, v2  }
0x44e: {  	v0 =	vmax.f32 v0, v3  }
0x44f: {  	v0 =	vmax.f32 v0, v4  }
0x450: {  	v0 =	vmax.f32 v0, v5  }
0x451: {  	[tilespmem:s24+$0xE7E0] =	vst v0  }
0x452: {  	v0 =	vld [tilespmem:s26+$0xFFFFFC70]  }
0x453: {  	v1 =	vld [tilespmem:s26+$0xFFFFFCF0]  }
0x454: {  	v2 =	vld [tilespmem:s26+$0xFFFFFD70]  }
0x455: {  	v3 =	vld [tilespmem:s26+$0xFFFFFDF0]  }
0x456: {  	v5 =	vld [tilespmem:s26+$0xFFFFFE70]  }
0x457: {  	v6 =	vld [tilespmem:s26+$0xFFFFFEF0]  }
0x458: {  	v0 =	vmax.f32 v0, v1;
	v7 =	vld [tilespmem:s26+$0xFFFFFF70]  }
0x459: {  	v0 =	vmax.f32 v0, v2;
	v8 =	vld [tilespmem:s26+$0xFFFFFFF0]  }
.Ltmp9:
0x45a: {  	v0 =	vmax.f32 v0, v3;
	v4 =	vld [tilespmem:s26+$0x70];
	(pc) =	sbr.rel @p1 .LBB2_13-.Ltmp9, $4  }
0x45b: {  	v0 =	vmax.f32 v0, v5;
	v1 =	vld [tilespmem:s26+$0xF0]  }
0x45c: {  	v0 =	vmax.f32 v0, v6;
	v2 =	vld [tilespmem:s26+$0x170]  }
0x45d: {  	v3 =	vmax.f32 v0, v7;
	v0 =	vld [tilespmem:s26+$0x1F0]  }
0x45e: {  	v5 =	vmax.f32 v3, v8;
	v3 =	vld [tilespmem:s26+$0x270]  }
0x45f: {  	v4 =	vmax.f32 v5, v4;
	v61 =	vld [tilespmem:s23+$0x2F0]  }
0x460: {  	v62 =	vld [tilespmem:s23+$0x370];
	v1 =	vmax.f32 v4, v1  }
0x461: {  	v63 =	vld [tilespmem:s23+$0x3F0];
	v1 =	vmax.f32 v1, v2  }
0x462: {  	v0 =	vmax.f32 v1, v0  }
0x463: {  	v0 =	vmax.f32 v0, v3  }
.Ltmp10:
0x464: {  	v0 =	vmax.f32 v0, v61;
	(pc) =	sbr.rel .LBB2_15-.Ltmp10, $4  }
0x465: {  	v0 =	vmax.f32 v0, v62  }
0x466: {  	v0 =	vmax.f32 v0, v63  }
0x467: {  	[tilespmem:s24+$0xE7F0] =	vst v0  }
0x468: {  	[hbm4b:s9+s3] =	stream.linear.scatter [tilespmem:s16], [sflag:$0x4], $0x400, $0x38;
	[tilespmem:$0xEF80] =	vst v63  }
.LBB2_16:
0x469: {  	_ =	sfence.sel $0x180000  }
0x46a: {  	[bflag:$0x0] =	sbarrier.arrive $0xFFFF  }
0x46b: {  	p0 =	sne.s32 s0, $0x0;
	_ =	strace $0x90000047  }
0x46c: {  	s0 =	sadd.s32 @!p0 $0x100000, s1;
	[bflag:$0x2] =	sbarrier.arrive $0xFFFF  }
0x46d: {  	[sflag:s0] =	ssyncadd.tile.s32 @!p0 $0x1;
	_ =	shalt  }
.Lfunc_end2:
_tile_overlayer_lowered:
.L_overlay_start_2:
0x46e: {  	(tag) =	ssettag $0x2  }
0x46f: {  	s0 =	rddreg [dreg:$0x0];
	s2 =	stileid.u32  }
0x470: {  	s1 =	rddreg [dreg:$0x1];
	p0 =	sne.s32 s2, $0x0  }
0x471: {  	s3 =	rddreg [dreg:$0x2];
	[bflag:$0x3] =	sbarrier.arrive $0xFFFF;
	s2 =	simm.s32 @!p0 $0x1C06  }
0x472: {  	[timem:s3], [sflag:s2] =	dma.local @!p0 [hbm:s0], s1  }
0x473: {  	s0 =	simm.s32 @!p0 $0x6  }
0x474: {  	_ =	swait.ge @!p0 [sflag:s0], s1  }
0x475: {  	s1 =	ssub.s32 @!p0 $0x0, s1;
	[sflag:s0] =	ssyncset.done @!p0 $0x0  }
0x476: {  	[sflag:s0] =	ssyncadd.s32 @!p0 s1  }
0x477: {  	[bflag:$0x3] =	sbarrier.arrive $0xFFFF  }
0x478: {  	_ =	shalt  }

</sc_bundles>
